<compile_context>
chip_gen: v7x
topology: tpu7x:2x2x1
jax: 0.10.2.dev20260603
libtpu: 0.0.44.dev20260713+nightly
codegen_flags: <defaults>
</compile_context>

<pallas_src>
import functools

import jax
import jax.numpy as jnp
from jax import lax
from jax.experimental import pallas as pl
from jax.experimental.pallas import tpu as pltpu
from jax.experimental.pallas import tpu_sc as plsc

BATCH = 16384
FIELDS = 26
DIM = 32
NUM_WORKERS = 32
BPW = BATCH // NUM_WORKERS
STREAMS = BPW // 128
GROUPS = BPW // 16
OPAD = BPW + 8

_mesh = plsc.VectorSubcoreMesh(core_axis_name="c", subcore_axis_name="s")

_TCB = 32768
_TOR = _TCB * DIM // 128
INPUT_DIM = 1000000
_ZROWS = 250048
VPAD = _ZROWS * 128 // DIM


def _tt_body(t_ref, o_ref):
    x = t_ref[...]
    for q in range(_TCB // 512):
        xq = x[:, q * 512:(q + 1) * 512]
        x128 = jnp.concatenate(
            [xq[:, a * 128:(a + 1) * 128] for a in range(4)], axis=0
        )
        o_ref[pl.ds(q * 128, 128), :] = x128.T


def _table_rm(table_t):
    return pl.pallas_call(
        _tt_body,
        grid=((INPUT_DIM + _TCB - 1) // _TCB,),
        in_specs=[pl.BlockSpec((DIM, _TCB), lambda i: (0, i))],
        out_specs=pl.BlockSpec((_TOR, 128), lambda i: (i, 0)),
        out_shape=jax.ShapeDtypeStruct((_ZROWS, 128), jnp.float32),
    )(table_t)


@functools.partial(
    pl.kernel,
    out_type=jax.ShapeDtypeStruct((FIELDS * 512, 8, 128), jnp.float32),
    mesh=_mesh,
    compiler_params=pltpu.CompilerParams(
        use_tc_tiling_on_sc=False, needs_layout_passes=False
    ),
    scratch_types=[
        pltpu.VMEM((FIELDS, BPW), jnp.int32),
        pltpu.VMEM((2, BPW, DIM), jnp.float32),
        pltpu.VMEM((2, DIM, OPAD), jnp.float32),
        pltpu.SemaphoreType.DMA,
        pltpu.SemaphoreType.DMA,
        pltpu.SemaphoreType.DMA,
        pltpu.SemaphoreType.DMA,
    ],
)
def _gather_sigmoid(featT_hbm, table_hbm, out_hbm, idx_all, in_v, out_v,
                    sem_g0, sem_g1, sem_o0, sem_o1):
    wid = lax.axis_index("s") * 2 + lax.axis_index("c")
    b0 = pl.multiple_of(wid * BPW, BPW)
    sem_g = (sem_g0, sem_g1)
    sem_o = (sem_o0, sem_o1)

    pltpu.sync_copy(featT_hbm.at[:, pl.ds(b0, BPW)], idx_all)

    def fire_gathers(f, b):
        for j in range(STREAMS):
            pltpu.async_copy(
                table_hbm.at[idx_all.at[f, pl.ds(j * 128, 128)]],
                in_v.at[b, pl.ds(j * 128, 128)],
                sem_g[b],
            )

    def drain_gathers(b):
        pltpu.make_async_copy(
            table_hbm.at[pl.ds(0, BPW)], in_v.at[b], sem_g[b]
        ).wait()

    def drain_out(b):
        pltpu.make_async_copy(
            table_hbm.at[pl.ds(0, BPW)], in_v.at[b], sem_o[b]
        ).wait()

    def compute(b):
        iota = lax.broadcasted_iota(jnp.int32, (16,), 0)

        @plsc.parallel_loop(0, BPW, unroll=4)
        def _(p):
            pv = jnp.full((16,), 0, jnp.int32) + p
            for h in range(2):
                x = in_v[b, p, pl.ds(h * 16, 16)]
                x = jnp.clip(x, -5.0, 5.0)
                t = x * x
                s = 1.2883183035522494e-06
                for cc in (-6.907969099658514e-05, 0.001503913652609933,
                           -0.01980512222317988, 0.24951430248210207):
                    s = s * t + cc
                y = 0.5 + x * s
                plsc.store_scatter(out_v.at[b], [(h * 16) + iota, pv], y)

    fire_gathers(0, 0)

    def field_pair(f0, carry):
        for b in range(2):
            f = f0 + b

            @pl.when(f < FIELDS - 1)
            def _():
                fire_gathers(f + 1, 1 - b)

            drain_gathers(b)

            @pl.when(f >= 2)
            def _():
                drain_out(b)

            compute(b)
            for ct in range(4):
                for bt in range(4):
                    pltpu.async_copy(
                        out_v.at[b, pl.ds(ct * 8, 8), pl.ds(bt * 128, 128)],
                        out_hbm.at[f * 512 + ct * 128 + wid * 4 + bt],
                        sem_o[b],
                    )
        return carry

    lax.fori_loop(0, FIELDS // 2, lambda i, c: field_pair(i * 2, c), 0)
    drain_out(0)
    drain_out(1)


def kernel(features, embedding_weight):
    featT = features.T.astype(jnp.int32)
    featT = ((featT & ~511) + ((featT & 127) << 2) + ((featT >> 7) & 3))
    table = _table_rm(embedding_weight.T)
    table = table.reshape(VPAD, DIM)
    y3 = _gather_sigmoid(featT, table)
    y5 = y3.reshape(FIELDS, 4, 128, 8, 128)
    x5 = jnp.transpose(y5, (2, 4, 0, 1, 3))
    return x5.reshape(BATCH, FIELDS, DIM)

# --- scband reference (transcript-rebuilt; emitter-appended) ---
"""Pipeline reference for scband-initializer-38800734552271 (READ-ONLY COPY).

The authoritative reference and input builder live on the scoring server;
editing this copy changes nothing except your own understanding.
"""

import jax, jax.numpy as jnp
import numpy as np

INPUT_DIM = 1000000
OUTPUT_DIM = 32
BATCH = 16384
FIELDS = 26

def setup_inputs(seed: int = 0) -> dict:
    key = jax.random.key(seed)
    k_idx, k_emb = jax.random.split(key)
    features = jax.random.randint(k_idx, (BATCH, FIELDS), 0, INPUT_DIM, dtype=jnp.int64 if jax.config.jax_enable_x64 else jnp.int32)
    # nn.Embedding default init: N(0, 1)
    embedding_weight = jax.random.normal(k_emb, (INPUT_DIM, OUTPUT_DIM), dtype=jnp.float32)
    return {"features": features, "embedding_weight": embedding_weight}

def reference(features, embedding_weight):
    # Embedding lookup (gather) followed by sigmoid, as in Initializer.initialize
    emb = jnp.take(embedding_weight, features, axis=0)  # [B, F, D]
    tags = jax.nn.sigmoid(emb)
    return tags

if __name__ == "__main__":
    import jax
    _d = setup_inputs()
    print(jax.jit(kernel)(*tuple(_d.values())))

</pallas_src>

<mosaic_0001>
#map = affine_map<(d0, d1) -> (0, 0)>
#map1 = affine_map<(d0, d1) -> (0, 0, 0)>
module attributes {stable_mosaic.version = 14 : i64} {
  func.func @_gather_sigmoid(%arg0: i32, %arg1: i32, %arg2: memref<26x16384xi32, #tpu.memory_space<hbm>>, %arg3: memref<1000192x32xf32, #tpu.memory_space<hbm>>, %arg4: memref<13312x8x128xf32, #tpu.memory_space<hbm>>, %arg5: memref<26x512xi32, #tpu.memory_space<vmem>>, %arg6: memref<2x512x32xf32, #tpu.memory_space<vmem>>, %arg7: memref<2x32x520xf32, #tpu.memory_space<vmem>>, %arg8: memref<!tpu.dma_semaphore, #tpu.memory_space<semaphore_mem>>, %arg9: memref<!tpu.dma_semaphore, #tpu.memory_space<semaphore_mem>>, %arg10: memref<!tpu.dma_semaphore, #tpu.memory_space<semaphore_mem>>, %arg11: memref<!tpu.dma_semaphore, #tpu.memory_space<semaphore_mem>>) attributes {dimension_semantics = [#tpu.dimension_semantics<core_parallel>, #tpu.dimension_semantics<subcore_parallel>], iteration_bounds = array<i64: 2, 16>, scalar_prefetch = 0 : i64, scratch_operands = 7 : i64, tpu.core_type = #tpu.core_type<sc_vector_subcore>, window_params = [{transform_indices = #map}, {transform_indices = #map}, {transform_indices = #map1}]} {
    %mul3A = arith.constant 2 : i32
    %mul3A_0 = arith.muli %arg1, %mul3A : i32
    %add3A = arith.addi %mul3A_0, %arg0 : i32
    %mul3A_1 = arith.constant 512 : i32
    %mul3A_2 = arith.muli %add3A, %mul3A_1 : i32
    %multiple_of3A = tpu.assume_multiple %mul3A_2, 512 : i32
    "tpu.region"() ({
      %run_scoped3A = tpu.sem_alloc : memref<!tpu.dma_semaphore, #tpu.memory_space<semaphore_mem>>
      %dma_start3A_84 = arith.constant 0 : i32
      %dma_start3A_85 = tpu.memref_slice %arg2[%dma_start3A_84, %multiple_of3A] : memref<26x16384xi32, #tpu.memory_space<hbm>> -> memref<26x512xi32, #tpu.memory_space<hbm>>
      %dma_start3A_86 = arith.constant 0 : i32
      %dma_start3A_87 = tpu.memref_slice %arg2[%dma_start3A_86, %multiple_of3A] : memref<26x16384xi32, #tpu.memory_space<hbm>> -> memref<26x512xi32, #tpu.memory_space<hbm>>
      tpu.enqueue_dma source(%dma_start3A_87 : memref<26x512xi32, #tpu.memory_space<hbm>>) target(%arg5 : memref<26x512xi32, #tpu.memory_space<vmem>>) target_semaphore(%run_scoped3A : memref<!tpu.dma_semaphore, #tpu.memory_space<semaphore_mem>>)
      %dma_wait3A_88 = arith.constant 0 : i32
      %dma_wait3A_89 = tpu.memref_slice %arg2[%dma_wait3A_88, %multiple_of3A] : memref<26x16384xi32, #tpu.memory_space<hbm>> -> memref<26x512xi32, #tpu.memory_space<hbm>>
      %dma_wait3A_90 = arith.constant 0 : i32
      %dma_wait3A_91 = tpu.memref_slice %arg2[%dma_wait3A_90, %multiple_of3A] : memref<26x16384xi32, #tpu.memory_space<hbm>> -> memref<26x512xi32, #tpu.memory_space<hbm>>
      tpu.wait_dma2 semaphore(%run_scoped3A : memref<!tpu.dma_semaphore, #tpu.memory_space<semaphore_mem>>) src(%dma_wait3A_91 : memref<26x512xi32, #tpu.memory_space<hbm>>) dst(%arg5 : memref<26x512xi32, #tpu.memory_space<vmem>>)
      tpu.yield
    }) : () -> ()
    %dma_start3A = arith.constant 0 : i32
    %dma_start3A_3 = arith.constant 0 : i32
    %dma_start3A_4 = arith.constant 0 : i32
    %dma_start3A_5 = arith.constant 0 : i32
    %dma_start3A_6 = tpu.memref_slice %arg6[%dma_start3A_3, %dma_start3A_4, %dma_start3A_5] : memref<2x512x32xf32, #tpu.memory_space<vmem>> -> memref<1x128x32xf32, #tpu.memory_space<vmem>>
    %dma_start3A_7 = tpu.memref_squeeze %dma_start3A_6 : memref<1x128x32xf32, #tpu.memory_space<vmem>> -> memref<128x32xf32, #tpu.memory_space<vmem>>
    %dma_start3A_8 = arith.constant 0 : i32
    %dma_start3A_9 = tpu.memref_slice %arg5[%dma_start3A, %dma_start3A_8] : memref<26x512xi32, #tpu.memory_space<vmem>> -> memref<1x128xi32, #tpu.memory_space<vmem>>
    %dma_start3A_10 = tpu.memref_squeeze %dma_start3A_9 : memref<1x128xi32, #tpu.memory_space<vmem>> -> memref<128xi32, #tpu.memory_space<vmem>>
    %dma_start3A_11 = arith.constant 0 : i32
    %dma_start3A_12 = arith.constant 0 : i32
    %dma_start3A_13 = tpu.memref_slice %arg3[%dma_start3A_11, %dma_start3A_12] : memref<1000192x32xf32, #tpu.memory_space<hbm>> -> memref<1000192x32xf32, #tpu.memory_space<hbm>>
    tpu.enqueue_indirect_dma source(%dma_start3A_13 : memref<1000192x32xf32, #tpu.memory_space<hbm>>) target(%dma_start3A_7 : memref<128x32xf32, #tpu.memory_space<vmem>>) offsets(%dma_start3A_10 : memref<128xi32, #tpu.memory_space<vmem>>) semaphore(%arg8 : memref<!tpu.dma_semaphore, #tpu.memory_space<semaphore_mem>>)
    %dma_start3A_14 = arith.constant 0 : i32
    %dma_start3A_15 = arith.constant 0 : i32
    %dma_start3A_16 = arith.constant 128 : i32
    %dma_start3A_17 = arith.constant 0 : i32
    %dma_start3A_18 = tpu.memref_slice %arg6[%dma_start3A_15, %dma_start3A_16, %dma_start3A_17] : memref<2x512x32xf32, #tpu.memory_space<vmem>> -> memref<1x128x32xf32, #tpu.memory_space<vmem>>
    %dma_start3A_19 = tpu.memref_squeeze %dma_start3A_18 : memref<1x128x32xf32, #tpu.memory_space<vmem>> -> memref<128x32xf32, #tpu.memory_space<vmem>>
    %dma_start3A_20 = arith.constant 128 : i32
    %dma_start3A_21 = tpu.memref_slice %arg5[%dma_start3A_14, %dma_start3A_20] : memref<26x512xi32, #tpu.memory_space<vmem>> -> memref<1x128xi32, #tpu.memory_space<vmem>>
    %dma_start3A_22 = tpu.memref_squeeze %dma_start3A_21 : memref<1x128xi32, #tpu.memory_space<vmem>> -> memref<128xi32, #tpu.memory_space<vmem>>
    %dma_start3A_23 = arith.constant 0 : i32
    %dma_start3A_24 = arith.constant 0 : i32
    %dma_start3A_25 = tpu.memref_slice %arg3[%dma_start3A_23, %dma_start3A_24] : memref<1000192x32xf32, #tpu.memory_space<hbm>> -> memref<1000192x32xf32, #tpu.memory_space<hbm>>
    tpu.enqueue_indirect_dma source(%dma_start3A_25 : memref<1000192x32xf32, #tpu.memory_space<hbm>>) target(%dma_start3A_19 : memref<128x32xf32, #tpu.memory_space<vmem>>) offsets(%dma_start3A_22 : memref<128xi32, #tpu.memory_space<vmem>>) semaphore(%arg8 : memref<!tpu.dma_semaphore, #tpu.memory_space<semaphore_mem>>)
    %dma_start3A_26 = arith.constant 0 : i32
    %dma_start3A_27 = arith.constant 0 : i32
    %dma_start3A_28 = arith.constant 256 : i32
    %dma_start3A_29 = arith.constant 0 : i32
    %dma_start3A_30 = tpu.memref_slice %arg6[%dma_start3A_27, %dma_start3A_28, %dma_start3A_29] : memref<2x512x32xf32, #tpu.memory_space<vmem>> -> memref<1x128x32xf32, #tpu.memory_space<vmem>>
    %dma_start3A_31 = tpu.memref_squeeze %dma_start3A_30 : memref<1x128x32xf32, #tpu.memory_space<vmem>> -> memref<128x32xf32, #tpu.memory_space<vmem>>
    %dma_start3A_32 = arith.constant 256 : i32
    %dma_start3A_33 = tpu.memref_slice %arg5[%dma_start3A_26, %dma_start3A_32] : memref<26x512xi32, #tpu.memory_space<vmem>> -> memref<1x128xi32, #tpu.memory_space<vmem>>
    %dma_start3A_34 = tpu.memref_squeeze %dma_start3A_33 : memref<1x128xi32, #tpu.memory_space<vmem>> -> memref<128xi32, #tpu.memory_space<vmem>>
    %dma_start3A_35 = arith.constant 0 : i32
    %dma_start3A_36 = arith.constant 0 : i32
    %dma_start3A_37 = tpu.memref_slice %arg3[%dma_start3A_35, %dma_start3A_36] : memref<1000192x32xf32, #tpu.memory_space<hbm>> -> memref<1000192x32xf32, #tpu.memory_space<hbm>>
    tpu.enqueue_indirect_dma source(%dma_start3A_37 : memref<1000192x32xf32, #tpu.memory_space<hbm>>) target(%dma_start3A_31 : memref<128x32xf32, #tpu.memory_space<vmem>>) offsets(%dma_start3A_34 : memref<128xi32, #tpu.memory_space<vmem>>) semaphore(%arg8 : memref<!tpu.dma_semaphore, #tpu.memory_space<semaphore_mem>>)
    %dma_start3A_38 = arith.constant 0 : i32
    %dma_start3A_39 = arith.constant 0 : i32
    %dma_start3A_40 = arith.constant 384 : i32
    %dma_start3A_41 = arith.constant 0 : i32
    %dma_start3A_42 = tpu.memref_slice %arg6[%dma_start3A_39, %dma_start3A_40, %dma_start3A_41] : memref<2x512x32xf32, #tpu.memory_space<vmem>> -> memref<1x128x32xf32, #tpu.memory_space<vmem>>
    %dma_start3A_43 = tpu.memref_squeeze %dma_start3A_42 : memref<1x128x32xf32, #tpu.memory_space<vmem>> -> memref<128x32xf32, #tpu.memory_space<vmem>>
    %dma_start3A_44 = arith.constant 384 : i32
    %dma_start3A_45 = tpu.memref_slice %arg5[%dma_start3A_38, %dma_start3A_44] : memref<26x512xi32, #tpu.memory_space<vmem>> -> memref<1x128xi32, #tpu.memory_space<vmem>>
    %dma_start3A_46 = tpu.memref_squeeze %dma_start3A_45 : memref<1x128xi32, #tpu.memory_space<vmem>> -> memref<128xi32, #tpu.memory_space<vmem>>
    %dma_start3A_47 = arith.constant 0 : i32
    %dma_start3A_48 = arith.constant 0 : i32
    %dma_start3A_49 = tpu.memref_slice %arg3[%dma_start3A_47, %dma_start3A_48] : memref<1000192x32xf32, #tpu.memory_space<hbm>> -> memref<1000192x32xf32, #tpu.memory_space<hbm>>
    tpu.enqueue_indirect_dma source(%dma_start3A_49 : memref<1000192x32xf32, #tpu.memory_space<hbm>>) target(%dma_start3A_43 : memref<128x32xf32, #tpu.memory_space<vmem>>) offsets(%dma_start3A_46 : memref<128xi32, #tpu.memory_space<vmem>>) semaphore(%arg8 : memref<!tpu.dma_semaphore, #tpu.memory_space<semaphore_mem>>)
    %scan3A = arith.constant 0 : i32
    %scan3A_50 = arith.constant 0 : i32
    %scan3A_51 = arith.constant 13 : i32
    %scan3A_52 = arith.addi %scan3A_50, %scan3A_51 : i32
    %scan3A_53 = arith.constant 1 : i32
    scf.for %scan3A_84 = %scan3A_50 to %scan3A_52 step %scan3A_53  : i32 {
      %mul3A_85 = arith.constant 2 : i32
      %mul3A_86 = arith.muli %scan3A_84, %mul3A_85 : i32
      %add3A_87 = arith.constant 0 : i32
      %add3A_88 = arith.addi %mul3A_86, %add3A_87 : i32
      %lt3A = arith.constant 25 : i32
      %lt3A_89 = arith.cmpi slt, %add3A_88, %lt3A : i32
      %convert_element_type3A = arith.extui %lt3A_89 : i1 to i32
      %cond3A = arith.constant 0 : i32
      %cond3A_90 = arith.cmpi ne, %convert_element_type3A, %cond3A : i32
      scf.if %cond3A_90 {
        %add3A_975 = arith.constant 1 : i32
        %add3A_976 = arith.addi %add3A_88, %add3A_975 : i32
        %dma_start3A_977 = arith.constant 1 : i32
        %dma_start3A_978 = arith.constant 0 : i32
        %dma_start3A_979 = arith.constant 0 : i32
        %dma_start3A_980 = tpu.memref_slice %arg6[%dma_start3A_977, %dma_start3A_978, %dma_start3A_979] : memref<2x512x32xf32, #tpu.memory_space<vmem>> -> memref<1x128x32xf32, #tpu.memory_space<vmem>>
        %dma_start3A_981 = tpu.memref_squeeze %dma_start3A_980 : memref<1x128x32xf32, #tpu.memory_space<vmem>> -> memref<128x32xf32, #tpu.memory_space<vmem>>
        %dma_start3A_982 = arith.constant 0 : i32
        %dma_start3A_983 = tpu.memref_slice %arg5[%add3A_976, %dma_start3A_982] : memref<26x512xi32, #tpu.memory_space<vmem>> -> memref<1x128xi32, #tpu.memory_space<vmem>>
        %dma_start3A_984 = tpu.memref_squeeze %dma_start3A_983 : memref<1x128xi32, #tpu.memory_space<vmem>> -> memref<128xi32, #tpu.memory_space<vmem>>
        %dma_start3A_985 = arith.constant 0 : i32
        %dma_start3A_986 = arith.constant 0 : i32
        %dma_start3A_987 = tpu.memref_slice %arg3[%dma_start3A_985, %dma_start3A_986] : memref<1000192x32xf32, #tpu.memory_space<hbm>> -> memref<1000192x32xf32, #tpu.memory_space<hbm>>
        tpu.enqueue_indirect_dma source(%dma_start3A_987 : memref<1000192x32xf32, #tpu.memory_space<hbm>>) target(%dma_start3A_981 : memref<128x32xf32, #tpu.memory_space<vmem>>) offsets(%dma_start3A_984 : memref<128xi32, #tpu.memory_space<vmem>>) semaphore(%arg9 : memref<!tpu.dma_semaphore, #tpu.memory_space<semaphore_mem>>)
        %dma_start3A_988 = arith.constant 1 : i32
        %dma_start3A_989 = arith.constant 128 : i32
        %dma_start3A_990 = arith.constant 0 : i32
        %dma_start3A_991 = tpu.memref_slice %arg6[%dma_start3A_988, %dma_start3A_989, %dma_start3A_990] : memref<2x512x32xf32, #tpu.memory_space<vmem>> -> memref<1x128x32xf32, #tpu.memory_space<vmem>>
        %dma_start3A_992 = tpu.memref_squeeze %dma_start3A_991 : memref<1x128x32xf32, #tpu.memory_space<vmem>> -> memref<128x32xf32, #tpu.memory_space<vmem>>
        %dma_start3A_993 = arith.constant 128 : i32
        %dma_start3A_994 = tpu.memref_slice %arg5[%add3A_976, %dma_start3A_993] : memref<26x512xi32, #tpu.memory_space<vmem>> -> memref<1x128xi32, #tpu.memory_space<vmem>>
        %dma_start3A_995 = tpu.memref_squeeze %dma_start3A_994 : memref<1x128xi32, #tpu.memory_space<vmem>> -> memref<128xi32, #tpu.memory_space<vmem>>
        %dma_start3A_996 = arith.constant 0 : i32
        %dma_start3A_997 = arith.constant 0 : i32
        %dma_start3A_998 = tpu.memref_slice %arg3[%dma_start3A_996, %dma_start3A_997] : memref<1000192x32xf32, #tpu.memory_space<hbm>> -> memref<1000192x32xf32, #tpu.memory_space<hbm>>
        tpu.enqueue_indirect_dma source(%dma_start3A_998 : memref<1000192x32xf32, #tpu.memory_space<hbm>>) target(%dma_start3A_992 : memref<128x32xf32, #tpu.memory_space<vmem>>) offsets(%dma_start3A_995 : memref<128xi32, #tpu.memory_space<vmem>>) semaphore(%arg9 : memref<!tpu.dma_semaphore, #tpu.memory_space<semaphore_mem>>)
        %dma_start3A_999 = arith.constant 1 : i32
        %dma_start3A_1000 = arith.constant 256 : i32
        %dma_start3A_1001 = arith.constant 0 : i32
        %dma_start3A_1002 = tpu.memref_slice %arg6[%dma_start3A_999, %dma_start3A_1000, %dma_start3A_1001] : memref<2x512x32xf32, #tpu.memory_space<vmem>> -> memref<1x128x32xf32, #tpu.memory_space<vmem>>
        %dma_start3A_1003 = tpu.memref_squeeze %dma_start3A_1002 : memref<1x128x32xf32, #tpu.memory_space<vmem>> -> memref<128x32xf32, #tpu.memory_space<vmem>>
        %dma_start3A_1004 = arith.constant 256 : i32
        %dma_start3A_1005 = tpu.memref_slice %arg5[%add3A_976, %dma_start3A_1004] : memref<26x512xi32, #tpu.memory_space<vmem>> -> memref<1x128xi32, #tpu.memory_space<vmem>>
        %dma_start3A_1006 = tpu.memref_squeeze %dma_start3A_1005 : memref<1x128xi32, #tpu.memory_space<vmem>> -> memref<128xi32, #tpu.memory_space<vmem>>
        %dma_start3A_1007 = arith.constant 0 : i32
        %dma_start3A_1008 = arith.constant 0 : i32
        %dma_start3A_1009 = tpu.memref_slice %arg3[%dma_start3A_1007, %dma_start3A_1008] : memref<1000192x32xf32, #tpu.memory_space<hbm>> -> memref<1000192x32xf32, #tpu.memory_space<hbm>>
        tpu.enqueue_indirect_dma source(%dma_start3A_1009 : memref<1000192x32xf32, #tpu.memory_space<hbm>>) target(%dma_start3A_1003 : memref<128x32xf32, #tpu.memory_space<vmem>>) offsets(%dma_start3A_1006 : memref<128xi32, #tpu.memory_space<vmem>>) semaphore(%arg9 : memref<!tpu.dma_semaphore, #tpu.memory_space<semaphore_mem>>)
        %dma_start3A_1010 = arith.constant 1 : i32
        %dma_start3A_1011 = arith.constant 384 : i32
        %dma_start3A_1012 = arith.constant 0 : i32
        %dma_start3A_1013 = tpu.memref_slice %arg6[%dma_start3A_1010, %dma_start3A_1011, %dma_start3A_1012] : memref<2x512x32xf32, #tpu.memory_space<vmem>> -> memref<1x128x32xf32, #tpu.memory_space<vmem>>
        %dma_start3A_1014 = tpu.memref_squeeze %dma_start3A_1013 : memref<1x128x32xf32, #tpu.memory_space<vmem>> -> memref<128x32xf32, #tpu.memory_space<vmem>>
        %dma_start3A_1015 = arith.constant 384 : i32
        %dma_start3A_1016 = tpu.memref_slice %arg5[%add3A_976, %dma_start3A_1015] : memref<26x512xi32, #tpu.memory_space<vmem>> -> memref<1x128xi32, #tpu.memory_space<vmem>>
        %dma_start3A_1017 = tpu.memref_squeeze %dma_start3A_1016 : memref<1x128xi32, #tpu.memory_space<vmem>> -> memref<128xi32, #tpu.memory_space<vmem>>
        %dma_start3A_1018 = arith.constant 0 : i32
        %dma_start3A_1019 = arith.constant 0 : i32
        %dma_start3A_1020 = tpu.memref_slice %arg3[%dma_start3A_1018, %dma_start3A_1019] : memref<1000192x32xf32, #tpu.memory_space<hbm>> -> memref<1000192x32xf32, #tpu.memory_space<hbm>>
        tpu.enqueue_indirect_dma source(%dma_start3A_1020 : memref<1000192x32xf32, #tpu.memory_space<hbm>>) target(%dma_start3A_1014 : memref<128x32xf32, #tpu.memory_space<vmem>>) offsets(%dma_start3A_1017 : memref<128xi32, #tpu.memory_space<vmem>>) semaphore(%arg9 : memref<!tpu.dma_semaphore, #tpu.memory_space<semaphore_mem>>)
      } else {
      }
      %dma_wait3A_91 = arith.constant 0 : i32
      %dma_wait3A_92 = arith.constant 0 : i32
      %dma_wait3A_93 = arith.constant 0 : i32
      %dma_wait3A_94 = tpu.memref_slice %arg6[%dma_wait3A_91, %dma_wait3A_92, %dma_wait3A_93] : memref<2x512x32xf32, #tpu.memory_space<vmem>> -> memref<1x512x32xf32, #tpu.memory_space<vmem>>
      %dma_wait3A_95 = tpu.memref_squeeze %dma_wait3A_94 : memref<1x512x32xf32, #tpu.memory_space<vmem>> -> memref<512x32xf32, #tpu.memory_space<vmem>>
      %dma_wait3A_96 = arith.constant 0 : i32
      %dma_wait3A_97 = arith.constant 0 : i32
      %dma_wait3A_98 = tpu.memref_slice %arg3[%dma_wait3A_96, %dma_wait3A_97] : memref<1000192x32xf32, #tpu.memory_space<hbm>> -> memref<512x32xf32, #tpu.memory_space<hbm>>
      %dma_wait3A_99 = arith.constant 0 : i32
      %dma_wait3A_100 = arith.constant 0 : i32
      %dma_wait3A_101 = tpu.memref_slice %arg6[%dma_wait3A_91, %dma_wait3A_99, %dma_wait3A_100] : memref<2x512x32xf32, #tpu.memory_space<vmem>> -> memref<1x512x32xf32, #tpu.memory_space<vmem>>
      %dma_wait3A_102 = tpu.memref_squeeze %dma_wait3A_101 : memref<1x512x32xf32, #tpu.memory_space<vmem>> -> memref<512x32xf32, #tpu.memory_space<vmem>>
      %dma_wait3A_103 = arith.constant 0 : i32
      %dma_wait3A_104 = arith.constant 0 : i32
      %dma_wait3A_105 = tpu.memref_slice %arg3[%dma_wait3A_103, %dma_wait3A_104] : memref<1000192x32xf32, #tpu.memory_space<hbm>> -> memref<512x32xf32, #tpu.memory_space<hbm>>
      tpu.wait_dma2 semaphore(%arg8 : memref<!tpu.dma_semaphore, #tpu.memory_space<semaphore_mem>>) src(%dma_wait3A_105 : memref<512x32xf32, #tpu.memory_space<hbm>>) dst(%dma_wait3A_102 : memref<512x32xf32, #tpu.memory_space<vmem>>)
      %ge3A = arith.constant 2 : i32
      %ge3A_106 = arith.cmpi sge, %add3A_88, %ge3A : i32
      %convert_element_type3A_107 = arith.extui %ge3A_106 : i1 to i32
      %cond3A_108 = arith.constant 0 : i32
      %cond3A_109 = arith.cmpi ne, %convert_element_type3A_107, %cond3A_108 : i32
      scf.if %cond3A_109 {
        %dma_wait3A_975 = arith.constant 0 : i32
        %dma_wait3A_976 = arith.constant 0 : i32
        %dma_wait3A_977 = arith.constant 0 : i32
        %dma_wait3A_978 = tpu.memref_slice %arg6[%dma_wait3A_975, %dma_wait3A_976, %dma_wait3A_977] : memref<2x512x32xf32, #tpu.memory_space<vmem>> -> memref<1x512x32xf32, #tpu.memory_space<vmem>>
        %dma_wait3A_979 = tpu.memref_squeeze %dma_wait3A_978 : memref<1x512x32xf32, #tpu.memory_space<vmem>> -> memref<512x32xf32, #tpu.memory_space<vmem>>
        %dma_wait3A_980 = arith.constant 0 : i32
        %dma_wait3A_981 = arith.constant 0 : i32
        %dma_wait3A_982 = tpu.memref_slice %arg3[%dma_wait3A_980, %dma_wait3A_981] : memref<1000192x32xf32, #tpu.memory_space<hbm>> -> memref<512x32xf32, #tpu.memory_space<hbm>>
        %dma_wait3A_983 = arith.constant 0 : i32
        %dma_wait3A_984 = arith.constant 0 : i32
        %dma_wait3A_985 = tpu.memref_slice %arg6[%dma_wait3A_975, %dma_wait3A_983, %dma_wait3A_984] : memref<2x512x32xf32, #tpu.memory_space<vmem>> -> memref<1x512x32xf32, #tpu.memory_space<vmem>>
        %dma_wait3A_986 = tpu.memref_squeeze %dma_wait3A_985 : memref<1x512x32xf32, #tpu.memory_space<vmem>> -> memref<512x32xf32, #tpu.memory_space<vmem>>
        %dma_wait3A_987 = arith.constant 0 : i32
        %dma_wait3A_988 = arith.constant 0 : i32
        %dma_wait3A_989 = tpu.memref_slice %arg3[%dma_wait3A_987, %dma_wait3A_988] : memref<1000192x32xf32, #tpu.memory_space<hbm>> -> memref<512x32xf32, #tpu.memory_space<hbm>>
        tpu.wait_dma2 semaphore(%arg10 : memref<!tpu.dma_semaphore, #tpu.memory_space<semaphore_mem>>) src(%dma_wait3A_989 : memref<512x32xf32, #tpu.memory_space<hbm>>) dst(%dma_wait3A_986 : memref<512x32xf32, #tpu.memory_space<vmem>>)
      } else {
      }
      %iota3A = tpu.iota {dimensions = array<i32: 0>} : vector<16xi32>
      %parallel_loop3A = arith.constant 0 : i32
      %parallel_loop3A_110 = arith.constant 512 : i32
      %parallel_loop3A_111 = arith.constant 1 : i32
      scf.for %parallel_loop3A_975 = %parallel_loop3A to %parallel_loop3A_110 step %parallel_loop3A_111  : i32 {
        %parallel_loop3A_976 = arith.constant 0 : i32
        %parallel_loop3A_977 = vector.broadcast %parallel_loop3A_976 : i32 to vector<16xi32>
        %parallel_loop3A_978 = vector.broadcast %parallel_loop3A_975 : i32 to vector<16xi32>
        %parallel_loop3A_979 = arith.addi %parallel_loop3A_977, %parallel_loop3A_978 : vector<16xi32>
        %parallel_loop3A_980 = arith.constant 0 : i32
        %parallel_loop3A_981 = arith.index_cast %parallel_loop3A_980 : i32 to index
        %parallel_loop3A_982 = arith.index_cast %parallel_loop3A_975 : i32 to index
        %parallel_loop3A_983 = arith.constant 0 : index
        %parallel_loop3A_984 = tpu.vector_load %arg6[%parallel_loop3A_981, %parallel_loop3A_982, %parallel_loop3A_983] {strides = array<i32>} : memref<2x512x32xf32, #tpu.memory_space<vmem>>, vector<16xf32>,
        %parallel_loop3A_985 = arith.constant -5.000000e+00 : f32
        %parallel_loop3A_986 = arith.constant 5.000000e+00 : f32
        %parallel_loop3A_987 = vector.broadcast %parallel_loop3A_985 : f32 to vector<16xf32>
        %parallel_loop3A_988 = arith.maximumf %parallel_loop3A_987, %parallel_loop3A_984 : vector<16xf32>
        %parallel_loop3A_989 = vector.broadcast %parallel_loop3A_986 : f32 to vector<16xf32>
        %parallel_loop3A_990 = arith.minimumf %parallel_loop3A_989, %parallel_loop3A_988 : vector<16xf32>
        %parallel_loop3A_991 = arith.mulf %parallel_loop3A_990, %parallel_loop3A_990 : vector<16xf32>
        %parallel_loop3A_992 = arith.constant 1.28831834E-6 : f32
        %parallel_loop3A_993 = vector.broadcast %parallel_loop3A_992 : f32 to vector<16xf32>
        %parallel_loop3A_994 = arith.mulf %parallel_loop3A_993, %parallel_loop3A_991 : vector<16xf32>
        %parallel_loop3A_995 = arith.constant -6.90796878E-5 : f32
        %parallel_loop3A_996 = vector.broadcast %parallel_loop3A_995 : f32 to vector<16xf32>
        %parallel_loop3A_997 = arith.addf %parallel_loop3A_994, %parallel_loop3A_996 : vector<16xf32>
        %parallel_loop3A_998 = arith.mulf %parallel_loop3A_997, %parallel_loop3A_991 : vector<16xf32>
        %parallel_loop3A_999 = arith.constant 0.00150391366 : f32
        %parallel_loop3A_1000 = vector.broadcast %parallel_loop3A_999 : f32 to vector<16xf32>
        %parallel_loop3A_1001 = arith.addf %parallel_loop3A_998, %parallel_loop3A_1000 : vector<16xf32>
        %parallel_loop3A_1002 = arith.mulf %parallel_loop3A_1001, %parallel_loop3A_991 : vector<16xf32>
        %parallel_loop3A_1003 = arith.constant -0.0198051222 : f32
        %parallel_loop3A_1004 = vector.broadcast %parallel_loop3A_1003 : f32 to vector<16xf32>
        %parallel_loop3A_1005 = arith.addf %parallel_loop3A_1002, %parallel_loop3A_1004 : vector<16xf32>
        %parallel_loop3A_1006 = arith.mulf %parallel_loop3A_1005, %parallel_loop3A_991 : vector<16xf32>
        %parallel_loop3A_1007 = arith.constant 0.249514297 : f32
        %parallel_loop3A_1008 = vector.broadcast %parallel_loop3A_1007 : f32 to vector<16xf32>
        %parallel_loop3A_1009 = arith.addf %parallel_loop3A_1006, %parallel_loop3A_1008 : vector<16xf32>
        %parallel_loop3A_1010 = arith.mulf %parallel_loop3A_990, %parallel_loop3A_1009 : vector<16xf32>
        %parallel_loop3A_1011 = arith.constant 5.000000e-01 : f32
        %parallel_loop3A_1012 = vector.broadcast %parallel_loop3A_1011 : f32 to vector<16xf32>
        %parallel_loop3A_1013 = arith.addf %parallel_loop3A_1012, %parallel_loop3A_1010 : vector<16xf32>
        %parallel_loop3A_1014 = arith.constant 0 : i32
        %parallel_loop3A_1015 = vector.broadcast %parallel_loop3A_1014 : i32 to vector<16xi32>
        %parallel_loop3A_1016 = arith.addi %parallel_loop3A_1015, %iota3A : vector<16xi32>
        %parallel_loop3A_1017 = arith.constant 0 : i32
        %parallel_loop3A_1018 = arith.constant 0 : i32
        %parallel_loop3A_1019 = arith.constant 0 : i32
        %parallel_loop3A_1020 = tpu.memref_slice %arg7[%parallel_loop3A_1017, %parallel_loop3A_1018, %parallel_loop3A_1019] : memref<2x32x520xf32, #tpu.memory_space<vmem>> -> memref<1x32x520xf32, #tpu.memory_space<vmem>>
        %parallel_loop3A_1021 = tpu.memref_squeeze %parallel_loop3A_1020 : memref<1x32x520xf32, #tpu.memory_space<vmem>> -> memref<32x520xf32, #tpu.memory_space<vmem>>
        tpu.vector_store_idx %parallel_loop3A_1021[%parallel_loop3A_1016, %parallel_loop3A_979], %parallel_loop3A_1013 : memref<32x520xf32, #tpu.memory_space<vmem>>[vector<16xi32>, vector<16xi32>], vector<16xf32>,
        %parallel_loop3A_1022 = arith.constant 0 : i32
        %parallel_loop3A_1023 = arith.index_cast %parallel_loop3A_1022 : i32 to index
        %parallel_loop3A_1024 = arith.index_cast %parallel_loop3A_975 : i32 to index
        %parallel_loop3A_1025 = arith.constant 16 : index
        %parallel_loop3A_1026 = tpu.vector_load %arg6[%parallel_loop3A_1023, %parallel_loop3A_1024, %parallel_loop3A_1025] {strides = array<i32>} : memref<2x512x32xf32, #tpu.memory_space<vmem>>, vector<16xf32>,
        %parallel_loop3A_1027 = arith.constant -5.000000e+00 : f32
        %parallel_loop3A_1028 = arith.constant 5.000000e+00 : f32
        %parallel_loop3A_1029 = vector.broadcast %parallel_loop3A_1027 : f32 to vector<16xf32>
        %parallel_loop3A_1030 = arith.maximumf %parallel_loop3A_1029, %parallel_loop3A_1026 : vector<16xf32>
        %parallel_loop3A_1031 = vector.broadcast %parallel_loop3A_1028 : f32 to vector<16xf32>
        %parallel_loop3A_1032 = arith.minimumf %parallel_loop3A_1031, %parallel_loop3A_1030 : vector<16xf32>
        %parallel_loop3A_1033 = arith.mulf %parallel_loop3A_1032, %parallel_loop3A_1032 : vector<16xf32>
        %parallel_loop3A_1034 = arith.constant 1.28831834E-6 : f32
        %parallel_loop3A_1035 = vector.broadcast %parallel_loop3A_1034 : f32 to vector<16xf32>
        %parallel_loop3A_1036 = arith.mulf %parallel_loop3A_1035, %parallel_loop3A_1033 : vector<16xf32>
        %parallel_loop3A_1037 = arith.constant -6.90796878E-5 : f32
        %parallel_loop3A_1038 = vector.broadcast %parallel_loop3A_1037 : f32 to vector<16xf32>
        %parallel_loop3A_1039 = arith.addf %parallel_loop3A_1036, %parallel_loop3A_1038 : vector<16xf32>
        %parallel_loop3A_1040 = arith.mulf %parallel_loop3A_1039, %parallel_loop3A_1033 : vector<16xf32>
        %parallel_loop3A_1041 = arith.constant 0.00150391366 : f32
        %parallel_loop3A_1042 = vector.broadcast %parallel_loop3A_1041 : f32 to vector<16xf32>
        %parallel_loop3A_1043 = arith.addf %parallel_loop3A_1040, %parallel_loop3A_1042 : vector<16xf32>
        %parallel_loop3A_1044 = arith.mulf %parallel_loop3A_1043, %parallel_loop3A_1033 : vector<16xf32>
        %parallel_loop3A_1045 = arith.constant -0.0198051222 : f32
        %parallel_loop3A_1046 = vector.broadcast %parallel_loop3A_1045 : f32 to vector<16xf32>
        %parallel_loop3A_1047 = arith.addf %parallel_loop3A_1044, %parallel_loop3A_1046 : vector<16xf32>
        %parallel_loop3A_1048 = arith.mulf %parallel_loop3A_1047, %parallel_loop3A_1033 : vector<16xf32>
        %parallel_loop3A_1049 = arith.constant 0.249514297 : f32
        %parallel_loop3A_1050 = vector.broadcast %parallel_loop3A_1049 : f32 to vector<16xf32>
        %parallel_loop3A_1051 = arith.addf %parallel_loop3A_1048, %parallel_loop3A_1050 : vector<16xf32>
        %parallel_loop3A_1052 = arith.mulf %parallel_loop3A_1032, %parallel_loop3A_1051 : vector<16xf32>
        %parallel_loop3A_1053 = arith.constant 5.000000e-01 : f32
        %parallel_loop3A_1054 = vector.broadcast %parallel_loop3A_1053 : f32 to vector<16xf32>
        %parallel_loop3A_1055 = arith.addf %parallel_loop3A_1054, %parallel_loop3A_1052 : vector<16xf32>
        %parallel_loop3A_1056 = arith.constant 16 : i32
        %parallel_loop3A_1057 = vector.broadcast %parallel_loop3A_1056 : i32 to vector<16xi32>
        %parallel_loop3A_1058 = arith.addi %parallel_loop3A_1057, %iota3A : vector<16xi32>
        %parallel_loop3A_1059 = arith.constant 0 : i32
        %parallel_loop3A_1060 = arith.constant 0 : i32
        %parallel_loop3A_1061 = arith.constant 0 : i32
        %parallel_loop3A_1062 = tpu.memref_slice %arg7[%parallel_loop3A_1059, %parallel_loop3A_1060, %parallel_loop3A_1061] : memref<2x32x520xf32, #tpu.memory_space<vmem>> -> memref<1x32x520xf32, #tpu.memory_space<vmem>>
        %parallel_loop3A_1063 = tpu.memref_squeeze %parallel_loop3A_1062 : memref<1x32x520xf32, #tpu.memory_space<vmem>> -> memref<32x520xf32, #tpu.memory_space<vmem>>
        tpu.vector_store_idx %parallel_loop3A_1063[%parallel_loop3A_1058, %parallel_loop3A_979], %parallel_loop3A_1055 : memref<32x520xf32, #tpu.memory_space<vmem>>[vector<16xi32>, vector<16xi32>], vector<16xf32>,
      } {sc.loop_unroll_factor = 4 : i64, sc.parallel_access}
      %mul3A_112 = arith.constant 512 : i32
      %mul3A_113 = arith.muli %add3A_88, %mul3A_112 : i32
      %add3A_114 = arith.constant 0 : i32
      %add3A_115 = arith.addi %mul3A_113, %add3A_114 : i32
      %mul3A_116 = arith.constant 4 : i32
      %mul3A_117 = arith.muli %add3A, %mul3A_116 : i32
      %add3A_118 = arith.addi %add3A_115, %mul3A_117 : i32
      %add3A_119 = arith.constant 0 : i32
      %add3A_120 = arith.addi %add3A_118, %add3A_119 : i32
      %dma_start3A_121 = arith.constant 0 : i32
      %dma_start3A_122 = arith.constant 0 : i32
      %dma_start3A_123 = arith.constant 0 : i32
      %dma_start3A_124 = tpu.memref_slice %arg7[%dma_start3A_121, %dma_start3A_122, %dma_start3A_123] : memref<2x32x520xf32, #tpu.memory_space<vmem>> -> memref<1x8x128xf32, #tpu.memory_space<vmem>>
      %dma_start3A_125 = tpu.memref_squeeze %dma_start3A_124 : memref<1x8x128xf32, #tpu.memory_space<vmem>> -> memref<8x128xf32, #tpu.memory_space<vmem>>
      %dma_start3A_126 = arith.constant 0 : i32
      %dma_start3A_127 = arith.constant 0 : i32
      %dma_start3A_128 = tpu.memref_slice %arg4[%add3A_120, %dma_start3A_126, %dma_start3A_127] : memref<13312x8x128xf32, #tpu.memory_space<hbm>> -> memref<1x8x128xf32, #tpu.memory_space<hbm>>
      %dma_start3A_129 = tpu.memref_squeeze %dma_start3A_128 : memref<1x8x128xf32, #tpu.memory_space<hbm>> -> memref<8x128xf32, #tpu.memory_space<hbm>>
      %dma_start3A_130 = arith.constant 0 : i32
      %dma_start3A_131 = arith.constant 0 : i32
      %dma_start3A_132 = tpu.memref_slice %arg4[%add3A_120, %dma_start3A_130, %dma_start3A_131] : memref<13312x8x128xf32, #tpu.memory_space<hbm>> -> memref<1x8x128xf32, #tpu.memory_space<hbm>>
      %dma_start3A_133 = tpu.memref_squeeze %dma_start3A_132 : memref<1x8x128xf32, #tpu.memory_space<hbm>> -> memref<8x128xf32, #tpu.memory_space<hbm>>
      %dma_start3A_134 = arith.constant 0 : i32
      %dma_start3A_135 = arith.constant 0 : i32
      %dma_start3A_136 = tpu.memref_slice %arg7[%dma_start3A_121, %dma_start3A_134, %dma_start3A_135] : memref<2x32x520xf32, #tpu.memory_space<vmem>> -> memref<1x8x128xf32, #tpu.memory_space<vmem>>
      %dma_start3A_137 = tpu.memref_squeeze %dma_start3A_136 : memref<1x8x128xf32, #tpu.memory_space<vmem>> -> memref<8x128xf32, #tpu.memory_space<vmem>>
      tpu.enqueue_dma source(%dma_start3A_137 : memref<8x128xf32, #tpu.memory_space<vmem>>) target(%dma_start3A_133 : memref<8x128xf32, #tpu.memory_space<hbm>>) target_semaphore(%arg10 : memref<!tpu.dma_semaphore, #tpu.memory_space<semaphore_mem>>)
      %mul3A_138 = arith.constant 512 : i32
      %mul3A_139 = arith.muli %add3A_88, %mul3A_138 : i32
      %add3A_140 = arith.constant 0 : i32
      %add3A_141 = arith.addi %mul3A_139, %add3A_140 : i32
      %mul3A_142 = arith.constant 4 : i32
      %mul3A_143 = arith.muli %add3A, %mul3A_142 : i32
      %add3A_144 = arith.addi %add3A_141, %mul3A_143 : i32
      %add3A_145 = arith.constant 1 : i32
      %add3A_146 = arith.addi %add3A_144, %add3A_145 : i32
      %dma_start3A_147 = arith.constant 0 : i32
      %dma_start3A_148 = arith.constant 0 : i32
      %dma_start3A_149 = arith.constant 128 : i32
      %dma_start3A_150 = tpu.memref_slice %arg7[%dma_start3A_147, %dma_start3A_148, %dma_start3A_149] : memref<2x32x520xf32, #tpu.memory_space<vmem>> -> memref<1x8x128xf32, #tpu.memory_space<vmem>>
      %dma_start3A_151 = tpu.memref_squeeze %dma_start3A_150 : memref<1x8x128xf32, #tpu.memory_space<vmem>> -> memref<8x128xf32, #tpu.memory_space<vmem>>
      %dma_start3A_152 = arith.constant 0 : i32
      %dma_start3A_153 = arith.constant 0 : i32
      %dma_start3A_154 = tpu.memref_slice %arg4[%add3A_146, %dma_start3A_152, %dma_start3A_153] : memref<13312x8x128xf32, #tpu.memory_space<hbm>> -> memref<1x8x128xf32, #tpu.memory_space<hbm>>
      %dma_start3A_155 = tpu.memref_squeeze %dma_start3A_154 : memref<1x8x128xf32, #tpu.memory_space<hbm>> -> memref<8x128xf32, #tpu.memory_space<hbm>>
      %dma_start3A_156 = arith.constant 0 : i32
      %dma_start3A_157 = arith.constant 0 : i32
      %dma_start3A_158 = tpu.memref_slice %arg4[%add3A_146, %dma_start3A_156, %dma_start3A_157] : memref<13312x8x128xf32, #tpu.memory_space<hbm>> -> memref<1x8x128xf32, #tpu.memory_space<hbm>>
      %dma_start3A_159 = tpu.memref_squeeze %dma_start3A_158 : memref<1x8x128xf32, #tpu.memory_space<hbm>> -> memref<8x128xf32, #tpu.memory_space<hbm>>
      %dma_start3A_160 = arith.constant 0 : i32
      %dma_start3A_161 = arith.constant 128 : i32
      %dma_start3A_162 = tpu.memref_slice %arg7[%dma_start3A_147, %dma_start3A_160, %dma_start3A_161] : memref<2x32x520xf32, #tpu.memory_space<vmem>> -> memref<1x8x128xf32, #tpu.memory_space<vmem>>
      %dma_start3A_163 = tpu.memref_squeeze %dma_start3A_162 : memref<1x8x128xf32, #tpu.memory_space<vmem>> -> memref<8x128xf32, #tpu.memory_space<vmem>>
      tpu.enqueue_dma source(%dma_start3A_163 : memref<8x128xf32, #tpu.memory_space<vmem>>) target(%dma_start3A_159 : memref<8x128xf32, #tpu.memory_space<hbm>>) target_semaphore(%arg10 : memref<!tpu.dma_semaphore, #tpu.memory_space<semaphore_mem>>)
      %mul3A_164 = arith.constant 512 : i32
      %mul3A_165 = arith.muli %add3A_88, %mul3A_164 : i32
      %add3A_166 = arith.constant 0 : i32
      %add3A_167 = arith.addi %mul3A_165, %add3A_166 : i32
      %mul3A_168 = arith.constant 4 : i32
      %mul3A_169 = arith.muli %add3A, %mul3A_168 : i32
      %add3A_170 = arith.addi %add3A_167, %mul3A_169 : i32
      %add3A_171 = arith.constant 2 : i32
      %add3A_172 = arith.addi %add3A_170, %add3A_171 : i32
      %dma_start3A_173 = arith.constant 0 : i32
      %dma_start3A_174 = arith.constant 0 : i32
      %dma_start3A_175 = arith.constant 256 : i32
      %dma_start3A_176 = tpu.memref_slice %arg7[%dma_start3A_173, %dma_start3A_174, %dma_start3A_175] : memref<2x32x520xf32, #tpu.memory_space<vmem>> -> memref<1x8x128xf32, #tpu.memory_space<vmem>>
      %dma_start3A_177 = tpu.memref_squeeze %dma_start3A_176 : memref<1x8x128xf32, #tpu.memory_space<vmem>> -> memref<8x128xf32, #tpu.memory_space<vmem>>
      %dma_start3A_178 = arith.constant 0 : i32
      %dma_start3A_179 = arith.constant 0 : i32
      %dma_start3A_180 = tpu.memref_slice %arg4[%add3A_172, %dma_start3A_178, %dma_start3A_179] : memref<13312x8x128xf32, #tpu.memory_space<hbm>> -> memref<1x8x128xf32, #tpu.memory_space<hbm>>
      %dma_start3A_181 = tpu.memref_squeeze %dma_start3A_180 : memref<1x8x128xf32, #tpu.memory_space<hbm>> -> memref<8x128xf32, #tpu.memory_space<hbm>>
      %dma_start3A_182 = arith.constant 0 : i32
      %dma_start3A_183 = arith.constant 0 : i32
      %dma_start3A_184 = tpu.memref_slice %arg4[%add3A_172, %dma_start3A_182, %dma_start3A_183] : memref<13312x8x128xf32, #tpu.memory_space<hbm>> -> memref<1x8x128xf32, #tpu.memory_space<hbm>>
      %dma_start3A_185 = tpu.memref_squeeze %dma_start3A_184 : memref<1x8x128xf32, #tpu.memory_space<hbm>> -> memref<8x128xf32, #tpu.memory_space<hbm>>
      %dma_start3A_186 = arith.constant 0 : i32
      %dma_start3A_187 = arith.constant 256 : i32
      %dma_start3A_188 = tpu.memref_slice %arg7[%dma_start3A_173, %dma_start3A_186, %dma_start3A_187] : memref<2x32x520xf32, #tpu.memory_space<vmem>> -> memref<1x8x128xf32, #tpu.memory_space<vmem>>
      %dma_start3A_189 = tpu.memref_squeeze %dma_start3A_188 : memref<1x8x128xf32, #tpu.memory_space<vmem>> -> memref<8x128xf32, #tpu.memory_space<vmem>>
      tpu.enqueue_dma source(%dma_start3A_189 : memref<8x128xf32, #tpu.memory_space<vmem>>) target(%dma_start3A_185 : memref<8x128xf32, #tpu.memory_space<hbm>>) target_semaphore(%arg10 : memref<!tpu.dma_semaphore, #tpu.memory_space<semaphore_mem>>)
      %mul3A_190 = arith.constant 512 : i32
      %mul3A_191 = arith.muli %add3A_88, %mul3A_190 : i32
      %add3A_192 = arith.constant 0 : i32
      %add3A_193 = arith.addi %mul3A_191, %add3A_192 : i32
      %mul3A_194 = arith.constant 4 : i32
      %mul3A_195 = arith.muli %add3A, %mul3A_194 : i32
      %add3A_196 = arith.addi %add3A_193, %mul3A_195 : i32
      %add3A_197 = arith.constant 3 : i32
      %add3A_198 = arith.addi %add3A_196, %add3A_197 : i32
      %dma_start3A_199 = arith.constant 0 : i32
      %dma_start3A_200 = arith.constant 0 : i32
      %dma_start3A_201 = arith.constant 384 : i32
      %dma_start3A_202 = tpu.memref_slice %arg7[%dma_start3A_199, %dma_start3A_200, %dma_start3A_201] : memref<2x32x520xf32, #tpu.memory_space<vmem>> -> memref<1x8x128xf32, #tpu.memory_space<vmem>>
      %dma_start3A_203 = tpu.memref_squeeze %dma_start3A_202 : memref<1x8x128xf32, #tpu.memory_space<vmem>> -> memref<8x128xf32, #tpu.memory_space<vmem>>
      %dma_start3A_204 = arith.constant 0 : i32
      %dma_start3A_205 = arith.constant 0 : i32
      %dma_start3A_206 = tpu.memref_slice %arg4[%add3A_198, %dma_start3A_204, %dma_start3A_205] : memref<13312x8x128xf32, #tpu.memory_space<hbm>> -> memref<1x8x128xf32, #tpu.memory_space<hbm>>
      %dma_start3A_207 = tpu.memref_squeeze %dma_start3A_206 : memref<1x8x128xf32, #tpu.memory_space<hbm>> -> memref<8x128xf32, #tpu.memory_space<hbm>>
      %dma_start3A_208 = arith.constant 0 : i32
      %dma_start3A_209 = arith.constant 0 : i32
      %dma_start3A_210 = tpu.memref_slice %arg4[%add3A_198, %dma_start3A_208, %dma_start3A_209] : memref<13312x8x128xf32, #tpu.memory_space<hbm>> -> memref<1x8x128xf32, #tpu.memory_space<hbm>>
      %dma_start3A_211 = tpu.memref_squeeze %dma_start3A_210 : memref<1x8x128xf32, #tpu.memory_space<hbm>> -> memref<8x128xf32, #tpu.memory_space<hbm>>
      %dma_start3A_212 = arith.constant 0 : i32
      %dma_start3A_213 = arith.constant 384 : i32
      %dma_start3A_214 = tpu.memref_slice %arg7[%dma_start3A_199, %dma_start3A_212, %dma_start3A_213] : memref<2x32x520xf32, #tpu.memory_space<vmem>> -> memref<1x8x128xf32, #tpu.memory_space<vmem>>
      %dma_start3A_215 = tpu.memref_squeeze %dma_start3A_214 : memref<1x8x128xf32, #tpu.memory_space<vmem>> -> memref<8x128xf32, #tpu.memory_space<vmem>>
      tpu.enqueue_dma source(%dma_start3A_215 : memref<8x128xf32, #tpu.memory_space<vmem>>) target(%dma_start3A_211 : memref<8x128xf32, #tpu.memory_space<hbm>>) target_semaphore(%arg10 : memref<!tpu.dma_semaphore, #tpu.memory_space<semaphore_mem>>)
      %mul3A_216 = arith.constant 512 : i32
      %mul3A_217 = arith.muli %add3A_88, %mul3A_216 : i32
      %add3A_218 = arith.constant 128 : i32
      %add3A_219 = arith.addi %mul3A_217, %add3A_218 : i32
      %mul3A_220 = arith.constant 4 : i32
      %mul3A_221 = arith.muli %add3A, %mul3A_220 : i32
      %add3A_222 = arith.addi %add3A_219, %mul3A_221 : i32
      %add3A_223 = arith.constant 0 : i32
      %add3A_224 = arith.addi %add3A_222, %add3A_223 : i32
      %dma_start3A_225 = arith.constant 0 : i32
      %dma_start3A_226 = arith.constant 8 : i32
      %dma_start3A_227 = arith.constant 0 : i32
      %dma_start3A_228 = tpu.memref_slice %arg7[%dma_start3A_225, %dma_start3A_226, %dma_start3A_227] : memref<2x32x520xf32, #tpu.memory_space<vmem>> -> memref<1x8x128xf32, #tpu.memory_space<vmem>>
      %dma_start3A_229 = tpu.memref_squeeze %dma_start3A_228 : memref<1x8x128xf32, #tpu.memory_space<vmem>> -> memref<8x128xf32, #tpu.memory_space<vmem>>
      %dma_start3A_230 = arith.constant 0 : i32
      %dma_start3A_231 = arith.constant 0 : i32
      %dma_start3A_232 = tpu.memref_slice %arg4[%add3A_224, %dma_start3A_230, %dma_start3A_231] : memref<13312x8x128xf32, #tpu.memory_space<hbm>> -> memref<1x8x128xf32, #tpu.memory_space<hbm>>
      %dma_start3A_233 = tpu.memref_squeeze %dma_start3A_232 : memref<1x8x128xf32, #tpu.memory_space<hbm>> -> memref<8x128xf32, #tpu.memory_space<hbm>>
      %dma_start3A_234 = arith.constant 0 : i32
      %dma_start3A_235 = arith.constant 0 : i32
      %dma_start3A_236 = tpu.memref_slice %arg4[%add3A_224, %dma_start3A_234, %dma_start3A_235] : memref<13312x8x128xf32, #tpu.memory_space<hbm>> -> memref<1x8x128xf32, #tpu.memory_space<hbm>>
      %dma_start3A_237 = tpu.memref_squeeze %dma_start3A_236 : memref<1x8x128xf32, #tpu.memory_space<hbm>> -> memref<8x128xf32, #tpu.memory_space<hbm>>
      %dma_start3A_238 = arith.constant 8 : i32
      %dma_start3A_239 = arith.constant 0 : i32
      %dma_start3A_240 = tpu.memref_slice %arg7[%dma_start3A_225, %dma_start3A_238, %dma_start3A_239] : memref<2x32x520xf32, #tpu.memory_space<vmem>> -> memref<1x8x128xf32, #tpu.memory_space<vmem>>
      %dma_start3A_241 = tpu.memref_squeeze %dma_start3A_240 : memref<1x8x128xf32, #tpu.memory_space<vmem>> -> memref<8x128xf32, #tpu.memory_space<vmem>>
      tpu.enqueue_dma source(%dma_start3A_241 : memref<8x128xf32, #tpu.memory_space<vmem>>) target(%dma_start3A_237 : memref<8x128xf32, #tpu.memory_space<hbm>>) target_semaphore(%arg10 : memref<!tpu.dma_semaphore, #tpu.memory_space<semaphore_mem>>)
      %mul3A_242 = arith.constant 512 : i32
      %mul3A_243 = arith.muli %add3A_88, %mul3A_242 : i32
      %add3A_244 = arith.constant 128 : i32
      %add3A_245 = arith.addi %mul3A_243, %add3A_244 : i32
      %mul3A_246 = arith.constant 4 : i32
      %mul3A_247 = arith.muli %add3A, %mul3A_246 : i32
      %add3A_248 = arith.addi %add3A_245, %mul3A_247 : i32
      %add3A_249 = arith.constant 1 : i32
      %add3A_250 = arith.addi %add3A_248, %add3A_249 : i32
      %dma_start3A_251 = arith.constant 0 : i32
      %dma_start3A_252 = arith.constant 8 : i32
      %dma_start3A_253 = arith.constant 128 : i32
      %dma_start3A_254 = tpu.memref_slice %arg7[%dma_start3A_251, %dma_start3A_252, %dma_start3A_253] : memref<2x32x520xf32, #tpu.memory_space<vmem>> -> memref<1x8x128xf32, #tpu.memory_space<vmem>>
      %dma_start3A_255 = tpu.memref_squeeze %dma_start3A_254 : memref<1x8x128xf32, #tpu.memory_space<vmem>> -> memref<8x128xf32, #tpu.memory_space<vmem>>
      %dma_start3A_256 = arith.constant 0 : i32
      %dma_start3A_257 = arith.constant 0 : i32
      %dma_start3A_258 = tpu.memref_slice %arg4[%add3A_250, %dma_start3A_256, %dma_start3A_257] : memref<13312x8x128xf32, #tpu.memory_space<hbm>> -> memref<1x8x128xf32, #tpu.memory_space<hbm>>
      %dma_start3A_259 = tpu.memref_squeeze %dma_start3A_258 : memref<1x8x128xf32, #tpu.memory_space<hbm>> -> memref<8x128xf32, #tpu.memory_space<hbm>>
      %dma_start3A_260 = arith.constant 0 : i32
      %dma_start3A_261 = arith.constant 0 : i32
      %dma_start3A_262 = tpu.memref_slice %arg4[%add3A_250, %dma_start3A_260, %dma_start3A_261] : memref<13312x8x128xf32, #tpu.memory_space<hbm>> -> memref<1x8x128xf32, #tpu.memory_space<hbm>>
      %dma_start3A_263 = tpu.memref_squeeze %dma_start3A_262 : memref<1x8x128xf32, #tpu.memory_space<hbm>> -> memref<8x128xf32, #tpu.memory_space<hbm>>
      %dma_start3A_264 = arith.constant 8 : i32
      %dma_start3A_265 = arith.constant 128 : i32
      %dma_start3A_266 = tpu.memref_slice %arg7[%dma_start3A_251, %dma_start3A_264, %dma_start3A_265] : memref<2x32x520xf32, #tpu.memory_space<vmem>> -> memref<1x8x128xf32, #tpu.memory_space<vmem>>
      %dma_start3A_267 = tpu.memref_squeeze %dma_start3A_266 : memref<1x8x128xf32, #tpu.memory_space<vmem>> -> memref<8x128xf32, #tpu.memory_space<vmem>>
      tpu.enqueue_dma source(%dma_start3A_267 : memref<8x128xf32, #tpu.memory_space<vmem>>) target(%dma_start3A_263 : memref<8x128xf32, #tpu.memory_space<hbm>>) target_semaphore(%arg10 : memref<!tpu.dma_semaphore, #tpu.memory_space<semaphore_mem>>)
      %mul3A_268 = arith.constant 512 : i32
      %mul3A_269 = arith.muli %add3A_88, %mul3A_268 : i32
      %add3A_270 = arith.constant 128 : i32
      %add3A_271 = arith.addi %mul3A_269, %add3A_270 : i32
      %mul3A_272 = arith.constant 4 : i32
      %mul3A_273 = arith.muli %add3A, %mul3A_272 : i32
      %add3A_274 = arith.addi %add3A_271, %mul3A_273 : i32
      %add3A_275 = arith.constant 2 : i32
      %add3A_276 = arith.addi %add3A_274, %add3A_275 : i32
      %dma_start3A_277 = arith.constant 0 : i32
      %dma_start3A_278 = arith.constant 8 : i32
      %dma_start3A_279 = arith.constant 256 : i32
      %dma_start3A_280 = tpu.memref_slice %arg7[%dma_start3A_277, %dma_start3A_278, %dma_start3A_279] : memref<2x32x520xf32, #tpu.memory_space<vmem>> -> memref<1x8x128xf32, #tpu.memory_space<vmem>>
      %dma_start3A_281 = tpu.memref_squeeze %dma_start3A_280 : memref<1x8x128xf32, #tpu.memory_space<vmem>> -> memref<8x128xf32, #tpu.memory_space<vmem>>
      %dma_start3A_282 = arith.constant 0 : i32
      %dma_start3A_283 = arith.constant 0 : i32
      %dma_start3A_284 = tpu.memref_slice %arg4[%add3A_276, %dma_start3A_282, %dma_start3A_283] : memref<13312x8x128xf32, #tpu.memory_space<hbm>> -> memref<1x8x128xf32, #tpu.memory_space<hbm>>
      %dma_start3A_285 = tpu.memref_squeeze %dma_start3A_284 : memref<1x8x128xf32, #tpu.memory_space<hbm>> -> memref<8x128xf32, #tpu.memory_space<hbm>>
      %dma_start3A_286 = arith.constant 0 : i32
      %dma_start3A_287 = arith.constant 0 : i32
      %dma_start3A_288 = tpu.memref_slice %arg4[%add3A_276, %dma_start3A_286, %dma_start3A_287] : memref<13312x8x128xf32, #tpu.memory_space<hbm>> -> memref<1x8x128xf32, #tpu.memory_space<hbm>>
      %dma_start3A_289 = tpu.memref_squeeze %dma_start3A_288 : memref<1x8x128xf32, #tpu.memory_space<hbm>> -> memref<8x128xf32, #tpu.memory_space<hbm>>
      %dma_start3A_290 = arith.constant 8 : i32
      %dma_start3A_291 = arith.constant 256 : i32
      %dma_start3A_292 = tpu.memref_slice %arg7[%dma_start3A_277, %dma_start3A_290, %dma_start3A_291] : memref<2x32x520xf32, #tpu.memory_space<vmem>> -> memref<1x8x128xf32, #tpu.memory_space<vmem>>
      %dma_start3A_293 = tpu.memref_squeeze %dma_start3A_292 : memref<1x8x128xf32, #tpu.memory_space<vmem>> -> memref<8x128xf32, #tpu.memory_space<vmem>>
      tpu.enqueue_dma source(%dma_start3A_293 : memref<8x128xf32, #tpu.memory_space<vmem>>) target(%dma_start3A_289 : memref<8x128xf32, #tpu.memory_space<hbm>>) target_semaphore(%arg10 : memref<!tpu.dma_semaphore, #tpu.memory_space<semaphore_mem>>)
      %mul3A_294 = arith.constant 512 : i32
      %mul3A_295 = arith.muli %add3A_88, %mul3A_294 : i32
      %add3A_296 = arith.constant 128 : i32
      %add3A_297 = arith.addi %mul3A_295, %add3A_296 : i32
      %mul3A_298 = arith.constant 4 : i32
      %mul3A_299 = arith.muli %add3A, %mul3A_298 : i32
      %add3A_300 = arith.addi %add3A_297, %mul3A_299 : i32
      %add3A_301 = arith.constant 3 : i32
      %add3A_302 = arith.addi %add3A_300, %add3A_301 : i32
      %dma_start3A_303 = arith.constant 0 : i32
      %dma_start3A_304 = arith.constant 8 : i32
      %dma_start3A_305 = arith.constant 384 : i32
      %dma_start3A_306 = tpu.memref_slice %arg7[%dma_start3A_303, %dma_start3A_304, %dma_start3A_305] : memref<2x32x520xf32, #tpu.memory_space<vmem>> -> memref<1x8x128xf32, #tpu.memory_space<vmem>>
      %dma_start3A_307 = tpu.memref_squeeze %dma_start3A_306 : memref<1x8x128xf32, #tpu.memory_space<vmem>> -> memref<8x128xf32, #tpu.memory_space<vmem>>
      %dma_start3A_308 = arith.constant 0 : i32
      %dma_start3A_309 = arith.constant 0 : i32
      %dma_start3A_310 = tpu.memref_slice %arg4[%add3A_302, %dma_start3A_308, %dma_start3A_309] : memref<13312x8x128xf32, #tpu.memory_space<hbm>> -> memref<1x8x128xf32, #tpu.memory_space<hbm>>
      %dma_start3A_311 = tpu.memref_squeeze %dma_start3A_310 : memref<1x8x128xf32, #tpu.memory_space<hbm>> -> memref<8x128xf32, #tpu.memory_space<hbm>>
      %dma_start3A_312 = arith.constant 0 : i32
      %dma_start3A_313 = arith.constant 0 : i32
      %dma_start3A_314 = tpu.memref_slice %arg4[%add3A_302, %dma_start3A_312, %dma_start3A_313] : memref<13312x8x128xf32, #tpu.memory_space<hbm>> -> memref<1x8x128xf32, #tpu.memory_space<hbm>>
      %dma_start3A_315 = tpu.memref_squeeze %dma_start3A_314 : memref<1x8x128xf32, #tpu.memory_space<hbm>> -> memref<8x128xf32, #tpu.memory_space<hbm>>
      %dma_start3A_316 = arith.constant 8 : i32
      %dma_start3A_317 = arith.constant 384 : i32
      %dma_start3A_318 = tpu.memref_slice %arg7[%dma_start3A_303, %dma_start3A_316, %dma_start3A_317] : memref<2x32x520xf32, #tpu.memory_space<vmem>> -> memref<1x8x128xf32, #tpu.memory_space<vmem>>
      %dma_start3A_319 = tpu.memref_squeeze %dma_start3A_318 : memref<1x8x128xf32, #tpu.memory_space<vmem>> -> memref<8x128xf32, #tpu.memory_space<vmem>>
      tpu.enqueue_dma source(%dma_start3A_319 : memref<8x128xf32, #tpu.memory_space<vmem>>) target(%dma_start3A_315 : memref<8x128xf32, #tpu.memory_space<hbm>>) target_semaphore(%arg10 : memref<!tpu.dma_semaphore, #tpu.memory_space<semaphore_mem>>)
      %mul3A_320 = arith.constant 512 : i32
      %mul3A_321 = arith.muli %add3A_88, %mul3A_320 : i32
      %add3A_322 = arith.constant 256 : i32
      %add3A_323 = arith.addi %mul3A_321, %add3A_322 : i32
      %mul3A_324 = arith.constant 4 : i32
      %mul3A_325 = arith.muli %add3A, %mul3A_324 : i32
      %add3A_326 = arith.addi %add3A_323, %mul3A_325 : i32
      %add3A_327 = arith.constant 0 : i32
      %add3A_328 = arith.addi %add3A_326, %add3A_327 : i32
      %dma_start3A_329 = arith.constant 0 : i32
      %dma_start3A_330 = arith.constant 16 : i32
      %dma_start3A_331 = arith.constant 0 : i32
      %dma_start3A_332 = tpu.memref_slice %arg7[%dma_start3A_329, %dma_start3A_330, %dma_start3A_331] : memref<2x32x520xf32, #tpu.memory_space<vmem>> -> memref<1x8x128xf32, #tpu.memory_space<vmem>>
      %dma_start3A_333 = tpu.memref_squeeze %dma_start3A_332 : memref<1x8x128xf32, #tpu.memory_space<vmem>> -> memref<8x128xf32, #tpu.memory_space<vmem>>
      %dma_start3A_334 = arith.constant 0 : i32
      %dma_start3A_335 = arith.constant 0 : i32
      %dma_start3A_336 = tpu.memref_slice %arg4[%add3A_328, %dma_start3A_334, %dma_start3A_335] : memref<13312x8x128xf32, #tpu.memory_space<hbm>> -> memref<1x8x128xf32, #tpu.memory_space<hbm>>
      %dma_start3A_337 = tpu.memref_squeeze %dma_start3A_336 : memref<1x8x128xf32, #tpu.memory_space<hbm>> -> memref<8x128xf32, #tpu.memory_space<hbm>>
      %dma_start3A_338 = arith.constant 0 : i32
      %dma_start3A_339 = arith.constant 0 : i32
      %dma_start3A_340 = tpu.memref_slice %arg4[%add3A_328, %dma_start3A_338, %dma_start3A_339] : memref<13312x8x128xf32, #tpu.memory_space<hbm>> -> memref<1x8x128xf32, #tpu.memory_space<hbm>>
      %dma_start3A_341 = tpu.memref_squeeze %dma_start3A_340 : memref<1x8x128xf32, #tpu.memory_space<hbm>> -> memref<8x128xf32, #tpu.memory_space<hbm>>
      %dma_start3A_342 = arith.constant 16 : i32
      %dma_start3A_343 = arith.constant 0 : i32
      %dma_start3A_344 = tpu.memref_slice %arg7[%dma_start3A_329, %dma_start3A_342, %dma_start3A_343] : memref<2x32x520xf32, #tpu.memory_space<vmem>> -> memref<1x8x128xf32, #tpu.memory_space<vmem>>
      %dma_start3A_345 = tpu.memref_squeeze %dma_start3A_344 : memref<1x8x128xf32, #tpu.memory_space<vmem>> -> memref<8x128xf32, #tpu.memory_space<vmem>>
      tpu.enqueue_dma source(%dma_start3A_345 : memref<8x128xf32, #tpu.memory_space<vmem>>) target(%dma_start3A_341 : memref<8x128xf32, #tpu.memory_space<hbm>>) target_semaphore(%arg10 : memref<!tpu.dma_semaphore, #tpu.memory_space<semaphore_mem>>)
      %mul3A_346 = arith.constant 512 : i32
      %mul3A_347 = arith.muli %add3A_88, %mul3A_346 : i32
      %add3A_348 = arith.constant 256 : i32
      %add3A_349 = arith.addi %mul3A_347, %add3A_348 : i32
      %mul3A_350 = arith.constant 4 : i32
      %mul3A_351 = arith.muli %add3A, %mul3A_350 : i32
      %add3A_352 = arith.addi %add3A_349, %mul3A_351 : i32
      %add3A_353 = arith.constant 1 : i32
      %add3A_354 = arith.addi %add3A_352, %add3A_353 : i32
      %dma_start3A_355 = arith.constant 0 : i32
      %dma_start3A_356 = arith.constant 16 : i32
      %dma_start3A_357 = arith.constant 128 : i32
      %dma_start3A_358 = tpu.memref_slice %arg7[%dma_start3A_355, %dma_start3A_356, %dma_start3A_357] : memref<2x32x520xf32, #tpu.memory_space<vmem>> -> memref<1x8x128xf32, #tpu.memory_space<vmem>>
      %dma_start3A_359 = tpu.memref_squeeze %dma_start3A_358 : memref<1x8x128xf32, #tpu.memory_space<vmem>> -> memref<8x128xf32, #tpu.memory_space<vmem>>
      %dma_start3A_360 = arith.constant 0 : i32
      %dma_start3A_361 = arith.constant 0 : i32
      %dma_start3A_362 = tpu.memref_slice %arg4[%add3A_354, %dma_start3A_360, %dma_start3A_361] : memref<13312x8x128xf32, #tpu.memory_space<hbm>> -> memref<1x8x128xf32, #tpu.memory_space<hbm>>
      %dma_start3A_363 = tpu.memref_squeeze %dma_start3A_362 : memref<1x8x128xf32, #tpu.memory_space<hbm>> -> memref<8x128xf32, #tpu.memory_space<hbm>>
      %dma_start3A_364 = arith.constant 0 : i32
      %dma_start3A_365 = arith.constant 0 : i32
      %dma_start3A_366 = tpu.memref_slice %arg4[%add3A_354, %dma_start3A_364, %dma_start3A_365] : memref<13312x8x128xf32, #tpu.memory_space<hbm>> -> memref<1x8x128xf32, #tpu.memory_space<hbm>>
      %dma_start3A_367 = tpu.memref_squeeze %dma_start3A_366 : memref<1x8x128xf32, #tpu.memory_space<hbm>> -> memref<8x128xf32, #tpu.memory_space<hbm>>
      %dma_start3A_368 = arith.constant 16 : i32
      %dma_start3A_369 = arith.constant 128 : i32
      %dma_start3A_370 = tpu.memref_slice %arg7[%dma_start3A_355, %dma_start3A_368, %dma_start3A_369] : memref<2x32x520xf32, #tpu.memory_space<vmem>> -> memref<1x8x128xf32, #tpu.memory_space<vmem>>
      %dma_start3A_371 = tpu.memref_squeeze %dma_start3A_370 : memref<1x8x128xf32, #tpu.memory_space<vmem>> -> memref<8x128xf32, #tpu.memory_space<vmem>>
      tpu.enqueue_dma source(%dma_start3A_371 : memref<8x128xf32, #tpu.memory_space<vmem>>) target(%dma_start3A_367 : memref<8x128xf32, #tpu.memory_space<hbm>>) target_semaphore(%arg10 : memref<!tpu.dma_semaphore, #tpu.memory_space<semaphore_mem>>)
      %mul3A_372 = arith.constant 512 : i32
      %mul3A_373 = arith.muli %add3A_88, %mul3A_372 : i32
      %add3A_374 = arith.constant 256 : i32
      %add3A_375 = arith.addi %mul3A_373, %add3A_374 : i32
      %mul3A_376 = arith.constant 4 : i32
      %mul3A_377 = arith.muli %add3A, %mul3A_376 : i32
      %add3A_378 = arith.addi %add3A_375, %mul3A_377 : i32
      %add3A_379 = arith.constant 2 : i32
      %add3A_380 = arith.addi %add3A_378, %add3A_379 : i32
      %dma_start3A_381 = arith.constant 0 : i32
      %dma_start3A_382 = arith.constant 16 : i32
      %dma_start3A_383 = arith.constant 256 : i32
      %dma_start3A_384 = tpu.memref_slice %arg7[%dma_start3A_381, %dma_start3A_382, %dma_start3A_383] : memref<2x32x520xf32, #tpu.memory_space<vmem>> -> memref<1x8x128xf32, #tpu.memory_space<vmem>>
      %dma_start3A_385 = tpu.memref_squeeze %dma_start3A_384 : memref<1x8x128xf32, #tpu.memory_space<vmem>> -> memref<8x128xf32, #tpu.memory_space<vmem>>
      %dma_start3A_386 = arith.constant 0 : i32
      %dma_start3A_387 = arith.constant 0 : i32
      %dma_start3A_388 = tpu.memref_slice %arg4[%add3A_380, %dma_start3A_386, %dma_start3A_387] : memref<13312x8x128xf32, #tpu.memory_space<hbm>> -> memref<1x8x128xf32, #tpu.memory_space<hbm>>
      %dma_start3A_389 = tpu.memref_squeeze %dma_start3A_388 : memref<1x8x128xf32, #tpu.memory_space<hbm>> -> memref<8x128xf32, #tpu.memory_space<hbm>>
      %dma_start3A_390 = arith.constant 0 : i32
      %dma_start3A_391 = arith.constant 0 : i32
      %dma_start3A_392 = tpu.memref_slice %arg4[%add3A_380, %dma_start3A_390, %dma_start3A_391] : memref<13312x8x128xf32, #tpu.memory_space<hbm>> -> memref<1x8x128xf32, #tpu.memory_space<hbm>>
      %dma_start3A_393 = tpu.memref_squeeze %dma_start3A_392 : memref<1x8x128xf32, #tpu.memory_space<hbm>> -> memref<8x128xf32, #tpu.memory_space<hbm>>
      %dma_start3A_394 = arith.constant 16 : i32
      %dma_start3A_395 = arith.constant 256 : i32
      %dma_start3A_396 = tpu.memref_slice %arg7[%dma_start3A_381, %dma_start3A_394, %dma_start3A_395] : memref<2x32x520xf32, #tpu.memory_space<vmem>> -> memref<1x8x128xf32, #tpu.memory_space<vmem>>
      %dma_start3A_397 = tpu.memref_squeeze %dma_start3A_396 : memref<1x8x128xf32, #tpu.memory_space<vmem>> -> memref<8x128xf32, #tpu.memory_space<vmem>>
      tpu.enqueue_dma source(%dma_start3A_397 : memref<8x128xf32, #tpu.memory_space<vmem>>) target(%dma_start3A_393 : memref<8x128xf32, #tpu.memory_space<hbm>>) target_semaphore(%arg10 : memref<!tpu.dma_semaphore, #tpu.memory_space<semaphore_mem>>)
      %mul3A_398 = arith.constant 512 : i32
      %mul3A_399 = arith.muli %add3A_88, %mul3A_398 : i32
      %add3A_400 = arith.constant 256 : i32
      %add3A_401 = arith.addi %mul3A_399, %add3A_400 : i32
      %mul3A_402 = arith.constant 4 : i32
      %mul3A_403 = arith.muli %add3A, %mul3A_402 : i32
      %add3A_404 = arith.addi %add3A_401, %mul3A_403 : i32
      %add3A_405 = arith.constant 3 : i32
      %add3A_406 = arith.addi %add3A_404, %add3A_405 : i32
      %dma_start3A_407 = arith.constant 0 : i32
      %dma_start3A_408 = arith.constant 16 : i32
      %dma_start3A_409 = arith.constant 384 : i32
      %dma_start3A_410 = tpu.memref_slice %arg7[%dma_start3A_407, %dma_start3A_408, %dma_start3A_409] : memref<2x32x520xf32, #tpu.memory_space<vmem>> -> memref<1x8x128xf32, #tpu.memory_space<vmem>>
      %dma_start3A_411 = tpu.memref_squeeze %dma_start3A_410 : memref<1x8x128xf32, #tpu.memory_space<vmem>> -> memref<8x128xf32, #tpu.memory_space<vmem>>
      %dma_start3A_412 = arith.constant 0 : i32
      %dma_start3A_413 = arith.constant 0 : i32
      %dma_start3A_414 = tpu.memref_slice %arg4[%add3A_406, %dma_start3A_412, %dma_start3A_413] : memref<13312x8x128xf32, #tpu.memory_space<hbm>> -> memref<1x8x128xf32, #tpu.memory_space<hbm>>
      %dma_start3A_415 = tpu.memref_squeeze %dma_start3A_414 : memref<1x8x128xf32, #tpu.memory_space<hbm>> -> memref<8x128xf32, #tpu.memory_space<hbm>>
      %dma_start3A_416 = arith.constant 0 : i32
      %dma_start3A_417 = arith.constant 0 : i32
      %dma_start3A_418 = tpu.memref_slice %arg4[%add3A_406, %dma_start3A_416, %dma_start3A_417] : memref<13312x8x128xf32, #tpu.memory_space<hbm>> -> memref<1x8x128xf32, #tpu.memory_space<hbm>>
      %dma_start3A_419 = tpu.memref_squeeze %dma_start3A_418 : memref<1x8x128xf32, #tpu.memory_space<hbm>> -> memref<8x128xf32, #tpu.memory_space<hbm>>
      %dma_start3A_420 = arith.constant 16 : i32
      %dma_start3A_421 = arith.constant 384 : i32
      %dma_start3A_422 = tpu.memref_slice %arg7[%dma_start3A_407, %dma_start3A_420, %dma_start3A_421] : memref<2x32x520xf32, #tpu.memory_space<vmem>> -> memref<1x8x128xf32, #tpu.memory_space<vmem>>
      %dma_start3A_423 = tpu.memref_squeeze %dma_start3A_422 : memref<1x8x128xf32, #tpu.memory_space<vmem>> -> memref<8x128xf32, #tpu.memory_space<vmem>>
      tpu.enqueue_dma source(%dma_start3A_423 : memref<8x128xf32, #tpu.memory_space<vmem>>) target(%dma_start3A_419 : memref<8x128xf32, #tpu.memory_space<hbm>>) target_semaphore(%arg10 : memref<!tpu.dma_semaphore, #tpu.memory_space<semaphore_mem>>)
      %mul3A_424 = arith.constant 512 : i32
      %mul3A_425 = arith.muli %add3A_88, %mul3A_424 : i32
      %add3A_426 = arith.constant 384 : i32
      %add3A_427 = arith.addi %mul3A_425, %add3A_426 : i32
      %mul3A_428 = arith.constant 4 : i32
      %mul3A_429 = arith.muli %add3A, %mul3A_428 : i32
      %add3A_430 = arith.addi %add3A_427, %mul3A_429 : i32
      %add3A_431 = arith.constant 0 : i32
      %add3A_432 = arith.addi %add3A_430, %add3A_431 : i32
      %dma_start3A_433 = arith.constant 0 : i32
      %dma_start3A_434 = arith.constant 24 : i32
      %dma_start3A_435 = arith.constant 0 : i32
      %dma_start3A_436 = tpu.memref_slice %arg7[%dma_start3A_433, %dma_start3A_434, %dma_start3A_435] : memref<2x32x520xf32, #tpu.memory_space<vmem>> -> memref<1x8x128xf32, #tpu.memory_space<vmem>>
      %dma_start3A_437 = tpu.memref_squeeze %dma_start3A_436 : memref<1x8x128xf32, #tpu.memory_space<vmem>> -> memref<8x128xf32, #tpu.memory_space<vmem>>
      %dma_start3A_438 = arith.constant 0 : i32
      %dma_start3A_439 = arith.constant 0 : i32
      %dma_start3A_440 = tpu.memref_slice %arg4[%add3A_432, %dma_start3A_438, %dma_start3A_439] : memref<13312x8x128xf32, #tpu.memory_space<hbm>> -> memref<1x8x128xf32, #tpu.memory_space<hbm>>
      %dma_start3A_441 = tpu.memref_squeeze %dma_start3A_440 : memref<1x8x128xf32, #tpu.memory_space<hbm>> -> memref<8x128xf32, #tpu.memory_space<hbm>>
      %dma_start3A_442 = arith.constant 0 : i32
      %dma_start3A_443 = arith.constant 0 : i32
      %dma_start3A_444 = tpu.memref_slice %arg4[%add3A_432, %dma_start3A_442, %dma_start3A_443] : memref<13312x8x128xf32, #tpu.memory_space<hbm>> -> memref<1x8x128xf32, #tpu.memory_space<hbm>>
      %dma_start3A_445 = tpu.memref_squeeze %dma_start3A_444 : memref<1x8x128xf32, #tpu.memory_space<hbm>> -> memref<8x128xf32, #tpu.memory_space<hbm>>
      %dma_start3A_446 = arith.constant 24 : i32
      %dma_start3A_447 = arith.constant 0 : i32
      %dma_start3A_448 = tpu.memref_slice %arg7[%dma_start3A_433, %dma_start3A_446, %dma_start3A_447] : memref<2x32x520xf32, #tpu.memory_space<vmem>> -> memref<1x8x128xf32, #tpu.memory_space<vmem>>
      %dma_start3A_449 = tpu.memref_squeeze %dma_start3A_448 : memref<1x8x128xf32, #tpu.memory_space<vmem>> -> memref<8x128xf32, #tpu.memory_space<vmem>>
      tpu.enqueue_dma source(%dma_start3A_449 : memref<8x128xf32, #tpu.memory_space<vmem>>) target(%dma_start3A_445 : memref<8x128xf32, #tpu.memory_space<hbm>>) target_semaphore(%arg10 : memref<!tpu.dma_semaphore, #tpu.memory_space<semaphore_mem>>)
      %mul3A_450 = arith.constant 512 : i32
      %mul3A_451 = arith.muli %add3A_88, %mul3A_450 : i32
      %add3A_452 = arith.constant 384 : i32
      %add3A_453 = arith.addi %mul3A_451, %add3A_452 : i32
      %mul3A_454 = arith.constant 4 : i32
      %mul3A_455 = arith.muli %add3A, %mul3A_454 : i32
      %add3A_456 = arith.addi %add3A_453, %mul3A_455 : i32
      %add3A_457 = arith.constant 1 : i32
      %add3A_458 = arith.addi %add3A_456, %add3A_457 : i32
      %dma_start3A_459 = arith.constant 0 : i32
      %dma_start3A_460 = arith.constant 24 : i32
      %dma_start3A_461 = arith.constant 128 : i32
      %dma_start3A_462 = tpu.memref_slice %arg7[%dma_start3A_459, %dma_start3A_460, %dma_start3A_461] : memref<2x32x520xf32, #tpu.memory_space<vmem>> -> memref<1x8x128xf32, #tpu.memory_space<vmem>>
      %dma_start3A_463 = tpu.memref_squeeze %dma_start3A_462 : memref<1x8x128xf32, #tpu.memory_space<vmem>> -> memref<8x128xf32, #tpu.memory_space<vmem>>
      %dma_start3A_464 = arith.constant 0 : i32
      %dma_start3A_465 = arith.constant 0 : i32
      %dma_start3A_466 = tpu.memref_slice %arg4[%add3A_458, %dma_start3A_464, %dma_start3A_465] : memref<13312x8x128xf32, #tpu.memory_space<hbm>> -> memref<1x8x128xf32, #tpu.memory_space<hbm>>
      %dma_start3A_467 = tpu.memref_squeeze %dma_start3A_466 : memref<1x8x128xf32, #tpu.memory_space<hbm>> -> memref<8x128xf32, #tpu.memory_space<hbm>>
      %dma_start3A_468 = arith.constant 0 : i32
      %dma_start3A_469 = arith.constant 0 : i32
      %dma_start3A_470 = tpu.memref_slice %arg4[%add3A_458, %dma_start3A_468, %dma_start3A_469] : memref<13312x8x128xf32, #tpu.memory_space<hbm>> -> memref<1x8x128xf32, #tpu.memory_space<hbm>>
      %dma_start3A_471 = tpu.memref_squeeze %dma_start3A_470 : memref<1x8x128xf32, #tpu.memory_space<hbm>> -> memref<8x128xf32, #tpu.memory_space<hbm>>
      %dma_start3A_472 = arith.constant 24 : i32
      %dma_start3A_473 = arith.constant 128 : i32
      %dma_start3A_474 = tpu.memref_slice %arg7[%dma_start3A_459, %dma_start3A_472, %dma_start3A_473] : memref<2x32x520xf32, #tpu.memory_space<vmem>> -> memref<1x8x128xf32, #tpu.memory_space<vmem>>
      %dma_start3A_475 = tpu.memref_squeeze %dma_start3A_474 : memref<1x8x128xf32, #tpu.memory_space<vmem>> -> memref<8x128xf32, #tpu.memory_space<vmem>>
      tpu.enqueue_dma source(%dma_start3A_475 : memref<8x128xf32, #tpu.memory_space<vmem>>) target(%dma_start3A_471 : memref<8x128xf32, #tpu.memory_space<hbm>>) target_semaphore(%arg10 : memref<!tpu.dma_semaphore, #tpu.memory_space<semaphore_mem>>)
      %mul3A_476 = arith.constant 512 : i32
      %mul3A_477 = arith.muli %add3A_88, %mul3A_476 : i32
      %add3A_478 = arith.constant 384 : i32
      %add3A_479 = arith.addi %mul3A_477, %add3A_478 : i32
      %mul3A_480 = arith.constant 4 : i32
      %mul3A_481 = arith.muli %add3A, %mul3A_480 : i32
      %add3A_482 = arith.addi %add3A_479, %mul3A_481 : i32
      %add3A_483 = arith.constant 2 : i32
      %add3A_484 = arith.addi %add3A_482, %add3A_483 : i32
      %dma_start3A_485 = arith.constant 0 : i32
      %dma_start3A_486 = arith.constant 24 : i32
      %dma_start3A_487 = arith.constant 256 : i32
      %dma_start3A_488 = tpu.memref_slice %arg7[%dma_start3A_485, %dma_start3A_486, %dma_start3A_487] : memref<2x32x520xf32, #tpu.memory_space<vmem>> -> memref<1x8x128xf32, #tpu.memory_space<vmem>>
      %dma_start3A_489 = tpu.memref_squeeze %dma_start3A_488 : memref<1x8x128xf32, #tpu.memory_space<vmem>> -> memref<8x128xf32, #tpu.memory_space<vmem>>
      %dma_start3A_490 = arith.constant 0 : i32
      %dma_start3A_491 = arith.constant 0 : i32
      %dma_start3A_492 = tpu.memref_slice %arg4[%add3A_484, %dma_start3A_490, %dma_start3A_491] : memref<13312x8x128xf32, #tpu.memory_space<hbm>> -> memref<1x8x128xf32, #tpu.memory_space<hbm>>
      %dma_start3A_493 = tpu.memref_squeeze %dma_start3A_492 : memref<1x8x128xf32, #tpu.memory_space<hbm>> -> memref<8x128xf32, #tpu.memory_space<hbm>>
      %dma_start3A_494 = arith.constant 0 : i32
      %dma_start3A_495 = arith.constant 0 : i32
      %dma_start3A_496 = tpu.memref_slice %arg4[%add3A_484, %dma_start3A_494, %dma_start3A_495] : memref<13312x8x128xf32, #tpu.memory_space<hbm>> -> memref<1x8x128xf32, #tpu.memory_space<hbm>>
      %dma_start3A_497 = tpu.memref_squeeze %dma_start3A_496 : memref<1x8x128xf32, #tpu.memory_space<hbm>> -> memref<8x128xf32, #tpu.memory_space<hbm>>
      %dma_start3A_498 = arith.constant 24 : i32
      %dma_start3A_499 = arith.constant 256 : i32
      %dma_start3A_500 = tpu.memref_slice %arg7[%dma_start3A_485, %dma_start3A_498, %dma_start3A_499] : memref<2x32x520xf32, #tpu.memory_space<vmem>> -> memref<1x8x128xf32, #tpu.memory_space<vmem>>
      %dma_start3A_501 = tpu.memref_squeeze %dma_start3A_500 : memref<1x8x128xf32, #tpu.memory_space<vmem>> -> memref<8x128xf32, #tpu.memory_space<vmem>>
      tpu.enqueue_dma source(%dma_start3A_501 : memref<8x128xf32, #tpu.memory_space<vmem>>) target(%dma_start3A_497 : memref<8x128xf32, #tpu.memory_space<hbm>>) target_semaphore(%arg10 : memref<!tpu.dma_semaphore, #tpu.memory_space<semaphore_mem>>)
      %mul3A_502 = arith.constant 512 : i32
      %mul3A_503 = arith.muli %add3A_88, %mul3A_502 : i32
      %add3A_504 = arith.constant 384 : i32
      %add3A_505 = arith.addi %mul3A_503, %add3A_504 : i32
      %mul3A_506 = arith.constant 4 : i32
      %mul3A_507 = arith.muli %add3A, %mul3A_506 : i32
      %add3A_508 = arith.addi %add3A_505, %mul3A_507 : i32
      %add3A_509 = arith.constant 3 : i32
      %add3A_510 = arith.addi %add3A_508, %add3A_509 : i32
      %dma_start3A_511 = arith.constant 0 : i32
      %dma_start3A_512 = arith.constant 24 : i32
      %dma_start3A_513 = arith.constant 384 : i32
      %dma_start3A_514 = tpu.memref_slice %arg7[%dma_start3A_511, %dma_start3A_512, %dma_start3A_513] : memref<2x32x520xf32, #tpu.memory_space<vmem>> -> memref<1x8x128xf32, #tpu.memory_space<vmem>>
      %dma_start3A_515 = tpu.memref_squeeze %dma_start3A_514 : memref<1x8x128xf32, #tpu.memory_space<vmem>> -> memref<8x128xf32, #tpu.memory_space<vmem>>
      %dma_start3A_516 = arith.constant 0 : i32
      %dma_start3A_517 = arith.constant 0 : i32
      %dma_start3A_518 = tpu.memref_slice %arg4[%add3A_510, %dma_start3A_516, %dma_start3A_517] : memref<13312x8x128xf32, #tpu.memory_space<hbm>> -> memref<1x8x128xf32, #tpu.memory_space<hbm>>
      %dma_start3A_519 = tpu.memref_squeeze %dma_start3A_518 : memref<1x8x128xf32, #tpu.memory_space<hbm>> -> memref<8x128xf32, #tpu.memory_space<hbm>>
      %dma_start3A_520 = arith.constant 0 : i32
      %dma_start3A_521 = arith.constant 0 : i32
      %dma_start3A_522 = tpu.memref_slice %arg4[%add3A_510, %dma_start3A_520, %dma_start3A_521] : memref<13312x8x128xf32, #tpu.memory_space<hbm>> -> memref<1x8x128xf32, #tpu.memory_space<hbm>>
      %dma_start3A_523 = tpu.memref_squeeze %dma_start3A_522 : memref<1x8x128xf32, #tpu.memory_space<hbm>> -> memref<8x128xf32, #tpu.memory_space<hbm>>
      %dma_start3A_524 = arith.constant 24 : i32
      %dma_start3A_525 = arith.constant 384 : i32
      %dma_start3A_526 = tpu.memref_slice %arg7[%dma_start3A_511, %dma_start3A_524, %dma_start3A_525] : memref<2x32x520xf32, #tpu.memory_space<vmem>> -> memref<1x8x128xf32, #tpu.memory_space<vmem>>
      %dma_start3A_527 = tpu.memref_squeeze %dma_start3A_526 : memref<1x8x128xf32, #tpu.memory_space<vmem>> -> memref<8x128xf32, #tpu.memory_space<vmem>>
      tpu.enqueue_dma source(%dma_start3A_527 : memref<8x128xf32, #tpu.memory_space<vmem>>) target(%dma_start3A_523 : memref<8x128xf32, #tpu.memory_space<hbm>>) target_semaphore(%arg10 : memref<!tpu.dma_semaphore, #tpu.memory_space<semaphore_mem>>)
      %add3A_528 = arith.constant 1 : i32
      %add3A_529 = arith.addi %mul3A_86, %add3A_528 : i32
      %lt3A_530 = arith.constant 25 : i32
      %lt3A_531 = arith.cmpi slt, %add3A_529, %lt3A_530 : i32
      %convert_element_type3A_532 = arith.extui %lt3A_531 : i1 to i32
      %cond3A_533 = arith.constant 0 : i32
      %cond3A_534 = arith.cmpi ne, %convert_element_type3A_532, %cond3A_533 : i32
      scf.if %cond3A_534 {
        %add3A_975 = arith.constant 1 : i32
        %add3A_976 = arith.addi %add3A_529, %add3A_975 : i32
        %dma_start3A_977 = arith.constant 0 : i32
        %dma_start3A_978 = arith.constant 0 : i32
        %dma_start3A_979 = arith.constant 0 : i32
        %dma_start3A_980 = tpu.memref_slice %arg6[%dma_start3A_977, %dma_start3A_978, %dma_start3A_979] : memref<2x512x32xf32, #tpu.memory_space<vmem>> -> memref<1x128x32xf32, #tpu.memory_space<vmem>>
        %dma_start3A_981 = tpu.memref_squeeze %dma_start3A_980 : memref<1x128x32xf32, #tpu.memory_space<vmem>> -> memref<128x32xf32, #tpu.memory_space<vmem>>
        %dma_start3A_982 = arith.constant 0 : i32
        %dma_start3A_983 = tpu.memref_slice %arg5[%add3A_976, %dma_start3A_982] : memref<26x512xi32, #tpu.memory_space<vmem>> -> memref<1x128xi32, #tpu.memory_space<vmem>>
        %dma_start3A_984 = tpu.memref_squeeze %dma_start3A_983 : memref<1x128xi32, #tpu.memory_space<vmem>> -> memref<128xi32, #tpu.memory_space<vmem>>
        %dma_start3A_985 = arith.constant 0 : i32
        %dma_start3A_986 = arith.constant 0 : i32
        %dma_start3A_987 = tpu.memref_slice %arg3[%dma_start3A_985, %dma_start3A_986] : memref<1000192x32xf32, #tpu.memory_space<hbm>> -> memref<1000192x32xf32, #tpu.memory_space<hbm>>
        tpu.enqueue_indirect_dma source(%dma_start3A_987 : memref<1000192x32xf32, #tpu.memory_space<hbm>>) target(%dma_start3A_981 : memref<128x32xf32, #tpu.memory_space<vmem>>) offsets(%dma_start3A_984 : memref<128xi32, #tpu.memory_space<vmem>>) semaphore(%arg8 : memref<!tpu.dma_semaphore, #tpu.memory_space<semaphore_mem>>)
        %dma_start3A_988 = arith.constant 0 : i32
        %dma_start3A_989 = arith.constant 128 : i32
        %dma_start3A_990 = arith.constant 0 : i32
        %dma_start3A_991 = tpu.memref_slice %arg6[%dma_start3A_988, %dma_start3A_989, %dma_start3A_990] : memref<2x512x32xf32, #tpu.memory_space<vmem>> -> memref<1x128x32xf32, #tpu.memory_space<vmem>>
        %dma_start3A_992 = tpu.memref_squeeze %dma_start3A_991 : memref<1x128x32xf32, #tpu.memory_space<vmem>> -> memref<128x32xf32, #tpu.memory_space<vmem>>
        %dma_start3A_993 = arith.constant 128 : i32
        %dma_start3A_994 = tpu.memref_slice %arg5[%add3A_976, %dma_start3A_993] : memref<26x512xi32, #tpu.memory_space<vmem>> -> memref<1x128xi32, #tpu.memory_space<vmem>>
        %dma_start3A_995 = tpu.memref_squeeze %dma_start3A_994 : memref<1x128xi32, #tpu.memory_space<vmem>> -> memref<128xi32, #tpu.memory_space<vmem>>
        %dma_start3A_996 = arith.constant 0 : i32
        %dma_start3A_997 = arith.constant 0 : i32
        %dma_start3A_998 = tpu.memref_slice %arg3[%dma_start3A_996, %dma_start3A_997] : memref<1000192x32xf32, #tpu.memory_space<hbm>> -> memref<1000192x32xf32, #tpu.memory_space<hbm>>
        tpu.enqueue_indirect_dma source(%dma_start3A_998 : memref<1000192x32xf32, #tpu.memory_space<hbm>>) target(%dma_start3A_992 : memref<128x32xf32, #tpu.memory_space<vmem>>) offsets(%dma_start3A_995 : memref<128xi32, #tpu.memory_space<vmem>>) semaphore(%arg8 : memref<!tpu.dma_semaphore, #tpu.memory_space<semaphore_mem>>)
        %dma_start3A_999 = arith.constant 0 : i32
        %dma_start3A_1000 = arith.constant 256 : i32
        %dma_start3A_1001 = arith.constant 0 : i32
        %dma_start3A_1002 = tpu.memref_slice %arg6[%dma_start3A_999, %dma_start3A_1000, %dma_start3A_1001] : memref<2x512x32xf32, #tpu.memory_space<vmem>> -> memref<1x128x32xf32, #tpu.memory_space<vmem>>
        %dma_start3A_1003 = tpu.memref_squeeze %dma_start3A_1002 : memref<1x128x32xf32, #tpu.memory_space<vmem>> -> memref<128x32xf32, #tpu.memory_space<vmem>>
        %dma_start3A_1004 = arith.constant 256 : i32
        %dma_start3A_1005 = tpu.memref_slice %arg5[%add3A_976, %dma_start3A_1004] : memref<26x512xi32, #tpu.memory_space<vmem>> -> memref<1x128xi32, #tpu.memory_space<vmem>>
        %dma_start3A_1006 = tpu.memref_squeeze %dma_start3A_1005 : memref<1x128xi32, #tpu.memory_space<vmem>> -> memref<128xi32, #tpu.memory_space<vmem>>
        %dma_start3A_1007 = arith.constant 0 : i32
        %dma_start3A_1008 = arith.constant 0 : i32
        %dma_start3A_1009 = tpu.memref_slice %arg3[%dma_start3A_1007, %dma_start3A_1008] : memref<1000192x32xf32, #tpu.memory_space<hbm>> -> memref<1000192x32xf32, #tpu.memory_space<hbm>>
        tpu.enqueue_indirect_dma source(%dma_start3A_1009 : memref<1000192x32xf32, #tpu.memory_space<hbm>>) target(%dma_start3A_1003 : memref<128x32xf32, #tpu.memory_space<vmem>>) offsets(%dma_start3A_1006 : memref<128xi32, #tpu.memory_space<vmem>>) semaphore(%arg8 : memref<!tpu.dma_semaphore, #tpu.memory_space<semaphore_mem>>)
        %dma_start3A_1010 = arith.constant 0 : i32
        %dma_start3A_1011 = arith.constant 384 : i32
        %dma_start3A_1012 = arith.constant 0 : i32
        %dma_start3A_1013 = tpu.memref_slice %arg6[%dma_start3A_1010, %dma_start3A_1011, %dma_start3A_1012] : memref<2x512x32xf32, #tpu.memory_space<vmem>> -> memref<1x128x32xf32, #tpu.memory_space<vmem>>
        %dma_start3A_1014 = tpu.memref_squeeze %dma_start3A_1013 : memref<1x128x32xf32, #tpu.memory_space<vmem>> -> memref<128x32xf32, #tpu.memory_space<vmem>>
        %dma_start3A_1015 = arith.constant 384 : i32
        %dma_start3A_1016 = tpu.memref_slice %arg5[%add3A_976, %dma_start3A_1015] : memref<26x512xi32, #tpu.memory_space<vmem>> -> memref<1x128xi32, #tpu.memory_space<vmem>>
        %dma_start3A_1017 = tpu.memref_squeeze %dma_start3A_1016 : memref<1x128xi32, #tpu.memory_space<vmem>> -> memref<128xi32, #tpu.memory_space<vmem>>
        %dma_start3A_1018 = arith.constant 0 : i32
        %dma_start3A_1019 = arith.constant 0 : i32
        %dma_start3A_1020 = tpu.memref_slice %arg3[%dma_start3A_1018, %dma_start3A_1019] : memref<1000192x32xf32, #tpu.memory_space<hbm>> -> memref<1000192x32xf32, #tpu.memory_space<hbm>>
        tpu.enqueue_indirect_dma source(%dma_start3A_1020 : memref<1000192x32xf32, #tpu.memory_space<hbm>>) target(%dma_start3A_1014 : memref<128x32xf32, #tpu.memory_space<vmem>>) offsets(%dma_start3A_1017 : memref<128xi32, #tpu.memory_space<vmem>>) semaphore(%arg8 : memref<!tpu.dma_semaphore, #tpu.memory_space<semaphore_mem>>)
      } else {
      }
      %dma_wait3A_535 = arith.constant 1 : i32
      %dma_wait3A_536 = arith.constant 0 : i32
      %dma_wait3A_537 = arith.constant 0 : i32
      %dma_wait3A_538 = tpu.memref_slice %arg6[%dma_wait3A_535, %dma_wait3A_536, %dma_wait3A_537] : memref<2x512x32xf32, #tpu.memory_space<vmem>> -> memref<1x512x32xf32, #tpu.memory_space<vmem>>
      %dma_wait3A_539 = tpu.memref_squeeze %dma_wait3A_538 : memref<1x512x32xf32, #tpu.memory_space<vmem>> -> memref<512x32xf32, #tpu.memory_space<vmem>>
      %dma_wait3A_540 = arith.constant 0 : i32
      %dma_wait3A_541 = arith.constant 0 : i32
      %dma_wait3A_542 = tpu.memref_slice %arg3[%dma_wait3A_540, %dma_wait3A_541] : memref<1000192x32xf32, #tpu.memory_space<hbm>> -> memref<512x32xf32, #tpu.memory_space<hbm>>
      %dma_wait3A_543 = arith.constant 0 : i32
      %dma_wait3A_544 = arith.constant 0 : i32
      %dma_wait3A_545 = tpu.memref_slice %arg6[%dma_wait3A_535, %dma_wait3A_543, %dma_wait3A_544] : memref<2x512x32xf32, #tpu.memory_space<vmem>> -> memref<1x512x32xf32, #tpu.memory_space<vmem>>
      %dma_wait3A_546 = tpu.memref_squeeze %dma_wait3A_545 : memref<1x512x32xf32, #tpu.memory_space<vmem>> -> memref<512x32xf32, #tpu.memory_space<vmem>>
      %dma_wait3A_547 = arith.constant 0 : i32
      %dma_wait3A_548 = arith.constant 0 : i32
      %dma_wait3A_549 = tpu.memref_slice %arg3[%dma_wait3A_547, %dma_wait3A_548] : memref<1000192x32xf32, #tpu.memory_space<hbm>> -> memref<512x32xf32, #tpu.memory_space<hbm>>
      tpu.wait_dma2 semaphore(%arg9 : memref<!tpu.dma_semaphore, #tpu.memory_space<semaphore_mem>>) src(%dma_wait3A_549 : memref<512x32xf32, #tpu.memory_space<hbm>>) dst(%dma_wait3A_546 : memref<512x32xf32, #tpu.memory_space<vmem>>)
      %ge3A_550 = arith.constant 2 : i32
      %ge3A_551 = arith.cmpi sge, %add3A_529, %ge3A_550 : i32
      %convert_element_type3A_552 = arith.extui %ge3A_551 : i1 to i32
      %cond3A_553 = arith.constant 0 : i32
      %cond3A_554 = arith.cmpi ne, %convert_element_type3A_552, %cond3A_553 : i32
      scf.if %cond3A_554 {
        %dma_wait3A_975 = arith.constant 1 : i32
        %dma_wait3A_976 = arith.constant 0 : i32
        %dma_wait3A_977 = arith.constant 0 : i32
        %dma_wait3A_978 = tpu.memref_slice %arg6[%dma_wait3A_975, %dma_wait3A_976, %dma_wait3A_977] : memref<2x512x32xf32, #tpu.memory_space<vmem>> -> memref<1x512x32xf32, #tpu.memory_space<vmem>>
        %dma_wait3A_979 = tpu.memref_squeeze %dma_wait3A_978 : memref<1x512x32xf32, #tpu.memory_space<vmem>> -> memref<512x32xf32, #tpu.memory_space<vmem>>
        %dma_wait3A_980 = arith.constant 0 : i32
        %dma_wait3A_981 = arith.constant 0 : i32
        %dma_wait3A_982 = tpu.memref_slice %arg3[%dma_wait3A_980, %dma_wait3A_981] : memref<1000192x32xf32, #tpu.memory_space<hbm>> -> memref<512x32xf32, #tpu.memory_space<hbm>>
        %dma_wait3A_983 = arith.constant 0 : i32
        %dma_wait3A_984 = arith.constant 0 : i32
        %dma_wait3A_985 = tpu.memref_slice %arg6[%dma_wait3A_975, %dma_wait3A_983, %dma_wait3A_984] : memref<2x512x32xf32, #tpu.memory_space<vmem>> -> memref<1x512x32xf32, #tpu.memory_space<vmem>>
        %dma_wait3A_986 = tpu.memref_squeeze %dma_wait3A_985 : memref<1x512x32xf32, #tpu.memory_space<vmem>> -> memref<512x32xf32, #tpu.memory_space<vmem>>
        %dma_wait3A_987 = arith.constant 0 : i32
        %dma_wait3A_988 = arith.constant 0 : i32
        %dma_wait3A_989 = tpu.memref_slice %arg3[%dma_wait3A_987, %dma_wait3A_988] : memref<1000192x32xf32, #tpu.memory_space<hbm>> -> memref<512x32xf32, #tpu.memory_space<hbm>>
        tpu.wait_dma2 semaphore(%arg11 : memref<!tpu.dma_semaphore, #tpu.memory_space<semaphore_mem>>) src(%dma_wait3A_989 : memref<512x32xf32, #tpu.memory_space<hbm>>) dst(%dma_wait3A_986 : memref<512x32xf32, #tpu.memory_space<vmem>>)
      } else {
      }
      %iota3A_555 = tpu.iota {dimensions = array<i32: 0>} : vector<16xi32>
      %parallel_loop3A_556 = arith.constant 0 : i32
      %parallel_loop3A_557 = arith.constant 512 : i32
      %parallel_loop3A_558 = arith.constant 1 : i32
      scf.for %parallel_loop3A_975 = %parallel_loop3A_556 to %parallel_loop3A_557 step %parallel_loop3A_558  : i32 {
        %parallel_loop3A_976 = arith.constant 0 : i32
        %parallel_loop3A_977 = vector.broadcast %parallel_loop3A_976 : i32 to vector<16xi32>
        %parallel_loop3A_978 = vector.broadcast %parallel_loop3A_975 : i32 to vector<16xi32>
        %parallel_loop3A_979 = arith.addi %parallel_loop3A_977, %parallel_loop3A_978 : vector<16xi32>
        %parallel_loop3A_980 = arith.constant 1 : i32
        %parallel_loop3A_981 = arith.index_cast %parallel_loop3A_980 : i32 to index
        %parallel_loop3A_982 = arith.index_cast %parallel_loop3A_975 : i32 to index
        %parallel_loop3A_983 = arith.constant 0 : index
        %parallel_loop3A_984 = tpu.vector_load %arg6[%parallel_loop3A_981, %parallel_loop3A_982, %parallel_loop3A_983] {strides = array<i32>} : memref<2x512x32xf32, #tpu.memory_space<vmem>>, vector<16xf32>,
        %parallel_loop3A_985 = arith.constant -5.000000e+00 : f32
        %parallel_loop3A_986 = arith.constant 5.000000e+00 : f32
        %parallel_loop3A_987 = vector.broadcast %parallel_loop3A_985 : f32 to vector<16xf32>
        %parallel_loop3A_988 = arith.maximumf %parallel_loop3A_987, %parallel_loop3A_984 : vector<16xf32>
        %parallel_loop3A_989 = vector.broadcast %parallel_loop3A_986 : f32 to vector<16xf32>
        %parallel_loop3A_990 = arith.minimumf %parallel_loop3A_989, %parallel_loop3A_988 : vector<16xf32>
        %parallel_loop3A_991 = arith.mulf %parallel_loop3A_990, %parallel_loop3A_990 : vector<16xf32>
        %parallel_loop3A_992 = arith.constant 1.28831834E-6 : f32
        %parallel_loop3A_993 = vector.broadcast %parallel_loop3A_992 : f32 to vector<16xf32>
        %parallel_loop3A_994 = arith.mulf %parallel_loop3A_993, %parallel_loop3A_991 : vector<16xf32>
        %parallel_loop3A_995 = arith.constant -6.90796878E-5 : f32
        %parallel_loop3A_996 = vector.broadcast %parallel_loop3A_995 : f32 to vector<16xf32>
        %parallel_loop3A_997 = arith.addf %parallel_loop3A_994, %parallel_loop3A_996 : vector<16xf32>
        %parallel_loop3A_998 = arith.mulf %parallel_loop3A_997, %parallel_loop3A_991 : vector<16xf32>
        %parallel_loop3A_999 = arith.constant 0.00150391366 : f32
        %parallel_loop3A_1000 = vector.broadcast %parallel_loop3A_999 : f32 to vector<16xf32>
        %parallel_loop3A_1001 = arith.addf %parallel_loop3A_998, %parallel_loop3A_1000 : vector<16xf32>
        %parallel_loop3A_1002 = arith.mulf %parallel_loop3A_1001, %parallel_loop3A_991 : vector<16xf32>
        %parallel_loop3A_1003 = arith.constant -0.0198051222 : f32
        %parallel_loop3A_1004 = vector.broadcast %parallel_loop3A_1003 : f32 to vector<16xf32>
        %parallel_loop3A_1005 = arith.addf %parallel_loop3A_1002, %parallel_loop3A_1004 : vector<16xf32>
        %parallel_loop3A_1006 = arith.mulf %parallel_loop3A_1005, %parallel_loop3A_991 : vector<16xf32>
        %parallel_loop3A_1007 = arith.constant 0.249514297 : f32
        %parallel_loop3A_1008 = vector.broadcast %parallel_loop3A_1007 : f32 to vector<16xf32>
        %parallel_loop3A_1009 = arith.addf %parallel_loop3A_1006, %parallel_loop3A_1008 : vector<16xf32>
        %parallel_loop3A_1010 = arith.mulf %parallel_loop3A_990, %parallel_loop3A_1009 : vector<16xf32>
        %parallel_loop3A_1011 = arith.constant 5.000000e-01 : f32
        %parallel_loop3A_1012 = vector.broadcast %parallel_loop3A_1011 : f32 to vector<16xf32>
        %parallel_loop3A_1013 = arith.addf %parallel_loop3A_1012, %parallel_loop3A_1010 : vector<16xf32>
        %parallel_loop3A_1014 = arith.constant 0 : i32
        %parallel_loop3A_1015 = vector.broadcast %parallel_loop3A_1014 : i32 to vector<16xi32>
        %parallel_loop3A_1016 = arith.addi %parallel_loop3A_1015, %iota3A_555 : vector<16xi32>
        %parallel_loop3A_1017 = arith.constant 1 : i32
        %parallel_loop3A_1018 = arith.constant 0 : i32
        %parallel_loop3A_1019 = arith.constant 0 : i32
        %parallel_loop3A_1020 = tpu.memref_slice %arg7[%parallel_loop3A_1017, %parallel_loop3A_1018, %parallel_loop3A_1019] : memref<2x32x520xf32, #tpu.memory_space<vmem>> -> memref<1x32x520xf32, #tpu.memory_space<vmem>>
        %parallel_loop3A_1021 = tpu.memref_squeeze %parallel_loop3A_1020 : memref<1x32x520xf32, #tpu.memory_space<vmem>> -> memref<32x520xf32, #tpu.memory_space<vmem>>
        tpu.vector_store_idx %parallel_loop3A_1021[%parallel_loop3A_1016, %parallel_loop3A_979], %parallel_loop3A_1013 : memref<32x520xf32, #tpu.memory_space<vmem>>[vector<16xi32>, vector<16xi32>], vector<16xf32>,
        %parallel_loop3A_1022 = arith.constant 1 : i32
        %parallel_loop3A_1023 = arith.index_cast %parallel_loop3A_1022 : i32 to index
        %parallel_loop3A_1024 = arith.index_cast %parallel_loop3A_975 : i32 to index
        %parallel_loop3A_1025 = arith.constant 16 : index
        %parallel_loop3A_1026 = tpu.vector_load %arg6[%parallel_loop3A_1023, %parallel_loop3A_1024, %parallel_loop3A_1025] {strides = array<i32>} : memref<2x512x32xf32, #tpu.memory_space<vmem>>, vector<16xf32>,
        %parallel_loop3A_1027 = arith.constant -5.000000e+00 : f32
        %parallel_loop3A_1028 = arith.constant 5.000000e+00 : f32
        %parallel_loop3A_1029 = vector.broadcast %parallel_loop3A_1027 : f32 to vector<16xf32>
        %parallel_loop3A_1030 = arith.maximumf %parallel_loop3A_1029, %parallel_loop3A_1026 : vector<16xf32>
        %parallel_loop3A_1031 = vector.broadcast %parallel_loop3A_1028 : f32 to vector<16xf32>
        %parallel_loop3A_1032 = arith.minimumf %parallel_loop3A_1031, %parallel_loop3A_1030 : vector<16xf32>
        %parallel_loop3A_1033 = arith.mulf %parallel_loop3A_1032, %parallel_loop3A_1032 : vector<16xf32>
        %parallel_loop3A_1034 = arith.constant 1.28831834E-6 : f32
        %parallel_loop3A_1035 = vector.broadcast %parallel_loop3A_1034 : f32 to vector<16xf32>
        %parallel_loop3A_1036 = arith.mulf %parallel_loop3A_1035, %parallel_loop3A_1033 : vector<16xf32>
        %parallel_loop3A_1037 = arith.constant -6.90796878E-5 : f32
        %parallel_loop3A_1038 = vector.broadcast %parallel_loop3A_1037 : f32 to vector<16xf32>
        %parallel_loop3A_1039 = arith.addf %parallel_loop3A_1036, %parallel_loop3A_1038 : vector<16xf32>
        %parallel_loop3A_1040 = arith.mulf %parallel_loop3A_1039, %parallel_loop3A_1033 : vector<16xf32>
        %parallel_loop3A_1041 = arith.constant 0.00150391366 : f32
        %parallel_loop3A_1042 = vector.broadcast %parallel_loop3A_1041 : f32 to vector<16xf32>
        %parallel_loop3A_1043 = arith.addf %parallel_loop3A_1040, %parallel_loop3A_1042 : vector<16xf32>
        %parallel_loop3A_1044 = arith.mulf %parallel_loop3A_1043, %parallel_loop3A_1033 : vector<16xf32>
        %parallel_loop3A_1045 = arith.constant -0.0198051222 : f32
        %parallel_loop3A_1046 = vector.broadcast %parallel_loop3A_1045 : f32 to vector<16xf32>
        %parallel_loop3A_1047 = arith.addf %parallel_loop3A_1044, %parallel_loop3A_1046 : vector<16xf32>
        %parallel_loop3A_1048 = arith.mulf %parallel_loop3A_1047, %parallel_loop3A_1033 : vector<16xf32>
        %parallel_loop3A_1049 = arith.constant 0.249514297 : f32
        %parallel_loop3A_1050 = vector.broadcast %parallel_loop3A_1049 : f32 to vector<16xf32>
        %parallel_loop3A_1051 = arith.addf %parallel_loop3A_1048, %parallel_loop3A_1050 : vector<16xf32>
        %parallel_loop3A_1052 = arith.mulf %parallel_loop3A_1032, %parallel_loop3A_1051 : vector<16xf32>
        %parallel_loop3A_1053 = arith.constant 5.000000e-01 : f32
        %parallel_loop3A_1054 = vector.broadcast %parallel_loop3A_1053 : f32 to vector<16xf32>
        %parallel_loop3A_1055 = arith.addf %parallel_loop3A_1054, %parallel_loop3A_1052 : vector<16xf32>
        %parallel_loop3A_1056 = arith.constant 16 : i32
        %parallel_loop3A_1057 = vector.broadcast %parallel_loop3A_1056 : i32 to vector<16xi32>
        %parallel_loop3A_1058 = arith.addi %parallel_loop3A_1057, %iota3A_555 : vector<16xi32>
        %parallel_loop3A_1059 = arith.constant 1 : i32
        %parallel_loop3A_1060 = arith.constant 0 : i32
        %parallel_loop3A_1061 = arith.constant 0 : i32
        %parallel_loop3A_1062 = tpu.memref_slice %arg7[%parallel_loop3A_1059, %parallel_loop3A_1060, %parallel_loop3A_1061] : memref<2x32x520xf32, #tpu.memory_space<vmem>> -> memref<1x32x520xf32, #tpu.memory_space<vmem>>
        %parallel_loop3A_1063 = tpu.memref_squeeze %parallel_loop3A_1062 : memref<1x32x520xf32, #tpu.memory_space<vmem>> -> memref<32x520xf32, #tpu.memory_space<vmem>>
        tpu.vector_store_idx %parallel_loop3A_1063[%parallel_loop3A_1058, %parallel_loop3A_979], %parallel_loop3A_1055 : memref<32x520xf32, #tpu.memory_space<vmem>>[vector<16xi32>, vector<16xi32>], vector<16xf32>,
      } {sc.loop_unroll_factor = 4 : i64, sc.parallel_access}
      %mul3A_559 = arith.constant 512 : i32
      %mul3A_560 = arith.muli %add3A_529, %mul3A_559 : i32
      %add3A_561 = arith.constant 0 : i32
      %add3A_562 = arith.addi %mul3A_560, %add3A_561 : i32
      %mul3A_563 = arith.constant 4 : i32
      %mul3A_564 = arith.muli %add3A, %mul3A_563 : i32
      %add3A_565 = arith.addi %add3A_562, %mul3A_564 : i32
      %add3A_566 = arith.constant 0 : i32
      %add3A_567 = arith.addi %add3A_565, %add3A_566 : i32
      %dma_start3A_568 = arith.constant 1 : i32
      %dma_start3A_569 = arith.constant 0 : i32
      %dma_start3A_570 = arith.constant 0 : i32
      %dma_start3A_571 = tpu.memref_slice %arg7[%dma_start3A_568, %dma_start3A_569, %dma_start3A_570] : memref<2x32x520xf32, #tpu.memory_space<vmem>> -> memref<1x8x128xf32, #tpu.memory_space<vmem>>
      %dma_start3A_572 = tpu.memref_squeeze %dma_start3A_571 : memref<1x8x128xf32, #tpu.memory_space<vmem>> -> memref<8x128xf32, #tpu.memory_space<vmem>>
      %dma_start3A_573 = arith.constant 0 : i32
      %dma_start3A_574 = arith.constant 0 : i32
      %dma_start3A_575 = tpu.memref_slice %arg4[%add3A_567, %dma_start3A_573, %dma_start3A_574] : memref<13312x8x128xf32, #tpu.memory_space<hbm>> -> memref<1x8x128xf32, #tpu.memory_space<hbm>>
      %dma_start3A_576 = tpu.memref_squeeze %dma_start3A_575 : memref<1x8x128xf32, #tpu.memory_space<hbm>> -> memref<8x128xf32, #tpu.memory_space<hbm>>
      %dma_start3A_577 = arith.constant 0 : i32
      %dma_start3A_578 = arith.constant 0 : i32
      %dma_start3A_579 = tpu.memref_slice %arg4[%add3A_567, %dma_start3A_577, %dma_start3A_578] : memref<13312x8x128xf32, #tpu.memory_space<hbm>> -> memref<1x8x128xf32, #tpu.memory_space<hbm>>
      %dma_start3A_580 = tpu.memref_squeeze %dma_start3A_579 : memref<1x8x128xf32, #tpu.memory_space<hbm>> -> memref<8x128xf32, #tpu.memory_space<hbm>>
      %dma_start3A_581 = arith.constant 0 : i32
      %dma_start3A_582 = arith.constant 0 : i32
      %dma_start3A_583 = tpu.memref_slice %arg7[%dma_start3A_568, %dma_start3A_581, %dma_start3A_582] : memref<2x32x520xf32, #tpu.memory_space<vmem>> -> memref<1x8x128xf32, #tpu.memory_space<vmem>>
      %dma_start3A_584 = tpu.memref_squeeze %dma_start3A_583 : memref<1x8x128xf32, #tpu.memory_space<vmem>> -> memref<8x128xf32, #tpu.memory_space<vmem>>
      tpu.enqueue_dma source(%dma_start3A_584 : memref<8x128xf32, #tpu.memory_space<vmem>>) target(%dma_start3A_580 : memref<8x128xf32, #tpu.memory_space<hbm>>) target_semaphore(%arg11 : memref<!tpu.dma_semaphore, #tpu.memory_space<semaphore_mem>>)
      %mul3A_585 = arith.constant 512 : i32
      %mul3A_586 = arith.muli %add3A_529, %mul3A_585 : i32
      %add3A_587 = arith.constant 0 : i32
      %add3A_588 = arith.addi %mul3A_586, %add3A_587 : i32
      %mul3A_589 = arith.constant 4 : i32
      %mul3A_590 = arith.muli %add3A, %mul3A_589 : i32
      %add3A_591 = arith.addi %add3A_588, %mul3A_590 : i32
      %add3A_592 = arith.constant 1 : i32
      %add3A_593 = arith.addi %add3A_591, %add3A_592 : i32
      %dma_start3A_594 = arith.constant 1 : i32
      %dma_start3A_595 = arith.constant 0 : i32
      %dma_start3A_596 = arith.constant 128 : i32
      %dma_start3A_597 = tpu.memref_slice %arg7[%dma_start3A_594, %dma_start3A_595, %dma_start3A_596] : memref<2x32x520xf32, #tpu.memory_space<vmem>> -> memref<1x8x128xf32, #tpu.memory_space<vmem>>
      %dma_start3A_598 = tpu.memref_squeeze %dma_start3A_597 : memref<1x8x128xf32, #tpu.memory_space<vmem>> -> memref<8x128xf32, #tpu.memory_space<vmem>>
      %dma_start3A_599 = arith.constant 0 : i32
      %dma_start3A_600 = arith.constant 0 : i32
      %dma_start3A_601 = tpu.memref_slice %arg4[%add3A_593, %dma_start3A_599, %dma_start3A_600] : memref<13312x8x128xf32, #tpu.memory_space<hbm>> -> memref<1x8x128xf32, #tpu.memory_space<hbm>>
      %dma_start3A_602 = tpu.memref_squeeze %dma_start3A_601 : memref<1x8x128xf32, #tpu.memory_space<hbm>> -> memref<8x128xf32, #tpu.memory_space<hbm>>
      %dma_start3A_603 = arith.constant 0 : i32
      %dma_start3A_604 = arith.constant 0 : i32
      %dma_start3A_605 = tpu.memref_slice %arg4[%add3A_593, %dma_start3A_603, %dma_start3A_604] : memref<13312x8x128xf32, #tpu.memory_space<hbm>> -> memref<1x8x128xf32, #tpu.memory_space<hbm>>
      %dma_start3A_606 = tpu.memref_squeeze %dma_start3A_605 : memref<1x8x128xf32, #tpu.memory_space<hbm>> -> memref<8x128xf32, #tpu.memory_space<hbm>>
      %dma_start3A_607 = arith.constant 0 : i32
      %dma_start3A_608 = arith.constant 128 : i32
      %dma_start3A_609 = tpu.memref_slice %arg7[%dma_start3A_594, %dma_start3A_607, %dma_start3A_608] : memref<2x32x520xf32, #tpu.memory_space<vmem>> -> memref<1x8x128xf32, #tpu.memory_space<vmem>>
      %dma_start3A_610 = tpu.memref_squeeze %dma_start3A_609 : memref<1x8x128xf32, #tpu.memory_space<vmem>> -> memref<8x128xf32, #tpu.memory_space<vmem>>
      tpu.enqueue_dma source(%dma_start3A_610 : memref<8x128xf32, #tpu.memory_space<vmem>>) target(%dma_start3A_606 : memref<8x128xf32, #tpu.memory_space<hbm>>) target_semaphore(%arg11 : memref<!tpu.dma_semaphore, #tpu.memory_space<semaphore_mem>>)
      %mul3A_611 = arith.constant 512 : i32
      %mul3A_612 = arith.muli %add3A_529, %mul3A_611 : i32
      %add3A_613 = arith.constant 0 : i32
      %add3A_614 = arith.addi %mul3A_612, %add3A_613 : i32
      %mul3A_615 = arith.constant 4 : i32
      %mul3A_616 = arith.muli %add3A, %mul3A_615 : i32
      %add3A_617 = arith.addi %add3A_614, %mul3A_616 : i32
      %add3A_618 = arith.constant 2 : i32
      %add3A_619 = arith.addi %add3A_617, %add3A_618 : i32
      %dma_start3A_620 = arith.constant 1 : i32
      %dma_start3A_621 = arith.constant 0 : i32
      %dma_start3A_622 = arith.constant 256 : i32
      %dma_start3A_623 = tpu.memref_slice %arg7[%dma_start3A_620, %dma_start3A_621, %dma_start3A_622] : memref<2x32x520xf32, #tpu.memory_space<vmem>> -> memref<1x8x128xf32, #tpu.memory_space<vmem>>
      %dma_start3A_624 = tpu.memref_squeeze %dma_start3A_623 : memref<1x8x128xf32, #tpu.memory_space<vmem>> -> memref<8x128xf32, #tpu.memory_space<vmem>>
      %dma_start3A_625 = arith.constant 0 : i32
      %dma_start3A_626 = arith.constant 0 : i32
      %dma_start3A_627 = tpu.memref_slice %arg4[%add3A_619, %dma_start3A_625, %dma_start3A_626] : memref<13312x8x128xf32, #tpu.memory_space<hbm>> -> memref<1x8x128xf32, #tpu.memory_space<hbm>>
      %dma_start3A_628 = tpu.memref_squeeze %dma_start3A_627 : memref<1x8x128xf32, #tpu.memory_space<hbm>> -> memref<8x128xf32, #tpu.memory_space<hbm>>
      %dma_start3A_629 = arith.constant 0 : i32
      %dma_start3A_630 = arith.constant 0 : i32
      %dma_start3A_631 = tpu.memref_slice %arg4[%add3A_619, %dma_start3A_629, %dma_start3A_630] : memref<13312x8x128xf32, #tpu.memory_space<hbm>> -> memref<1x8x128xf32, #tpu.memory_space<hbm>>
      %dma_start3A_632 = tpu.memref_squeeze %dma_start3A_631 : memref<1x8x128xf32, #tpu.memory_space<hbm>> -> memref<8x128xf32, #tpu.memory_space<hbm>>
      %dma_start3A_633 = arith.constant 0 : i32
      %dma_start3A_634 = arith.constant 256 : i32
      %dma_start3A_635 = tpu.memref_slice %arg7[%dma_start3A_620, %dma_start3A_633, %dma_start3A_634] : memref<2x32x520xf32, #tpu.memory_space<vmem>> -> memref<1x8x128xf32, #tpu.memory_space<vmem>>
      %dma_start3A_636 = tpu.memref_squeeze %dma_start3A_635 : memref<1x8x128xf32, #tpu.memory_space<vmem>> -> memref<8x128xf32, #tpu.memory_space<vmem>>
      tpu.enqueue_dma source(%dma_start3A_636 : memref<8x128xf32, #tpu.memory_space<vmem>>) target(%dma_start3A_632 : memref<8x128xf32, #tpu.memory_space<hbm>>) target_semaphore(%arg11 : memref<!tpu.dma_semaphore, #tpu.memory_space<semaphore_mem>>)
      %mul3A_637 = arith.constant 512 : i32
      %mul3A_638 = arith.muli %add3A_529, %mul3A_637 : i32
      %add3A_639 = arith.constant 0 : i32
      %add3A_640 = arith.addi %mul3A_638, %add3A_639 : i32
      %mul3A_641 = arith.constant 4 : i32
      %mul3A_642 = arith.muli %add3A, %mul3A_641 : i32
      %add3A_643 = arith.addi %add3A_640, %mul3A_642 : i32
      %add3A_644 = arith.constant 3 : i32
      %add3A_645 = arith.addi %add3A_643, %add3A_644 : i32
      %dma_start3A_646 = arith.constant 1 : i32
      %dma_start3A_647 = arith.constant 0 : i32
      %dma_start3A_648 = arith.constant 384 : i32
      %dma_start3A_649 = tpu.memref_slice %arg7[%dma_start3A_646, %dma_start3A_647, %dma_start3A_648] : memref<2x32x520xf32, #tpu.memory_space<vmem>> -> memref<1x8x128xf32, #tpu.memory_space<vmem>>
      %dma_start3A_650 = tpu.memref_squeeze %dma_start3A_649 : memref<1x8x128xf32, #tpu.memory_space<vmem>> -> memref<8x128xf32, #tpu.memory_space<vmem>>
      %dma_start3A_651 = arith.constant 0 : i32
      %dma_start3A_652 = arith.constant 0 : i32
      %dma_start3A_653 = tpu.memref_slice %arg4[%add3A_645, %dma_start3A_651, %dma_start3A_652] : memref<13312x8x128xf32, #tpu.memory_space<hbm>> -> memref<1x8x128xf32, #tpu.memory_space<hbm>>
      %dma_start3A_654 = tpu.memref_squeeze %dma_start3A_653 : memref<1x8x128xf32, #tpu.memory_space<hbm>> -> memref<8x128xf32, #tpu.memory_space<hbm>>
      %dma_start3A_655 = arith.constant 0 : i32
      %dma_start3A_656 = arith.constant 0 : i32
      %dma_start3A_657 = tpu.memref_slice %arg4[%add3A_645, %dma_start3A_655, %dma_start3A_656] : memref<13312x8x128xf32, #tpu.memory_space<hbm>> -> memref<1x8x128xf32, #tpu.memory_space<hbm>>
      %dma_start3A_658 = tpu.memref_squeeze %dma_start3A_657 : memref<1x8x128xf32, #tpu.memory_space<hbm>> -> memref<8x128xf32, #tpu.memory_space<hbm>>
      %dma_start3A_659 = arith.constant 0 : i32
      %dma_start3A_660 = arith.constant 384 : i32
      %dma_start3A_661 = tpu.memref_slice %arg7[%dma_start3A_646, %dma_start3A_659, %dma_start3A_660] : memref<2x32x520xf32, #tpu.memory_space<vmem>> -> memref<1x8x128xf32, #tpu.memory_space<vmem>>
      %dma_start3A_662 = tpu.memref_squeeze %dma_start3A_661 : memref<1x8x128xf32, #tpu.memory_space<vmem>> -> memref<8x128xf32, #tpu.memory_space<vmem>>
      tpu.enqueue_dma source(%dma_start3A_662 : memref<8x128xf32, #tpu.memory_space<vmem>>) target(%dma_start3A_658 : memref<8x128xf32, #tpu.memory_space<hbm>>) target_semaphore(%arg11 : memref<!tpu.dma_semaphore, #tpu.memory_space<semaphore_mem>>)
      %mul3A_663 = arith.constant 512 : i32
      %mul3A_664 = arith.muli %add3A_529, %mul3A_663 : i32
      %add3A_665 = arith.constant 128 : i32
      %add3A_666 = arith.addi %mul3A_664, %add3A_665 : i32
      %mul3A_667 = arith.constant 4 : i32
      %mul3A_668 = arith.muli %add3A, %mul3A_667 : i32
      %add3A_669 = arith.addi %add3A_666, %mul3A_668 : i32
      %add3A_670 = arith.constant 0 : i32
      %add3A_671 = arith.addi %add3A_669, %add3A_670 : i32
      %dma_start3A_672 = arith.constant 1 : i32
      %dma_start3A_673 = arith.constant 8 : i32
      %dma_start3A_674 = arith.constant 0 : i32
      %dma_start3A_675 = tpu.memref_slice %arg7[%dma_start3A_672, %dma_start3A_673, %dma_start3A_674] : memref<2x32x520xf32, #tpu.memory_space<vmem>> -> memref<1x8x128xf32, #tpu.memory_space<vmem>>
      %dma_start3A_676 = tpu.memref_squeeze %dma_start3A_675 : memref<1x8x128xf32, #tpu.memory_space<vmem>> -> memref<8x128xf32, #tpu.memory_space<vmem>>
      %dma_start3A_677 = arith.constant 0 : i32
      %dma_start3A_678 = arith.constant 0 : i32
      %dma_start3A_679 = tpu.memref_slice %arg4[%add3A_671, %dma_start3A_677, %dma_start3A_678] : memref<13312x8x128xf32, #tpu.memory_space<hbm>> -> memref<1x8x128xf32, #tpu.memory_space<hbm>>
      %dma_start3A_680 = tpu.memref_squeeze %dma_start3A_679 : memref<1x8x128xf32, #tpu.memory_space<hbm>> -> memref<8x128xf32, #tpu.memory_space<hbm>>
      %dma_start3A_681 = arith.constant 0 : i32
      %dma_start3A_682 = arith.constant 0 : i32
      %dma_start3A_683 = tpu.memref_slice %arg4[%add3A_671, %dma_start3A_681, %dma_start3A_682] : memref<13312x8x128xf32, #tpu.memory_space<hbm>> -> memref<1x8x128xf32, #tpu.memory_space<hbm>>
      %dma_start3A_684 = tpu.memref_squeeze %dma_start3A_683 : memref<1x8x128xf32, #tpu.memory_space<hbm>> -> memref<8x128xf32, #tpu.memory_space<hbm>>
      %dma_start3A_685 = arith.constant 8 : i32
      %dma_start3A_686 = arith.constant 0 : i32
      %dma_start3A_687 = tpu.memref_slice %arg7[%dma_start3A_672, %dma_start3A_685, %dma_start3A_686] : memref<2x32x520xf32, #tpu.memory_space<vmem>> -> memref<1x8x128xf32, #tpu.memory_space<vmem>>
      %dma_start3A_688 = tpu.memref_squeeze %dma_start3A_687 : memref<1x8x128xf32, #tpu.memory_space<vmem>> -> memref<8x128xf32, #tpu.memory_space<vmem>>
      tpu.enqueue_dma source(%dma_start3A_688 : memref<8x128xf32, #tpu.memory_space<vmem>>) target(%dma_start3A_684 : memref<8x128xf32, #tpu.memory_space<hbm>>) target_semaphore(%arg11 : memref<!tpu.dma_semaphore, #tpu.memory_space<semaphore_mem>>)
      %mul3A_689 = arith.constant 512 : i32
      %mul3A_690 = arith.muli %add3A_529, %mul3A_689 : i32
      %add3A_691 = arith.constant 128 : i32
      %add3A_692 = arith.addi %mul3A_690, %add3A_691 : i32
      %mul3A_693 = arith.constant 4 : i32
      %mul3A_694 = arith.muli %add3A, %mul3A_693 : i32
      %add3A_695 = arith.addi %add3A_692, %mul3A_694 : i32
      %add3A_696 = arith.constant 1 : i32
      %add3A_697 = arith.addi %add3A_695, %add3A_696 : i32
      %dma_start3A_698 = arith.constant 1 : i32
      %dma_start3A_699 = arith.constant 8 : i32
      %dma_start3A_700 = arith.constant 128 : i32
      %dma_start3A_701 = tpu.memref_slice %arg7[%dma_start3A_698, %dma_start3A_699, %dma_start3A_700] : memref<2x32x520xf32, #tpu.memory_space<vmem>> -> memref<1x8x128xf32, #tpu.memory_space<vmem>>
      %dma_start3A_702 = tpu.memref_squeeze %dma_start3A_701 : memref<1x8x128xf32, #tpu.memory_space<vmem>> -> memref<8x128xf32, #tpu.memory_space<vmem>>
      %dma_start3A_703 = arith.constant 0 : i32
      %dma_start3A_704 = arith.constant 0 : i32
      %dma_start3A_705 = tpu.memref_slice %arg4[%add3A_697, %dma_start3A_703, %dma_start3A_704] : memref<13312x8x128xf32, #tpu.memory_space<hbm>> -> memref<1x8x128xf32, #tpu.memory_space<hbm>>
      %dma_start3A_706 = tpu.memref_squeeze %dma_start3A_705 : memref<1x8x128xf32, #tpu.memory_space<hbm>> -> memref<8x128xf32, #tpu.memory_space<hbm>>
      %dma_start3A_707 = arith.constant 0 : i32
      %dma_start3A_708 = arith.constant 0 : i32
      %dma_start3A_709 = tpu.memref_slice %arg4[%add3A_697, %dma_start3A_707, %dma_start3A_708] : memref<13312x8x128xf32, #tpu.memory_space<hbm>> -> memref<1x8x128xf32, #tpu.memory_space<hbm>>
      %dma_start3A_710 = tpu.memref_squeeze %dma_start3A_709 : memref<1x8x128xf32, #tpu.memory_space<hbm>> -> memref<8x128xf32, #tpu.memory_space<hbm>>
      %dma_start3A_711 = arith.constant 8 : i32
      %dma_start3A_712 = arith.constant 128 : i32
      %dma_start3A_713 = tpu.memref_slice %arg7[%dma_start3A_698, %dma_start3A_711, %dma_start3A_712] : memref<2x32x520xf32, #tpu.memory_space<vmem>> -> memref<1x8x128xf32, #tpu.memory_space<vmem>>
      %dma_start3A_714 = tpu.memref_squeeze %dma_start3A_713 : memref<1x8x128xf32, #tpu.memory_space<vmem>> -> memref<8x128xf32, #tpu.memory_space<vmem>>
      tpu.enqueue_dma source(%dma_start3A_714 : memref<8x128xf32, #tpu.memory_space<vmem>>) target(%dma_start3A_710 : memref<8x128xf32, #tpu.memory_space<hbm>>) target_semaphore(%arg11 : memref<!tpu.dma_semaphore, #tpu.memory_space<semaphore_mem>>)
      %mul3A_715 = arith.constant 512 : i32
      %mul3A_716 = arith.muli %add3A_529, %mul3A_715 : i32
      %add3A_717 = arith.constant 128 : i32
      %add3A_718 = arith.addi %mul3A_716, %add3A_717 : i32
      %mul3A_719 = arith.constant 4 : i32
      %mul3A_720 = arith.muli %add3A, %mul3A_719 : i32
      %add3A_721 = arith.addi %add3A_718, %mul3A_720 : i32
      %add3A_722 = arith.constant 2 : i32
      %add3A_723 = arith.addi %add3A_721, %add3A_722 : i32
      %dma_start3A_724 = arith.constant 1 : i32
      %dma_start3A_725 = arith.constant 8 : i32
      %dma_start3A_726 = arith.constant 256 : i32
      %dma_start3A_727 = tpu.memref_slice %arg7[%dma_start3A_724, %dma_start3A_725, %dma_start3A_726] : memref<2x32x520xf32, #tpu.memory_space<vmem>> -> memref<1x8x128xf32, #tpu.memory_space<vmem>>
      %dma_start3A_728 = tpu.memref_squeeze %dma_start3A_727 : memref<1x8x128xf32, #tpu.memory_space<vmem>> -> memref<8x128xf32, #tpu.memory_space<vmem>>
      %dma_start3A_729 = arith.constant 0 : i32
      %dma_start3A_730 = arith.constant 0 : i32
      %dma_start3A_731 = tpu.memref_slice %arg4[%add3A_723, %dma_start3A_729, %dma_start3A_730] : memref<13312x8x128xf32, #tpu.memory_space<hbm>> -> memref<1x8x128xf32, #tpu.memory_space<hbm>>
      %dma_start3A_732 = tpu.memref_squeeze %dma_start3A_731 : memref<1x8x128xf32, #tpu.memory_space<hbm>> -> memref<8x128xf32, #tpu.memory_space<hbm>>
      %dma_start3A_733 = arith.constant 0 : i32
      %dma_start3A_734 = arith.constant 0 : i32
      %dma_start3A_735 = tpu.memref_slice %arg4[%add3A_723, %dma_start3A_733, %dma_start3A_734] : memref<13312x8x128xf32, #tpu.memory_space<hbm>> -> memref<1x8x128xf32, #tpu.memory_space<hbm>>
      %dma_start3A_736 = tpu.memref_squeeze %dma_start3A_735 : memref<1x8x128xf32, #tpu.memory_space<hbm>> -> memref<8x128xf32, #tpu.memory_space<hbm>>
      %dma_start3A_737 = arith.constant 8 : i32
      %dma_start3A_738 = arith.constant 256 : i32
      %dma_start3A_739 = tpu.memref_slice %arg7[%dma_start3A_724, %dma_start3A_737, %dma_start3A_738] : memref<2x32x520xf32, #tpu.memory_space<vmem>> -> memref<1x8x128xf32, #tpu.memory_space<vmem>>
      %dma_start3A_740 = tpu.memref_squeeze %dma_start3A_739 : memref<1x8x128xf32, #tpu.memory_space<vmem>> -> memref<8x128xf32, #tpu.memory_space<vmem>>
      tpu.enqueue_dma source(%dma_start3A_740 : memref<8x128xf32, #tpu.memory_space<vmem>>) target(%dma_start3A_736 : memref<8x128xf32, #tpu.memory_space<hbm>>) target_semaphore(%arg11 : memref<!tpu.dma_semaphore, #tpu.memory_space<semaphore_mem>>)
      %mul3A_741 = arith.constant 512 : i32
      %mul3A_742 = arith.muli %add3A_529, %mul3A_741 : i32
      %add3A_743 = arith.constant 128 : i32
      %add3A_744 = arith.addi %mul3A_742, %add3A_743 : i32
      %mul3A_745 = arith.constant 4 : i32
      %mul3A_746 = arith.muli %add3A, %mul3A_745 : i32
      %add3A_747 = arith.addi %add3A_744, %mul3A_746 : i32
      %add3A_748 = arith.constant 3 : i32
      %add3A_749 = arith.addi %add3A_747, %add3A_748 : i32
      %dma_start3A_750 = arith.constant 1 : i32
      %dma_start3A_751 = arith.constant 8 : i32
      %dma_start3A_752 = arith.constant 384 : i32
      %dma_start3A_753 = tpu.memref_slice %arg7[%dma_start3A_750, %dma_start3A_751, %dma_start3A_752] : memref<2x32x520xf32, #tpu.memory_space<vmem>> -> memref<1x8x128xf32, #tpu.memory_space<vmem>>
      %dma_start3A_754 = tpu.memref_squeeze %dma_start3A_753 : memref<1x8x128xf32, #tpu.memory_space<vmem>> -> memref<8x128xf32, #tpu.memory_space<vmem>>
      %dma_start3A_755 = arith.constant 0 : i32
      %dma_start3A_756 = arith.constant 0 : i32
      %dma_start3A_757 = tpu.memref_slice %arg4[%add3A_749, %dma_start3A_755, %dma_start3A_756] : memref<13312x8x128xf32, #tpu.memory_space<hbm>> -> memref<1x8x128xf32, #tpu.memory_space<hbm>>
      %dma_start3A_758 = tpu.memref_squeeze %dma_start3A_757 : memref<1x8x128xf32, #tpu.memory_space<hbm>> -> memref<8x128xf32, #tpu.memory_space<hbm>>
      %dma_start3A_759 = arith.constant 0 : i32
      %dma_start3A_760 = arith.constant 0 : i32
      %dma_start3A_761 = tpu.memref_slice %arg4[%add3A_749, %dma_start3A_759, %dma_start3A_760] : memref<13312x8x128xf32, #tpu.memory_space<hbm>> -> memref<1x8x128xf32, #tpu.memory_space<hbm>>
      %dma_start3A_762 = tpu.memref_squeeze %dma_start3A_761 : memref<1x8x128xf32, #tpu.memory_space<hbm>> -> memref<8x128xf32, #tpu.memory_space<hbm>>
      %dma_start3A_763 = arith.constant 8 : i32
      %dma_start3A_764 = arith.constant 384 : i32
      %dma_start3A_765 = tpu.memref_slice %arg7[%dma_start3A_750, %dma_start3A_763, %dma_start3A_764] : memref<2x32x520xf32, #tpu.memory_space<vmem>> -> memref<1x8x128xf32, #tpu.memory_space<vmem>>
      %dma_start3A_766 = tpu.memref_squeeze %dma_start3A_765 : memref<1x8x128xf32, #tpu.memory_space<vmem>> -> memref<8x128xf32, #tpu.memory_space<vmem>>
      tpu.enqueue_dma source(%dma_start3A_766 : memref<8x128xf32, #tpu.memory_space<vmem>>) target(%dma_start3A_762 : memref<8x128xf32, #tpu.memory_space<hbm>>) target_semaphore(%arg11 : memref<!tpu.dma_semaphore, #tpu.memory_space<semaphore_mem>>)
      %mul3A_767 = arith.constant 512 : i32
      %mul3A_768 = arith.muli %add3A_529, %mul3A_767 : i32
      %add3A_769 = arith.constant 256 : i32
      %add3A_770 = arith.addi %mul3A_768, %add3A_769 : i32
      %mul3A_771 = arith.constant 4 : i32
      %mul3A_772 = arith.muli %add3A, %mul3A_771 : i32
      %add3A_773 = arith.addi %add3A_770, %mul3A_772 : i32
      %add3A_774 = arith.constant 0 : i32
      %add3A_775 = arith.addi %add3A_773, %add3A_774 : i32
      %dma_start3A_776 = arith.constant 1 : i32
      %dma_start3A_777 = arith.constant 16 : i32
      %dma_start3A_778 = arith.constant 0 : i32
      %dma_start3A_779 = tpu.memref_slice %arg7[%dma_start3A_776, %dma_start3A_777, %dma_start3A_778] : memref<2x32x520xf32, #tpu.memory_space<vmem>> -> memref<1x8x128xf32, #tpu.memory_space<vmem>>
      %dma_start3A_780 = tpu.memref_squeeze %dma_start3A_779 : memref<1x8x128xf32, #tpu.memory_space<vmem>> -> memref<8x128xf32, #tpu.memory_space<vmem>>
      %dma_start3A_781 = arith.constant 0 : i32
      %dma_start3A_782 = arith.constant 0 : i32
      %dma_start3A_783 = tpu.memref_slice %arg4[%add3A_775, %dma_start3A_781, %dma_start3A_782] : memref<13312x8x128xf32, #tpu.memory_space<hbm>> -> memref<1x8x128xf32, #tpu.memory_space<hbm>>
      %dma_start3A_784 = tpu.memref_squeeze %dma_start3A_783 : memref<1x8x128xf32, #tpu.memory_space<hbm>> -> memref<8x128xf32, #tpu.memory_space<hbm>>
      %dma_start3A_785 = arith.constant 0 : i32
      %dma_start3A_786 = arith.constant 0 : i32
      %dma_start3A_787 = tpu.memref_slice %arg4[%add3A_775, %dma_start3A_785, %dma_start3A_786] : memref<13312x8x128xf32, #tpu.memory_space<hbm>> -> memref<1x8x128xf32, #tpu.memory_space<hbm>>
      %dma_start3A_788 = tpu.memref_squeeze %dma_start3A_787 : memref<1x8x128xf32, #tpu.memory_space<hbm>> -> memref<8x128xf32, #tpu.memory_space<hbm>>
      %dma_start3A_789 = arith.constant 16 : i32
      %dma_start3A_790 = arith.constant 0 : i32
      %dma_start3A_791 = tpu.memref_slice %arg7[%dma_start3A_776, %dma_start3A_789, %dma_start3A_790] : memref<2x32x520xf32, #tpu.memory_space<vmem>> -> memref<1x8x128xf32, #tpu.memory_space<vmem>>
      %dma_start3A_792 = tpu.memref_squeeze %dma_start3A_791 : memref<1x8x128xf32, #tpu.memory_space<vmem>> -> memref<8x128xf32, #tpu.memory_space<vmem>>
      tpu.enqueue_dma source(%dma_start3A_792 : memref<8x128xf32, #tpu.memory_space<vmem>>) target(%dma_start3A_788 : memref<8x128xf32, #tpu.memory_space<hbm>>) target_semaphore(%arg11 : memref<!tpu.dma_semaphore, #tpu.memory_space<semaphore_mem>>)
      %mul3A_793 = arith.constant 512 : i32
      %mul3A_794 = arith.muli %add3A_529, %mul3A_793 : i32
      %add3A_795 = arith.constant 256 : i32
      %add3A_796 = arith.addi %mul3A_794, %add3A_795 : i32
      %mul3A_797 = arith.constant 4 : i32
      %mul3A_798 = arith.muli %add3A, %mul3A_797 : i32
      %add3A_799 = arith.addi %add3A_796, %mul3A_798 : i32
      %add3A_800 = arith.constant 1 : i32
      %add3A_801 = arith.addi %add3A_799, %add3A_800 : i32
      %dma_start3A_802 = arith.constant 1 : i32
      %dma_start3A_803 = arith.constant 16 : i32
      %dma_start3A_804 = arith.constant 128 : i32
      %dma_start3A_805 = tpu.memref_slice %arg7[%dma_start3A_802, %dma_start3A_803, %dma_start3A_804] : memref<2x32x520xf32, #tpu.memory_space<vmem>> -> memref<1x8x128xf32, #tpu.memory_space<vmem>>
      %dma_start3A_806 = tpu.memref_squeeze %dma_start3A_805 : memref<1x8x128xf32, #tpu.memory_space<vmem>> -> memref<8x128xf32, #tpu.memory_space<vmem>>
      %dma_start3A_807 = arith.constant 0 : i32
      %dma_start3A_808 = arith.constant 0 : i32
      %dma_start3A_809 = tpu.memref_slice %arg4[%add3A_801, %dma_start3A_807, %dma_start3A_808] : memref<13312x8x128xf32, #tpu.memory_space<hbm>> -> memref<1x8x128xf32, #tpu.memory_space<hbm>>
      %dma_start3A_810 = tpu.memref_squeeze %dma_start3A_809 : memref<1x8x128xf32, #tpu.memory_space<hbm>> -> memref<8x128xf32, #tpu.memory_space<hbm>>
      %dma_start3A_811 = arith.constant 0 : i32
      %dma_start3A_812 = arith.constant 0 : i32
      %dma_start3A_813 = tpu.memref_slice %arg4[%add3A_801, %dma_start3A_811, %dma_start3A_812] : memref<13312x8x128xf32, #tpu.memory_space<hbm>> -> memref<1x8x128xf32, #tpu.memory_space<hbm>>
      %dma_start3A_814 = tpu.memref_squeeze %dma_start3A_813 : memref<1x8x128xf32, #tpu.memory_space<hbm>> -> memref<8x128xf32, #tpu.memory_space<hbm>>
      %dma_start3A_815 = arith.constant 16 : i32
      %dma_start3A_816 = arith.constant 128 : i32
      %dma_start3A_817 = tpu.memref_slice %arg7[%dma_start3A_802, %dma_start3A_815, %dma_start3A_816] : memref<2x32x520xf32, #tpu.memory_space<vmem>> -> memref<1x8x128xf32, #tpu.memory_space<vmem>>
      %dma_start3A_818 = tpu.memref_squeeze %dma_start3A_817 : memref<1x8x128xf32, #tpu.memory_space<vmem>> -> memref<8x128xf32, #tpu.memory_space<vmem>>
      tpu.enqueue_dma source(%dma_start3A_818 : memref<8x128xf32, #tpu.memory_space<vmem>>) target(%dma_start3A_814 : memref<8x128xf32, #tpu.memory_space<hbm>>) target_semaphore(%arg11 : memref<!tpu.dma_semaphore, #tpu.memory_space<semaphore_mem>>)
      %mul3A_819 = arith.constant 512 : i32
      %mul3A_820 = arith.muli %add3A_529, %mul3A_819 : i32
      %add3A_821 = arith.constant 256 : i32
      %add3A_822 = arith.addi %mul3A_820, %add3A_821 : i32
      %mul3A_823 = arith.constant 4 : i32
      %mul3A_824 = arith.muli %add3A, %mul3A_823 : i32
      %add3A_825 = arith.addi %add3A_822, %mul3A_824 : i32
      %add3A_826 = arith.constant 2 : i32
      %add3A_827 = arith.addi %add3A_825, %add3A_826 : i32
      %dma_start3A_828 = arith.constant 1 : i32
      %dma_start3A_829 = arith.constant 16 : i32
      %dma_start3A_830 = arith.constant 256 : i32
      %dma_start3A_831 = tpu.memref_slice %arg7[%dma_start3A_828, %dma_start3A_829, %dma_start3A_830] : memref<2x32x520xf32, #tpu.memory_space<vmem>> -> memref<1x8x128xf32, #tpu.memory_space<vmem>>
      %dma_start3A_832 = tpu.memref_squeeze %dma_start3A_831 : memref<1x8x128xf32, #tpu.memory_space<vmem>> -> memref<8x128xf32, #tpu.memory_space<vmem>>
      %dma_start3A_833 = arith.constant 0 : i32
      %dma_start3A_834 = arith.constant 0 : i32
      %dma_start3A_835 = tpu.memref_slice %arg4[%add3A_827, %dma_start3A_833, %dma_start3A_834] : memref<13312x8x128xf32, #tpu.memory_space<hbm>> -> memref<1x8x128xf32, #tpu.memory_space<hbm>>
      %dma_start3A_836 = tpu.memref_squeeze %dma_start3A_835 : memref<1x8x128xf32, #tpu.memory_space<hbm>> -> memref<8x128xf32, #tpu.memory_space<hbm>>
      %dma_start3A_837 = arith.constant 0 : i32
      %dma_start3A_838 = arith.constant 0 : i32
      %dma_start3A_839 = tpu.memref_slice %arg4[%add3A_827, %dma_start3A_837, %dma_start3A_838] : memref<13312x8x128xf32, #tpu.memory_space<hbm>> -> memref<1x8x128xf32, #tpu.memory_space<hbm>>
      %dma_start3A_840 = tpu.memref_squeeze %dma_start3A_839 : memref<1x8x128xf32, #tpu.memory_space<hbm>> -> memref<8x128xf32, #tpu.memory_space<hbm>>
      %dma_start3A_841 = arith.constant 16 : i32
      %dma_start3A_842 = arith.constant 256 : i32
      %dma_start3A_843 = tpu.memref_slice %arg7[%dma_start3A_828, %dma_start3A_841, %dma_start3A_842] : memref<2x32x520xf32, #tpu.memory_space<vmem>> -> memref<1x8x128xf32, #tpu.memory_space<vmem>>
      %dma_start3A_844 = tpu.memref_squeeze %dma_start3A_843 : memref<1x8x128xf32, #tpu.memory_space<vmem>> -> memref<8x128xf32, #tpu.memory_space<vmem>>
      tpu.enqueue_dma source(%dma_start3A_844 : memref<8x128xf32, #tpu.memory_space<vmem>>) target(%dma_start3A_840 : memref<8x128xf32, #tpu.memory_space<hbm>>) target_semaphore(%arg11 : memref<!tpu.dma_semaphore, #tpu.memory_space<semaphore_mem>>)
      %mul3A_845 = arith.constant 512 : i32
      %mul3A_846 = arith.muli %add3A_529, %mul3A_845 : i32
      %add3A_847 = arith.constant 256 : i32
      %add3A_848 = arith.addi %mul3A_846, %add3A_847 : i32
      %mul3A_849 = arith.constant 4 : i32
      %mul3A_850 = arith.muli %add3A, %mul3A_849 : i32
      %add3A_851 = arith.addi %add3A_848, %mul3A_850 : i32
      %add3A_852 = arith.constant 3 : i32
      %add3A_853 = arith.addi %add3A_851, %add3A_852 : i32
      %dma_start3A_854 = arith.constant 1 : i32
      %dma_start3A_855 = arith.constant 16 : i32
      %dma_start3A_856 = arith.constant 384 : i32
      %dma_start3A_857 = tpu.memref_slice %arg7[%dma_start3A_854, %dma_start3A_855, %dma_start3A_856] : memref<2x32x520xf32, #tpu.memory_space<vmem>> -> memref<1x8x128xf32, #tpu.memory_space<vmem>>
      %dma_start3A_858 = tpu.memref_squeeze %dma_start3A_857 : memref<1x8x128xf32, #tpu.memory_space<vmem>> -> memref<8x128xf32, #tpu.memory_space<vmem>>
      %dma_start3A_859 = arith.constant 0 : i32
      %dma_start3A_860 = arith.constant 0 : i32
      %dma_start3A_861 = tpu.memref_slice %arg4[%add3A_853, %dma_start3A_859, %dma_start3A_860] : memref<13312x8x128xf32, #tpu.memory_space<hbm>> -> memref<1x8x128xf32, #tpu.memory_space<hbm>>
      %dma_start3A_862 = tpu.memref_squeeze %dma_start3A_861 : memref<1x8x128xf32, #tpu.memory_space<hbm>> -> memref<8x128xf32, #tpu.memory_space<hbm>>
      %dma_start3A_863 = arith.constant 0 : i32
      %dma_start3A_864 = arith.constant 0 : i32
      %dma_start3A_865 = tpu.memref_slice %arg4[%add3A_853, %dma_start3A_863, %dma_start3A_864] : memref<13312x8x128xf32, #tpu.memory_space<hbm>> -> memref<1x8x128xf32, #tpu.memory_space<hbm>>
      %dma_start3A_866 = tpu.memref_squeeze %dma_start3A_865 : memref<1x8x128xf32, #tpu.memory_space<hbm>> -> memref<8x128xf32, #tpu.memory_space<hbm>>
      %dma_start3A_867 = arith.constant 16 : i32
      %dma_start3A_868 = arith.constant 384 : i32
      %dma_start3A_869 = tpu.memref_slice %arg7[%dma_start3A_854, %dma_start3A_867, %dma_start3A_868] : memref<2x32x520xf32, #tpu.memory_space<vmem>> -> memref<1x8x128xf32, #tpu.memory_space<vmem>>
      %dma_start3A_870 = tpu.memref_squeeze %dma_start3A_869 : memref<1x8x128xf32, #tpu.memory_space<vmem>> -> memref<8x128xf32, #tpu.memory_space<vmem>>
      tpu.enqueue_dma source(%dma_start3A_870 : memref<8x128xf32, #tpu.memory_space<vmem>>) target(%dma_start3A_866 : memref<8x128xf32, #tpu.memory_space<hbm>>) target_semaphore(%arg11 : memref<!tpu.dma_semaphore, #tpu.memory_space<semaphore_mem>>)
      %mul3A_871 = arith.constant 512 : i32
      %mul3A_872 = arith.muli %add3A_529, %mul3A_871 : i32
      %add3A_873 = arith.constant 384 : i32
      %add3A_874 = arith.addi %mul3A_872, %add3A_873 : i32
      %mul3A_875 = arith.constant 4 : i32
      %mul3A_876 = arith.muli %add3A, %mul3A_875 : i32
      %add3A_877 = arith.addi %add3A_874, %mul3A_876 : i32
      %add3A_878 = arith.constant 0 : i32
      %add3A_879 = arith.addi %add3A_877, %add3A_878 : i32
      %dma_start3A_880 = arith.constant 1 : i32
      %dma_start3A_881 = arith.constant 24 : i32
      %dma_start3A_882 = arith.constant 0 : i32
      %dma_start3A_883 = tpu.memref_slice %arg7[%dma_start3A_880, %dma_start3A_881, %dma_start3A_882] : memref<2x32x520xf32, #tpu.memory_space<vmem>> -> memref<1x8x128xf32, #tpu.memory_space<vmem>>
      %dma_start3A_884 = tpu.memref_squeeze %dma_start3A_883 : memref<1x8x128xf32, #tpu.memory_space<vmem>> -> memref<8x128xf32, #tpu.memory_space<vmem>>
      %dma_start3A_885 = arith.constant 0 : i32
      %dma_start3A_886 = arith.constant 0 : i32
      %dma_start3A_887 = tpu.memref_slice %arg4[%add3A_879, %dma_start3A_885, %dma_start3A_886] : memref<13312x8x128xf32, #tpu.memory_space<hbm>> -> memref<1x8x128xf32, #tpu.memory_space<hbm>>
      %dma_start3A_888 = tpu.memref_squeeze %dma_start3A_887 : memref<1x8x128xf32, #tpu.memory_space<hbm>> -> memref<8x128xf32, #tpu.memory_space<hbm>>
      %dma_start3A_889 = arith.constant 0 : i32
      %dma_start3A_890 = arith.constant 0 : i32
      %dma_start3A_891 = tpu.memref_slice %arg4[%add3A_879, %dma_start3A_889, %dma_start3A_890] : memref<13312x8x128xf32, #tpu.memory_space<hbm>> -> memref<1x8x128xf32, #tpu.memory_space<hbm>>
      %dma_start3A_892 = tpu.memref_squeeze %dma_start3A_891 : memref<1x8x128xf32, #tpu.memory_space<hbm>> -> memref<8x128xf32, #tpu.memory_space<hbm>>
      %dma_start3A_893 = arith.constant 24 : i32
      %dma_start3A_894 = arith.constant 0 : i32
      %dma_start3A_895 = tpu.memref_slice %arg7[%dma_start3A_880, %dma_start3A_893, %dma_start3A_894] : memref<2x32x520xf32, #tpu.memory_space<vmem>> -> memref<1x8x128xf32, #tpu.memory_space<vmem>>
      %dma_start3A_896 = tpu.memref_squeeze %dma_start3A_895 : memref<1x8x128xf32, #tpu.memory_space<vmem>> -> memref<8x128xf32, #tpu.memory_space<vmem>>
      tpu.enqueue_dma source(%dma_start3A_896 : memref<8x128xf32, #tpu.memory_space<vmem>>) target(%dma_start3A_892 : memref<8x128xf32, #tpu.memory_space<hbm>>) target_semaphore(%arg11 : memref<!tpu.dma_semaphore, #tpu.memory_space<semaphore_mem>>)
      %mul3A_897 = arith.constant 512 : i32
      %mul3A_898 = arith.muli %add3A_529, %mul3A_897 : i32
      %add3A_899 = arith.constant 384 : i32
      %add3A_900 = arith.addi %mul3A_898, %add3A_899 : i32
      %mul3A_901 = arith.constant 4 : i32
      %mul3A_902 = arith.muli %add3A, %mul3A_901 : i32
      %add3A_903 = arith.addi %add3A_900, %mul3A_902 : i32
      %add3A_904 = arith.constant 1 : i32
      %add3A_905 = arith.addi %add3A_903, %add3A_904 : i32
      %dma_start3A_906 = arith.constant 1 : i32
      %dma_start3A_907 = arith.constant 24 : i32
      %dma_start3A_908 = arith.constant 128 : i32
      %dma_start3A_909 = tpu.memref_slice %arg7[%dma_start3A_906, %dma_start3A_907, %dma_start3A_908] : memref<2x32x520xf32, #tpu.memory_space<vmem>> -> memref<1x8x128xf32, #tpu.memory_space<vmem>>
      %dma_start3A_910 = tpu.memref_squeeze %dma_start3A_909 : memref<1x8x128xf32, #tpu.memory_space<vmem>> -> memref<8x128xf32, #tpu.memory_space<vmem>>
      %dma_start3A_911 = arith.constant 0 : i32
      %dma_start3A_912 = arith.constant 0 : i32
      %dma_start3A_913 = tpu.memref_slice %arg4[%add3A_905, %dma_start3A_911, %dma_start3A_912] : memref<13312x8x128xf32, #tpu.memory_space<hbm>> -> memref<1x8x128xf32, #tpu.memory_space<hbm>>
      %dma_start3A_914 = tpu.memref_squeeze %dma_start3A_913 : memref<1x8x128xf32, #tpu.memory_space<hbm>> -> memref<8x128xf32, #tpu.memory_space<hbm>>
      %dma_start3A_915 = arith.constant 0 : i32
      %dma_start3A_916 = arith.constant 0 : i32
      %dma_start3A_917 = tpu.memref_slice %arg4[%add3A_905, %dma_start3A_915, %dma_start3A_916] : memref<13312x8x128xf32, #tpu.memory_space<hbm>> -> memref<1x8x128xf32, #tpu.memory_space<hbm>>
      %dma_start3A_918 = tpu.memref_squeeze %dma_start3A_917 : memref<1x8x128xf32, #tpu.memory_space<hbm>> -> memref<8x128xf32, #tpu.memory_space<hbm>>
      %dma_start3A_919 = arith.constant 24 : i32
      %dma_start3A_920 = arith.constant 128 : i32
      %dma_start3A_921 = tpu.memref_slice %arg7[%dma_start3A_906, %dma_start3A_919, %dma_start3A_920] : memref<2x32x520xf32, #tpu.memory_space<vmem>> -> memref<1x8x128xf32, #tpu.memory_space<vmem>>
      %dma_start3A_922 = tpu.memref_squeeze %dma_start3A_921 : memref<1x8x128xf32, #tpu.memory_space<vmem>> -> memref<8x128xf32, #tpu.memory_space<vmem>>
      tpu.enqueue_dma source(%dma_start3A_922 : memref<8x128xf32, #tpu.memory_space<vmem>>) target(%dma_start3A_918 : memref<8x128xf32, #tpu.memory_space<hbm>>) target_semaphore(%arg11 : memref<!tpu.dma_semaphore, #tpu.memory_space<semaphore_mem>>)
      %mul3A_923 = arith.constant 512 : i32
      %mul3A_924 = arith.muli %add3A_529, %mul3A_923 : i32
      %add3A_925 = arith.constant 384 : i32
      %add3A_926 = arith.addi %mul3A_924, %add3A_925 : i32
      %mul3A_927 = arith.constant 4 : i32
      %mul3A_928 = arith.muli %add3A, %mul3A_927 : i32
      %add3A_929 = arith.addi %add3A_926, %mul3A_928 : i32
      %add3A_930 = arith.constant 2 : i32
      %add3A_931 = arith.addi %add3A_929, %add3A_930 : i32
      %dma_start3A_932 = arith.constant 1 : i32
      %dma_start3A_933 = arith.constant 24 : i32
      %dma_start3A_934 = arith.constant 256 : i32
      %dma_start3A_935 = tpu.memref_slice %arg7[%dma_start3A_932, %dma_start3A_933, %dma_start3A_934] : memref<2x32x520xf32, #tpu.memory_space<vmem>> -> memref<1x8x128xf32, #tpu.memory_space<vmem>>
      %dma_start3A_936 = tpu.memref_squeeze %dma_start3A_935 : memref<1x8x128xf32, #tpu.memory_space<vmem>> -> memref<8x128xf32, #tpu.memory_space<vmem>>
      %dma_start3A_937 = arith.constant 0 : i32
      %dma_start3A_938 = arith.constant 0 : i32
      %dma_start3A_939 = tpu.memref_slice %arg4[%add3A_931, %dma_start3A_937, %dma_start3A_938] : memref<13312x8x128xf32, #tpu.memory_space<hbm>> -> memref<1x8x128xf32, #tpu.memory_space<hbm>>
      %dma_start3A_940 = tpu.memref_squeeze %dma_start3A_939 : memref<1x8x128xf32, #tpu.memory_space<hbm>> -> memref<8x128xf32, #tpu.memory_space<hbm>>
      %dma_start3A_941 = arith.constant 0 : i32
      %dma_start3A_942 = arith.constant 0 : i32
      %dma_start3A_943 = tpu.memref_slice %arg4[%add3A_931, %dma_start3A_941, %dma_start3A_942] : memref<13312x8x128xf32, #tpu.memory_space<hbm>> -> memref<1x8x128xf32, #tpu.memory_space<hbm>>
      %dma_start3A_944 = tpu.memref_squeeze %dma_start3A_943 : memref<1x8x128xf32, #tpu.memory_space<hbm>> -> memref<8x128xf32, #tpu.memory_space<hbm>>
      %dma_start3A_945 = arith.constant 24 : i32
      %dma_start3A_946 = arith.constant 256 : i32
      %dma_start3A_947 = tpu.memref_slice %arg7[%dma_start3A_932, %dma_start3A_945, %dma_start3A_946] : memref<2x32x520xf32, #tpu.memory_space<vmem>> -> memref<1x8x128xf32, #tpu.memory_space<vmem>>
      %dma_start3A_948 = tpu.memref_squeeze %dma_start3A_947 : memref<1x8x128xf32, #tpu.memory_space<vmem>> -> memref<8x128xf32, #tpu.memory_space<vmem>>
      tpu.enqueue_dma source(%dma_start3A_948 : memref<8x128xf32, #tpu.memory_space<vmem>>) target(%dma_start3A_944 : memref<8x128xf32, #tpu.memory_space<hbm>>) target_semaphore(%arg11 : memref<!tpu.dma_semaphore, #tpu.memory_space<semaphore_mem>>)
      %mul3A_949 = arith.constant 512 : i32
      %mul3A_950 = arith.muli %add3A_529, %mul3A_949 : i32
      %add3A_951 = arith.constant 384 : i32
      %add3A_952 = arith.addi %mul3A_950, %add3A_951 : i32
      %mul3A_953 = arith.constant 4 : i32
      %mul3A_954 = arith.muli %add3A, %mul3A_953 : i32
      %add3A_955 = arith.addi %add3A_952, %mul3A_954 : i32
      %add3A_956 = arith.constant 3 : i32
      %add3A_957 = arith.addi %add3A_955, %add3A_956 : i32
      %dma_start3A_958 = arith.constant 1 : i32
      %dma_start3A_959 = arith.constant 24 : i32
      %dma_start3A_960 = arith.constant 384 : i32
      %dma_start3A_961 = tpu.memref_slice %arg7[%dma_start3A_958, %dma_start3A_959, %dma_start3A_960] : memref<2x32x520xf32, #tpu.memory_space<vmem>> -> memref<1x8x128xf32, #tpu.memory_space<vmem>>
      %dma_start3A_962 = tpu.memref_squeeze %dma_start3A_961 : memref<1x8x128xf32, #tpu.memory_space<vmem>> -> memref<8x128xf32, #tpu.memory_space<vmem>>
      %dma_start3A_963 = arith.constant 0 : i32
      %dma_start3A_964 = arith.constant 0 : i32
      %dma_start3A_965 = tpu.memref_slice %arg4[%add3A_957, %dma_start3A_963, %dma_start3A_964] : memref<13312x8x128xf32, #tpu.memory_space<hbm>> -> memref<1x8x128xf32, #tpu.memory_space<hbm>>
      %dma_start3A_966 = tpu.memref_squeeze %dma_start3A_965 : memref<1x8x128xf32, #tpu.memory_space<hbm>> -> memref<8x128xf32, #tpu.memory_space<hbm>>
      %dma_start3A_967 = arith.constant 0 : i32
      %dma_start3A_968 = arith.constant 0 : i32
      %dma_start3A_969 = tpu.memref_slice %arg4[%add3A_957, %dma_start3A_967, %dma_start3A_968] : memref<13312x8x128xf32, #tpu.memory_space<hbm>> -> memref<1x8x128xf32, #tpu.memory_space<hbm>>
      %dma_start3A_970 = tpu.memref_squeeze %dma_start3A_969 : memref<1x8x128xf32, #tpu.memory_space<hbm>> -> memref<8x128xf32, #tpu.memory_space<hbm>>
      %dma_start3A_971 = arith.constant 24 : i32
      %dma_start3A_972 = arith.constant 384 : i32
      %dma_start3A_973 = tpu.memref_slice %arg7[%dma_start3A_958, %dma_start3A_971, %dma_start3A_972] : memref<2x32x520xf32, #tpu.memory_space<vmem>> -> memref<1x8x128xf32, #tpu.memory_space<vmem>>
      %dma_start3A_974 = tpu.memref_squeeze %dma_start3A_973 : memref<1x8x128xf32, #tpu.memory_space<vmem>> -> memref<8x128xf32, #tpu.memory_space<vmem>>
      tpu.enqueue_dma source(%dma_start3A_974 : memref<8x128xf32, #tpu.memory_space<vmem>>) target(%dma_start3A_970 : memref<8x128xf32, #tpu.memory_space<hbm>>) target_semaphore(%arg11 : memref<!tpu.dma_semaphore, #tpu.memory_space<semaphore_mem>>)
    }
    %scan3A_54 = arith.constant 13 : i32
    %dma_wait3A = arith.constant 0 : i32
    %dma_wait3A_55 = arith.constant 0 : i32
    %dma_wait3A_56 = arith.constant 0 : i32
    %dma_wait3A_57 = tpu.memref_slice %arg6[%dma_wait3A, %dma_wait3A_55, %dma_wait3A_56] : memref<2x512x32xf32, #tpu.memory_space<vmem>> -> memref<1x512x32xf32, #tpu.memory_space<vmem>>
    %dma_wait3A_58 = tpu.memref_squeeze %dma_wait3A_57 : memref<1x512x32xf32, #tpu.memory_space<vmem>> -> memref<512x32xf32, #tpu.memory_space<vmem>>
    %dma_wait3A_59 = arith.constant 0 : i32
    %dma_wait3A_60 = arith.constant 0 : i32
    %dma_wait3A_61 = tpu.memref_slice %arg3[%dma_wait3A_59, %dma_wait3A_60] : memref<1000192x32xf32, #tpu.memory_space<hbm>> -> memref<512x32xf32, #tpu.memory_space<hbm>>
    %dma_wait3A_62 = arith.constant 0 : i32
    %dma_wait3A_63 = arith.constant 0 : i32
    %dma_wait3A_64 = tpu.memref_slice %arg6[%dma_wait3A, %dma_wait3A_62, %dma_wait3A_63] : memref<2x512x32xf32, #tpu.memory_space<vmem>> -> memref<1x512x32xf32, #tpu.memory_space<vmem>>
    %dma_wait3A_65 = tpu.memref_squeeze %dma_wait3A_64 : memref<1x512x32xf32, #tpu.memory_space<vmem>> -> memref<512x32xf32, #tpu.memory_space<vmem>>
    %dma_wait3A_66 = arith.constant 0 : i32
    %dma_wait3A_67 = arith.constant 0 : i32
    %dma_wait3A_68 = tpu.memref_slice %arg3[%dma_wait3A_66, %dma_wait3A_67] : memref<1000192x32xf32, #tpu.memory_space<hbm>> -> memref<512x32xf32, #tpu.memory_space<hbm>>
    tpu.wait_dma2 semaphore(%arg10 : memref<!tpu.dma_semaphore, #tpu.memory_space<semaphore_mem>>) src(%dma_wait3A_68 : memref<512x32xf32, #tpu.memory_space<hbm>>) dst(%dma_wait3A_65 : memref<512x32xf32, #tpu.memory_space<vmem>>)
    %dma_wait3A_69 = arith.constant 1 : i32
    %dma_wait3A_70 = arith.constant 0 : i32
    %dma_wait3A_71 = arith.constant 0 : i32
    %dma_wait3A_72 = tpu.memref_slice %arg6[%dma_wait3A_69, %dma_wait3A_70, %dma_wait3A_71] : memref<2x512x32xf32, #tpu.memory_space<vmem>> -> memref<1x512x32xf32, #tpu.memory_space<vmem>>
    %dma_wait3A_73 = tpu.memref_squeeze %dma_wait3A_72 : memref<1x512x32xf32, #tpu.memory_space<vmem>> -> memref<512x32xf32, #tpu.memory_space<vmem>>
    %dma_wait3A_74 = arith.constant 0 : i32
    %dma_wait3A_75 = arith.constant 0 : i32
    %dma_wait3A_76 = tpu.memref_slice %arg3[%dma_wait3A_74, %dma_wait3A_75] : memref<1000192x32xf32, #tpu.memory_space<hbm>> -> memref<512x32xf32, #tpu.memory_space<hbm>>
    %dma_wait3A_77 = arith.constant 0 : i32
    %dma_wait3A_78 = arith.constant 0 : i32
    %dma_wait3A_79 = tpu.memref_slice %arg6[%dma_wait3A_69, %dma_wait3A_77, %dma_wait3A_78] : memref<2x512x32xf32, #tpu.memory_space<vmem>> -> memref<1x512x32xf32, #tpu.memory_space<vmem>>
    %dma_wait3A_80 = tpu.memref_squeeze %dma_wait3A_79 : memref<1x512x32xf32, #tpu.memory_space<vmem>> -> memref<512x32xf32, #tpu.memory_space<vmem>>
    %dma_wait3A_81 = arith.constant 0 : i32
    %dma_wait3A_82 = arith.constant 0 : i32
    %dma_wait3A_83 = tpu.memref_slice %arg3[%dma_wait3A_81, %dma_wait3A_82] : memref<1000192x32xf32, #tpu.memory_space<hbm>> -> memref<512x32xf32, #tpu.memory_space<hbm>>
    tpu.wait_dma2 semaphore(%arg11 : memref<!tpu.dma_semaphore, #tpu.memory_space<semaphore_mem>>) src(%dma_wait3A_83 : memref<512x32xf32, #tpu.memory_space<hbm>>) dst(%dma_wait3A_80 : memref<512x32xf32, #tpu.memory_space<vmem>>)
    return
  }
}

module attributes {stable_mosaic.version = 14 : i64} {
  func.func @_tt_body(%arg0: i32, %arg1: memref<32x32768xf32, #tpu.memory_space<vmem>>, %arg2: memref<8192x128xf32, #tpu.memory_space<vmem>>) attributes {dimension_semantics = [#tpu.dimension_semantics<arbitrary>], iteration_bounds = array<i64: 31>, scalar_prefetch = 0 : i64, scratch_operands = 0 : i64, tpu.core_type = #tpu.core_type<tc>, window_params = [{transform_indices = @transform_0, window_bounds = array<i64: 32, 32768>}, {transform_indices = @transform_1, window_bounds = array<i64: 8192, 128>}]} {
    %get3A = arith.constant 0 : index
    %get3A_0 = arith.constant 0 : index
    %get3A_1 = vector.load %arg1[%get3A, %get3A_0] : memref<32x32768xf32, #tpu.memory_space<vmem>>, vector<32x32768xf32>
    %slice3A = vector.extract_strided_slice %get3A_1 {offsets = [0, 0], sizes = [32, 512], strides = [1, 1]} : vector<32x32768xf32> to vector<32x512xf32>
    %slice3A_2 = vector.extract_strided_slice %slice3A {offsets = [0, 0], sizes = [32, 128], strides = [1, 1]} : vector<32x512xf32> to vector<32x128xf32>
    %slice3A_3 = vector.extract_strided_slice %slice3A {offsets = [0, 128], sizes = [32, 128], strides = [1, 1]} : vector<32x512xf32> to vector<32x128xf32>
    %slice3A_4 = vector.extract_strided_slice %slice3A {offsets = [0, 256], sizes = [32, 128], strides = [1, 1]} : vector<32x512xf32> to vector<32x128xf32>
    %slice3A_5 = vector.extract_strided_slice %slice3A {offsets = [0, 384], sizes = [32, 128], strides = [1, 1]} : vector<32x512xf32> to vector<32x128xf32>
    %concatenate3A = tpu.concatenate %slice3A_2, %slice3A_3, %slice3A_4, %slice3A_5 in 0 : vector<32x128xf32>, vector<32x128xf32>, vector<32x128xf32>, vector<32x128xf32> -> vector<128x128xf32>
    %transpose3A = tpu.transpose %concatenate3A, [1, 0] : vector<128x128xf32> -> vector<128x128xf32>
    %swap3A = arith.constant 0 : index
    %swap3A_6 = arith.constant 0 : index
    %swap3A_7 = vector.load %arg2[%swap3A, %swap3A_6] : memref<8192x128xf32, #tpu.memory_space<vmem>>, vector<128x128xf32>
    tpu.vector_store %arg2[%swap3A, %swap3A_6], %transpose3A {strides = array<i32>} : memref<8192x128xf32, #tpu.memory_space<vmem>>, vector<128x128xf32>,
    %slice3A_8 = vector.extract_strided_slice %get3A_1 {offsets = [0, 512], sizes = [32, 512], strides = [1, 1]} : vector<32x32768xf32> to vector<32x512xf32>
    %slice3A_9 = vector.extract_strided_slice %slice3A_8 {offsets = [0, 0], sizes = [32, 128], strides = [1, 1]} : vector<32x512xf32> to vector<32x128xf32>
    %slice3A_10 = vector.extract_strided_slice %slice3A_8 {offsets = [0, 128], sizes = [32, 128], strides = [1, 1]} : vector<32x512xf32> to vector<32x128xf32>
    %slice3A_11 = vector.extract_strided_slice %slice3A_8 {offsets = [0, 256], sizes = [32, 128], strides = [1, 1]} : vector<32x512xf32> to vector<32x128xf32>
    %slice3A_12 = vector.extract_strided_slice %slice3A_8 {offsets = [0, 384], sizes = [32, 128], strides = [1, 1]} : vector<32x512xf32> to vector<32x128xf32>
    %concatenate3A_13 = tpu.concatenate %slice3A_9, %slice3A_10, %slice3A_11, %slice3A_12 in 0 : vector<32x128xf32>, vector<32x128xf32>, vector<32x128xf32>, vector<32x128xf32> -> vector<128x128xf32>
    %transpose3A_14 = tpu.transpose %concatenate3A_13, [1, 0] : vector<128x128xf32> -> vector<128x128xf32>
    %swap3A_15 = arith.constant 128 : index
    %swap3A_16 = arith.constant 0 : index
    %swap3A_17 = vector.load %arg2[%swap3A_15, %swap3A_16] : memref<8192x128xf32, #tpu.memory_space<vmem>>, vector<128x128xf32>
    tpu.vector_store %arg2[%swap3A_15, %swap3A_16], %transpose3A_14 {strides = array<i32>} : memref<8192x128xf32, #tpu.memory_space<vmem>>, vector<128x128xf32>,
    %slice3A_18 = vector.extract_strided_slice %get3A_1 {offsets = [0, 1024], sizes = [32, 512], strides = [1, 1]} : vector<32x32768xf32> to vector<32x512xf32>
    %slice3A_19 = vector.extract_strided_slice %slice3A_18 {offsets = [0, 0], sizes = [32, 128], strides = [1, 1]} : vector<32x512xf32> to vector<32x128xf32>
    %slice3A_20 = vector.extract_strided_slice %slice3A_18 {offsets = [0, 128], sizes = [32, 128], strides = [1, 1]} : vector<32x512xf32> to vector<32x128xf32>
    %slice3A_21 = vector.extract_strided_slice %slice3A_18 {offsets = [0, 256], sizes = [32, 128], strides = [1, 1]} : vector<32x512xf32> to vector<32x128xf32>
    %slice3A_22 = vector.extract_strided_slice %slice3A_18 {offsets = [0, 384], sizes = [32, 128], strides = [1, 1]} : vector<32x512xf32> to vector<32x128xf32>
    %concatenate3A_23 = tpu.concatenate %slice3A_19, %slice3A_20, %slice3A_21, %slice3A_22 in 0 : vector<32x128xf32>, vector<32x128xf32>, vector<32x128xf32>, vector<32x128xf32> -> vector<128x128xf32>
    %transpose3A_24 = tpu.transpose %concatenate3A_23, [1, 0] : vector<128x128xf32> -> vector<128x128xf32>
    %swap3A_25 = arith.constant 256 : index
    %swap3A_26 = arith.constant 0 : index
    %swap3A_27 = vector.load %arg2[%swap3A_25, %swap3A_26] : memref<8192x128xf32, #tpu.memory_space<vmem>>, vector<128x128xf32>
    tpu.vector_store %arg2[%swap3A_25, %swap3A_26], %transpose3A_24 {strides = array<i32>} : memref<8192x128xf32, #tpu.memory_space<vmem>>, vector<128x128xf32>,
    %slice3A_28 = vector.extract_strided_slice %get3A_1 {offsets = [0, 1536], sizes = [32, 512], strides = [1, 1]} : vector<32x32768xf32> to vector<32x512xf32>
    %slice3A_29 = vector.extract_strided_slice %slice3A_28 {offsets = [0, 0], sizes = [32, 128], strides = [1, 1]} : vector<32x512xf32> to vector<32x128xf32>
    %slice3A_30 = vector.extract_strided_slice %slice3A_28 {offsets = [0, 128], sizes = [32, 128], strides = [1, 1]} : vector<32x512xf32> to vector<32x128xf32>
    %slice3A_31 = vector.extract_strided_slice %slice3A_28 {offsets = [0, 256], sizes = [32, 128], strides = [1, 1]} : vector<32x512xf32> to vector<32x128xf32>
    %slice3A_32 = vector.extract_strided_slice %slice3A_28 {offsets = [0, 384], sizes = [32, 128], strides = [1, 1]} : vector<32x512xf32> to vector<32x128xf32>
    %concatenate3A_33 = tpu.concatenate %slice3A_29, %slice3A_30, %slice3A_31, %slice3A_32 in 0 : vector<32x128xf32>, vector<32x128xf32>, vector<32x128xf32>, vector<32x128xf32> -> vector<128x128xf32>
    %transpose3A_34 = tpu.transpose %concatenate3A_33, [1, 0] : vector<128x128xf32> -> vector<128x128xf32>
    %swap3A_35 = arith.constant 384 : index
    %swap3A_36 = arith.constant 0 : index
    %swap3A_37 = vector.load %arg2[%swap3A_35, %swap3A_36] : memref<8192x128xf32, #tpu.memory_space<vmem>>, vector<128x128xf32>
    tpu.vector_store %arg2[%swap3A_35, %swap3A_36], %transpose3A_34 {strides = array<i32>} : memref<8192x128xf32, #tpu.memory_space<vmem>>, vector<128x128xf32>,
    %slice3A_38 = vector.extract_strided_slice %get3A_1 {offsets = [0, 2048], sizes = [32, 512], strides = [1, 1]} : vector<32x32768xf32> to vector<32x512xf32>
    %slice3A_39 = vector.extract_strided_slice %slice3A_38 {offsets = [0, 0], sizes = [32, 128], strides = [1, 1]} : vector<32x512xf32> to vector<32x128xf32>
    %slice3A_40 = vector.extract_strided_slice %slice3A_38 {offsets = [0, 128], sizes = [32, 128], strides = [1, 1]} : vector<32x512xf32> to vector<32x128xf32>
    %slice3A_41 = vector.extract_strided_slice %slice3A_38 {offsets = [0, 256], sizes = [32, 128], strides = [1, 1]} : vector<32x512xf32> to vector<32x128xf32>
    %slice3A_42 = vector.extract_strided_slice %slice3A_38 {offsets = [0, 384], sizes = [32, 128], strides = [1, 1]} : vector<32x512xf32> to vector<32x128xf32>
    %concatenate3A_43 = tpu.concatenate %slice3A_39, %slice3A_40, %slice3A_41, %slice3A_42 in 0 : vector<32x128xf32>, vector<32x128xf32>, vector<32x128xf32>, vector<32x128xf32> -> vector<128x128xf32>
    %transpose3A_44 = tpu.transpose %concatenate3A_43, [1, 0] : vector<128x128xf32> -> vector<128x128xf32>
    %swap3A_45 = arith.constant 512 : index
    %swap3A_46 = arith.constant 0 : index
    %swap3A_47 = vector.load %arg2[%swap3A_45, %swap3A_46] : memref<8192x128xf32, #tpu.memory_space<vmem>>, vector<128x128xf32>
    tpu.vector_store %arg2[%swap3A_45, %swap3A_46], %transpose3A_44 {strides = array<i32>} : memref<8192x128xf32, #tpu.memory_space<vmem>>, vector<128x128xf32>,
    %slice3A_48 = vector.extract_strided_slice %get3A_1 {offsets = [0, 2560], sizes = [32, 512], strides = [1, 1]} : vector<32x32768xf32> to vector<32x512xf32>
    %slice3A_49 = vector.extract_strided_slice %slice3A_48 {offsets = [0, 0], sizes = [32, 128], strides = [1, 1]} : vector<32x512xf32> to vector<32x128xf32>
    %slice3A_50 = vector.extract_strided_slice %slice3A_48 {offsets = [0, 128], sizes = [32, 128], strides = [1, 1]} : vector<32x512xf32> to vector<32x128xf32>
    %slice3A_51 = vector.extract_strided_slice %slice3A_48 {offsets = [0, 256], sizes = [32, 128], strides = [1, 1]} : vector<32x512xf32> to vector<32x128xf32>
    %slice3A_52 = vector.extract_strided_slice %slice3A_48 {offsets = [0, 384], sizes = [32, 128], strides = [1, 1]} : vector<32x512xf32> to vector<32x128xf32>
    %concatenate3A_53 = tpu.concatenate %slice3A_49, %slice3A_50, %slice3A_51, %slice3A_52 in 0 : vector<32x128xf32>, vector<32x128xf32>, vector<32x128xf32>, vector<32x128xf32> -> vector<128x128xf32>
    %transpose3A_54 = tpu.transpose %concatenate3A_53, [1, 0] : vector<128x128xf32> -> vector<128x128xf32>
    %swap3A_55 = arith.constant 640 : index
    %swap3A_56 = arith.constant 0 : index
    %swap3A_57 = vector.load %arg2[%swap3A_55, %swap3A_56] : memref<8192x128xf32, #tpu.memory_space<vmem>>, vector<128x128xf32>
    tpu.vector_store %arg2[%swap3A_55, %swap3A_56], %transpose3A_54 {strides = array<i32>} : memref<8192x128xf32, #tpu.memory_space<vmem>>, vector<128x128xf32>,
    %slice3A_58 = vector.extract_strided_slice %get3A_1 {offsets = [0, 3072], sizes = [32, 512], strides = [1, 1]} : vector<32x32768xf32> to vector<32x512xf32>
    %slice3A_59 = vector.extract_strided_slice %slice3A_58 {offsets = [0, 0], sizes = [32, 128], strides = [1, 1]} : vector<32x512xf32> to vector<32x128xf32>
    %slice3A_60 = vector.extract_strided_slice %slice3A_58 {offsets = [0, 128], sizes = [32, 128], strides = [1, 1]} : vector<32x512xf32> to vector<32x128xf32>
    %slice3A_61 = vector.extract_strided_slice %slice3A_58 {offsets = [0, 256], sizes = [32, 128], strides = [1, 1]} : vector<32x512xf32> to vector<32x128xf32>
    %slice3A_62 = vector.extract_strided_slice %slice3A_58 {offsets = [0, 384], sizes = [32, 128], strides = [1, 1]} : vector<32x512xf32> to vector<32x128xf32>
    %concatenate3A_63 = tpu.concatenate %slice3A_59, %slice3A_60, %slice3A_61, %slice3A_62 in 0 : vector<32x128xf32>, vector<32x128xf32>, vector<32x128xf32>, vector<32x128xf32> -> vector<128x128xf32>
    %transpose3A_64 = tpu.transpose %concatenate3A_63, [1, 0] : vector<128x128xf32> -> vector<128x128xf32>
    %swap3A_65 = arith.constant 768 : index
    %swap3A_66 = arith.constant 0 : index
    %swap3A_67 = vector.load %arg2[%swap3A_65, %swap3A_66] : memref<8192x128xf32, #tpu.memory_space<vmem>>, vector<128x128xf32>
    tpu.vector_store %arg2[%swap3A_65, %swap3A_66], %transpose3A_64 {strides = array<i32>} : memref<8192x128xf32, #tpu.memory_space<vmem>>, vector<128x128xf32>,
    %slice3A_68 = vector.extract_strided_slice %get3A_1 {offsets = [0, 3584], sizes = [32, 512], strides = [1, 1]} : vector<32x32768xf32> to vector<32x512xf32>
    %slice3A_69 = vector.extract_strided_slice %slice3A_68 {offsets = [0, 0], sizes = [32, 128], strides = [1, 1]} : vector<32x512xf32> to vector<32x128xf32>
    %slice3A_70 = vector.extract_strided_slice %slice3A_68 {offsets = [0, 128], sizes = [32, 128], strides = [1, 1]} : vector<32x512xf32> to vector<32x128xf32>
    %slice3A_71 = vector.extract_strided_slice %slice3A_68 {offsets = [0, 256], sizes = [32, 128], strides = [1, 1]} : vector<32x512xf32> to vector<32x128xf32>
    %slice3A_72 = vector.extract_strided_slice %slice3A_68 {offsets = [0, 384], sizes = [32, 128], strides = [1, 1]} : vector<32x512xf32> to vector<32x128xf32>
    %concatenate3A_73 = tpu.concatenate %slice3A_69, %slice3A_70, %slice3A_71, %slice3A_72 in 0 : vector<32x128xf32>, vector<32x128xf32>, vector<32x128xf32>, vector<32x128xf32> -> vector<128x128xf32>
    %transpose3A_74 = tpu.transpose %concatenate3A_73, [1, 0] : vector<128x128xf32> -> vector<128x128xf32>
    %swap3A_75 = arith.constant 896 : index
    %swap3A_76 = arith.constant 0 : index
    %swap3A_77 = vector.load %arg2[%swap3A_75, %swap3A_76] : memref<8192x128xf32, #tpu.memory_space<vmem>>, vector<128x128xf32>
    tpu.vector_store %arg2[%swap3A_75, %swap3A_76], %transpose3A_74 {strides = array<i32>} : memref<8192x128xf32, #tpu.memory_space<vmem>>, vector<128x128xf32>,
    %slice3A_78 = vector.extract_strided_slice %get3A_1 {offsets = [0, 4096], sizes = [32, 512], strides = [1, 1]} : vector<32x32768xf32> to vector<32x512xf32>
    %slice3A_79 = vector.extract_strided_slice %slice3A_78 {offsets = [0, 0], sizes = [32, 128], strides = [1, 1]} : vector<32x512xf32> to vector<32x128xf32>
    %slice3A_80 = vector.extract_strided_slice %slice3A_78 {offsets = [0, 128], sizes = [32, 128], strides = [1, 1]} : vector<32x512xf32> to vector<32x128xf32>
    %slice3A_81 = vector.extract_strided_slice %slice3A_78 {offsets = [0, 256], sizes = [32, 128], strides = [1, 1]} : vector<32x512xf32> to vector<32x128xf32>
    %slice3A_82 = vector.extract_strided_slice %slice3A_78 {offsets = [0, 384], sizes = [32, 128], strides = [1, 1]} : vector<32x512xf32> to vector<32x128xf32>
    %concatenate3A_83 = tpu.concatenate %slice3A_79, %slice3A_80, %slice3A_81, %slice3A_82 in 0 : vector<32x128xf32>, vector<32x128xf32>, vector<32x128xf32>, vector<32x128xf32> -> vector<128x128xf32>
    %transpose3A_84 = tpu.transpose %concatenate3A_83, [1, 0] : vector<128x128xf32> -> vector<128x128xf32>
    %swap3A_85 = arith.constant 1024 : index
    %swap3A_86 = arith.constant 0 : index
    %swap3A_87 = vector.load %arg2[%swap3A_85, %swap3A_86] : memref<8192x128xf32, #tpu.memory_space<vmem>>, vector<128x128xf32>
    tpu.vector_store %arg2[%swap3A_85, %swap3A_86], %transpose3A_84 {strides = array<i32>} : memref<8192x128xf32, #tpu.memory_space<vmem>>, vector<128x128xf32>,
    %slice3A_88 = vector.extract_strided_slice %get3A_1 {offsets = [0, 4608], sizes = [32, 512], strides = [1, 1]} : vector<32x32768xf32> to vector<32x512xf32>
    %slice3A_89 = vector.extract_strided_slice %slice3A_88 {offsets = [0, 0], sizes = [32, 128], strides = [1, 1]} : vector<32x512xf32> to vector<32x128xf32>
    %slice3A_90 = vector.extract_strided_slice %slice3A_88 {offsets = [0, 128], sizes = [32, 128], strides = [1, 1]} : vector<32x512xf32> to vector<32x128xf32>
    %slice3A_91 = vector.extract_strided_slice %slice3A_88 {offsets = [0, 256], sizes = [32, 128], strides = [1, 1]} : vector<32x512xf32> to vector<32x128xf32>
    %slice3A_92 = vector.extract_strided_slice %slice3A_88 {offsets = [0, 384], sizes = [32, 128], strides = [1, 1]} : vector<32x512xf32> to vector<32x128xf32>
    %concatenate3A_93 = tpu.concatenate %slice3A_89, %slice3A_90, %slice3A_91, %slice3A_92 in 0 : vector<32x128xf32>, vector<32x128xf32>, vector<32x128xf32>, vector<32x128xf32> -> vector<128x128xf32>
    %transpose3A_94 = tpu.transpose %concatenate3A_93, [1, 0] : vector<128x128xf32> -> vector<128x128xf32>
    %swap3A_95 = arith.constant 1152 : index
    %swap3A_96 = arith.constant 0 : index
    %swap3A_97 = vector.load %arg2[%swap3A_95, %swap3A_96] : memref<8192x128xf32, #tpu.memory_space<vmem>>, vector<128x128xf32>
    tpu.vector_store %arg2[%swap3A_95, %swap3A_96], %transpose3A_94 {strides = array<i32>} : memref<8192x128xf32, #tpu.memory_space<vmem>>, vector<128x128xf32>,
    %slice3A_98 = vector.extract_strided_slice %get3A_1 {offsets = [0, 5120], sizes = [32, 512], strides = [1, 1]} : vector<32x32768xf32> to vector<32x512xf32>
    %slice3A_99 = vector.extract_strided_slice %slice3A_98 {offsets = [0, 0], sizes = [32, 128], strides = [1, 1]} : vector<32x512xf32> to vector<32x128xf32>
    %slice3A_100 = vector.extract_strided_slice %slice3A_98 {offsets = [0, 128], sizes = [32, 128], strides = [1, 1]} : vector<32x512xf32> to vector<32x128xf32>
    %slice3A_101 = vector.extract_strided_slice %slice3A_98 {offsets = [0, 256], sizes = [32, 128], strides = [1, 1]} : vector<32x512xf32> to vector<32x128xf32>
    %slice3A_102 = vector.extract_strided_slice %slice3A_98 {offsets = [0, 384], sizes = [32, 128], strides = [1, 1]} : vector<32x512xf32> to vector<32x128xf32>
    %concatenate3A_103 = tpu.concatenate %slice3A_99, %slice3A_100, %slice3A_101, %slice3A_102 in 0 : vector<32x128xf32>, vector<32x128xf32>, vector<32x128xf32>, vector<32x128xf32> -> vector<128x128xf32>
    %transpose3A_104 = tpu.transpose %concatenate3A_103, [1, 0] : vector<128x128xf32> -> vector<128x128xf32>
    %swap3A_105 = arith.constant 1280 : index
    %swap3A_106 = arith.constant 0 : index
    %swap3A_107 = vector.load %arg2[%swap3A_105, %swap3A_106] : memref<8192x128xf32, #tpu.memory_space<vmem>>, vector<128x128xf32>
    tpu.vector_store %arg2[%swap3A_105, %swap3A_106], %transpose3A_104 {strides = array<i32>} : memref<8192x128xf32, #tpu.memory_space<vmem>>, vector<128x128xf32>,
    %slice3A_108 = vector.extract_strided_slice %get3A_1 {offsets = [0, 5632], sizes = [32, 512], strides = [1, 1]} : vector<32x32768xf32> to vector<32x512xf32>
    %slice3A_109 = vector.extract_strided_slice %slice3A_108 {offsets = [0, 0], sizes = [32, 128], strides = [1, 1]} : vector<32x512xf32> to vector<32x128xf32>
    %slice3A_110 = vector.extract_strided_slice %slice3A_108 {offsets = [0, 128], sizes = [32, 128], strides = [1, 1]} : vector<32x512xf32> to vector<32x128xf32>
    %slice3A_111 = vector.extract_strided_slice %slice3A_108 {offsets = [0, 256], sizes = [32, 128], strides = [1, 1]} : vector<32x512xf32> to vector<32x128xf32>
    %slice3A_112 = vector.extract_strided_slice %slice3A_108 {offsets = [0, 384], sizes = [32, 128], strides = [1, 1]} : vector<32x512xf32> to vector<32x128xf32>
    %concatenate3A_113 = tpu.concatenate %slice3A_109, %slice3A_110, %slice3A_111, %slice3A_112 in 0 : vector<32x128xf32>, vector<32x128xf32>, vector<32x128xf32>, vector<32x128xf32> -> vector<128x128xf32>
    %transpose3A_114 = tpu.transpose %concatenate3A_113, [1, 0] : vector<128x128xf32> -> vector<128x128xf32>
    %swap3A_115 = arith.constant 1408 : index
    %swap3A_116 = arith.constant 0 : index
    %swap3A_117 = vector.load %arg2[%swap3A_115, %swap3A_116] : memref<8192x128xf32, #tpu.memory_space<vmem>>, vector<128x128xf32>
    tpu.vector_store %arg2[%swap3A_115, %swap3A_116], %transpose3A_114 {strides = array<i32>} : memref<8192x128xf32, #tpu.memory_space<vmem>>, vector<128x128xf32>,
    %slice3A_118 = vector.extract_strided_slice %get3A_1 {offsets = [0, 6144], sizes = [32, 512], strides = [1, 1]} : vector<32x32768xf32> to vector<32x512xf32>
    %slice3A_119 = vector.extract_strided_slice %slice3A_118 {offsets = [0, 0], sizes = [32, 128], strides = [1, 1]} : vector<32x512xf32> to vector<32x128xf32>
    %slice3A_120 = vector.extract_strided_slice %slice3A_118 {offsets = [0, 128], sizes = [32, 128], strides = [1, 1]} : vector<32x512xf32> to vector<32x128xf32>
    %slice3A_121 = vector.extract_strided_slice %slice3A_118 {offsets = [0, 256], sizes = [32, 128], strides = [1, 1]} : vector<32x512xf32> to vector<32x128xf32>
    %slice3A_122 = vector.extract_strided_slice %slice3A_118 {offsets = [0, 384], sizes = [32, 128], strides = [1, 1]} : vector<32x512xf32> to vector<32x128xf32>
    %concatenate3A_123 = tpu.concatenate %slice3A_119, %slice3A_120, %slice3A_121, %slice3A_122 in 0 : vector<32x128xf32>, vector<32x128xf32>, vector<32x128xf32>, vector<32x128xf32> -> vector<128x128xf32>
    %transpose3A_124 = tpu.transpose %concatenate3A_123, [1, 0] : vector<128x128xf32> -> vector<128x128xf32>
    %swap3A_125 = arith.constant 1536 : index
    %swap3A_126 = arith.constant 0 : index
    %swap3A_127 = vector.load %arg2[%swap3A_125, %swap3A_126] : memref<8192x128xf32, #tpu.memory_space<vmem>>, vector<128x128xf32>
    tpu.vector_store %arg2[%swap3A_125, %swap3A_126], %transpose3A_124 {strides = array<i32>} : memref<8192x128xf32, #tpu.memory_space<vmem>>, vector<128x128xf32>,
    %slice3A_128 = vector.extract_strided_slice %get3A_1 {offsets = [0, 6656], sizes = [32, 512], strides = [1, 1]} : vector<32x32768xf32> to vector<32x512xf32>
    %slice3A_129 = vector.extract_strided_slice %slice3A_128 {offsets = [0, 0], sizes = [32, 128], strides = [1, 1]} : vector<32x512xf32> to vector<32x128xf32>
    %slice3A_130 = vector.extract_strided_slice %slice3A_128 {offsets = [0, 128], sizes = [32, 128], strides = [1, 1]} : vector<32x512xf32> to vector<32x128xf32>
    %slice3A_131 = vector.extract_strided_slice %slice3A_128 {offsets = [0, 256], sizes = [32, 128], strides = [1, 1]} : vector<32x512xf32> to vector<32x128xf32>
    %slice3A_132 = vector.extract_strided_slice %slice3A_128 {offsets = [0, 384], sizes = [32, 128], strides = [1, 1]} : vector<32x512xf32> to vector<32x128xf32>
    %concatenate3A_133 = tpu.concatenate %slice3A_129, %slice3A_130, %slice3A_131, %slice3A_132 in 0 : vector<32x128xf32>, vector<32x128xf32>, vector<32x128xf32>, vector<32x128xf32> -> vector<128x128xf32>
    %transpose3A_134 = tpu.transpose %concatenate3A_133, [1, 0] : vector<128x128xf32> -> vector<128x128xf32>
    %swap3A_135 = arith.constant 1664 : index
    %swap3A_136 = arith.constant 0 : index
    %swap3A_137 = vector.load %arg2[%swap3A_135, %swap3A_136] : memref<8192x128xf32, #tpu.memory_space<vmem>>, vector<128x128xf32>
    tpu.vector_store %arg2[%swap3A_135, %swap3A_136], %transpose3A_134 {strides = array<i32>} : memref<8192x128xf32, #tpu.memory_space<vmem>>, vector<128x128xf32>,
    %slice3A_138 = vector.extract_strided_slice %get3A_1 {offsets = [0, 7168], sizes = [32, 512], strides = [1, 1]} : vector<32x32768xf32> to vector<32x512xf32>
    %slice3A_139 = vector.extract_strided_slice %slice3A_138 {offsets = [0, 0], sizes = [32, 128], strides = [1, 1]} : vector<32x512xf32> to vector<32x128xf32>
    %slice3A_140 = vector.extract_strided_slice %slice3A_138 {offsets = [0, 128], sizes = [32, 128], strides = [1, 1]} : vector<32x512xf32> to vector<32x128xf32>
    %slice3A_141 = vector.extract_strided_slice %slice3A_138 {offsets = [0, 256], sizes = [32, 128], strides = [1, 1]} : vector<32x512xf32> to vector<32x128xf32>
    %slice3A_142 = vector.extract_strided_slice %slice3A_138 {offsets = [0, 384], sizes = [32, 128], strides = [1, 1]} : vector<32x512xf32> to vector<32x128xf32>
    %concatenate3A_143 = tpu.concatenate %slice3A_139, %slice3A_140, %slice3A_141, %slice3A_142 in 0 : vector<32x128xf32>, vector<32x128xf32>, vector<32x128xf32>, vector<32x128xf32> -> vector<128x128xf32>
    %transpose3A_144 = tpu.transpose %concatenate3A_143, [1, 0] : vector<128x128xf32> -> vector<128x128xf32>
    %swap3A_145 = arith.constant 1792 : index
    %swap3A_146 = arith.constant 0 : index
    %swap3A_147 = vector.load %arg2[%swap3A_145, %swap3A_146] : memref<8192x128xf32, #tpu.memory_space<vmem>>, vector<128x128xf32>
    tpu.vector_store %arg2[%swap3A_145, %swap3A_146], %transpose3A_144 {strides = array<i32>} : memref<8192x128xf32, #tpu.memory_space<vmem>>, vector<128x128xf32>,
    %slice3A_148 = vector.extract_strided_slice %get3A_1 {offsets = [0, 7680], sizes = [32, 512], strides = [1, 1]} : vector<32x32768xf32> to vector<32x512xf32>
    %slice3A_149 = vector.extract_strided_slice %slice3A_148 {offsets = [0, 0], sizes = [32, 128], strides = [1, 1]} : vector<32x512xf32> to vector<32x128xf32>
    %slice3A_150 = vector.extract_strided_slice %slice3A_148 {offsets = [0, 128], sizes = [32, 128], strides = [1, 1]} : vector<32x512xf32> to vector<32x128xf32>
    %slice3A_151 = vector.extract_strided_slice %slice3A_148 {offsets = [0, 256], sizes = [32, 128], strides = [1, 1]} : vector<32x512xf32> to vector<32x128xf32>
    %slice3A_152 = vector.extract_strided_slice %slice3A_148 {offsets = [0, 384], sizes = [32, 128], strides = [1, 1]} : vector<32x512xf32> to vector<32x128xf32>
    %concatenate3A_153 = tpu.concatenate %slice3A_149, %slice3A_150, %slice3A_151, %slice3A_152 in 0 : vector<32x128xf32>, vector<32x128xf32>, vector<32x128xf32>, vector<32x128xf32> -> vector<128x128xf32>
    %transpose3A_154 = tpu.transpose %concatenate3A_153, [1, 0] : vector<128x128xf32> -> vector<128x128xf32>
    %swap3A_155 = arith.constant 1920 : index
    %swap3A_156 = arith.constant 0 : index
    %swap3A_157 = vector.load %arg2[%swap3A_155, %swap3A_156] : memref<8192x128xf32, #tpu.memory_space<vmem>>, vector<128x128xf32>
    tpu.vector_store %arg2[%swap3A_155, %swap3A_156], %transpose3A_154 {strides = array<i32>} : memref<8192x128xf32, #tpu.memory_space<vmem>>, vector<128x128xf32>,
    %slice3A_158 = vector.extract_strided_slice %get3A_1 {offsets = [0, 8192], sizes = [32, 512], strides = [1, 1]} : vector<32x32768xf32> to vector<32x512xf32>
    %slice3A_159 = vector.extract_strided_slice %slice3A_158 {offsets = [0, 0], sizes = [32, 128], strides = [1, 1]} : vector<32x512xf32> to vector<32x128xf32>
    %slice3A_160 = vector.extract_strided_slice %slice3A_158 {offsets = [0, 128], sizes = [32, 128], strides = [1, 1]} : vector<32x512xf32> to vector<32x128xf32>
    %slice3A_161 = vector.extract_strided_slice %slice3A_158 {offsets = [0, 256], sizes = [32, 128], strides = [1, 1]} : vector<32x512xf32> to vector<32x128xf32>
    %slice3A_162 = vector.extract_strided_slice %slice3A_158 {offsets = [0, 384], sizes = [32, 128], strides = [1, 1]} : vector<32x512xf32> to vector<32x128xf32>
    %concatenate3A_163 = tpu.concatenate %slice3A_159, %slice3A_160, %slice3A_161, %slice3A_162 in 0 : vector<32x128xf32>, vector<32x128xf32>, vector<32x128xf32>, vector<32x128xf32> -> vector<128x128xf32>
    %transpose3A_164 = tpu.transpose %concatenate3A_163, [1, 0] : vector<128x128xf32> -> vector<128x128xf32>
    %swap3A_165 = arith.constant 2048 : index
    %swap3A_166 = arith.constant 0 : index
    %swap3A_167 = vector.load %arg2[%swap3A_165, %swap3A_166] : memref<8192x128xf32, #tpu.memory_space<vmem>>, vector<128x128xf32>
    tpu.vector_store %arg2[%swap3A_165, %swap3A_166], %transpose3A_164 {strides = array<i32>} : memref<8192x128xf32, #tpu.memory_space<vmem>>, vector<128x128xf32>,
    %slice3A_168 = vector.extract_strided_slice %get3A_1 {offsets = [0, 8704], sizes = [32, 512], strides = [1, 1]} : vector<32x32768xf32> to vector<32x512xf32>
    %slice3A_169 = vector.extract_strided_slice %slice3A_168 {offsets = [0, 0], sizes = [32, 128], strides = [1, 1]} : vector<32x512xf32> to vector<32x128xf32>
    %slice3A_170 = vector.extract_strided_slice %slice3A_168 {offsets = [0, 128], sizes = [32, 128], strides = [1, 1]} : vector<32x512xf32> to vector<32x128xf32>
    %slice3A_171 = vector.extract_strided_slice %slice3A_168 {offsets = [0, 256], sizes = [32, 128], strides = [1, 1]} : vector<32x512xf32> to vector<32x128xf32>
    %slice3A_172 = vector.extract_strided_slice %slice3A_168 {offsets = [0, 384], sizes = [32, 128], strides = [1, 1]} : vector<32x512xf32> to vector<32x128xf32>
    %concatenate3A_173 = tpu.concatenate %slice3A_169, %slice3A_170, %slice3A_171, %slice3A_172 in 0 : vector<32x128xf32>, vector<32x128xf32>, vector<32x128xf32>, vector<32x128xf32> -> vector<128x128xf32>
    %transpose3A_174 = tpu.transpose %concatenate3A_173, [1, 0] : vector<128x128xf32> -> vector<128x128xf32>
    %swap3A_175 = arith.constant 2176 : index
    %swap3A_176 = arith.constant 0 : index
    %swap3A_177 = vector.load %arg2[%swap3A_175, %swap3A_176] : memref<8192x128xf32, #tpu.memory_space<vmem>>, vector<128x128xf32>
    tpu.vector_store %arg2[%swap3A_175, %swap3A_176], %transpose3A_174 {strides = array<i32>} : memref<8192x128xf32, #tpu.memory_space<vmem>>, vector<128x128xf32>,
    %slice3A_178 = vector.extract_strided_slice %get3A_1 {offsets = [0, 9216], sizes = [32, 512], strides = [1, 1]} : vector<32x32768xf32> to vector<32x512xf32>
    %slice3A_179 = vector.extract_strided_slice %slice3A_178 {offsets = [0, 0], sizes = [32, 128], strides = [1, 1]} : vector<32x512xf32> to vector<32x128xf32>
    %slice3A_180 = vector.extract_strided_slice %slice3A_178 {offsets = [0, 128], sizes = [32, 128], strides = [1, 1]} : vector<32x512xf32> to vector<32x128xf32>
    %slice3A_181 = vector.extract_strided_slice %slice3A_178 {offsets = [0, 256], sizes = [32, 128], strides = [1, 1]} : vector<32x512xf32> to vector<32x128xf32>
    %slice3A_182 = vector.extract_strided_slice %slice3A_178 {offsets = [0, 384], sizes = [32, 128], strides = [1, 1]} : vector<32x512xf32> to vector<32x128xf32>
    %concatenate3A_183 = tpu.concatenate %slice3A_179, %slice3A_180, %slice3A_181, %slice3A_182 in 0 : vector<32x128xf32>, vector<32x128xf32>, vector<32x128xf32>, vector<32x128xf32> -> vector<128x128xf32>
    %transpose3A_184 = tpu.transpose %concatenate3A_183, [1, 0] : vector<128x128xf32> -> vector<128x128xf32>
    %swap3A_185 = arith.constant 2304 : index
    %swap3A_186 = arith.constant 0 : index
    %swap3A_187 = vector.load %arg2[%swap3A_185, %swap3A_186] : memref<8192x128xf32, #tpu.memory_space<vmem>>, vector<128x128xf32>
    tpu.vector_store %arg2[%swap3A_185, %swap3A_186], %transpose3A_184 {strides = array<i32>} : memref<8192x128xf32, #tpu.memory_space<vmem>>, vector<128x128xf32>,
    %slice3A_188 = vector.extract_strided_slice %get3A_1 {offsets = [0, 9728], sizes = [32, 512], strides = [1, 1]} : vector<32x32768xf32> to vector<32x512xf32>
    %slice3A_189 = vector.extract_strided_slice %slice3A_188 {offsets = [0, 0], sizes = [32, 128], strides = [1, 1]} : vector<32x512xf32> to vector<32x128xf32>
    %slice3A_190 = vector.extract_strided_slice %slice3A_188 {offsets = [0, 128], sizes = [32, 128], strides = [1, 1]} : vector<32x512xf32> to vector<32x128xf32>
    %slice3A_191 = vector.extract_strided_slice %slice3A_188 {offsets = [0, 256], sizes = [32, 128], strides = [1, 1]} : vector<32x512xf32> to vector<32x128xf32>
    %slice3A_192 = vector.extract_strided_slice %slice3A_188 {offsets = [0, 384], sizes = [32, 128], strides = [1, 1]} : vector<32x512xf32> to vector<32x128xf32>
    %concatenate3A_193 = tpu.concatenate %slice3A_189, %slice3A_190, %slice3A_191, %slice3A_192 in 0 : vector<32x128xf32>, vector<32x128xf32>, vector<32x128xf32>, vector<32x128xf32> -> vector<128x128xf32>
    %transpose3A_194 = tpu.transpose %concatenate3A_193, [1, 0] : vector<128x128xf32> -> vector<128x128xf32>
    %swap3A_195 = arith.constant 2432 : index
    %swap3A_196 = arith.constant 0 : index
    %swap3A_197 = vector.load %arg2[%swap3A_195, %swap3A_196] : memref<8192x128xf32, #tpu.memory_space<vmem>>, vector<128x128xf32>
    tpu.vector_store %arg2[%swap3A_195, %swap3A_196], %transpose3A_194 {strides = array<i32>} : memref<8192x128xf32, #tpu.memory_space<vmem>>, vector<128x128xf32>,
    %slice3A_198 = vector.extract_strided_slice %get3A_1 {offsets = [0, 10240], sizes = [32, 512], strides = [1, 1]} : vector<32x32768xf32> to vector<32x512xf32>
    %slice3A_199 = vector.extract_strided_slice %slice3A_198 {offsets = [0, 0], sizes = [32, 128], strides = [1, 1]} : vector<32x512xf32> to vector<32x128xf32>
    %slice3A_200 = vector.extract_strided_slice %slice3A_198 {offsets = [0, 128], sizes = [32, 128], strides = [1, 1]} : vector<32x512xf32> to vector<32x128xf32>
    %slice3A_201 = vector.extract_strided_slice %slice3A_198 {offsets = [0, 256], sizes = [32, 128], strides = [1, 1]} : vector<32x512xf32> to vector<32x128xf32>
    %slice3A_202 = vector.extract_strided_slice %slice3A_198 {offsets = [0, 384], sizes = [32, 128], strides = [1, 1]} : vector<32x512xf32> to vector<32x128xf32>
    %concatenate3A_203 = tpu.concatenate %slice3A_199, %slice3A_200, %slice3A_201, %slice3A_202 in 0 : vector<32x128xf32>, vector<32x128xf32>, vector<32x128xf32>, vector<32x128xf32> -> vector<128x128xf32>
    %transpose3A_204 = tpu.transpose %concatenate3A_203, [1, 0] : vector<128x128xf32> -> vector<128x128xf32>
    %swap3A_205 = arith.constant 2560 : index
    %swap3A_206 = arith.constant 0 : index
    %swap3A_207 = vector.load %arg2[%swap3A_205, %swap3A_206] : memref<8192x128xf32, #tpu.memory_space<vmem>>, vector<128x128xf32>
    tpu.vector_store %arg2[%swap3A_205, %swap3A_206], %transpose3A_204 {strides = array<i32>} : memref<8192x128xf32, #tpu.memory_space<vmem>>, vector<128x128xf32>,
    %slice3A_208 = vector.extract_strided_slice %get3A_1 {offsets = [0, 10752], sizes = [32, 512], strides = [1, 1]} : vector<32x32768xf32> to vector<32x512xf32>
    %slice3A_209 = vector.extract_strided_slice %slice3A_208 {offsets = [0, 0], sizes = [32, 128], strides = [1, 1]} : vector<32x512xf32> to vector<32x128xf32>
    %slice3A_210 = vector.extract_strided_slice %slice3A_208 {offsets = [0, 128], sizes = [32, 128], strides = [1, 1]} : vector<32x512xf32> to vector<32x128xf32>
    %slice3A_211 = vector.extract_strided_slice %slice3A_208 {offsets = [0, 256], sizes = [32, 128], strides = [1, 1]} : vector<32x512xf32> to vector<32x128xf32>
    %slice3A_212 = vector.extract_strided_slice %slice3A_208 {offsets = [0, 384], sizes = [32, 128], strides = [1, 1]} : vector<32x512xf32> to vector<32x128xf32>
    %concatenate3A_213 = tpu.concatenate %slice3A_209, %slice3A_210, %slice3A_211, %slice3A_212 in 0 : vector<32x128xf32>, vector<32x128xf32>, vector<32x128xf32>, vector<32x128xf32> -> vector<128x128xf32>
    %transpose3A_214 = tpu.transpose %concatenate3A_213, [1, 0] : vector<128x128xf32> -> vector<128x128xf32>
    %swap3A_215 = arith.constant 2688 : index
    %swap3A_216 = arith.constant 0 : index
    %swap3A_217 = vector.load %arg2[%swap3A_215, %swap3A_216] : memref<8192x128xf32, #tpu.memory_space<vmem>>, vector<128x128xf32>
    tpu.vector_store %arg2[%swap3A_215, %swap3A_216], %transpose3A_214 {strides = array<i32>} : memref<8192x128xf32, #tpu.memory_space<vmem>>, vector<128x128xf32>,
    %slice3A_218 = vector.extract_strided_slice %get3A_1 {offsets = [0, 11264], sizes = [32, 512], strides = [1, 1]} : vector<32x32768xf32> to vector<32x512xf32>
    %slice3A_219 = vector.extract_strided_slice %slice3A_218 {offsets = [0, 0], sizes = [32, 128], strides = [1, 1]} : vector<32x512xf32> to vector<32x128xf32>
    %slice3A_220 = vector.extract_strided_slice %slice3A_218 {offsets = [0, 128], sizes = [32, 128], strides = [1, 1]} : vector<32x512xf32> to vector<32x128xf32>
    %slice3A_221 = vector.extract_strided_slice %slice3A_218 {offsets = [0, 256], sizes = [32, 128], strides = [1, 1]} : vector<32x512xf32> to vector<32x128xf32>
    %slice3A_222 = vector.extract_strided_slice %slice3A_218 {offsets = [0, 384], sizes = [32, 128], strides = [1, 1]} : vector<32x512xf32> to vector<32x128xf32>
    %concatenate3A_223 = tpu.concatenate %slice3A_219, %slice3A_220, %slice3A_221, %slice3A_222 in 0 : vector<32x128xf32>, vector<32x128xf32>, vector<32x128xf32>, vector<32x128xf32> -> vector<128x128xf32>
    %transpose3A_224 = tpu.transpose %concatenate3A_223, [1, 0] : vector<128x128xf32> -> vector<128x128xf32>
    %swap3A_225 = arith.constant 2816 : index
    %swap3A_226 = arith.constant 0 : index
    %swap3A_227 = vector.load %arg2[%swap3A_225, %swap3A_226] : memref<8192x128xf32, #tpu.memory_space<vmem>>, vector<128x128xf32>
    tpu.vector_store %arg2[%swap3A_225, %swap3A_226], %transpose3A_224 {strides = array<i32>} : memref<8192x128xf32, #tpu.memory_space<vmem>>, vector<128x128xf32>,
    %slice3A_228 = vector.extract_strided_slice %get3A_1 {offsets = [0, 11776], sizes = [32, 512], strides = [1, 1]} : vector<32x32768xf32> to vector<32x512xf32>
    %slice3A_229 = vector.extract_strided_slice %slice3A_228 {offsets = [0, 0], sizes = [32, 128], strides = [1, 1]} : vector<32x512xf32> to vector<32x128xf32>
    %slice3A_230 = vector.extract_strided_slice %slice3A_228 {offsets = [0, 128], sizes = [32, 128], strides = [1, 1]} : vector<32x512xf32> to vector<32x128xf32>
    %slice3A_231 = vector.extract_strided_slice %slice3A_228 {offsets = [0, 256], sizes = [32, 128], strides = [1, 1]} : vector<32x512xf32> to vector<32x128xf32>
    %slice3A_232 = vector.extract_strided_slice %slice3A_228 {offsets = [0, 384], sizes = [32, 128], strides = [1, 1]} : vector<32x512xf32> to vector<32x128xf32>
    %concatenate3A_233 = tpu.concatenate %slice3A_229, %slice3A_230, %slice3A_231, %slice3A_232 in 0 : vector<32x128xf32>, vector<32x128xf32>, vector<32x128xf32>, vector<32x128xf32> -> vector<128x128xf32>
    %transpose3A_234 = tpu.transpose %concatenate3A_233, [1, 0] : vector<128x128xf32> -> vector<128x128xf32>
    %swap3A_235 = arith.constant 2944 : index
    %swap3A_236 = arith.constant 0 : index
    %swap3A_237 = vector.load %arg2[%swap3A_235, %swap3A_236] : memref<8192x128xf32, #tpu.memory_space<vmem>>, vector<128x128xf32>
    tpu.vector_store %arg2[%swap3A_235, %swap3A_236], %transpose3A_234 {strides = array<i32>} : memref<8192x128xf32, #tpu.memory_space<vmem>>, vector<128x128xf32>,
    %slice3A_238 = vector.extract_strided_slice %get3A_1 {offsets = [0, 12288], sizes = [32, 512], strides = [1, 1]} : vector<32x32768xf32> to vector<32x512xf32>
    %slice3A_239 = vector.extract_strided_slice %slice3A_238 {offsets = [0, 0], sizes = [32, 128], strides = [1, 1]} : vector<32x512xf32> to vector<32x128xf32>
    %slice3A_240 = vector.extract_strided_slice %slice3A_238 {offsets = [0, 128], sizes = [32, 128], strides = [1, 1]} : vector<32x512xf32> to vector<32x128xf32>
    %slice3A_241 = vector.extract_strided_slice %slice3A_238 {offsets = [0, 256], sizes = [32, 128], strides = [1, 1]} : vector<32x512xf32> to vector<32x128xf32>
    %slice3A_242 = vector.extract_strided_slice %slice3A_238 {offsets = [0, 384], sizes = [32, 128], strides = [1, 1]} : vector<32x512xf32> to vector<32x128xf32>
    %concatenate3A_243 = tpu.concatenate %slice3A_239, %slice3A_240, %slice3A_241, %slice3A_242 in 0 : vector<32x128xf32>, vector<32x128xf32>, vector<32x128xf32>, vector<32x128xf32> -> vector<128x128xf32>
    %transpose3A_244 = tpu.transpose %concatenate3A_243, [1, 0] : vector<128x128xf32> -> vector<128x128xf32>
    %swap3A_245 = arith.constant 3072 : index
    %swap3A_246 = arith.constant 0 : index
    %swap3A_247 = vector.load %arg2[%swap3A_245, %swap3A_246] : memref<8192x128xf32, #tpu.memory_space<vmem>>, vector<128x128xf32>
    tpu.vector_store %arg2[%swap3A_245, %swap3A_246], %transpose3A_244 {strides = array<i32>} : memref<8192x128xf32, #tpu.memory_space<vmem>>, vector<128x128xf32>,
    %slice3A_248 = vector.extract_strided_slice %get3A_1 {offsets = [0, 12800], sizes = [32, 512], strides = [1, 1]} : vector<32x32768xf32> to vector<32x512xf32>
    %slice3A_249 = vector.extract_strided_slice %slice3A_248 {offsets = [0, 0], sizes = [32, 128], strides = [1, 1]} : vector<32x512xf32> to vector<32x128xf32>
    %slice3A_250 = vector.extract_strided_slice %slice3A_248 {offsets = [0, 128], sizes = [32, 128], strides = [1, 1]} : vector<32x512xf32> to vector<32x128xf32>
    %slice3A_251 = vector.extract_strided_slice %slice3A_248 {offsets = [0, 256], sizes = [32, 128], strides = [1, 1]} : vector<32x512xf32> to vector<32x128xf32>
    %slice3A_252 = vector.extract_strided_slice %slice3A_248 {offsets = [0, 384], sizes = [32, 128], strides = [1, 1]} : vector<32x512xf32> to vector<32x128xf32>
    %concatenate3A_253 = tpu.concatenate %slice3A_249, %slice3A_250, %slice3A_251, %slice3A_252 in 0 : vector<32x128xf32>, vector<32x128xf32>, vector<32x128xf32>, vector<32x128xf32> -> vector<128x128xf32>
    %transpose3A_254 = tpu.transpose %concatenate3A_253, [1, 0] : vector<128x128xf32> -> vector<128x128xf32>
    %swap3A_255 = arith.constant 3200 : index
    %swap3A_256 = arith.constant 0 : index
    %swap3A_257 = vector.load %arg2[%swap3A_255, %swap3A_256] : memref<8192x128xf32, #tpu.memory_space<vmem>>, vector<128x128xf32>
    tpu.vector_store %arg2[%swap3A_255, %swap3A_256], %transpose3A_254 {strides = array<i32>} : memref<8192x128xf32, #tpu.memory_space<vmem>>, vector<128x128xf32>,
    %slice3A_258 = vector.extract_strided_slice %get3A_1 {offsets = [0, 13312], sizes = [32, 512], strides = [1, 1]} : vector<32x32768xf32> to vector<32x512xf32>
    %slice3A_259 = vector.extract_strided_slice %slice3A_258 {offsets = [0, 0], sizes = [32, 128], strides = [1, 1]} : vector<32x512xf32> to vector<32x128xf32>
    %slice3A_260 = vector.extract_strided_slice %slice3A_258 {offsets = [0, 128], sizes = [32, 128], strides = [1, 1]} : vector<32x512xf32> to vector<32x128xf32>
    %slice3A_261 = vector.extract_strided_slice %slice3A_258 {offsets = [0, 256], sizes = [32, 128], strides = [1, 1]} : vector<32x512xf32> to vector<32x128xf32>
    %slice3A_262 = vector.extract_strided_slice %slice3A_258 {offsets = [0, 384], sizes = [32, 128], strides = [1, 1]} : vector<32x512xf32> to vector<32x128xf32>
    %concatenate3A_263 = tpu.concatenate %slice3A_259, %slice3A_260, %slice3A_261, %slice3A_262 in 0 : vector<32x128xf32>, vector<32x128xf32>, vector<32x128xf32>, vector<32x128xf32> -> vector<128x128xf32>
    %transpose3A_264 = tpu.transpose %concatenate3A_263, [1, 0] : vector<128x128xf32> -> vector<128x128xf32>
    %swap3A_265 = arith.constant 3328 : index
    %swap3A_266 = arith.constant 0 : index
    %swap3A_267 = vector.load %arg2[%swap3A_265, %swap3A_266] : memref<8192x128xf32, #tpu.memory_space<vmem>>, vector<128x128xf32>
    tpu.vector_store %arg2[%swap3A_265, %swap3A_266], %transpose3A_264 {strides = array<i32>} : memref<8192x128xf32, #tpu.memory_space<vmem>>, vector<128x128xf32>,
    %slice3A_268 = vector.extract_strided_slice %get3A_1 {offsets = [0, 13824], sizes = [32, 512], strides = [1, 1]} : vector<32x32768xf32> to vector<32x512xf32>
    %slice3A_269 = vector.extract_strided_slice %slice3A_268 {offsets = [0, 0], sizes = [32, 128], strides = [1, 1]} : vector<32x512xf32> to vector<32x128xf32>
    %slice3A_270 = vector.extract_strided_slice %slice3A_268 {offsets = [0, 128], sizes = [32, 128], strides = [1, 1]} : vector<32x512xf32> to vector<32x128xf32>
    %slice3A_271 = vector.extract_strided_slice %slice3A_268 {offsets = [0, 256], sizes = [32, 128], strides = [1, 1]} : vector<32x512xf32> to vector<32x128xf32>
    %slice3A_272 = vector.extract_strided_slice %slice3A_268 {offsets = [0, 384], sizes = [32, 128], strides = [1, 1]} : vector<32x512xf32> to vector<32x128xf32>
    %concatenate3A_273 = tpu.concatenate %slice3A_269, %slice3A_270, %slice3A_271, %slice3A_272 in 0 : vector<32x128xf32>, vector<32x128xf32>, vector<32x128xf32>, vector<32x128xf32> -> vector<128x128xf32>
    %transpose3A_274 = tpu.transpose %concatenate3A_273, [1, 0] : vector<128x128xf32> -> vector<128x128xf32>
    %swap3A_275 = arith.constant 3456 : index
    %swap3A_276 = arith.constant 0 : index
    %swap3A_277 = vector.load %arg2[%swap3A_275, %swap3A_276] : memref<8192x128xf32, #tpu.memory_space<vmem>>, vector<128x128xf32>
    tpu.vector_store %arg2[%swap3A_275, %swap3A_276], %transpose3A_274 {strides = array<i32>} : memref<8192x128xf32, #tpu.memory_space<vmem>>, vector<128x128xf32>,
    %slice3A_278 = vector.extract_strided_slice %get3A_1 {offsets = [0, 14336], sizes = [32, 512], strides = [1, 1]} : vector<32x32768xf32> to vector<32x512xf32>
    %slice3A_279 = vector.extract_strided_slice %slice3A_278 {offsets = [0, 0], sizes = [32, 128], strides = [1, 1]} : vector<32x512xf32> to vector<32x128xf32>
    %slice3A_280 = vector.extract_strided_slice %slice3A_278 {offsets = [0, 128], sizes = [32, 128], strides = [1, 1]} : vector<32x512xf32> to vector<32x128xf32>
    %slice3A_281 = vector.extract_strided_slice %slice3A_278 {offsets = [0, 256], sizes = [32, 128], strides = [1, 1]} : vector<32x512xf32> to vector<32x128xf32>
    %slice3A_282 = vector.extract_strided_slice %slice3A_278 {offsets = [0, 384], sizes = [32, 128], strides = [1, 1]} : vector<32x512xf32> to vector<32x128xf32>
    %concatenate3A_283 = tpu.concatenate %slice3A_279, %slice3A_280, %slice3A_281, %slice3A_282 in 0 : vector<32x128xf32>, vector<32x128xf32>, vector<32x128xf32>, vector<32x128xf32> -> vector<128x128xf32>
    %transpose3A_284 = tpu.transpose %concatenate3A_283, [1, 0] : vector<128x128xf32> -> vector<128x128xf32>
    %swap3A_285 = arith.constant 3584 : index
    %swap3A_286 = arith.constant 0 : index
    %swap3A_287 = vector.load %arg2[%swap3A_285, %swap3A_286] : memref<8192x128xf32, #tpu.memory_space<vmem>>, vector<128x128xf32>
    tpu.vector_store %arg2[%swap3A_285, %swap3A_286], %transpose3A_284 {strides = array<i32>} : memref<8192x128xf32, #tpu.memory_space<vmem>>, vector<128x128xf32>,
    %slice3A_288 = vector.extract_strided_slice %get3A_1 {offsets = [0, 14848], sizes = [32, 512], strides = [1, 1]} : vector<32x32768xf32> to vector<32x512xf32>
    %slice3A_289 = vector.extract_strided_slice %slice3A_288 {offsets = [0, 0], sizes = [32, 128], strides = [1, 1]} : vector<32x512xf32> to vector<32x128xf32>
    %slice3A_290 = vector.extract_strided_slice %slice3A_288 {offsets = [0, 128], sizes = [32, 128], strides = [1, 1]} : vector<32x512xf32> to vector<32x128xf32>
    %slice3A_291 = vector.extract_strided_slice %slice3A_288 {offsets = [0, 256], sizes = [32, 128], strides = [1, 1]} : vector<32x512xf32> to vector<32x128xf32>
    %slice3A_292 = vector.extract_strided_slice %slice3A_288 {offsets = [0, 384], sizes = [32, 128], strides = [1, 1]} : vector<32x512xf32> to vector<32x128xf32>
    %concatenate3A_293 = tpu.concatenate %slice3A_289, %slice3A_290, %slice3A_291, %slice3A_292 in 0 : vector<32x128xf32>, vector<32x128xf32>, vector<32x128xf32>, vector<32x128xf32> -> vector<128x128xf32>
    %transpose3A_294 = tpu.transpose %concatenate3A_293, [1, 0] : vector<128x128xf32> -> vector<128x128xf32>
    %swap3A_295 = arith.constant 3712 : index
    %swap3A_296 = arith.constant 0 : index
    %swap3A_297 = vector.load %arg2[%swap3A_295, %swap3A_296] : memref<8192x128xf32, #tpu.memory_space<vmem>>, vector<128x128xf32>
    tpu.vector_store %arg2[%swap3A_295, %swap3A_296], %transpose3A_294 {strides = array<i32>} : memref<8192x128xf32, #tpu.memory_space<vmem>>, vector<128x128xf32>,
    %slice3A_298 = vector.extract_strided_slice %get3A_1 {offsets = [0, 15360], sizes = [32, 512], strides = [1, 1]} : vector<32x32768xf32> to vector<32x512xf32>
    %slice3A_299 = vector.extract_strided_slice %slice3A_298 {offsets = [0, 0], sizes = [32, 128], strides = [1, 1]} : vector<32x512xf32> to vector<32x128xf32>
    %slice3A_300 = vector.extract_strided_slice %slice3A_298 {offsets = [0, 128], sizes = [32, 128], strides = [1, 1]} : vector<32x512xf32> to vector<32x128xf32>
    %slice3A_301 = vector.extract_strided_slice %slice3A_298 {offsets = [0, 256], sizes = [32, 128], strides = [1, 1]} : vector<32x512xf32> to vector<32x128xf32>
    %slice3A_302 = vector.extract_strided_slice %slice3A_298 {offsets = [0, 384], sizes = [32, 128], strides = [1, 1]} : vector<32x512xf32> to vector<32x128xf32>
    %concatenate3A_303 = tpu.concatenate %slice3A_299, %slice3A_300, %slice3A_301, %slice3A_302 in 0 : vector<32x128xf32>, vector<32x128xf32>, vector<32x128xf32>, vector<32x128xf32> -> vector<128x128xf32>
    %transpose3A_304 = tpu.transpose %concatenate3A_303, [1, 0] : vector<128x128xf32> -> vector<128x128xf32>
    %swap3A_305 = arith.constant 3840 : index
    %swap3A_306 = arith.constant 0 : index
    %swap3A_307 = vector.load %arg2[%swap3A_305, %swap3A_306] : memref<8192x128xf32, #tpu.memory_space<vmem>>, vector<128x128xf32>
    tpu.vector_store %arg2[%swap3A_305, %swap3A_306], %transpose3A_304 {strides = array<i32>} : memref<8192x128xf32, #tpu.memory_space<vmem>>, vector<128x128xf32>,
    %slice3A_308 = vector.extract_strided_slice %get3A_1 {offsets = [0, 15872], sizes = [32, 512], strides = [1, 1]} : vector<32x32768xf32> to vector<32x512xf32>
    %slice3A_309 = vector.extract_strided_slice %slice3A_308 {offsets = [0, 0], sizes = [32, 128], strides = [1, 1]} : vector<32x512xf32> to vector<32x128xf32>
    %slice3A_310 = vector.extract_strided_slice %slice3A_308 {offsets = [0, 128], sizes = [32, 128], strides = [1, 1]} : vector<32x512xf32> to vector<32x128xf32>
    %slice3A_311 = vector.extract_strided_slice %slice3A_308 {offsets = [0, 256], sizes = [32, 128], strides = [1, 1]} : vector<32x512xf32> to vector<32x128xf32>
    %slice3A_312 = vector.extract_strided_slice %slice3A_308 {offsets = [0, 384], sizes = [32, 128], strides = [1, 1]} : vector<32x512xf32> to vector<32x128xf32>
    %concatenate3A_313 = tpu.concatenate %slice3A_309, %slice3A_310, %slice3A_311, %slice3A_312 in 0 : vector<32x128xf32>, vector<32x128xf32>, vector<32x128xf32>, vector<32x128xf32> -> vector<128x128xf32>
    %transpose3A_314 = tpu.transpose %concatenate3A_313, [1, 0] : vector<128x128xf32> -> vector<128x128xf32>
    %swap3A_315 = arith.constant 3968 : index
    %swap3A_316 = arith.constant 0 : index
    %swap3A_317 = vector.load %arg2[%swap3A_315, %swap3A_316] : memref<8192x128xf32, #tpu.memory_space<vmem>>, vector<128x128xf32>
    tpu.vector_store %arg2[%swap3A_315, %swap3A_316], %transpose3A_314 {strides = array<i32>} : memref<8192x128xf32, #tpu.memory_space<vmem>>, vector<128x128xf32>,
    %slice3A_318 = vector.extract_strided_slice %get3A_1 {offsets = [0, 16384], sizes = [32, 512], strides = [1, 1]} : vector<32x32768xf32> to vector<32x512xf32>
    %slice3A_319 = vector.extract_strided_slice %slice3A_318 {offsets = [0, 0], sizes = [32, 128], strides = [1, 1]} : vector<32x512xf32> to vector<32x128xf32>
    %slice3A_320 = vector.extract_strided_slice %slice3A_318 {offsets = [0, 128], sizes = [32, 128], strides = [1, 1]} : vector<32x512xf32> to vector<32x128xf32>
    %slice3A_321 = vector.extract_strided_slice %slice3A_318 {offsets = [0, 256], sizes = [32, 128], strides = [1, 1]} : vector<32x512xf32> to vector<32x128xf32>
    %slice3A_322 = vector.extract_strided_slice %slice3A_318 {offsets = [0, 384], sizes = [32, 128], strides = [1, 1]} : vector<32x512xf32> to vector<32x128xf32>
    %concatenate3A_323 = tpu.concatenate %slice3A_319, %slice3A_320, %slice3A_321, %slice3A_322 in 0 : vector<32x128xf32>, vector<32x128xf32>, vector<32x128xf32>, vector<32x128xf32> -> vector<128x128xf32>
    %transpose3A_324 = tpu.transpose %concatenate3A_323, [1, 0] : vector<128x128xf32> -> vector<128x128xf32>
    %swap3A_325 = arith.constant 4096 : index
    %swap3A_326 = arith.constant 0 : index
    %swap3A_327 = vector.load %arg2[%swap3A_325, %swap3A_326] : memref<8192x128xf32, #tpu.memory_space<vmem>>, vector<128x128xf32>
    tpu.vector_store %arg2[%swap3A_325, %swap3A_326], %transpose3A_324 {strides = array<i32>} : memref<8192x128xf32, #tpu.memory_space<vmem>>, vector<128x128xf32>,
    %slice3A_328 = vector.extract_strided_slice %get3A_1 {offsets = [0, 16896], sizes = [32, 512], strides = [1, 1]} : vector<32x32768xf32> to vector<32x512xf32>
    %slice3A_329 = vector.extract_strided_slice %slice3A_328 {offsets = [0, 0], sizes = [32, 128], strides = [1, 1]} : vector<32x512xf32> to vector<32x128xf32>
    %slice3A_330 = vector.extract_strided_slice %slice3A_328 {offsets = [0, 128], sizes = [32, 128], strides = [1, 1]} : vector<32x512xf32> to vector<32x128xf32>
    %slice3A_331 = vector.extract_strided_slice %slice3A_328 {offsets = [0, 256], sizes = [32, 128], strides = [1, 1]} : vector<32x512xf32> to vector<32x128xf32>
    %slice3A_332 = vector.extract_strided_slice %slice3A_328 {offsets = [0, 384], sizes = [32, 128], strides = [1, 1]} : vector<32x512xf32> to vector<32x128xf32>
    %concatenate3A_333 = tpu.concatenate %slice3A_329, %slice3A_330, %slice3A_331, %slice3A_332 in 0 : vector<32x128xf32>, vector<32x128xf32>, vector<32x128xf32>, vector<32x128xf32> -> vector<128x128xf32>
    %transpose3A_334 = tpu.transpose %concatenate3A_333, [1, 0] : vector<128x128xf32> -> vector<128x128xf32>
    %swap3A_335 = arith.constant 4224 : index
    %swap3A_336 = arith.constant 0 : index
    %swap3A_337 = vector.load %arg2[%swap3A_335, %swap3A_336] : memref<8192x128xf32, #tpu.memory_space<vmem>>, vector<128x128xf32>
    tpu.vector_store %arg2[%swap3A_335, %swap3A_336], %transpose3A_334 {strides = array<i32>} : memref<8192x128xf32, #tpu.memory_space<vmem>>, vector<128x128xf32>,
    %slice3A_338 = vector.extract_strided_slice %get3A_1 {offsets = [0, 17408], sizes = [32, 512], strides = [1, 1]} : vector<32x32768xf32> to vector<32x512xf32>
    %slice3A_339 = vector.extract_strided_slice %slice3A_338 {offsets = [0, 0], sizes = [32, 128], strides = [1, 1]} : vector<32x512xf32> to vector<32x128xf32>
    %slice3A_340 = vector.extract_strided_slice %slice3A_338 {offsets = [0, 128], sizes = [32, 128], strides = [1, 1]} : vector<32x512xf32> to vector<32x128xf32>
    %slice3A_341 = vector.extract_strided_slice %slice3A_338 {offsets = [0, 256], sizes = [32, 128], strides = [1, 1]} : vector<32x512xf32> to vector<32x128xf32>
    %slice3A_342 = vector.extract_strided_slice %slice3A_338 {offsets = [0, 384], sizes = [32, 128], strides = [1, 1]} : vector<32x512xf32> to vector<32x128xf32>
    %concatenate3A_343 = tpu.concatenate %slice3A_339, %slice3A_340, %slice3A_341, %slice3A_342 in 0 : vector<32x128xf32>, vector<32x128xf32>, vector<32x128xf32>, vector<32x128xf32> -> vector<128x128xf32>
    %transpose3A_344 = tpu.transpose %concatenate3A_343, [1, 0] : vector<128x128xf32> -> vector<128x128xf32>
    %swap3A_345 = arith.constant 4352 : index
    %swap3A_346 = arith.constant 0 : index
    %swap3A_347 = vector.load %arg2[%swap3A_345, %swap3A_346] : memref<8192x128xf32, #tpu.memory_space<vmem>>, vector<128x128xf32>
    tpu.vector_store %arg2[%swap3A_345, %swap3A_346], %transpose3A_344 {strides = array<i32>} : memref<8192x128xf32, #tpu.memory_space<vmem>>, vector<128x128xf32>,
    %slice3A_348 = vector.extract_strided_slice %get3A_1 {offsets = [0, 17920], sizes = [32, 512], strides = [1, 1]} : vector<32x32768xf32> to vector<32x512xf32>
    %slice3A_349 = vector.extract_strided_slice %slice3A_348 {offsets = [0, 0], sizes = [32, 128], strides = [1, 1]} : vector<32x512xf32> to vector<32x128xf32>
    %slice3A_350 = vector.extract_strided_slice %slice3A_348 {offsets = [0, 128], sizes = [32, 128], strides = [1, 1]} : vector<32x512xf32> to vector<32x128xf32>
    %slice3A_351 = vector.extract_strided_slice %slice3A_348 {offsets = [0, 256], sizes = [32, 128], strides = [1, 1]} : vector<32x512xf32> to vector<32x128xf32>
    %slice3A_352 = vector.extract_strided_slice %slice3A_348 {offsets = [0, 384], sizes = [32, 128], strides = [1, 1]} : vector<32x512xf32> to vector<32x128xf32>
    %concatenate3A_353 = tpu.concatenate %slice3A_349, %slice3A_350, %slice3A_351, %slice3A_352 in 0 : vector<32x128xf32>, vector<32x128xf32>, vector<32x128xf32>, vector<32x128xf32> -> vector<128x128xf32>
    %transpose3A_354 = tpu.transpose %concatenate3A_353, [1, 0] : vector<128x128xf32> -> vector<128x128xf32>
    %swap3A_355 = arith.constant 4480 : index
    %swap3A_356 = arith.constant 0 : index
    %swap3A_357 = vector.load %arg2[%swap3A_355, %swap3A_356] : memref<8192x128xf32, #tpu.memory_space<vmem>>, vector<128x128xf32>
    tpu.vector_store %arg2[%swap3A_355, %swap3A_356], %transpose3A_354 {strides = array<i32>} : memref<8192x128xf32, #tpu.memory_space<vmem>>, vector<128x128xf32>,
    %slice3A_358 = vector.extract_strided_slice %get3A_1 {offsets = [0, 18432], sizes = [32, 512], strides = [1, 1]} : vector<32x32768xf32> to vector<32x512xf32>
    %slice3A_359 = vector.extract_strided_slice %slice3A_358 {offsets = [0, 0], sizes = [32, 128], strides = [1, 1]} : vector<32x512xf32> to vector<32x128xf32>
    %slice3A_360 = vector.extract_strided_slice %slice3A_358 {offsets = [0, 128], sizes = [32, 128], strides = [1, 1]} : vector<32x512xf32> to vector<32x128xf32>
    %slice3A_361 = vector.extract_strided_slice %slice3A_358 {offsets = [0, 256], sizes = [32, 128], strides = [1, 1]} : vector<32x512xf32> to vector<32x128xf32>
    %slice3A_362 = vector.extract_strided_slice %slice3A_358 {offsets = [0, 384], sizes = [32, 128], strides = [1, 1]} : vector<32x512xf32> to vector<32x128xf32>
    %concatenate3A_363 = tpu.concatenate %slice3A_359, %slice3A_360, %slice3A_361, %slice3A_362 in 0 : vector<32x128xf32>, vector<32x128xf32>, vector<32x128xf32>, vector<32x128xf32> -> vector<128x128xf32>
    %transpose3A_364 = tpu.transpose %concatenate3A_363, [1, 0] : vector<128x128xf32> -> vector<128x128xf32>
    %swap3A_365 = arith.constant 4608 : index
    %swap3A_366 = arith.constant 0 : index
    %swap3A_367 = vector.load %arg2[%swap3A_365, %swap3A_366] : memref<8192x128xf32, #tpu.memory_space<vmem>>, vector<128x128xf32>
    tpu.vector_store %arg2[%swap3A_365, %swap3A_366], %transpose3A_364 {strides = array<i32>} : memref<8192x128xf32, #tpu.memory_space<vmem>>, vector<128x128xf32>,
    %slice3A_368 = vector.extract_strided_slice %get3A_1 {offsets = [0, 18944], sizes = [32, 512], strides = [1, 1]} : vector<32x32768xf32> to vector<32x512xf32>
    %slice3A_369 = vector.extract_strided_slice %slice3A_368 {offsets = [0, 0], sizes = [32, 128], strides = [1, 1]} : vector<32x512xf32> to vector<32x128xf32>
    %slice3A_370 = vector.extract_strided_slice %slice3A_368 {offsets = [0, 128], sizes = [32, 128], strides = [1, 1]} : vector<32x512xf32> to vector<32x128xf32>
    %slice3A_371 = vector.extract_strided_slice %slice3A_368 {offsets = [0, 256], sizes = [32, 128], strides = [1, 1]} : vector<32x512xf32> to vector<32x128xf32>
    %slice3A_372 = vector.extract_strided_slice %slice3A_368 {offsets = [0, 384], sizes = [32, 128], strides = [1, 1]} : vector<32x512xf32> to vector<32x128xf32>
    %concatenate3A_373 = tpu.concatenate %slice3A_369, %slice3A_370, %slice3A_371, %slice3A_372 in 0 : vector<32x128xf32>, vector<32x128xf32>, vector<32x128xf32>, vector<32x128xf32> -> vector<128x128xf32>
    %transpose3A_374 = tpu.transpose %concatenate3A_373, [1, 0] : vector<128x128xf32> -> vector<128x128xf32>
    %swap3A_375 = arith.constant 4736 : index
    %swap3A_376 = arith.constant 0 : index
    %swap3A_377 = vector.load %arg2[%swap3A_375, %swap3A_376] : memref<8192x128xf32, #tpu.memory_space<vmem>>, vector<128x128xf32>
    tpu.vector_store %arg2[%swap3A_375, %swap3A_376], %transpose3A_374 {strides = array<i32>} : memref<8192x128xf32, #tpu.memory_space<vmem>>, vector<128x128xf32>,
    %slice3A_378 = vector.extract_strided_slice %get3A_1 {offsets = [0, 19456], sizes = [32, 512], strides = [1, 1]} : vector<32x32768xf32> to vector<32x512xf32>
    %slice3A_379 = vector.extract_strided_slice %slice3A_378 {offsets = [0, 0], sizes = [32, 128], strides = [1, 1]} : vector<32x512xf32> to vector<32x128xf32>
    %slice3A_380 = vector.extract_strided_slice %slice3A_378 {offsets = [0, 128], sizes = [32, 128], strides = [1, 1]} : vector<32x512xf32> to vector<32x128xf32>
    %slice3A_381 = vector.extract_strided_slice %slice3A_378 {offsets = [0, 256], sizes = [32, 128], strides = [1, 1]} : vector<32x512xf32> to vector<32x128xf32>
    %slice3A_382 = vector.extract_strided_slice %slice3A_378 {offsets = [0, 384], sizes = [32, 128], strides = [1, 1]} : vector<32x512xf32> to vector<32x128xf32>
    %concatenate3A_383 = tpu.concatenate %slice3A_379, %slice3A_380, %slice3A_381, %slice3A_382 in 0 : vector<32x128xf32>, vector<32x128xf32>, vector<32x128xf32>, vector<32x128xf32> -> vector<128x128xf32>
    %transpose3A_384 = tpu.transpose %concatenate3A_383, [1, 0] : vector<128x128xf32> -> vector<128x128xf32>
    %swap3A_385 = arith.constant 4864 : index
    %swap3A_386 = arith.constant 0 : index
    %swap3A_387 = vector.load %arg2[%swap3A_385, %swap3A_386] : memref<8192x128xf32, #tpu.memory_space<vmem>>, vector<128x128xf32>
    tpu.vector_store %arg2[%swap3A_385, %swap3A_386], %transpose3A_384 {strides = array<i32>} : memref<8192x128xf32, #tpu.memory_space<vmem>>, vector<128x128xf32>,
    %slice3A_388 = vector.extract_strided_slice %get3A_1 {offsets = [0, 19968], sizes = [32, 512], strides = [1, 1]} : vector<32x32768xf32> to vector<32x512xf32>
    %slice3A_389 = vector.extract_strided_slice %slice3A_388 {offsets = [0, 0], sizes = [32, 128], strides = [1, 1]} : vector<32x512xf32> to vector<32x128xf32>
    %slice3A_390 = vector.extract_strided_slice %slice3A_388 {offsets = [0, 128], sizes = [32, 128], strides = [1, 1]} : vector<32x512xf32> to vector<32x128xf32>
    %slice3A_391 = vector.extract_strided_slice %slice3A_388 {offsets = [0, 256], sizes = [32, 128], strides = [1, 1]} : vector<32x512xf32> to vector<32x128xf32>
    %slice3A_392 = vector.extract_strided_slice %slice3A_388 {offsets = [0, 384], sizes = [32, 128], strides = [1, 1]} : vector<32x512xf32> to vector<32x128xf32>
    %concatenate3A_393 = tpu.concatenate %slice3A_389, %slice3A_390, %slice3A_391, %slice3A_392 in 0 : vector<32x128xf32>, vector<32x128xf32>, vector<32x128xf32>, vector<32x128xf32> -> vector<128x128xf32>
    %transpose3A_394 = tpu.transpose %concatenate3A_393, [1, 0] : vector<128x128xf32> -> vector<128x128xf32>
    %swap3A_395 = arith.constant 4992 : index
    %swap3A_396 = arith.constant 0 : index
    %swap3A_397 = vector.load %arg2[%swap3A_395, %swap3A_396] : memref<8192x128xf32, #tpu.memory_space<vmem>>, vector<128x128xf32>
    tpu.vector_store %arg2[%swap3A_395, %swap3A_396], %transpose3A_394 {strides = array<i32>} : memref<8192x128xf32, #tpu.memory_space<vmem>>, vector<128x128xf32>,
    %slice3A_398 = vector.extract_strided_slice %get3A_1 {offsets = [0, 20480], sizes = [32, 512], strides = [1, 1]} : vector<32x32768xf32> to vector<32x512xf32>
    %slice3A_399 = vector.extract_strided_slice %slice3A_398 {offsets = [0, 0], sizes = [32, 128], strides = [1, 1]} : vector<32x512xf32> to vector<32x128xf32>
    %slice3A_400 = vector.extract_strided_slice %slice3A_398 {offsets = [0, 128], sizes = [32, 128], strides = [1, 1]} : vector<32x512xf32> to vector<32x128xf32>
    %slice3A_401 = vector.extract_strided_slice %slice3A_398 {offsets = [0, 256], sizes = [32, 128], strides = [1, 1]} : vector<32x512xf32> to vector<32x128xf32>
    %slice3A_402 = vector.extract_strided_slice %slice3A_398 {offsets = [0, 384], sizes = [32, 128], strides = [1, 1]} : vector<32x512xf32> to vector<32x128xf32>
    %concatenate3A_403 = tpu.concatenate %slice3A_399, %slice3A_400, %slice3A_401, %slice3A_402 in 0 : vector<32x128xf32>, vector<32x128xf32>, vector<32x128xf32>, vector<32x128xf32> -> vector<128x128xf32>
    %transpose3A_404 = tpu.transpose %concatenate3A_403, [1, 0] : vector<128x128xf32> -> vector<128x128xf32>
    %swap3A_405 = arith.constant 5120 : index
    %swap3A_406 = arith.constant 0 : index
    %swap3A_407 = vector.load %arg2[%swap3A_405, %swap3A_406] : memref<8192x128xf32, #tpu.memory_space<vmem>>, vector<128x128xf32>
    tpu.vector_store %arg2[%swap3A_405, %swap3A_406], %transpose3A_404 {strides = array<i32>} : memref<8192x128xf32, #tpu.memory_space<vmem>>, vector<128x128xf32>,
    %slice3A_408 = vector.extract_strided_slice %get3A_1 {offsets = [0, 20992], sizes = [32, 512], strides = [1, 1]} : vector<32x32768xf32> to vector<32x512xf32>
    %slice3A_409 = vector.extract_strided_slice %slice3A_408 {offsets = [0, 0], sizes = [32, 128], strides = [1, 1]} : vector<32x512xf32> to vector<32x128xf32>
    %slice3A_410 = vector.extract_strided_slice %slice3A_408 {offsets = [0, 128], sizes = [32, 128], strides = [1, 1]} : vector<32x512xf32> to vector<32x128xf32>
    %slice3A_411 = vector.extract_strided_slice %slice3A_408 {offsets = [0, 256], sizes = [32, 128], strides = [1, 1]} : vector<32x512xf32> to vector<32x128xf32>
    %slice3A_412 = vector.extract_strided_slice %slice3A_408 {offsets = [0, 384], sizes = [32, 128], strides = [1, 1]} : vector<32x512xf32> to vector<32x128xf32>
    %concatenate3A_413 = tpu.concatenate %slice3A_409, %slice3A_410, %slice3A_411, %slice3A_412 in 0 : vector<32x128xf32>, vector<32x128xf32>, vector<32x128xf32>, vector<32x128xf32> -> vector<128x128xf32>
    %transpose3A_414 = tpu.transpose %concatenate3A_413, [1, 0] : vector<128x128xf32> -> vector<128x128xf32>
    %swap3A_415 = arith.constant 5248 : index
    %swap3A_416 = arith.constant 0 : index
    %swap3A_417 = vector.load %arg2[%swap3A_415, %swap3A_416] : memref<8192x128xf32, #tpu.memory_space<vmem>>, vector<128x128xf32>
    tpu.vector_store %arg2[%swap3A_415, %swap3A_416], %transpose3A_414 {strides = array<i32>} : memref<8192x128xf32, #tpu.memory_space<vmem>>, vector<128x128xf32>,
    %slice3A_418 = vector.extract_strided_slice %get3A_1 {offsets = [0, 21504], sizes = [32, 512], strides = [1, 1]} : vector<32x32768xf32> to vector<32x512xf32>
    %slice3A_419 = vector.extract_strided_slice %slice3A_418 {offsets = [0, 0], sizes = [32, 128], strides = [1, 1]} : vector<32x512xf32> to vector<32x128xf32>
    %slice3A_420 = vector.extract_strided_slice %slice3A_418 {offsets = [0, 128], sizes = [32, 128], strides = [1, 1]} : vector<32x512xf32> to vector<32x128xf32>
    %slice3A_421 = vector.extract_strided_slice %slice3A_418 {offsets = [0, 256], sizes = [32, 128], strides = [1, 1]} : vector<32x512xf32> to vector<32x128xf32>
    %slice3A_422 = vector.extract_strided_slice %slice3A_418 {offsets = [0, 384], sizes = [32, 128], strides = [1, 1]} : vector<32x512xf32> to vector<32x128xf32>
    %concatenate3A_423 = tpu.concatenate %slice3A_419, %slice3A_420, %slice3A_421, %slice3A_422 in 0 : vector<32x128xf32>, vector<32x128xf32>, vector<32x128xf32>, vector<32x128xf32> -> vector<128x128xf32>
    %transpose3A_424 = tpu.transpose %concatenate3A_423, [1, 0] : vector<128x128xf32> -> vector<128x128xf32>
    %swap3A_425 = arith.constant 5376 : index
    %swap3A_426 = arith.constant 0 : index
    %swap3A_427 = vector.load %arg2[%swap3A_425, %swap3A_426] : memref<8192x128xf32, #tpu.memory_space<vmem>>, vector<128x128xf32>
    tpu.vector_store %arg2[%swap3A_425, %swap3A_426], %transpose3A_424 {strides = array<i32>} : memref<8192x128xf32, #tpu.memory_space<vmem>>, vector<128x128xf32>,
    %slice3A_428 = vector.extract_strided_slice %get3A_1 {offsets = [0, 22016], sizes = [32, 512], strides = [1, 1]} : vector<32x32768xf32> to vector<32x512xf32>
    %slice3A_429 = vector.extract_strided_slice %slice3A_428 {offsets = [0, 0], sizes = [32, 128], strides = [1, 1]} : vector<32x512xf32> to vector<32x128xf32>
    %slice3A_430 = vector.extract_strided_slice %slice3A_428 {offsets = [0, 128], sizes = [32, 128], strides = [1, 1]} : vector<32x512xf32> to vector<32x128xf32>
    %slice3A_431 = vector.extract_strided_slice %slice3A_428 {offsets = [0, 256], sizes = [32, 128], strides = [1, 1]} : vector<32x512xf32> to vector<32x128xf32>
    %slice3A_432 = vector.extract_strided_slice %slice3A_428 {offsets = [0, 384], sizes = [32, 128], strides = [1, 1]} : vector<32x512xf32> to vector<32x128xf32>
    %concatenate3A_433 = tpu.concatenate %slice3A_429, %slice3A_430, %slice3A_431, %slice3A_432 in 0 : vector<32x128xf32>, vector<32x128xf32>, vector<32x128xf32>, vector<32x128xf32> -> vector<128x128xf32>
    %transpose3A_434 = tpu.transpose %concatenate3A_433, [1, 0] : vector<128x128xf32> -> vector<128x128xf32>
    %swap3A_435 = arith.constant 5504 : index
    %swap3A_436 = arith.constant 0 : index
    %swap3A_437 = vector.load %arg2[%swap3A_435, %swap3A_436] : memref<8192x128xf32, #tpu.memory_space<vmem>>, vector<128x128xf32>
    tpu.vector_store %arg2[%swap3A_435, %swap3A_436], %transpose3A_434 {strides = array<i32>} : memref<8192x128xf32, #tpu.memory_space<vmem>>, vector<128x128xf32>,
    %slice3A_438 = vector.extract_strided_slice %get3A_1 {offsets = [0, 22528], sizes = [32, 512], strides = [1, 1]} : vector<32x32768xf32> to vector<32x512xf32>
    %slice3A_439 = vector.extract_strided_slice %slice3A_438 {offsets = [0, 0], sizes = [32, 128], strides = [1, 1]} : vector<32x512xf32> to vector<32x128xf32>
    %slice3A_440 = vector.extract_strided_slice %slice3A_438 {offsets = [0, 128], sizes = [32, 128], strides = [1, 1]} : vector<32x512xf32> to vector<32x128xf32>
    %slice3A_441 = vector.extract_strided_slice %slice3A_438 {offsets = [0, 256], sizes = [32, 128], strides = [1, 1]} : vector<32x512xf32> to vector<32x128xf32>
    %slice3A_442 = vector.extract_strided_slice %slice3A_438 {offsets = [0, 384], sizes = [32, 128], strides = [1, 1]} : vector<32x512xf32> to vector<32x128xf32>
    %concatenate3A_443 = tpu.concatenate %slice3A_439, %slice3A_440, %slice3A_441, %slice3A_442 in 0 : vector<32x128xf32>, vector<32x128xf32>, vector<32x128xf32>, vector<32x128xf32> -> vector<128x128xf32>
    %transpose3A_444 = tpu.transpose %concatenate3A_443, [1, 0] : vector<128x128xf32> -> vector<128x128xf32>
    %swap3A_445 = arith.constant 5632 : index
    %swap3A_446 = arith.constant 0 : index
    %swap3A_447 = vector.load %arg2[%swap3A_445, %swap3A_446] : memref<8192x128xf32, #tpu.memory_space<vmem>>, vector<128x128xf32>
    tpu.vector_store %arg2[%swap3A_445, %swap3A_446], %transpose3A_444 {strides = array<i32>} : memref<8192x128xf32, #tpu.memory_space<vmem>>, vector<128x128xf32>,
    %slice3A_448 = vector.extract_strided_slice %get3A_1 {offsets = [0, 23040], sizes = [32, 512], strides = [1, 1]} : vector<32x32768xf32> to vector<32x512xf32>
    %slice3A_449 = vector.extract_strided_slice %slice3A_448 {offsets = [0, 0], sizes = [32, 128], strides = [1, 1]} : vector<32x512xf32> to vector<32x128xf32>
    %slice3A_450 = vector.extract_strided_slice %slice3A_448 {offsets = [0, 128], sizes = [32, 128], strides = [1, 1]} : vector<32x512xf32> to vector<32x128xf32>
    %slice3A_451 = vector.extract_strided_slice %slice3A_448 {offsets = [0, 256], sizes = [32, 128], strides = [1, 1]} : vector<32x512xf32> to vector<32x128xf32>
    %slice3A_452 = vector.extract_strided_slice %slice3A_448 {offsets = [0, 384], sizes = [32, 128], strides = [1, 1]} : vector<32x512xf32> to vector<32x128xf32>
    %concatenate3A_453 = tpu.concatenate %slice3A_449, %slice3A_450, %slice3A_451, %slice3A_452 in 0 : vector<32x128xf32>, vector<32x128xf32>, vector<32x128xf32>, vector<32x128xf32> -> vector<128x128xf32>
    %transpose3A_454 = tpu.transpose %concatenate3A_453, [1, 0] : vector<128x128xf32> -> vector<128x128xf32>
    %swap3A_455 = arith.constant 5760 : index
    %swap3A_456 = arith.constant 0 : index
    %swap3A_457 = vector.load %arg2[%swap3A_455, %swap3A_456] : memref<8192x128xf32, #tpu.memory_space<vmem>>, vector<128x128xf32>
    tpu.vector_store %arg2[%swap3A_455, %swap3A_456], %transpose3A_454 {strides = array<i32>} : memref<8192x128xf32, #tpu.memory_space<vmem>>, vector<128x128xf32>,
    %slice3A_458 = vector.extract_strided_slice %get3A_1 {offsets = [0, 23552], sizes = [32, 512], strides = [1, 1]} : vector<32x32768xf32> to vector<32x512xf32>
    %slice3A_459 = vector.extract_strided_slice %slice3A_458 {offsets = [0, 0], sizes = [32, 128], strides = [1, 1]} : vector<32x512xf32> to vector<32x128xf32>
    %slice3A_460 = vector.extract_strided_slice %slice3A_458 {offsets = [0, 128], sizes = [32, 128], strides = [1, 1]} : vector<32x512xf32> to vector<32x128xf32>
    %slice3A_461 = vector.extract_strided_slice %slice3A_458 {offsets = [0, 256], sizes = [32, 128], strides = [1, 1]} : vector<32x512xf32> to vector<32x128xf32>
    %slice3A_462 = vector.extract_strided_slice %slice3A_458 {offsets = [0, 384], sizes = [32, 128], strides = [1, 1]} : vector<32x512xf32> to vector<32x128xf32>
    %concatenate3A_463 = tpu.concatenate %slice3A_459, %slice3A_460, %slice3A_461, %slice3A_462 in 0 : vector<32x128xf32>, vector<32x128xf32>, vector<32x128xf32>, vector<32x128xf32> -> vector<128x128xf32>
    %transpose3A_464 = tpu.transpose %concatenate3A_463, [1, 0] : vector<128x128xf32> -> vector<128x128xf32>
    %swap3A_465 = arith.constant 5888 : index
    %swap3A_466 = arith.constant 0 : index
    %swap3A_467 = vector.load %arg2[%swap3A_465, %swap3A_466] : memref<8192x128xf32, #tpu.memory_space<vmem>>, vector<128x128xf32>
    tpu.vector_store %arg2[%swap3A_465, %swap3A_466], %transpose3A_464 {strides = array<i32>} : memref<8192x128xf32, #tpu.memory_space<vmem>>, vector<128x128xf32>,
    %slice3A_468 = vector.extract_strided_slice %get3A_1 {offsets = [0, 24064], sizes = [32, 512], strides = [1, 1]} : vector<32x32768xf32> to vector<32x512xf32>
    %slice3A_469 = vector.extract_strided_slice %slice3A_468 {offsets = [0, 0], sizes = [32, 128], strides = [1, 1]} : vector<32x512xf32> to vector<32x128xf32>
    %slice3A_470 = vector.extract_strided_slice %slice3A_468 {offsets = [0, 128], sizes = [32, 128], strides = [1, 1]} : vector<32x512xf32> to vector<32x128xf32>
    %slice3A_471 = vector.extract_strided_slice %slice3A_468 {offsets = [0, 256], sizes = [32, 128], strides = [1, 1]} : vector<32x512xf32> to vector<32x128xf32>
    %slice3A_472 = vector.extract_strided_slice %slice3A_468 {offsets = [0, 384], sizes = [32, 128], strides = [1, 1]} : vector<32x512xf32> to vector<32x128xf32>
    %concatenate3A_473 = tpu.concatenate %slice3A_469, %slice3A_470, %slice3A_471, %slice3A_472 in 0 : vector<32x128xf32>, vector<32x128xf32>, vector<32x128xf32>, vector<32x128xf32> -> vector<128x128xf32>
    %transpose3A_474 = tpu.transpose %concatenate3A_473, [1, 0] : vector<128x128xf32> -> vector<128x128xf32>
    %swap3A_475 = arith.constant 6016 : index
    %swap3A_476 = arith.constant 0 : index
    %swap3A_477 = vector.load %arg2[%swap3A_475, %swap3A_476] : memref<8192x128xf32, #tpu.memory_space<vmem>>, vector<128x128xf32>
    tpu.vector_store %arg2[%swap3A_475, %swap3A_476], %transpose3A_474 {strides = array<i32>} : memref<8192x128xf32, #tpu.memory_space<vmem>>, vector<128x128xf32>,
    %slice3A_478 = vector.extract_strided_slice %get3A_1 {offsets = [0, 24576], sizes = [32, 512], strides = [1, 1]} : vector<32x32768xf32> to vector<32x512xf32>
    %slice3A_479 = vector.extract_strided_slice %slice3A_478 {offsets = [0, 0], sizes = [32, 128], strides = [1, 1]} : vector<32x512xf32> to vector<32x128xf32>
    %slice3A_480 = vector.extract_strided_slice %slice3A_478 {offsets = [0, 128], sizes = [32, 128], strides = [1, 1]} : vector<32x512xf32> to vector<32x128xf32>
    %slice3A_481 = vector.extract_strided_slice %slice3A_478 {offsets = [0, 256], sizes = [32, 128], strides = [1, 1]} : vector<32x512xf32> to vector<32x128xf32>
    %slice3A_482 = vector.extract_strided_slice %slice3A_478 {offsets = [0, 384], sizes = [32, 128], strides = [1, 1]} : vector<32x512xf32> to vector<32x128xf32>
    %concatenate3A_483 = tpu.concatenate %slice3A_479, %slice3A_480, %slice3A_481, %slice3A_482 in 0 : vector<32x128xf32>, vector<32x128xf32>, vector<32x128xf32>, vector<32x128xf32> -> vector<128x128xf32>
    %transpose3A_484 = tpu.transpose %concatenate3A_483, [1, 0] : vector<128x128xf32> -> vector<128x128xf32>
    %swap3A_485 = arith.constant 6144 : index
    %swap3A_486 = arith.constant 0 : index
    %swap3A_487 = vector.load %arg2[%swap3A_485, %swap3A_486] : memref<8192x128xf32, #tpu.memory_space<vmem>>, vector<128x128xf32>
    tpu.vector_store %arg2[%swap3A_485, %swap3A_486], %transpose3A_484 {strides = array<i32>} : memref<8192x128xf32, #tpu.memory_space<vmem>>, vector<128x128xf32>,
    %slice3A_488 = vector.extract_strided_slice %get3A_1 {offsets = [0, 25088], sizes = [32, 512], strides = [1, 1]} : vector<32x32768xf32> to vector<32x512xf32>
    %slice3A_489 = vector.extract_strided_slice %slice3A_488 {offsets = [0, 0], sizes = [32, 128], strides = [1, 1]} : vector<32x512xf32> to vector<32x128xf32>
    %slice3A_490 = vector.extract_strided_slice %slice3A_488 {offsets = [0, 128], sizes = [32, 128], strides = [1, 1]} : vector<32x512xf32> to vector<32x128xf32>
    %slice3A_491 = vector.extract_strided_slice %slice3A_488 {offsets = [0, 256], sizes = [32, 128], strides = [1, 1]} : vector<32x512xf32> to vector<32x128xf32>
    %slice3A_492 = vector.extract_strided_slice %slice3A_488 {offsets = [0, 384], sizes = [32, 128], strides = [1, 1]} : vector<32x512xf32> to vector<32x128xf32>
    %concatenate3A_493 = tpu.concatenate %slice3A_489, %slice3A_490, %slice3A_491, %slice3A_492 in 0 : vector<32x128xf32>, vector<32x128xf32>, vector<32x128xf32>, vector<32x128xf32> -> vector<128x128xf32>
    %transpose3A_494 = tpu.transpose %concatenate3A_493, [1, 0] : vector<128x128xf32> -> vector<128x128xf32>
    %swap3A_495 = arith.constant 6272 : index
    %swap3A_496 = arith.constant 0 : index
    %swap3A_497 = vector.load %arg2[%swap3A_495, %swap3A_496] : memref<8192x128xf32, #tpu.memory_space<vmem>>, vector<128x128xf32>
    tpu.vector_store %arg2[%swap3A_495, %swap3A_496], %transpose3A_494 {strides = array<i32>} : memref<8192x128xf32, #tpu.memory_space<vmem>>, vector<128x128xf32>,
    %slice3A_498 = vector.extract_strided_slice %get3A_1 {offsets = [0, 25600], sizes = [32, 512], strides = [1, 1]} : vector<32x32768xf32> to vector<32x512xf32>
    %slice3A_499 = vector.extract_strided_slice %slice3A_498 {offsets = [0, 0], sizes = [32, 128], strides = [1, 1]} : vector<32x512xf32> to vector<32x128xf32>
    %slice3A_500 = vector.extract_strided_slice %slice3A_498 {offsets = [0, 128], sizes = [32, 128], strides = [1, 1]} : vector<32x512xf32> to vector<32x128xf32>
    %slice3A_501 = vector.extract_strided_slice %slice3A_498 {offsets = [0, 256], sizes = [32, 128], strides = [1, 1]} : vector<32x512xf32> to vector<32x128xf32>
    %slice3A_502 = vector.extract_strided_slice %slice3A_498 {offsets = [0, 384], sizes = [32, 128], strides = [1, 1]} : vector<32x512xf32> to vector<32x128xf32>
    %concatenate3A_503 = tpu.concatenate %slice3A_499, %slice3A_500, %slice3A_501, %slice3A_502 in 0 : vector<32x128xf32>, vector<32x128xf32>, vector<32x128xf32>, vector<32x128xf32> -> vector<128x128xf32>
    %transpose3A_504 = tpu.transpose %concatenate3A_503, [1, 0] : vector<128x128xf32> -> vector<128x128xf32>
    %swap3A_505 = arith.constant 6400 : index
    %swap3A_506 = arith.constant 0 : index
    %swap3A_507 = vector.load %arg2[%swap3A_505, %swap3A_506] : memref<8192x128xf32, #tpu.memory_space<vmem>>, vector<128x128xf32>
    tpu.vector_store %arg2[%swap3A_505, %swap3A_506], %transpose3A_504 {strides = array<i32>} : memref<8192x128xf32, #tpu.memory_space<vmem>>, vector<128x128xf32>,
    %slice3A_508 = vector.extract_strided_slice %get3A_1 {offsets = [0, 26112], sizes = [32, 512], strides = [1, 1]} : vector<32x32768xf32> to vector<32x512xf32>
    %slice3A_509 = vector.extract_strided_slice %slice3A_508 {offsets = [0, 0], sizes = [32, 128], strides = [1, 1]} : vector<32x512xf32> to vector<32x128xf32>
    %slice3A_510 = vector.extract_strided_slice %slice3A_508 {offsets = [0, 128], sizes = [32, 128], strides = [1, 1]} : vector<32x512xf32> to vector<32x128xf32>
    %slice3A_511 = vector.extract_strided_slice %slice3A_508 {offsets = [0, 256], sizes = [32, 128], strides = [1, 1]} : vector<32x512xf32> to vector<32x128xf32>
    %slice3A_512 = vector.extract_strided_slice %slice3A_508 {offsets = [0, 384], sizes = [32, 128], strides = [1, 1]} : vector<32x512xf32> to vector<32x128xf32>
    %concatenate3A_513 = tpu.concatenate %slice3A_509, %slice3A_510, %slice3A_511, %slice3A_512 in 0 : vector<32x128xf32>, vector<32x128xf32>, vector<32x128xf32>, vector<32x128xf32> -> vector<128x128xf32>
    %transpose3A_514 = tpu.transpose %concatenate3A_513, [1, 0] : vector<128x128xf32> -> vector<128x128xf32>
    %swap3A_515 = arith.constant 6528 : index
    %swap3A_516 = arith.constant 0 : index
    %swap3A_517 = vector.load %arg2[%swap3A_515, %swap3A_516] : memref<8192x128xf32, #tpu.memory_space<vmem>>, vector<128x128xf32>
    tpu.vector_store %arg2[%swap3A_515, %swap3A_516], %transpose3A_514 {strides = array<i32>} : memref<8192x128xf32, #tpu.memory_space<vmem>>, vector<128x128xf32>,
    %slice3A_518 = vector.extract_strided_slice %get3A_1 {offsets = [0, 26624], sizes = [32, 512], strides = [1, 1]} : vector<32x32768xf32> to vector<32x512xf32>
    %slice3A_519 = vector.extract_strided_slice %slice3A_518 {offsets = [0, 0], sizes = [32, 128], strides = [1, 1]} : vector<32x512xf32> to vector<32x128xf32>
    %slice3A_520 = vector.extract_strided_slice %slice3A_518 {offsets = [0, 128], sizes = [32, 128], strides = [1, 1]} : vector<32x512xf32> to vector<32x128xf32>
    %slice3A_521 = vector.extract_strided_slice %slice3A_518 {offsets = [0, 256], sizes = [32, 128], strides = [1, 1]} : vector<32x512xf32> to vector<32x128xf32>
    %slice3A_522 = vector.extract_strided_slice %slice3A_518 {offsets = [0, 384], sizes = [32, 128], strides = [1, 1]} : vector<32x512xf32> to vector<32x128xf32>
    %concatenate3A_523 = tpu.concatenate %slice3A_519, %slice3A_520, %slice3A_521, %slice3A_522 in 0 : vector<32x128xf32>, vector<32x128xf32>, vector<32x128xf32>, vector<32x128xf32> -> vector<128x128xf32>
    %transpose3A_524 = tpu.transpose %concatenate3A_523, [1, 0] : vector<128x128xf32> -> vector<128x128xf32>
    %swap3A_525 = arith.constant 6656 : index
    %swap3A_526 = arith.constant 0 : index
    %swap3A_527 = vector.load %arg2[%swap3A_525, %swap3A_526] : memref<8192x128xf32, #tpu.memory_space<vmem>>, vector<128x128xf32>
    tpu.vector_store %arg2[%swap3A_525, %swap3A_526], %transpose3A_524 {strides = array<i32>} : memref<8192x128xf32, #tpu.memory_space<vmem>>, vector<128x128xf32>,
    %slice3A_528 = vector.extract_strided_slice %get3A_1 {offsets = [0, 27136], sizes = [32, 512], strides = [1, 1]} : vector<32x32768xf32> to vector<32x512xf32>
    %slice3A_529 = vector.extract_strided_slice %slice3A_528 {offsets = [0, 0], sizes = [32, 128], strides = [1, 1]} : vector<32x512xf32> to vector<32x128xf32>
    %slice3A_530 = vector.extract_strided_slice %slice3A_528 {offsets = [0, 128], sizes = [32, 128], strides = [1, 1]} : vector<32x512xf32> to vector<32x128xf32>
    %slice3A_531 = vector.extract_strided_slice %slice3A_528 {offsets = [0, 256], sizes = [32, 128], strides = [1, 1]} : vector<32x512xf32> to vector<32x128xf32>
    %slice3A_532 = vector.extract_strided_slice %slice3A_528 {offsets = [0, 384], sizes = [32, 128], strides = [1, 1]} : vector<32x512xf32> to vector<32x128xf32>
    %concatenate3A_533 = tpu.concatenate %slice3A_529, %slice3A_530, %slice3A_531, %slice3A_532 in 0 : vector<32x128xf32>, vector<32x128xf32>, vector<32x128xf32>, vector<32x128xf32> -> vector<128x128xf32>
    %transpose3A_534 = tpu.transpose %concatenate3A_533, [1, 0] : vector<128x128xf32> -> vector<128x128xf32>
    %swap3A_535 = arith.constant 6784 : index
    %swap3A_536 = arith.constant 0 : index
    %swap3A_537 = vector.load %arg2[%swap3A_535, %swap3A_536] : memref<8192x128xf32, #tpu.memory_space<vmem>>, vector<128x128xf32>
    tpu.vector_store %arg2[%swap3A_535, %swap3A_536], %transpose3A_534 {strides = array<i32>} : memref<8192x128xf32, #tpu.memory_space<vmem>>, vector<128x128xf32>,
    %slice3A_538 = vector.extract_strided_slice %get3A_1 {offsets = [0, 27648], sizes = [32, 512], strides = [1, 1]} : vector<32x32768xf32> to vector<32x512xf32>
    %slice3A_539 = vector.extract_strided_slice %slice3A_538 {offsets = [0, 0], sizes = [32, 128], strides = [1, 1]} : vector<32x512xf32> to vector<32x128xf32>
    %slice3A_540 = vector.extract_strided_slice %slice3A_538 {offsets = [0, 128], sizes = [32, 128], strides = [1, 1]} : vector<32x512xf32> to vector<32x128xf32>
    %slice3A_541 = vector.extract_strided_slice %slice3A_538 {offsets = [0, 256], sizes = [32, 128], strides = [1, 1]} : vector<32x512xf32> to vector<32x128xf32>
    %slice3A_542 = vector.extract_strided_slice %slice3A_538 {offsets = [0, 384], sizes = [32, 128], strides = [1, 1]} : vector<32x512xf32> to vector<32x128xf32>
    %concatenate3A_543 = tpu.concatenate %slice3A_539, %slice3A_540, %slice3A_541, %slice3A_542 in 0 : vector<32x128xf32>, vector<32x128xf32>, vector<32x128xf32>, vector<32x128xf32> -> vector<128x128xf32>
    %transpose3A_544 = tpu.transpose %concatenate3A_543, [1, 0] : vector<128x128xf32> -> vector<128x128xf32>
    %swap3A_545 = arith.constant 6912 : index
    %swap3A_546 = arith.constant 0 : index
    %swap3A_547 = vector.load %arg2[%swap3A_545, %swap3A_546] : memref<8192x128xf32, #tpu.memory_space<vmem>>, vector<128x128xf32>
    tpu.vector_store %arg2[%swap3A_545, %swap3A_546], %transpose3A_544 {strides = array<i32>} : memref<8192x128xf32, #tpu.memory_space<vmem>>, vector<128x128xf32>,
    %slice3A_548 = vector.extract_strided_slice %get3A_1 {offsets = [0, 28160], sizes = [32, 512], strides = [1, 1]} : vector<32x32768xf32> to vector<32x512xf32>
    %slice3A_549 = vector.extract_strided_slice %slice3A_548 {offsets = [0, 0], sizes = [32, 128], strides = [1, 1]} : vector<32x512xf32> to vector<32x128xf32>
    %slice3A_550 = vector.extract_strided_slice %slice3A_548 {offsets = [0, 128], sizes = [32, 128], strides = [1, 1]} : vector<32x512xf32> to vector<32x128xf32>
    %slice3A_551 = vector.extract_strided_slice %slice3A_548 {offsets = [0, 256], sizes = [32, 128], strides = [1, 1]} : vector<32x512xf32> to vector<32x128xf32>
    %slice3A_552 = vector.extract_strided_slice %slice3A_548 {offsets = [0, 384], sizes = [32, 128], strides = [1, 1]} : vector<32x512xf32> to vector<32x128xf32>
    %concatenate3A_553 = tpu.concatenate %slice3A_549, %slice3A_550, %slice3A_551, %slice3A_552 in 0 : vector<32x128xf32>, vector<32x128xf32>, vector<32x128xf32>, vector<32x128xf32> -> vector<128x128xf32>
    %transpose3A_554 = tpu.transpose %concatenate3A_553, [1, 0] : vector<128x128xf32> -> vector<128x128xf32>
    %swap3A_555 = arith.constant 7040 : index
    %swap3A_556 = arith.constant 0 : index
    %swap3A_557 = vector.load %arg2[%swap3A_555, %swap3A_556] : memref<8192x128xf32, #tpu.memory_space<vmem>>, vector<128x128xf32>
    tpu.vector_store %arg2[%swap3A_555, %swap3A_556], %transpose3A_554 {strides = array<i32>} : memref<8192x128xf32, #tpu.memory_space<vmem>>, vector<128x128xf32>,
    %slice3A_558 = vector.extract_strided_slice %get3A_1 {offsets = [0, 28672], sizes = [32, 512], strides = [1, 1]} : vector<32x32768xf32> to vector<32x512xf32>
    %slice3A_559 = vector.extract_strided_slice %slice3A_558 {offsets = [0, 0], sizes = [32, 128], strides = [1, 1]} : vector<32x512xf32> to vector<32x128xf32>
    %slice3A_560 = vector.extract_strided_slice %slice3A_558 {offsets = [0, 128], sizes = [32, 128], strides = [1, 1]} : vector<32x512xf32> to vector<32x128xf32>
    %slice3A_561 = vector.extract_strided_slice %slice3A_558 {offsets = [0, 256], sizes = [32, 128], strides = [1, 1]} : vector<32x512xf32> to vector<32x128xf32>
    %slice3A_562 = vector.extract_strided_slice %slice3A_558 {offsets = [0, 384], sizes = [32, 128], strides = [1, 1]} : vector<32x512xf32> to vector<32x128xf32>
    %concatenate3A_563 = tpu.concatenate %slice3A_559, %slice3A_560, %slice3A_561, %slice3A_562 in 0 : vector<32x128xf32>, vector<32x128xf32>, vector<32x128xf32>, vector<32x128xf32> -> vector<128x128xf32>
    %transpose3A_564 = tpu.transpose %concatenate3A_563, [1, 0] : vector<128x128xf32> -> vector<128x128xf32>
    %swap3A_565 = arith.constant 7168 : index
    %swap3A_566 = arith.constant 0 : index
    %swap3A_567 = vector.load %arg2[%swap3A_565, %swap3A_566] : memref<8192x128xf32, #tpu.memory_space<vmem>>, vector<128x128xf32>
    tpu.vector_store %arg2[%swap3A_565, %swap3A_566], %transpose3A_564 {strides = array<i32>} : memref<8192x128xf32, #tpu.memory_space<vmem>>, vector<128x128xf32>,
    %slice3A_568 = vector.extract_strided_slice %get3A_1 {offsets = [0, 29184], sizes = [32, 512], strides = [1, 1]} : vector<32x32768xf32> to vector<32x512xf32>
    %slice3A_569 = vector.extract_strided_slice %slice3A_568 {offsets = [0, 0], sizes = [32, 128], strides = [1, 1]} : vector<32x512xf32> to vector<32x128xf32>
    %slice3A_570 = vector.extract_strided_slice %slice3A_568 {offsets = [0, 128], sizes = [32, 128], strides = [1, 1]} : vector<32x512xf32> to vector<32x128xf32>
    %slice3A_571 = vector.extract_strided_slice %slice3A_568 {offsets = [0, 256], sizes = [32, 128], strides = [1, 1]} : vector<32x512xf32> to vector<32x128xf32>
    %slice3A_572 = vector.extract_strided_slice %slice3A_568 {offsets = [0, 384], sizes = [32, 128], strides = [1, 1]} : vector<32x512xf32> to vector<32x128xf32>
    %concatenate3A_573 = tpu.concatenate %slice3A_569, %slice3A_570, %slice3A_571, %slice3A_572 in 0 : vector<32x128xf32>, vector<32x128xf32>, vector<32x128xf32>, vector<32x128xf32> -> vector<128x128xf32>
    %transpose3A_574 = tpu.transpose %concatenate3A_573, [1, 0] : vector<128x128xf32> -> vector<128x128xf32>
    %swap3A_575 = arith.constant 7296 : index
    %swap3A_576 = arith.constant 0 : index
    %swap3A_577 = vector.load %arg2[%swap3A_575, %swap3A_576] : memref<8192x128xf32, #tpu.memory_space<vmem>>, vector<128x128xf32>
    tpu.vector_store %arg2[%swap3A_575, %swap3A_576], %transpose3A_574 {strides = array<i32>} : memref<8192x128xf32, #tpu.memory_space<vmem>>, vector<128x128xf32>,
    %slice3A_578 = vector.extract_strided_slice %get3A_1 {offsets = [0, 29696], sizes = [32, 512], strides = [1, 1]} : vector<32x32768xf32> to vector<32x512xf32>
    %slice3A_579 = vector.extract_strided_slice %slice3A_578 {offsets = [0, 0], sizes = [32, 128], strides = [1, 1]} : vector<32x512xf32> to vector<32x128xf32>
    %slice3A_580 = vector.extract_strided_slice %slice3A_578 {offsets = [0, 128], sizes = [32, 128], strides = [1, 1]} : vector<32x512xf32> to vector<32x128xf32>
    %slice3A_581 = vector.extract_strided_slice %slice3A_578 {offsets = [0, 256], sizes = [32, 128], strides = [1, 1]} : vector<32x512xf32> to vector<32x128xf32>
    %slice3A_582 = vector.extract_strided_slice %slice3A_578 {offsets = [0, 384], sizes = [32, 128], strides = [1, 1]} : vector<32x512xf32> to vector<32x128xf32>
    %concatenate3A_583 = tpu.concatenate %slice3A_579, %slice3A_580, %slice3A_581, %slice3A_582 in 0 : vector<32x128xf32>, vector<32x128xf32>, vector<32x128xf32>, vector<32x128xf32> -> vector<128x128xf32>
    %transpose3A_584 = tpu.transpose %concatenate3A_583, [1, 0] : vector<128x128xf32> -> vector<128x128xf32>
    %swap3A_585 = arith.constant 7424 : index
    %swap3A_586 = arith.constant 0 : index
    %swap3A_587 = vector.load %arg2[%swap3A_585, %swap3A_586] : memref<8192x128xf32, #tpu.memory_space<vmem>>, vector<128x128xf32>
    tpu.vector_store %arg2[%swap3A_585, %swap3A_586], %transpose3A_584 {strides = array<i32>} : memref<8192x128xf32, #tpu.memory_space<vmem>>, vector<128x128xf32>,
    %slice3A_588 = vector.extract_strided_slice %get3A_1 {offsets = [0, 30208], sizes = [32, 512], strides = [1, 1]} : vector<32x32768xf32> to vector<32x512xf32>
    %slice3A_589 = vector.extract_strided_slice %slice3A_588 {offsets = [0, 0], sizes = [32, 128], strides = [1, 1]} : vector<32x512xf32> to vector<32x128xf32>
    %slice3A_590 = vector.extract_strided_slice %slice3A_588 {offsets = [0, 128], sizes = [32, 128], strides = [1, 1]} : vector<32x512xf32> to vector<32x128xf32>
    %slice3A_591 = vector.extract_strided_slice %slice3A_588 {offsets = [0, 256], sizes = [32, 128], strides = [1, 1]} : vector<32x512xf32> to vector<32x128xf32>
    %slice3A_592 = vector.extract_strided_slice %slice3A_588 {offsets = [0, 384], sizes = [32, 128], strides = [1, 1]} : vector<32x512xf32> to vector<32x128xf32>
    %concatenate3A_593 = tpu.concatenate %slice3A_589, %slice3A_590, %slice3A_591, %slice3A_592 in 0 : vector<32x128xf32>, vector<32x128xf32>, vector<32x128xf32>, vector<32x128xf32> -> vector<128x128xf32>
    %transpose3A_594 = tpu.transpose %concatenate3A_593, [1, 0] : vector<128x128xf32> -> vector<128x128xf32>
    %swap3A_595 = arith.constant 7552 : index
    %swap3A_596 = arith.constant 0 : index
    %swap3A_597 = vector.load %arg2[%swap3A_595, %swap3A_596] : memref<8192x128xf32, #tpu.memory_space<vmem>>, vector<128x128xf32>
    tpu.vector_store %arg2[%swap3A_595, %swap3A_596], %transpose3A_594 {strides = array<i32>} : memref<8192x128xf32, #tpu.memory_space<vmem>>, vector<128x128xf32>,
    %slice3A_598 = vector.extract_strided_slice %get3A_1 {offsets = [0, 30720], sizes = [32, 512], strides = [1, 1]} : vector<32x32768xf32> to vector<32x512xf32>
    %slice3A_599 = vector.extract_strided_slice %slice3A_598 {offsets = [0, 0], sizes = [32, 128], strides = [1, 1]} : vector<32x512xf32> to vector<32x128xf32>
    %slice3A_600 = vector.extract_strided_slice %slice3A_598 {offsets = [0, 128], sizes = [32, 128], strides = [1, 1]} : vector<32x512xf32> to vector<32x128xf32>
    %slice3A_601 = vector.extract_strided_slice %slice3A_598 {offsets = [0, 256], sizes = [32, 128], strides = [1, 1]} : vector<32x512xf32> to vector<32x128xf32>
    %slice3A_602 = vector.extract_strided_slice %slice3A_598 {offsets = [0, 384], sizes = [32, 128], strides = [1, 1]} : vector<32x512xf32> to vector<32x128xf32>
    %concatenate3A_603 = tpu.concatenate %slice3A_599, %slice3A_600, %slice3A_601, %slice3A_602 in 0 : vector<32x128xf32>, vector<32x128xf32>, vector<32x128xf32>, vector<32x128xf32> -> vector<128x128xf32>
    %transpose3A_604 = tpu.transpose %concatenate3A_603, [1, 0] : vector<128x128xf32> -> vector<128x128xf32>
    %swap3A_605 = arith.constant 7680 : index
    %swap3A_606 = arith.constant 0 : index
    %swap3A_607 = vector.load %arg2[%swap3A_605, %swap3A_606] : memref<8192x128xf32, #tpu.memory_space<vmem>>, vector<128x128xf32>
    tpu.vector_store %arg2[%swap3A_605, %swap3A_606], %transpose3A_604 {strides = array<i32>} : memref<8192x128xf32, #tpu.memory_space<vmem>>, vector<128x128xf32>,
    %slice3A_608 = vector.extract_strided_slice %get3A_1 {offsets = [0, 31232], sizes = [32, 512], strides = [1, 1]} : vector<32x32768xf32> to vector<32x512xf32>
    %slice3A_609 = vector.extract_strided_slice %slice3A_608 {offsets = [0, 0], sizes = [32, 128], strides = [1, 1]} : vector<32x512xf32> to vector<32x128xf32>
    %slice3A_610 = vector.extract_strided_slice %slice3A_608 {offsets = [0, 128], sizes = [32, 128], strides = [1, 1]} : vector<32x512xf32> to vector<32x128xf32>
    %slice3A_611 = vector.extract_strided_slice %slice3A_608 {offsets = [0, 256], sizes = [32, 128], strides = [1, 1]} : vector<32x512xf32> to vector<32x128xf32>
    %slice3A_612 = vector.extract_strided_slice %slice3A_608 {offsets = [0, 384], sizes = [32, 128], strides = [1, 1]} : vector<32x512xf32> to vector<32x128xf32>
    %concatenate3A_613 = tpu.concatenate %slice3A_609, %slice3A_610, %slice3A_611, %slice3A_612 in 0 : vector<32x128xf32>, vector<32x128xf32>, vector<32x128xf32>, vector<32x128xf32> -> vector<128x128xf32>
    %transpose3A_614 = tpu.transpose %concatenate3A_613, [1, 0] : vector<128x128xf32> -> vector<128x128xf32>
    %swap3A_615 = arith.constant 7808 : index
    %swap3A_616 = arith.constant 0 : index
    %swap3A_617 = vector.load %arg2[%swap3A_615, %swap3A_616] : memref<8192x128xf32, #tpu.memory_space<vmem>>, vector<128x128xf32>
    tpu.vector_store %arg2[%swap3A_615, %swap3A_616], %transpose3A_614 {strides = array<i32>} : memref<8192x128xf32, #tpu.memory_space<vmem>>, vector<128x128xf32>,
    %slice3A_618 = vector.extract_strided_slice %get3A_1 {offsets = [0, 31744], sizes = [32, 512], strides = [1, 1]} : vector<32x32768xf32> to vector<32x512xf32>
    %slice3A_619 = vector.extract_strided_slice %slice3A_618 {offsets = [0, 0], sizes = [32, 128], strides = [1, 1]} : vector<32x512xf32> to vector<32x128xf32>
    %slice3A_620 = vector.extract_strided_slice %slice3A_618 {offsets = [0, 128], sizes = [32, 128], strides = [1, 1]} : vector<32x512xf32> to vector<32x128xf32>
    %slice3A_621 = vector.extract_strided_slice %slice3A_618 {offsets = [0, 256], sizes = [32, 128], strides = [1, 1]} : vector<32x512xf32> to vector<32x128xf32>
    %slice3A_622 = vector.extract_strided_slice %slice3A_618 {offsets = [0, 384], sizes = [32, 128], strides = [1, 1]} : vector<32x512xf32> to vector<32x128xf32>
    %concatenate3A_623 = tpu.concatenate %slice3A_619, %slice3A_620, %slice3A_621, %slice3A_622 in 0 : vector<32x128xf32>, vector<32x128xf32>, vector<32x128xf32>, vector<32x128xf32> -> vector<128x128xf32>
    %transpose3A_624 = tpu.transpose %concatenate3A_623, [1, 0] : vector<128x128xf32> -> vector<128x128xf32>
    %swap3A_625 = arith.constant 7936 : index
    %swap3A_626 = arith.constant 0 : index
    %swap3A_627 = vector.load %arg2[%swap3A_625, %swap3A_626] : memref<8192x128xf32, #tpu.memory_space<vmem>>, vector<128x128xf32>
    tpu.vector_store %arg2[%swap3A_625, %swap3A_626], %transpose3A_624 {strides = array<i32>} : memref<8192x128xf32, #tpu.memory_space<vmem>>, vector<128x128xf32>,
    %slice3A_628 = vector.extract_strided_slice %get3A_1 {offsets = [0, 32256], sizes = [32, 512], strides = [1, 1]} : vector<32x32768xf32> to vector<32x512xf32>
    %slice3A_629 = vector.extract_strided_slice %slice3A_628 {offsets = [0, 0], sizes = [32, 128], strides = [1, 1]} : vector<32x512xf32> to vector<32x128xf32>
    %slice3A_630 = vector.extract_strided_slice %slice3A_628 {offsets = [0, 128], sizes = [32, 128], strides = [1, 1]} : vector<32x512xf32> to vector<32x128xf32>
    %slice3A_631 = vector.extract_strided_slice %slice3A_628 {offsets = [0, 256], sizes = [32, 128], strides = [1, 1]} : vector<32x512xf32> to vector<32x128xf32>
    %slice3A_632 = vector.extract_strided_slice %slice3A_628 {offsets = [0, 384], sizes = [32, 128], strides = [1, 1]} : vector<32x512xf32> to vector<32x128xf32>
    %concatenate3A_633 = tpu.concatenate %slice3A_629, %slice3A_630, %slice3A_631, %slice3A_632 in 0 : vector<32x128xf32>, vector<32x128xf32>, vector<32x128xf32>, vector<32x128xf32> -> vector<128x128xf32>
    %transpose3A_634 = tpu.transpose %concatenate3A_633, [1, 0] : vector<128x128xf32> -> vector<128x128xf32>
    %swap3A_635 = arith.constant 8064 : index
    %swap3A_636 = arith.constant 0 : index
    %swap3A_637 = vector.load %arg2[%swap3A_635, %swap3A_636] : memref<8192x128xf32, #tpu.memory_space<vmem>>, vector<128x128xf32>
    tpu.vector_store %arg2[%swap3A_635, %swap3A_636], %transpose3A_634 {strides = array<i32>} : memref<8192x128xf32, #tpu.memory_space<vmem>>, vector<128x128xf32>,
    return
  }
  func.func @transform_0(%arg0: i32) -> (i32, i32) {
    %c0_i32 = arith.constant 0 : i32
    %c0_i32_0 = arith.constant 0 : i32
    return %c0_i32, %arg0 : i32, i32
  }
  func.func @transform_1(%arg0: i32) -> (i32, i32) {
    %c0_i32 = arith.constant 0 : i32
    %c0_i32_0 = arith.constant 0 : i32
    return %arg0, %c0_i32 : i32, i32
  }
}

</mosaic_0001>

<sc_bundles>
// kernel: kernel.4.cloned.1.call-start
scs
__scs_entry_jumppad:
0x0: {  	(pc) =	sbr.rel $0x88, $3  }
0x1: {  	(tag) =	ssettag $0x0;
	lr =	simm.s32 $0x1  }
0x2: {  	[smem:$0x3F9F] =	sst lr;
	_ =	strace $0xD0000000  }
0x3: {  	_ = 	snop  }
0x4: {  	_ = 	snop  }
0x5: {  	_ = 	snop  }
0x6: {  	_ = 	snop  }
0x7: {  	_ = 	snop  }
__scs_overlays_trampoline_lowered:
0x8: {  	[smem:$0x3FAE] =	sst s0  }
0x9: {  	[smem:$0x3FAF] =	sst s1  }
0xa: {  	[smem:$0x3FB0] =	sst s2  }
0xb: {  	[smem:$0x3FB1] =	sst s3  }
0xc: {  	[smem:$0x3FB2] =	sst s4  }
0xd: {  	[smem:$0x3FB3] =	sst s5  }
0xe: {  	[smem:$0x3FB4] =	sst s6  }
0xf: {  	[smem:$0x3FB5] =	sst s7  }
0x10: {  	[smem:$0x3FB6] =	sst s8  }
0x11: {  	[smem:$0x3FB7] =	sst s9;
	s0 =	simm.s32 @!p0 $0x0  }
0x12: {  	s1 =	sld [smem:$0x3F9D];
	s0 =	simm.s32 @p0 $0x1  }
0x13: {  	[smem:$0x3FB8] =	sst s0;
	s0 =	simm.s32 @!p1 $0x0  }
0x14: {  	s2 =	sld [smem:$0x3F9C];
	s0 =	simm.s32 @p1 $0x1  }
0x15: {  	[smem:$0x3FB9] =	sst s0;
	s0 =	simm.s32 @!p2 $0x0  }
0x16: {  	s3 =	sld [smem:$0x3FDB];
	s0 =	simm.s32 @p2 $0x1  }
0x17: {  	s4 =	simm.s32 $0x1BF5;
	[smem:$0x3FBB] =	sst s0  }
0x18: {  	s0 =	sld [smem:$0x3F9E];
	_ =	swait.ge [sflag:s4], $0x0  }
0x19: {  	s7 =	sld [smem:$0x3F9F]  }
0x1a: {  	s8 =	sadd.s32 $0xFFFFE003, lr  }
0x1b: {  	s9 =	sadd.s32 $0xFFFFFEF7, lr;
	s5 =	simm.s32 $0xFFFFFFFF;
	p2 =	slt.u32 s8, $0xFFFFF086  }
0x1c: {  	p1 =	slt.u32 s9, $0xF7A;
	s5 =	simm.s32 @!p2 $0x0  }
0x1d: {  	s5 =	simm.s32 @p1 $0x1;
	p0 =	seq.s32 s7, s2  }
0x1e: {  	s7 =	smul.u32 @!p0 $0xF7A, s2;
	p2 =	seq.s32 @!p0 s5, $0x0  }
0x1f: {  	s9 =	smul.u32 $0xF7A, s1;
	s8 =	simm.s32 @!p0 $0x1BF5;
	p2 =	por !p2, p0  }
0x20: {  	[sflag:s8] =	ssyncset.s32 @!p0 $0xFFFFF086;
	s6 =	sadd.s32 @!p0 s3, s7;
	s7 =	simm.s32 @!p0 $0x108  }
0x21: {  	s3 =	sadd.s32 s3, s9;
	s6 =	sadd.s32 @!p0 $0x88, s6;
	s7 =	simm.s32 @p2 $0x1082  }
0x22: {  	[simem:s7], [sflag:s8] =	dma.local @!p0 [hbm:s6], $0xF7A  }
0x23: {  	s9 =	sor.u32 $0xD0000000, s2;
	s6 =	simm.s32 $0x108;
	_ =	swait.ge @!p0 [sflag:s8], $0x0  }
0x24: {  	s3 =	sadd.s32 $0x88, s3;
	s6 =	simm.s32 @!p1 $0x1082;
	[sflag:s4] =	ssyncset.s32 $0xFFFFF086  }
0x25: {  	[simem:s6], [sflag:s4] =	dma.local [hbm:s3], $0xF7A  }
0x26: {  	[smem:$0x3F9F] =	sst s1;
	(tag) =	ssettag s2;
	_ =	strace s9  }
0x27: {  	s1 =	sld [smem:$0x3FAF]  }
0x28: {  	s2 =	sld [smem:$0x3FB0]  }
0x29: {  	s4 =	sld [smem:$0x3FB2]  }
0x2a: {  	p0 =	seq.s32 s5, $0x0;
	s5 =	sld [smem:$0x3FB3]  }
0x2b: {  	s6 =	sld [smem:$0x3FB4]  }
0x2c: {  	s7 =	sld [smem:$0x3FB5]  }
0x2d: {  	s3 =	simm.s32 $0x108;
	s8 =	sld [smem:$0x3FB6]  }
0x2e: {  	s3 =	simm.s32 @!p0 $0x1082;
	s9 =	sld [smem:$0x3FB7]  }
0x2f: {  	lr =	sadd.s32 s0, s3;
	s0 =	sld [smem:$0x3FAE]  }
0x30: {  	s3 =	sld [smem:$0x3FB1]  }
0x31: {  	[smem:$0x3FBA] =	sst s10  }
0x32: {  	s10 =	sld [smem:$0x3FB8];
	_ =	sdelay $0x3  }
0x33: {  	p0 =	seq.s32 s10, $0x1;
	s10 =	sld [smem:$0x3FBA];
	_ =	sdelay $0x3  }
0x34: {  	[smem:$0x3FBA] =	sst s10  }
0x35: {  	s10 =	sld [smem:$0x3FB9];
	_ =	sdelay $0x3  }
0x36: {  	p1 =	seq.s32 s10, $0x1;
	s10 =	sld [smem:$0x3FBA];
	_ =	sdelay $0x3  }
0x37: {  	[smem:$0x3FBA] =	sst s10  }
0x38: {  	s10 =	sld [smem:$0x3FBB]  }
0x39: {  	_ = 	snop;
	(pc) =	sbr.ind lr, $3  }
0x3a: {  	_ = 	snop  }
0x3b: {  	_ = 	snop  }
0x3c: {  	p2 =	seq.s32 s10, $0x1;
	s10 =	sld [smem:$0x3FBA]  }
0x3d: {  	_ =	shalt  }
0x3e: {  	_ =	shalt  }
0x3f: {  	_ =	shalt  }
0x40: {  	_ =	shalt  }
0x41: {  	_ =	shalt  }
0x42: {  	_ =	shalt  }
0x43: {  	_ =	shalt  }
0x44: {  	_ =	shalt  }
0x45: {  	_ =	shalt  }
0x46: {  	_ =	shalt  }
0x47: {  	_ =	shalt  }
0x48: {  	_ =	shalt  }
0x49: {  	_ =	shalt  }
0x4a: {  	_ =	shalt  }
0x4b: {  	_ =	shalt  }
0x4c: {  	_ =	shalt  }
0x4d: {  	_ =	shalt  }
0x4e: {  	_ =	shalt  }
0x4f: {  	_ =	shalt  }
0x50: {  	_ =	shalt  }
0x51: {  	_ =	shalt  }
0x52: {  	_ =	shalt  }
0x53: {  	_ =	shalt  }
0x54: {  	_ =	shalt  }
0x55: {  	_ =	shalt  }
0x56: {  	_ =	shalt  }
0x57: {  	_ =	shalt  }
0x58: {  	_ =	shalt  }
0x59: {  	_ =	shalt  }
0x5a: {  	_ =	shalt  }
0x5b: {  	_ =	shalt  }
0x5c: {  	_ =	shalt  }
0x5d: {  	_ =	shalt  }
0x5e: {  	_ =	shalt  }
0x5f: {  	_ =	shalt  }
0x60: {  	_ =	shalt  }
0x61: {  	_ =	shalt  }
0x62: {  	_ =	shalt  }
0x63: {  	_ =	shalt  }
0x64: {  	_ =	shalt  }
0x65: {  	_ =	shalt  }
0x66: {  	_ =	shalt  }
0x67: {  	_ =	shalt  }
0x68: {  	_ =	shalt  }
0x69: {  	_ =	shalt  }
0x6a: {  	_ =	shalt  }
0x6b: {  	_ =	shalt  }
0x6c: {  	_ =	shalt  }
0x6d: {  	_ =	shalt  }
0x6e: {  	_ =	shalt  }
0x6f: {  	_ =	shalt  }
0x70: {  	_ =	shalt  }
0x71: {  	_ =	shalt  }
0x72: {  	_ =	shalt  }
0x73: {  	_ =	shalt  }
0x74: {  	_ =	shalt  }
0x75: {  	_ =	shalt  }
0x76: {  	_ =	shalt  }
0x77: {  	_ =	shalt  }
0x78: {  	_ =	shalt  }
0x79: {  	_ =	shalt  }
0x7a: {  	_ =	shalt  }
0x7b: {  	_ =	shalt  }
0x7c: {  	_ =	shalt  }
0x7d: {  	_ =	shalt  }
0x7e: {  	_ =	shalt  }
0x7f: {  	_ =	shalt  }
0x80: {  	_ =	shalt  }
0x81: {  	_ =	shalt  }
0x82: {  	_ =	shalt  }
0x83: {  	_ =	shalt  }
0x84: {  	_ =	shalt  }
0x85: {  	_ =	shalt  }
0x86: {  	_ =	shalt  }
0x87: {  	_ =	shalt  }
.Lfunc_end0:
.L_simem_size_0:
called_computation_lowered:
.L_overlay_start_0:
0x88: {  	s2 =	sld [smem:$0x3FD9]  }
0x89: {  	s3 =	sld [smem:$0x3FFE];
	_ =	sdelay $0x1  }
0x8a: {  	s1 =	srdreg.scid  }
0x8b: {  	s0 =	sand.u32 $0x1, s1  }
0x8c: {  	s17 =	sshll.u32 s0, $0xA;
	s2 =	sadd.s32 s3, s2  }
0x8d: {  	s2 =	sadd.s32 s2, s17  }
0x8e: {  	[smem:$0x3FC6] =	sst s2  }
0x8f: {  	_ = 	snop  }
0x90: {  	s2 =	sld [smem:$0x3FD0];
	(tm) =	ssettm $0x1  }
0x91: {  	s18 =	sld [smem:$0x3FFB];
	_ =	sdelay $0x3  }
0x92: {  	_ =	strace s18  }
0x93: {  	s3 =	sld [smem:$0x3FFC];
	_ =	sdelay $0x3  }
0x94: {  	_ =	strace s3  }
0x95: {  	s3 =	sld [smem:$0x3FFD];
	_ =	sdelay $0x3  }
0x96: {  	_ =	strace s3  }
0x97: {  	_ =	strace $0x8FFFFFFF  }
0x98: {  	s19 =	sld [smem:$0x3FDB];
	_ =	sdelay $0x1  }
0x99: {  	s4 =	simm.s32 $_scs_section_size  }
0x9a: {  	s5 =	simm.s32 $_size__tile_overlayer_lowered;
	s6 =	simm.s32 $_tile_overlayer_lowered  }
0x9b: {  	s22 =	simm.s32 $0x1BFF;
	s21 =	sshll.u32 s6, $0x1;
	s3 =	sadd.s32 s4, s19  }
0x9c: {  	s7 =	simm.s32 $0x0;
	s20 =	sshll.u32 s5, $0x1;
	s5 =	sadd.s32 s21, s3  }
0x9d: {  	[timem:s7], [sflag:s22] =	dma.local [hbm:s5], s20  }
0x9e: {  	_ =	swait.ge [sflag:s22], s20  }
0x9f: {  	s4 =	ssub.s32 $0x0, s20;
	[sflag:s22] =	ssyncset.done $0x0  }
0xa0: {  	[sflag:s22] =	ssyncadd.s32 s4;
	_ =	sdelay $0x1  }
0xa1: {  	s23 =	simm.s32 $0x1B8B  }
0xa2: {  	_ =	swait.ge [sflag:s23], $0x1  }
0xa3: {  	[sflag:s23] =	ssyncset.done $0x0  }
0xa4: {  	s25 =	simm.s32 $0x1B8E;
	s24 =	sld [smem:$0x3FFE];
	[sflag:s23] =	ssyncadd.s32 $0xFFFFFFFF  }
0xa5: {  	s26 =	simm.s32 $execute0_lowered;
	[smem:$0x3FD2] =	sst s25  }
0xa6: {  	s5 =	sshll.u32 s26, $0x1;
	_ =	strace $0x80000046;
	[dreg:$0x1] =	wrdreg $0xFFFFFFFF  }
0xa7: {  	s28 =	simm.s32 $_size_execute0_lowered;
	s3 =	sadd.s32 s3, s5;
	[dreg:$0x0] =	wrdreg $0x0  }
0xa8: {  	s5 =	sshll.u32 s28, $0x1;
	[dreg:$0x2] =	wrdreg s3  }
0xa9: {  	[dreg:$0x3] =	wrdreg s5  }
0xaa: {  	[dreg:$0x4] =	wrdreg $0xC0  }
0xab: {  	_ =	task [dreg:s7], $0x5FFFF  }
0xac: {  	[dreg:$0x1] =	wrdreg $0xFFFFFFFF  }
0xad: {  	[dreg:$0x0] =	wrdreg $0x60  }
0xae: {  	[dreg:$0x2] =	wrdreg s24  }
0xaf: {  	[dreg:$0x3] =	wrdreg s2  }
0xb0: {  	[dreg:$0x4] =	wrdreg $0x9  }
0xb1: {  	_ =	task.clear_ibuf [dreg:s7], $0x5FFFF;
	_ =	strace $0x90000046  }
0xb2: {  	s29 =	simm.s32 $0x9;
	_ =	strace $0x80000048  }
0xb3: {  	_ =	swait.ge [sflag:s29], $0x1  }
0xb4: {  	[sflag:s29] =	ssyncadd.s32 $0xFFFFFFFF  }
0xb5: {  	_ =	strace $0x90000048  }
0xb6: {  	_ =	sfence  }
0xb7: {  	s30 =	sld [smem:$0x0];
	_ =	sdelay $0x2  }
0xb8: {  	s31 =	sshll.u32 s1, $0xD;
	s1 =	sshrl.u32 s1, $0x2  }
0xb9: {  	s3 =	sand.u32 $0x4000, s31;
	s1 =	sadd.s32 s1, s30  }
0xba: {  	s0 =	sor.u32 s3, s0;
	s1 =	sshll.u32 s1, $0x11  }
0xbb: {  	s0 =	sor.u32 s1, s0  }
0xbc: {  	s0 =	sadd.s32 $0x8F2B, s0  }
0xbd: {  	[sflag:s0] =	ssyncadd.remote.s32 $0x1  }
0xbe: {  	_ =	sfence.sel $0xFFFF  }
0xbf: {  	[dreg:$0x0] =	wrdreg $0xFFFFFFFF;
	(pc) =	sbr.abs _section_cstart, $3  }
0xc0: {  	[dreg:$0x1] =	wrdreg $0xFFFFFFFF  }
0xc1: {  	_ =	task.clear_ibuf [dreg:s7], $0x2FFFF;
	_ =	strace $0x9FFFFFFF  }
0xc2: {  	(tm) =	ssettm $0x7FFFFFFF  }
0xc3: {  	_ =	shalt  }
tec
execute0_lowered:
.L_overlay_start_1:
0x0: {  	(tag) =	ssettag $0x1  }
0x1: {  	s0 =	rddreg [dreg:$0x0]  }
0x2: {  	s30 =	rddreg [dreg:$0x1]  }
0x3: {  	s1 =	srdreg.scid;
	s2 =	stileid.u32;
	s3 =	simm.s32 $0x0  }
0x4: {  	s31 =	simm.s32 $0xB400;
	s1 =	sand.u32 $0x1, s1;
	s2 =	sshll.u32 s2, $0x1  }
0x5: {  	[smem:$0x7FF] =	sst s3;
	s6 =	sadd.s32 $0x80, s30;
	s7 =	sadd.s32 $0x100, s30  }
0x6: {  	s8 =	sadd.s32 $0x180, s30;
	s9 =	sadd.s32 $0x4000, s30;
	s10 =	sadd.s32 $0x4080, s30  }
0x7: {  	s11 =	sadd.s32 $0x4100, s30;
	s12 =	sadd.s32 $0x4180, s30;
	s13 =	sadd.s32 $0x8000, s30  }
0x8: {  	s14 =	sadd.s32 $0x8080, s30;
	s15 =	sadd.s32 $0x8100, s30;
	s16 =	sadd.s32 $0x8180, s30  }
0x9: {  	s17 =	sadd.s32 $0xC000, s30;
	s18 =	sadd.s32 $0xC080, s30;
	s19 =	sadd.s32 $0xC100, s30  }
0xa: {  	s22 =	sadd.s32 $0xC180, s30;
	s2 =	sor.u32 s1, s2;
	s1 =	ssub.s32 $0x2, s1  }
0xb: {  	_ =	strace $0x80000047;
	s4 =	sshll.u32 s2, $0x6;
	s26 =	sshrl.u32 s1, $0x1  }
0xc: {  	v0 =	vlaneseq.u32;
	s29 =	sshll.u32 s2, $0x9;
	s5 =	sadd.s32 s4, s0;
	s4 =	sadd.s32 $0xD400, s0  }
0xd: {  	v0 =	vmul.u32 $0x208, v0;
	s0 =	ssub.s32 s1, s26;
	[dreg:$0x5] =	wrdreg s29;
	s28 =	sadd.s32 $0x400, s5  }
0xe: {  	s2 =	simm.s32 $0x0;
	s0 =	smax.u32 s0, $0x1;
	[dreg:$0x3] =	wrdreg s28  }
0xf: {  	v1 =	vadd.s32 $0x2080, v0;
	s26 =	simm.s32 $0x80;
	s5 =	simm.s32 $0xF500;
	[dreg:$0x4] =	wrdreg s0  }
.LBB2_1:
0x10: {  	[dreg:$0x6] =	wrdreg s2  }
0x11: {  	s0 =	rddreg [dreg:$0x3]  }
0x12: {  	s1 =	simm.s32 $0x200;
	s29 =	simm.s32 $0x4000;
	s20 =	simm.s32 $0x5  }
0x13: {  	[tilespmem:s3], [sflag:$0x5] =	stream.strided.gather [hbm4b:s0+s1], $0x3400, s29, s1, $0x38;
	[tilespmem:$0x13600] =	vst v63  }
0x14: {  	_ =	swait.ge [sflag:s20], $0x3400  }
0x15: {  	[sflag:s20] =	ssyncset.done $0x0  }
0x16: {  	s21 =	simm.s32 $0x3400;
	[sflag:s20] =	ssyncadd.s32 $0xFFFFCC00  }
0x17: {  	[tilespmem:s21], [sflag:$0x1] =	stream.indirect.gather [hbm4b:s4+s26], $0x20, s3, s26, $0xb8;
	[tilespmem:$0x13600] =	vst v63  }
0x18: {  	s23 =	simm.s32 $0x4400  }
0x19: {  	[tilespmem:s23], [sflag:$0x1] =	stream.indirect.gather [hbm4b:s4+s26], $0x20, s26, s26, $0xb8;
	[tilespmem:$0x13600] =	vst v63  }
0x1a: {  	s24 =	simm.s32 $0x100;
	s25 =	simm.s32 $0x5400  }
0x1b: {  	[tilespmem:s25], [sflag:$0x1] =	stream.indirect.gather [hbm4b:s4+s26], $0x20, s24, s26, $0xb8;
	[tilespmem:$0x13600] =	vst v63  }
0x1c: {  	s28 =	simm.s32 $0x180;
	s29 =	simm.s32 $0x6400;
	s25 =	simm.s32 $0x0  }
0x1d: {  	[tilespmem:s29], [sflag:$0x1] =	stream.indirect.gather [hbm4b:s4+s26], $0x20, s28, s26, $0xb8;
	[tilespmem:$0x13600] =	vst v63  }
.LBB2_2:
0x1e: {  	s20 =	smov.u32 s19;
	s19 =	smov.u32 s18;
	s18 =	smov.u32 s17  }
0x1f: {  	s17 =	smov.u32 s16;
	s16 =	smov.u32 s15;
	s15 =	smov.u32 s14  }
0x20: {  	s14 =	smov.u32 s13;
	s13 =	smov.u32 s12;
	s12 =	smov.u32 s11  }
0x21: {  	s11 =	smov.u32 s10;
	s10 =	smov.u32 s9;
	s0 =	sshll.u32 s25, $0xC  }
0x22: {  	s9 =	smov.u32 s8;
	s8 =	smov.u32 s7;
	s23 =	sshra.s32 s0, $0x2  }
0x23: {  	s7 =	smov.u32 s6;
	s1 =	simm.s32 $0x7400;
	s0 =	sor.u32 $0x200, s23  }
0x24: {  	[tilespmem:s1], [sflag:$0x2] =	stream.indirect.gather [hbm4b:s4+s26], $0x20, s0, s26, $0xb8;
	[tilespmem:$0x13600] =	vst v63  }
0x25: {  	s6 =	smov.u32 s30;
	s30 =	simm.s32 $0x8400;
	s24 =	sor.u32 $0x280, s23  }
0x26: {  	[tilespmem:s30], [sflag:$0x2] =	stream.indirect.gather [hbm4b:s4+s26], $0x20, s24, s26, $0xb8;
	[tilespmem:$0x13600] =	vst v63  }
0x27: {  	s21 =	simm.s32 $0x9400;
	s2 =	sor.u32 $0x300, s23  }
0x28: {  	[tilespmem:s21], [sflag:$0x2] =	stream.indirect.gather [hbm4b:s4+s26], $0x20, s2, s26, $0xb8;
	[tilespmem:$0x13600] =	vst v63  }
0x29: {  	s24 =	sor.u32 $0x380, s23;
	s30 =	simm.s32 $0xA400;
	s2 =	simm.s32 $0x1  }
0x2a: {  	[tilespmem:s30], [sflag:$0x2] =	stream.indirect.gather [hbm4b:s4+s26], $0x20, s24, s26, $0xb8;
	[tilespmem:$0x13600] =	vst v63  }
0x2b: {  	_ =	swait.ge [sflag:s2], $0x4000  }
0x2c: {  	p0 =	seq.s32 s25, $0x0;
	[sflag:s2] =	ssyncset.done $0x0  }
0x2d: {  	s0 =	simm.s32 @!p0 $0x3;
	[sflag:s2] =	ssyncadd.s32 $0xFFFFC000  }
0x2e: {  	_ =	swait.ge @!p0 [sflag:s0], $0x4000  }
0x2f: {  	[sflag:s0] =	ssyncset.done @!p0 $0x0  }
0x30: {  	[sflag:s0] =	ssyncadd.s32 @!p0 $0xFFFFC000;
	s0 =	simm.s32 $0x3440  }
0x31: {  	v2 =	vld [tilespmem:s0+$0x20];
	_ =	sdelay $0x3  }
0x32: {  	v3 =	vld [tilespmem:s0+$0x0]  }
0x33: {  	v4 =	vld [tilespmem:s0+$0xFFFFFFC0];
	v2 =	vmax.f32 v2, $-5.000000000e+00  }
0x34: {  	v2 =	vmin.f32 v2, $5.000000000e+00  }
0x35: {  	v5 =	vmul.f32 v2, v2;
	_ =	sdelay $0x1  }
0x36: {  	v3 =	vmax.f32 v3, $-5.000000000e+00;
	v6 =	vmul.f32 $1.288318340e-06, v5  }
0x37: {  	v4 =	vmax.f32 v4, $-5.000000000e+00;
	v3 =	vmin.f32 v3, $5.000000000e+00  }
0x38: {  	v7 =	vld [tilespmem:s0+$0xFFFFFFE0];
	v4 =	vmin.f32 v4, $5.000000000e+00;
	v8 =	vmul.f32 v3, v3;
	v6 =	vadd.f32 $-6.907968780e-05, v6  }
0x39: {  	v11 =	vmul.f32 v4, v4  }
0x3a: {  	v9 =	vmul.f32 $1.288318340e-06, v8;
	v6 =	vmul.f32 v6, v5  }
0x3b: {  	v10 =	vmul.f32 $1.288318340e-06, v11  }
0x3c: {  	v9 =	vadd.f32 $-6.907968780e-05, v9;
	v6 =	vadd.f32 $1.503913660e-03, v6  }
0x3d: {  	v7 =	vmax.f32 v7, $-5.000000000e+00;
	v10 =	vadd.f32 $-6.907968780e-05, v10  }
0x3e: {  	v7 =	vmin.f32 v7, $5.000000000e+00;
	v9 =	vmul.f32 v9, v8;
	v6 =	vmul.f32 v6, v5  }
0x3f: {  	v13 =	vmul.f32 v7, v7;
	v10 =	vmul.f32 v10, v11  }
0x40: {  	v9 =	vadd.f32 $1.503913660e-03, v9;
	v6 =	vadd.f32 $-1.980512220e-02, v6  }
0x41: {  	s2 =	simm.s32 $0x2;
	v12 =	vmul.f32 $1.288318340e-06, v13;
	v10 =	vadd.f32 $1.503913660e-03, v10  }
0x42: {  	s21 =	simm.s32 $0x3;
	v14 =	vmov s2;
	v15 =	vmul.f32 v9, v8;
	v5 =	vmul.f32 v6, v5  }
0x43: {  	v12 =	vadd.f32 $-6.907968780e-05, v12;
	v10 =	vmul.f32 v10, v11;
	v6 =	vmov s21  }
0x44: {  	v9 =	vand.u32 $0x1FF, v6;
	v6 =	vadd.f32 $-1.980512220e-02, v15;
	v5 =	vadd.f32 $2.495142970e-01, v5  }
0x45: {  	v12 =	vmul.f32 v12, v13;
	v16 =	vadd.f32 $-1.980512220e-02, v10;
	v15 =	vadd.s32 v0, v9  }
0x46: {  	v10 =	vand.u32 $0x1FE, v14;
	s21 =	simm.s32 $0x0;
	v6 =	vmul.f32 v6, v8;
	v2 =	vmul.f32 v5, v2  }
0x47: {  	v11 =	vmul.f32 v16, v11;
	v8 =	vmov s21;
	v5 =	vadd.f32 $1.503913660e-03, v12  }
0x48: {  	v12 =	vand.u32 $0x1FC, v8;
	v6 =	vadd.f32 $2.495142970e-01, v6;
	v2 =	vadd.f32 $5.000000000e-01, v2  }
0x49: {  	v14 =	vadd.s32 v0, v10;
	v11 =	vadd.f32 $2.495142970e-01, v11;
	v8 =	vadd.s32 v0, v12  }
0x4a: {  	v5 =	vmul.f32 v5, v13;
	v3 =	vmul.f32 v6, v3;
	[tilespmem:v15+s31+$0x0] =	vst.idx.msk $0xffff, v2  }
0x4b: {  	v2 =	vmul.f32 v11, v4;
	v4 =	vld [tilespmem:s0+$0x30]  }
0x4c: {  	v5 =	vadd.f32 $-1.980512220e-02, v5;
	v3 =	vadd.f32 $5.000000000e-01, v3  }
0x4d: {  	s28 =	simm.s32 $0x34C0;
	v2 =	vadd.f32 $5.000000000e-01, v2  }
0x4e: {  	v11 =	vld [tilespmem:s28+$0x20];
	v5 =	vmul.f32 v5, v13;
	[tilespmem:v14+s31+$0x0] =	vst.idx.msk $0xffff, v3  }
0x4f: {  	v3 =	vld [tilespmem:s0+$0x10];
	[tilespmem:v8+s31+$0x0] =	vst.idx.msk $0xffff, v2  }
0x50: {  	s1 =	simm.s32 $0x7;
	s24 =	simm.s32 $0x1;
	v2 =	vadd.f32 $2.495142970e-01, v5;
	v6 =	vld [tilespmem:s0+$0xFFFFFFD0];
	v4 =	vmax.f32 v4, $-5.000000000e+00  }
0x51: {  	v17 =	vmov s1;
	v5 =	vmov s24;
	v14 =	vmin.f32 v4, $5.000000000e+00  }
0x52: {  	v2 =	vmul.f32 v2, v7;
	v7 =	vld [tilespmem:s28+$0xFFFFFFE0];
	v4 =	vand.u32 $0x1FD, v5;
	v13 =	vmul.f32 v14, v14  }
0x53: {  	v62 =	vadd.s32 v1, v9;
	v11 =	vmax.f32 v11, $-5.000000000e+00;
	v8 =	vadd.s32 v0, v4  }
0x54: {  	s30 =	simm.s32 $0x6;
	v16 =	vld [tilespmem:s28+$0x0];
	v15 =	vadd.f32 $5.000000000e-01, v2;
	v2 =	vmax.f32 v3, $-5.000000000e+00;
	v3 =	vmul.f32 $1.288318340e-06, v13  }
0x55: {  	v18 =	vld [tilespmem:s28+$0xFFFFFFC0];
	s24 =	simm.s32 $0x5;
	v5 =	vmin.f32 v2, $5.000000000e+00;
	v2 =	vmov s30;
	v6 =	vmax.f32 v6, $-5.000000000e+00  }
0x56: {  	v23 =	vmov s24;
	v19 =	vmin.f32 v6, $5.000000000e+00;
	v2 =	vand.u32 $0x1FE, v2  }
0x57: {  	v7 =	vmax.f32 v7, $-5.000000000e+00;
	v51 =	vmul.f32 v5, v5;
	v6 =	vadd.f32 $-6.907968780e-05, v3  }
0x58: {  	v3 =	vand.u32 $0x1FF, v17;
	v17 =	vmul.f32 v19, v19;
	v20 =	vmin.f32 v7, $5.000000000e+00  }
0x59: {  	v7 =	vmax.f32 v16, $-5.000000000e+00;
	v16 =	vmin.f32 v11, $5.000000000e+00;
	[tilespmem:v8+s31+$0x0] =	vst.idx.msk $0xffff, v15;
	v15 =	vmul.f32 v20, v20  }
0x5a: {  	s30 =	simm.s32 $0x4;
	v21 =	vmin.f32 v7, $5.000000000e+00;
	v7 =	vmax.f32 v18, $-5.000000000e+00;
	v18 =	vmul.f32 v16, v16  }
0x5b: {  	v30 =	vmov s30;
	v6 =	vmul.f32 v6, v13;
	v11 =	vmul.f32 v21, v21  }
0x5c: {  	v56 =	vadd.s32 v0, v2;
	v29 =	vmul.f32 $1.288318340e-06, v51;
	v25 =	vmul.f32 $1.288318340e-06, v18  }
0x5d: {  	v22 =	vmin.f32 v7, $5.000000000e+00;
	v6 =	vadd.f32 $1.503913660e-03, v6;
	v24 =	vmul.f32 $1.288318340e-06, v11  }
0x5e: {  	v34 =	vmul.f32 $1.288318340e-06, v17;
	v7 =	vmul.f32 $1.288318340e-06, v15;
	v50 =	vadd.f32 $-6.907968780e-05, v25  }
0x5f: {  	v26 =	vmul.f32 v22, v22;
	v6 =	vmul.f32 v6, v13;
	v49 =	vadd.f32 $-6.907968780e-05, v24  }
0x60: {  	v29 =	vadd.f32 $-6.907968780e-05, v29;
	v27 =	vadd.f32 $-6.907968780e-05, v7;
	v52 =	vmul.f32 v50, v18  }
0x61: {  	v7 =	vand.u32 $0x1FD, v23;
	v28 =	vadd.f32 $-1.980512220e-02, v6;
	v6 =	vmul.f32 v49, v11  }
0x62: {  	v8 =	vld [tilespmem:s0+$0xFFFFFFF0];
	v53 =	vmul.f32 $1.288318340e-06, v26;
	v27 =	vmul.f32 v27, v15;
	v23 =	vadd.f32 $1.503913660e-03, v52  }
0x63: {  	v33 =	vadd.s32 v0, v3;
	v55 =	vadd.f32 $-6.907968780e-05, v34;
	v31 =	vadd.f32 $1.503913660e-03, v6  }
0x64: {  	v24 =	vadd.f32 $-6.907968780e-05, v53;
	v27 =	vadd.f32 $1.503913660e-03, v27;
	v23 =	vmul.f32 v23, v18  }
0x65: {  	v29 =	vmul.f32 v29, v51;
	v54 =	vadd.s32 v0, v7;
	v31 =	vmul.f32 v31, v11  }
0x66: {  	v24 =	vmul.f32 v24, v26;
	v27 =	vmul.f32 v27, v15;
	v23 =	vadd.f32 $-1.980512220e-02, v23  }
0x67: {  	v8 =	vmax.f32 v8, $-5.000000000e+00;
	v29 =	vadd.f32 $1.503913660e-03, v29;
	v31 =	vadd.f32 $-1.980512220e-02, v31  }
0x68: {  	v24 =	vadd.f32 $1.503913660e-03, v24;
	v27 =	vadd.f32 $-1.980512220e-02, v27;
	v18 =	vmul.f32 v23, v18  }
0x69: {  	v8 =	vmin.f32 v8, $5.000000000e+00;
	v58 =	vmul.f32 v29, v51;
	v11 =	vmul.f32 v31, v11  }
0x6a: {  	v24 =	vmul.f32 v24, v26;
	v15 =	vmul.f32 v27, v15;
	v18 =	vadd.f32 $2.495142970e-01, v18  }
0x6b: {  	v13 =	vmul.f32 v28, v13;
	v23 =	vmul.f32 v55, v17;
	v31 =	vadd.f32 $2.495142970e-01, v11  }
0x6c: {  	v24 =	vadd.f32 $-1.980512220e-02, v24;
	v15 =	vadd.f32 $2.495142970e-01, v15;
	v16 =	vmul.f32 v18, v16  }
0x6d: {  	v23 =	vadd.f32 $1.503913660e-03, v23;
	v11 =	vmul.f32 v8, v8;
	v21 =	vmul.f32 v31, v21  }
0x6e: {  	v18 =	vmul.f32 v24, v26;
	v15 =	vmul.f32 v15, v20;
	v16 =	vadd.f32 $5.000000000e-01, v16  }
0x6f: {  	v20 =	vmul.f32 v23, v17;
	v57 =	vmul.f32 $1.288318340e-06, v11;
	v21 =	vadd.f32 $5.000000000e-01, v21  }
0x70: {  	v6 =	vand.u32 $0x1FC, v30;
	v61 =	vadd.f32 $2.495142970e-01, v13;
	v18 =	vadd.f32 $2.495142970e-01, v18;
	[tilespmem:v33+s31+$0x0] =	vst.idx.msk $0xffff, v16  }
0x71: {  	v32 =	vadd.s32 v0, v6;
	v20 =	vadd.f32 $-1.980512220e-02, v20;
	v16 =	vadd.f32 $-6.907968780e-05, v57;
	[tilespmem:v56+s31+$0x0] =	vst.idx.msk $0xffff, v21;
	v59 =	vld [tilespmem:s28+$0x30]  }
0x72: {  	v13 =	vadd.s32 v1, v10;
	v23 =	vadd.f32 $-1.980512220e-02, v58;
	v18 =	vmul.f32 v18, v22;
	v60 =	vld [tilespmem:s28+$0x10]  }
0x73: {  	v15 =	vadd.f32 $5.000000000e-01, v15;
	v17 =	vmul.f32 v20, v17;
	v16 =	vmul.f32 v16, v11  }
0x74: {  	v10 =	vmul.f32 v61, v14;
	v20 =	vmul.f32 v23, v51;
	v9 =	vadd.f32 $5.000000000e-01, v18  }
0x75: {  	[tilespmem:v54+s31+$0x0] =	vst.idx.msk $0xffff, v15;
	v63 =	vadd.f32 $2.495142970e-01, v17;
	v18 =	vadd.s32 v1, v12;
	v12 =	vadd.f32 $1.503913660e-03, v16  }
0x76: {  	v15 =	vadd.f32 $2.495142970e-01, v20;
	v20 =	vadd.f32 $5.000000000e-01, v10;
	[tilespmem:v32+s31+$0x0] =	vst.idx.msk $0xffff, v9;
	v14 =	vmax.f32 v59, $-5.000000000e+00  }
0x77: {  	v16 =	vld [tilespmem:s28+$0xFFFFFFD0];
	v17 =	vmul.f32 v12, v11;
	v10 =	vmax.f32 v60, $-5.000000000e+00;
	v9 =	vmin.f32 v14, $5.000000000e+00  }
0x78: {  	s29 =	simm.s32 $0x3540;
	s24 =	sshll.u32 s25, $0x1;
	s0 =	simm.s32 $0x8;
	[tilespmem:v62+s31+$0x0] =	vst.idx.msk $0xffff, v20;
	v12 =	vmul.f32 v63, v19;
	v14 =	vmin.f32 v10, $5.000000000e+00;
	v10 =	vmul.f32 v9, v9  }
.LBB2_3:
0x79: {  	s30 =	sadd.s32 $0x2, s0  }
0x7a: {  	v19 =	vld [tilespmem:s29+$0xFFFFFFE0];
	s1 =	sadd.s32 $0x3, s0;
	v17 =	vadd.f32 $-1.980512220e-02, v17;
	v20 =	vadd.s32 v1, v4;
	v21 =	vmul.f32 v15, v5;
	v4 =	vmovc v7;
	v5 =	vmovc v14;
	s21 =	smov.u32 s0;
	s2 =	sadd.s32 $0x4, s0  }
0x7b: {  	p1 =	slt.u32 s0, $0x1FC;
	v7 =	vmov s30;
	v15 =	vmov s1;
	v22 =	vld [tilespmem:s29+$0x20];
	v23 =	vmul.f32 $1.288318340e-06, v10  }
0x7c: {  	v26 =	vadd.f32 $5.000000000e-01, v12;
	v24 =	vld [tilespmem:s29+$0x0];
	v25 =	vmax.f32 v16, $-5.000000000e+00;
	v11 =	vmul.f32 v17, v11  }
0x7d: {  	v16 =	vand.u32 $0x1FF, v15;
	v27 =	vld [tilespmem:s29+$0xFFFFFFC0];
	v12 =	vmin.f32 v25, $5.000000000e+00;
	v23 =	vadd.f32 $-6.907968780e-05, v23  }
0x7e: {  	v15 =	vand.u32 $0x1FE, v7;
	v17 =	vmul.f32 v12, v12;
	[tilespmem:v18+s31+$0x0] =	vst.idx.msk $0xffff, v26;
	v7 =	vadd.f32 $2.495142970e-01, v11  }
0x7f: {  	v11 =	vmax.f32 v19, $-5.000000000e+00;
	v18 =	vmul.f32 v23, v10;
	v19 =	vadd.f32 $5.000000000e-01, v21  }
0x80: {  	v21 =	vmin.f32 v11, $5.000000000e+00;
	v11 =	vmax.f32 v22, $-5.000000000e+00;
	v7 =	vmul.f32 v7, v8  }
0x81: {  	v8 =	vmax.f32 v24, $-5.000000000e+00;
	v22 =	vmin.f32 v11, $5.000000000e+00;
	v11 =	vadd.f32 $1.503913660e-03, v18;
	[tilespmem:v13+s31+$0x0] =	vst.idx.msk $0xffff, v19  }
0x82: {  	v13 =	vmul.f32 v21, v21;
	v18 =	vmin.f32 v8, $5.000000000e+00;
	v7 =	vadd.f32 $5.000000000e-01, v7  }
0x83: {  	v8 =	vmax.f32 v27, $-5.000000000e+00;
	v23 =	vmul.f32 v22, v22;
	v19 =	vmul.f32 v18, v18;
	v24 =	vld [tilespmem:s28+$0xFFFFFFF0];
	s28 =	smov.u32 s29  }
0x84: {  	s0 =	sadd.s32 $0x1, s21;
	v25 =	vmin.f32 v8, $5.000000000e+00;
	v8 =	vmul.f32 $1.288318340e-06, v13;
	v11 =	vmul.f32 v11, v10;
	[tilespmem:v20+s31+$0x0] =	vst.idx.msk $0xffff, v7  }
0x85: {  	v7 =	vmov s0;
	v26 =	vmul.f32 $1.288318340e-06, v23;
	v20 =	vmul.f32 $1.288318340e-06, v19  }
0x86: {  	v27 =	vmul.f32 v25, v25;
	v8 =	vadd.f32 $-6.907968780e-05, v8;
	v7 =	vand.u32 $0x1FD, v7  }
0x87: {  	v14 =	vmul.f32 v14, v5;
	v26 =	vadd.f32 $-6.907968780e-05, v26;
	v20 =	vadd.f32 $-6.907968780e-05, v20  }
0x88: {  	v28 =	vmul.f32 v8, v13;
	v8 =	vmax.f32 v24, $-5.000000000e+00;
	v24 =	vadd.f32 $-1.980512220e-02, v11  }
0x89: {  	v11 =	vmul.f32 v20, v19;
	v20 =	vmul.f32 v26, v23;
	v8 =	vmin.f32 v8, $5.000000000e+00  }
0x8a: {  	v29 =	vmul.f32 $1.288318340e-06, v14;
	v26 =	vmul.f32 $1.288318340e-06, v27;
	v28 =	vadd.f32 $1.503913660e-03, v28  }
0x8b: {  	v30 =	vmov s21;
	v11 =	vadd.f32 $1.503913660e-03, v11;
	v20 =	vadd.f32 $1.503913660e-03, v20  }
0x8c: {  	v30 =	vand.u32 $0x1FC, v30;
	v31 =	vadd.s32 v0, v7;
	v26 =	vadd.f32 $-6.907968780e-05, v26  }
0x8d: {  	v29 =	vadd.f32 $-6.907968780e-05, v29;
	v11 =	vmul.f32 v11, v19;
	v20 =	vmul.f32 v20, v23  }
0x8e: {  	v32 =	vadd.s32 v0, v30;
	v33 =	vadd.s32 v0, v16;
	v26 =	vmul.f32 v26, v27  }
0x8f: {  	v34 =	vmul.f32 $1.288318340e-06, v17;
	v11 =	vadd.f32 $-1.980512220e-02, v11;
	v20 =	vadd.f32 $-1.980512220e-02, v20  }
0x90: {  	v29 =	vmul.f32 v29, v14;
	v28 =	vmul.f32 v28, v13;
	v26 =	vadd.f32 $1.503913660e-03, v26  }
0x91: {  	v11 =	vmul.f32 v11, v19;
	v19 =	vmul.f32 v20, v23;
	v20 =	vadd.f32 $-6.907968780e-05, v34  }
0x92: {  	v23 =	vmul.f32 v26, v27;
	v26 =	vadd.f32 $-1.980512220e-02, v28;
	v28 =	vadd.f32 $1.503913660e-03, v29  }
0x93: {  	v29 =	vadd.f32 $2.495142970e-01, v11;
	v19 =	vadd.f32 $2.495142970e-01, v19;
	v11 =	vmul.f32 v8, v8  }
0x94: {  	v23 =	vadd.f32 $-1.980512220e-02, v23;
	v13 =	vmul.f32 v26, v13;
	v20 =	vmul.f32 v20, v17  }
0x95: {  	v26 =	vadd.s32 v0, v15;
	v18 =	vmul.f32 v29, v18;
	v19 =	vmul.f32 v19, v22  }
0x96: {  	v22 =	vmul.f32 v23, v27;
	v13 =	vadd.f32 $2.495142970e-01, v13;
	v20 =	vadd.f32 $1.503913660e-03, v20  }
0x97: {  	v23 =	vmul.f32 $1.288318340e-06, v11;
	v18 =	vadd.f32 $5.000000000e-01, v18;
	v19 =	vadd.f32 $5.000000000e-01, v19  }
0x98: {  	v22 =	vadd.f32 $2.495142970e-01, v22;
	v13 =	vmul.f32 v13, v21;
	v20 =	vmul.f32 v20, v17  }
0x99: {  	v10 =	vmul.f32 v24, v10;
	v21 =	vmul.f32 v28, v14;
	[tilespmem:v33+s31+$0x0] =	vst.idx.msk $0xffff, v19;
	v19 =	vadd.f32 $-6.907968780e-05, v23  }
0x9a: {  	v22 =	vmul.f32 v22, v25;
	v13 =	vadd.f32 $5.000000000e-01, v13;
	[tilespmem:v26+s31+$0x0] =	vst.idx.msk $0xffff, v18;
	v23 =	vld [tilespmem:s29+$0x30];
	v18 =	vadd.f32 $-1.980512220e-02, v20  }
0x9b: {  	v24 =	vadd.s32 v1, v3;
	v3 =	vmovc v16;
	v10 =	vadd.f32 $2.495142970e-01, v10;
	v21 =	vadd.f32 $-1.980512220e-02, v21;
	v20 =	vld [tilespmem:s29+$0x10]  }
0x9c: {  	v16 =	vadd.f32 $5.000000000e-01, v22;
	v19 =	vmul.f32 v19, v11;
	[tilespmem:v31+s31+$0x0] =	vst.idx.msk $0xffff, v13;
	v17 =	vmul.f32 v18, v17  }
.Ltmp0:
0x9d: {  	v9 =	vmul.f32 v10, v9;
	v14 =	vmul.f32 v21, v14;
	v13 =	vadd.s32 v1, v2;
	v2 =	vmovc v15;
	(pc) =	sbr.rel @p1 .LBB2_3-.Ltmp0, $4  }
0x9e: {  	v18 =	vadd.s32 v1, v6;
	v6 =	vmovc v30;
	v10 =	vadd.f32 $1.503913660e-03, v19;
	[tilespmem:v32+s31+$0x0] =	vst.idx.msk $0xffff, v16;
	v21 =	vadd.f32 $2.495142970e-01, v17  }
0x9f: {  	v15 =	vadd.f32 $2.495142970e-01, v14;
	v19 =	vadd.f32 $5.000000000e-01, v9;
	v16 =	vld [tilespmem:s29+$0xFFFFFFD0];
	v17 =	vmax.f32 v23, $-5.000000000e+00  }
0xa0: {  	v14 =	vmax.f32 v20, $-5.000000000e+00;
	v9 =	vmin.f32 v17, $5.000000000e+00;
	v17 =	vmul.f32 v10, v11  }
0xa1: {  	s0 =	smov.u32 s2;
	s29 =	sadd.s32 $0x80, s29;
	v12 =	vmul.f32 v21, v12;
	v14 =	vmin.f32 v14, $5.000000000e+00;
	v10 =	vmul.f32 v9, v9;
	[tilespmem:v24+s31+$0x0] =	vst.idx.msk $0xffff, v19  }
0xa2: {  	v19 =	vld [tilespmem:s28+$0xFFFFFFF0];
	_ =	sdelay $0x1  }
0xa3: {  	v16 =	vmax.f32 v16, $-5.000000000e+00  }
0xa4: {  	v22 =	vmul.f32 v14, v14;
	v21 =	vmul.f32 $1.288318340e-06, v10;
	v16 =	vmin.f32 v16, $5.000000000e+00  }
0xa5: {  	v20 =	vmul.f32 v16, v16  }
0xa6: {  	v25 =	vmul.f32 $1.288318340e-06, v22;
	v21 =	vadd.f32 $-6.907968780e-05, v21;
	v19 =	vmax.f32 v19, $-5.000000000e+00  }
0xa7: {  	v19 =	vmin.f32 v19, $5.000000000e+00;
	v23 =	vmul.f32 $1.288318340e-06, v20  }
0xa8: {  	v25 =	vadd.f32 $-6.907968780e-05, v25;
	v21 =	vmul.f32 v21, v10;
	v24 =	vmul.f32 v19, v19  }
0xa9: {  	v17 =	vadd.f32 $-1.980512220e-02, v17;
	v23 =	vadd.f32 $-6.907968780e-05, v23  }
0xaa: {  	v25 =	vmul.f32 v25, v22;
	v21 =	vadd.f32 $1.503913660e-03, v21;
	v26 =	vmul.f32 $1.288318340e-06, v24  }
0xab: {  	v11 =	vmul.f32 v17, v11;
	v23 =	vmul.f32 v23, v20  }
0xac: {  	v41 =	vadd.f32 $1.503913660e-03, v25;
	v17 =	vmul.f32 v21, v10;
	v26 =	vadd.f32 $-6.907968780e-05, v26  }
0xad: {  	v5 =	vmul.f32 v15, v5;
	v11 =	vadd.f32 $2.495142970e-01, v11;
	v23 =	vadd.f32 $1.503913660e-03, v23  }
0xae: {  	v21 =	vmul.f32 v41, v22;
	v17 =	vadd.f32 $-1.980512220e-02, v17;
	v26 =	vmul.f32 v26, v24  }
0xaf: {  	v8 =	vmul.f32 v11, v8;
	v15 =	vmul.f32 v23, v20  }
0xb0: {  	v11 =	vadd.f32 $-1.980512220e-02, v21;
	v10 =	vmul.f32 v17, v10;
	v42 =	vadd.f32 $1.503913660e-03, v26  }
0xb1: {  	v4 =	vadd.s32 v1, v4;
	v3 =	vadd.s32 v1, v3;
	v15 =	vadd.f32 $-1.980512220e-02, v15  }
0xb2: {  	v11 =	vmul.f32 v11, v22;
	v10 =	vadd.f32 $2.495142970e-01, v10;
	v23 =	vmul.f32 v42, v24  }
0xb3: {  	v6 =	vadd.s32 v1, v6;
	v5 =	vadd.f32 $5.000000000e-01, v5;
	v15 =	vmul.f32 v15, v20  }
0xb4: {  	v9 =	vmul.f32 v10, v9;
	v10 =	vadd.f32 $2.495142970e-01, v11;
	v17 =	vadd.f32 $-1.980512220e-02, v23  }
0xb5: {  	v2 =	vadd.s32 v1, v2;
	v12 =	vadd.f32 $5.000000000e-01, v12;
	v15 =	vadd.f32 $2.495142970e-01, v15  }
0xb6: {  	[tilespmem:v13+s31+$0x0] =	vst.idx.msk $0xffff, v5;
	v5 =	vadd.f32 $5.000000000e-01, v9;
	v9 =	vmul.f32 v10, v14;
	v17 =	vmul.f32 v17, v24  }
0xb7: {  	[tilespmem:v18+s31+$0x0] =	vst.idx.msk $0xffff, v12;
	v8 =	vadd.f32 $5.000000000e-01, v8;
	v11 =	vmul.f32 v15, v16  }
0xb8: {  	[tilespmem:v3+s31+$0x0] =	vst.idx.msk $0xffff, v5;
	v3 =	vadd.f32 $5.000000000e-01, v9;
	v12 =	vadd.f32 $2.495142970e-01, v17  }
0xb9: {  	v7 =	vadd.s32 v1, v7;
	[tilespmem:v4+s31+$0x0] =	vst.idx.msk $0xffff, v8;
	v4 =	vadd.f32 $5.000000000e-01, v11  }
0xba: {  	[tilespmem:v2+s31+$0x0] =	vst.idx.msk $0xffff, v3;
	v8 =	vmul.f32 v12, v19  }
0xbb: {  	[tilespmem:v6+s31+$0x0] =	vst.idx.msk $0xffff, v4  }
0xbc: {  	s0 =	sshll.u32 s25, $0x11;
	v4 =	vadd.f32 $5.000000000e-01, v8;
	s1 =	rddreg [dreg:$0x5]  }
0xbd: {  	s28 =	sor.u32 s0, s1  }
0xbe: {  	[tilespmem:v7+s31+$0x0] =	vst.idx.msk $0xffff, v4;
	s0 =	sadd.s32 s6, s28  }
0xbf: {  	[hbm4b:s0+s3] =	stream.linear.scatter [tilespmem:s31], [sflag:$0x3], $0x80, $0x38;
	[tilespmem:$0x13600] =	vst v63  }
0xc0: {  	s30 =	smov.u32 s6;
	s2 =	simm.s32 $0xB608;
	s6 =	sadd.s32 $0x10, s0  }
0xc1: {  	[hbm4b:s6+s3] =	stream.linear.scatter [tilespmem:s2], [sflag:$0x3], $0x80, $0x38;
	[tilespmem:$0x13600] =	vst v63  }
0xc2: {  	s29 =	simm.s32 $0xB810;
	s21 =	sadd.s32 $0x20, s0  }
0xc3: {  	[hbm4b:s21+s3] =	stream.linear.scatter [tilespmem:s29], [sflag:$0x3], $0x80, $0x38;
	[tilespmem:$0x13600] =	vst v63  }
0xc4: {  	s2 =	sadd.s32 $0x30, s0;
	s6 =	simm.s32 $0xBA18  }
0xc5: {  	[hbm4b:s2+s3] =	stream.linear.scatter [tilespmem:s6], [sflag:$0x3], $0x80, $0x38;
	[tilespmem:$0x13600] =	vst v63  }
0xc6: {  	s21 =	sadd.s32 $0x40, s0;
	s29 =	simm.s32 $0xBC20  }
0xc7: {  	[hbm4b:s21+s3] =	stream.linear.scatter [tilespmem:s29], [sflag:$0x3], $0x80, $0x38;
	[tilespmem:$0x13600] =	vst v63  }
0xc8: {  	s2 =	sadd.s32 $0x50, s0;
	s6 =	simm.s32 $0xBE28  }
0xc9: {  	[hbm4b:s2+s3] =	stream.linear.scatter [tilespmem:s6], [sflag:$0x3], $0x80, $0x38;
	[tilespmem:$0x13600] =	vst v63  }
0xca: {  	s21 =	sadd.s32 $0x60, s0;
	s29 =	simm.s32 $0xC030  }
0xcb: {  	[hbm4b:s21+s3] =	stream.linear.scatter [tilespmem:s29], [sflag:$0x3], $0x80, $0x38;
	[tilespmem:$0x13600] =	vst v63  }
0xcc: {  	s0 =	sadd.s32 $0x70, s0;
	s6 =	simm.s32 $0xC238  }
0xcd: {  	[hbm4b:s0+s3] =	stream.linear.scatter [tilespmem:s6], [sflag:$0x3], $0x80, $0x38;
	[tilespmem:$0x13600] =	vst v63  }
0xce: {  	s6 =	smov.u32 s7;
	s0 =	sadd.s32 s28, s7;
	s7 =	simm.s32 $0xB480  }
0xcf: {  	[hbm4b:s0+s3] =	stream.linear.scatter [tilespmem:s7], [sflag:$0x3], $0x80, $0x38;
	[tilespmem:$0x13600] =	vst v63  }
0xd0: {  	s29 =	simm.s32 $0xB688;
	s21 =	sadd.s32 $0x10, s0  }
0xd1: {  	[hbm4b:s21+s3] =	stream.linear.scatter [tilespmem:s29], [sflag:$0x3], $0x80, $0x38;
	[tilespmem:$0x13600] =	vst v63  }
0xd2: {  	s2 =	sadd.s32 $0x20, s0;
	s7 =	simm.s32 $0xB890  }
0xd3: {  	[hbm4b:s2+s3] =	stream.linear.scatter [tilespmem:s7], [sflag:$0x3], $0x80, $0x38;
	[tilespmem:$0x13600] =	vst v63  }
0xd4: {  	s21 =	sadd.s32 $0x30, s0;
	s29 =	simm.s32 $0xBA98  }
0xd5: {  	[hbm4b:s21+s3] =	stream.linear.scatter [tilespmem:s29], [sflag:$0x3], $0x80, $0x38;
	[tilespmem:$0x13600] =	vst v63  }
0xd6: {  	s2 =	sadd.s32 $0x40, s0;
	s7 =	simm.s32 $0xBCA0  }
0xd7: {  	[hbm4b:s2+s3] =	stream.linear.scatter [tilespmem:s7], [sflag:$0x3], $0x80, $0x38;
	[tilespmem:$0x13600] =	vst v63  }
0xd8: {  	s21 =	sadd.s32 $0x50, s0;
	s29 =	simm.s32 $0xBEA8  }
0xd9: {  	[hbm4b:s21+s3] =	stream.linear.scatter [tilespmem:s29], [sflag:$0x3], $0x80, $0x38;
	[tilespmem:$0x13600] =	vst v63  }
0xda: {  	s2 =	sadd.s32 $0x60, s0;
	s7 =	simm.s32 $0xC0B0  }
0xdb: {  	[hbm4b:s2+s3] =	stream.linear.scatter [tilespmem:s7], [sflag:$0x3], $0x80, $0x38;
	[tilespmem:$0x13600] =	vst v63  }
0xdc: {  	s0 =	sadd.s32 $0x70, s0;
	s21 =	simm.s32 $0xC2B8  }
0xdd: {  	[hbm4b:s0+s3] =	stream.linear.scatter [tilespmem:s21], [sflag:$0x3], $0x80, $0x38;
	[tilespmem:$0x13600] =	vst v63  }
0xde: {  	s29 =	simm.s32 $0xB500;
	s0 =	sadd.s32 s28, s8  }
0xdf: {  	[hbm4b:s0+s3] =	stream.linear.scatter [tilespmem:s29], [sflag:$0x3], $0x80, $0x38;
	[tilespmem:$0x13600] =	vst v63  }
0xe0: {  	s7 =	smov.u32 s8;
	s8 =	simm.s32 $0xB708;
	s2 =	sadd.s32 $0x10, s0  }
0xe1: {  	[hbm4b:s2+s3] =	stream.linear.scatter [tilespmem:s8], [sflag:$0x3], $0x80, $0x38;
	[tilespmem:$0x13600] =	vst v63  }
0xe2: {  	s21 =	sadd.s32 $0x20, s0;
	s29 =	simm.s32 $0xB910  }
0xe3: {  	[hbm4b:s21+s3] =	stream.linear.scatter [tilespmem:s29], [sflag:$0x3], $0x80, $0x38;
	[tilespmem:$0x13600] =	vst v63  }
0xe4: {  	s2 =	sadd.s32 $0x30, s0;
	s8 =	simm.s32 $0xBB18  }
0xe5: {  	[hbm4b:s2+s3] =	stream.linear.scatter [tilespmem:s8], [sflag:$0x3], $0x80, $0x38;
	[tilespmem:$0x13600] =	vst v63  }
0xe6: {  	s21 =	sadd.s32 $0x40, s0;
	s29 =	simm.s32 $0xBD20  }
0xe7: {  	[hbm4b:s21+s3] =	stream.linear.scatter [tilespmem:s29], [sflag:$0x3], $0x80, $0x38;
	[tilespmem:$0x13600] =	vst v63  }
0xe8: {  	s2 =	sadd.s32 $0x50, s0;
	s8 =	simm.s32 $0xBF28  }
0xe9: {  	[hbm4b:s2+s3] =	stream.linear.scatter [tilespmem:s8], [sflag:$0x3], $0x80, $0x38;
	[tilespmem:$0x13600] =	vst v63  }
0xea: {  	s21 =	sadd.s32 $0x60, s0;
	s29 =	simm.s32 $0xC130  }
0xeb: {  	[hbm4b:s21+s3] =	stream.linear.scatter [tilespmem:s29], [sflag:$0x3], $0x80, $0x38;
	[tilespmem:$0x13600] =	vst v63  }
0xec: {  	s0 =	sadd.s32 $0x70, s0;
	s8 =	simm.s32 $0xC338  }
0xed: {  	[hbm4b:s0+s3] =	stream.linear.scatter [tilespmem:s8], [sflag:$0x3], $0x80, $0x38;
	[tilespmem:$0x13600] =	vst v63  }
0xee: {  	s8 =	smov.u32 s9;
	s0 =	sadd.s32 s28, s9;
	s9 =	simm.s32 $0xB580  }
0xef: {  	[hbm4b:s0+s3] =	stream.linear.scatter [tilespmem:s9], [sflag:$0x3], $0x80, $0x38;
	[tilespmem:$0x13600] =	vst v63  }
0xf0: {  	s29 =	simm.s32 $0xB788;
	s21 =	sadd.s32 $0x10, s0  }
0xf1: {  	[hbm4b:s21+s3] =	stream.linear.scatter [tilespmem:s29], [sflag:$0x3], $0x80, $0x38;
	[tilespmem:$0x13600] =	vst v63  }
0xf2: {  	s2 =	sadd.s32 $0x20, s0;
	s9 =	simm.s32 $0xB990  }
0xf3: {  	[hbm4b:s2+s3] =	stream.linear.scatter [tilespmem:s9], [sflag:$0x3], $0x80, $0x38;
	[tilespmem:$0x13600] =	vst v63  }
0xf4: {  	s21 =	sadd.s32 $0x30, s0;
	s29 =	simm.s32 $0xBB98  }
0xf5: {  	[hbm4b:s21+s3] =	stream.linear.scatter [tilespmem:s29], [sflag:$0x3], $0x80, $0x38;
	[tilespmem:$0x13600] =	vst v63  }
0xf6: {  	s2 =	sadd.s32 $0x40, s0;
	s9 =	simm.s32 $0xBDA0  }
0xf7: {  	[hbm4b:s2+s3] =	stream.linear.scatter [tilespmem:s9], [sflag:$0x3], $0x80, $0x38;
	[tilespmem:$0x13600] =	vst v63  }
0xf8: {  	s21 =	sadd.s32 $0x50, s0;
	s29 =	simm.s32 $0xBFA8  }
0xf9: {  	[hbm4b:s21+s3] =	stream.linear.scatter [tilespmem:s29], [sflag:$0x3], $0x80, $0x38;
	[tilespmem:$0x13600] =	vst v63  }
0xfa: {  	s2 =	sadd.s32 $0x60, s0;
	s9 =	simm.s32 $0xC1B0  }
0xfb: {  	[hbm4b:s2+s3] =	stream.linear.scatter [tilespmem:s9], [sflag:$0x3], $0x80, $0x38;
	[tilespmem:$0x13600] =	vst v63  }
0xfc: {  	s0 =	sadd.s32 $0x70, s0;
	s21 =	simm.s32 $0xC3B8  }
0xfd: {  	[hbm4b:s0+s3] =	stream.linear.scatter [tilespmem:s21], [sflag:$0x3], $0x80, $0x38;
	[tilespmem:$0x13600] =	vst v63  }
0xfe: {  	s29 =	simm.s32 $0xC440;
	s0 =	sadd.s32 s28, s10  }
0xff: {  	[hbm4b:s0+s3] =	stream.linear.scatter [tilespmem:s29], [sflag:$0x3], $0x80, $0x38;
	[tilespmem:$0x13600] =	vst v63  }
0x100: {  	s9 =	smov.u32 s10;
	s10 =	simm.s32 $0xC648;
	s2 =	sadd.s32 $0x10, s0  }
0x101: {  	[hbm4b:s2+s3] =	stream.linear.scatter [tilespmem:s10], [sflag:$0x3], $0x80, $0x38;
	[tilespmem:$0x13600] =	vst v63  }
0x102: {  	s21 =	sadd.s32 $0x20, s0;
	s29 =	simm.s32 $0xC850  }
0x103: {  	[hbm4b:s21+s3] =	stream.linear.scatter [tilespmem:s29], [sflag:$0x3], $0x80, $0x38;
	[tilespmem:$0x13600] =	vst v63  }
0x104: {  	s2 =	sadd.s32 $0x30, s0;
	s10 =	simm.s32 $0xCA58  }
0x105: {  	[hbm4b:s2+s3] =	stream.linear.scatter [tilespmem:s10], [sflag:$0x3], $0x80, $0x38;
	[tilespmem:$0x13600] =	vst v63  }
0x106: {  	s21 =	sadd.s32 $0x40, s0;
	s29 =	simm.s32 $0xCC60  }
0x107: {  	[hbm4b:s21+s3] =	stream.linear.scatter [tilespmem:s29], [sflag:$0x3], $0x80, $0x38;
	[tilespmem:$0x13600] =	vst v63  }
0x108: {  	s2 =	sadd.s32 $0x50, s0;
	s10 =	simm.s32 $0xCE68  }
0x109: {  	[hbm4b:s2+s3] =	stream.linear.scatter [tilespmem:s10], [sflag:$0x3], $0x80, $0x38;
	[tilespmem:$0x13600] =	vst v63  }
0x10a: {  	s21 =	sadd.s32 $0x60, s0;
	s29 =	simm.s32 $0xD070  }
0x10b: {  	[hbm4b:s21+s3] =	stream.linear.scatter [tilespmem:s29], [sflag:$0x3], $0x80, $0x38;
	[tilespmem:$0x13600] =	vst v63  }
0x10c: {  	s0 =	sadd.s32 $0x70, s0;
	s10 =	simm.s32 $0xD278  }
0x10d: {  	[hbm4b:s0+s3] =	stream.linear.scatter [tilespmem:s10], [sflag:$0x3], $0x80, $0x38;
	[tilespmem:$0x13600] =	vst v63  }
0x10e: {  	s10 =	smov.u32 s11;
	s0 =	sadd.s32 s28, s11;
	s11 =	simm.s32 $0xC4C0  }
0x10f: {  	[hbm4b:s0+s3] =	stream.linear.scatter [tilespmem:s11], [sflag:$0x3], $0x80, $0x38;
	[tilespmem:$0x13600] =	vst v63  }
0x110: {  	s29 =	simm.s32 $0xC6C8;
	s21 =	sadd.s32 $0x10, s0  }
0x111: {  	[hbm4b:s21+s3] =	stream.linear.scatter [tilespmem:s29], [sflag:$0x3], $0x80, $0x38;
	[tilespmem:$0x13600] =	vst v63  }
0x112: {  	s2 =	sadd.s32 $0x20, s0;
	s11 =	simm.s32 $0xC8D0  }
0x113: {  	[hbm4b:s2+s3] =	stream.linear.scatter [tilespmem:s11], [sflag:$0x3], $0x80, $0x38;
	[tilespmem:$0x13600] =	vst v63  }
0x114: {  	s21 =	sadd.s32 $0x30, s0;
	s29 =	simm.s32 $0xCAD8  }
0x115: {  	[hbm4b:s21+s3] =	stream.linear.scatter [tilespmem:s29], [sflag:$0x3], $0x80, $0x38;
	[tilespmem:$0x13600] =	vst v63  }
0x116: {  	s2 =	sadd.s32 $0x40, s0;
	s11 =	simm.s32 $0xCCE0  }
0x117: {  	[hbm4b:s2+s3] =	stream.linear.scatter [tilespmem:s11], [sflag:$0x3], $0x80, $0x38;
	[tilespmem:$0x13600] =	vst v63  }
0x118: {  	s21 =	sadd.s32 $0x50, s0;
	s29 =	simm.s32 $0xCEE8  }
0x119: {  	[hbm4b:s21+s3] =	stream.linear.scatter [tilespmem:s29], [sflag:$0x3], $0x80, $0x38;
	[tilespmem:$0x13600] =	vst v63  }
0x11a: {  	s2 =	sadd.s32 $0x60, s0;
	s11 =	simm.s32 $0xD0F0  }
0x11b: {  	[hbm4b:s2+s3] =	stream.linear.scatter [tilespmem:s11], [sflag:$0x3], $0x80, $0x38;
	[tilespmem:$0x13600] =	vst v63  }
0x11c: {  	s0 =	sadd.s32 $0x70, s0;
	s21 =	simm.s32 $0xD2F8  }
0x11d: {  	[hbm4b:s0+s3] =	stream.linear.scatter [tilespmem:s21], [sflag:$0x3], $0x80, $0x38;
	[tilespmem:$0x13600] =	vst v63  }
0x11e: {  	s29 =	simm.s32 $0xC540;
	s0 =	sadd.s32 s28, s12  }
0x11f: {  	[hbm4b:s0+s3] =	stream.linear.scatter [tilespmem:s29], [sflag:$0x3], $0x80, $0x38;
	[tilespmem:$0x13600] =	vst v63  }
0x120: {  	s11 =	smov.u32 s12;
	s12 =	simm.s32 $0xC748;
	s2 =	sadd.s32 $0x10, s0  }
0x121: {  	[hbm4b:s2+s3] =	stream.linear.scatter [tilespmem:s12], [sflag:$0x3], $0x80, $0x38;
	[tilespmem:$0x13600] =	vst v63  }
0x122: {  	s21 =	sadd.s32 $0x20, s0;
	s29 =	simm.s32 $0xC950  }
0x123: {  	[hbm4b:s21+s3] =	stream.linear.scatter [tilespmem:s29], [sflag:$0x3], $0x80, $0x38;
	[tilespmem:$0x13600] =	vst v63  }
0x124: {  	s2 =	sadd.s32 $0x30, s0;
	s12 =	simm.s32 $0xCB58  }
0x125: {  	[hbm4b:s2+s3] =	stream.linear.scatter [tilespmem:s12], [sflag:$0x3], $0x80, $0x38;
	[tilespmem:$0x13600] =	vst v63  }
0x126: {  	s21 =	sadd.s32 $0x40, s0;
	s29 =	simm.s32 $0xCD60  }
0x127: {  	[hbm4b:s21+s3] =	stream.linear.scatter [tilespmem:s29], [sflag:$0x3], $0x80, $0x38;
	[tilespmem:$0x13600] =	vst v63  }
0x128: {  	s2 =	sadd.s32 $0x50, s0;
	s12 =	simm.s32 $0xCF68  }
0x129: {  	[hbm4b:s2+s3] =	stream.linear.scatter [tilespmem:s12], [sflag:$0x3], $0x80, $0x38;
	[tilespmem:$0x13600] =	vst v63  }
0x12a: {  	s21 =	sadd.s32 $0x60, s0;
	s29 =	simm.s32 $0xD170  }
0x12b: {  	[hbm4b:s21+s3] =	stream.linear.scatter [tilespmem:s29], [sflag:$0x3], $0x80, $0x38;
	[tilespmem:$0x13600] =	vst v63  }
0x12c: {  	s0 =	sadd.s32 $0x70, s0;
	s12 =	simm.s32 $0xD378  }
0x12d: {  	[hbm4b:s0+s3] =	stream.linear.scatter [tilespmem:s12], [sflag:$0x3], $0x80, $0x38;
	[tilespmem:$0x13600] =	vst v63  }
0x12e: {  	s12 =	smov.u32 s13;
	s0 =	sadd.s32 s28, s13;
	s13 =	simm.s32 $0xC5C0  }
0x12f: {  	[hbm4b:s0+s3] =	stream.linear.scatter [tilespmem:s13], [sflag:$0x3], $0x80, $0x38;
	[tilespmem:$0x13600] =	vst v63  }
0x130: {  	s29 =	simm.s32 $0xC7C8;
	s21 =	sadd.s32 $0x10, s0  }
0x131: {  	[hbm4b:s21+s3] =	stream.linear.scatter [tilespmem:s29], [sflag:$0x3], $0x80, $0x38;
	[tilespmem:$0x13600] =	vst v63  }
0x132: {  	s2 =	sadd.s32 $0x20, s0;
	s13 =	simm.s32 $0xC9D0  }
0x133: {  	[hbm4b:s2+s3] =	stream.linear.scatter [tilespmem:s13], [sflag:$0x3], $0x80, $0x38;
	[tilespmem:$0x13600] =	vst v63  }
0x134: {  	s21 =	sadd.s32 $0x30, s0;
	s29 =	simm.s32 $0xCBD8  }
0x135: {  	[hbm4b:s21+s3] =	stream.linear.scatter [tilespmem:s29], [sflag:$0x3], $0x80, $0x38;
	[tilespmem:$0x13600] =	vst v63  }
0x136: {  	s2 =	sadd.s32 $0x40, s0;
	s13 =	simm.s32 $0xCDE0  }
0x137: {  	[hbm4b:s2+s3] =	stream.linear.scatter [tilespmem:s13], [sflag:$0x3], $0x80, $0x38;
	[tilespmem:$0x13600] =	vst v63  }
0x138: {  	s21 =	sadd.s32 $0x50, s0;
	s29 =	simm.s32 $0xCFE8  }
0x139: {  	[hbm4b:s21+s3] =	stream.linear.scatter [tilespmem:s29], [sflag:$0x3], $0x80, $0x38;
	[tilespmem:$0x13600] =	vst v63  }
0x13a: {  	s2 =	sadd.s32 $0x60, s0;
	s13 =	simm.s32 $0xD1F0  }
0x13b: {  	[hbm4b:s2+s3] =	stream.linear.scatter [tilespmem:s13], [sflag:$0x3], $0x80, $0x38;
	[tilespmem:$0x13600] =	vst v63  }
0x13c: {  	s0 =	sadd.s32 $0x70, s0;
	s21 =	simm.s32 $0xD3F8  }
0x13d: {  	[hbm4b:s0+s3] =	stream.linear.scatter [tilespmem:s21], [sflag:$0x3], $0x80, $0x38;
	[tilespmem:$0x13600] =	vst v63  }
0x13e: {  	s29 =	simm.s32 $0xD480;
	s0 =	sadd.s32 s28, s14  }
0x13f: {  	[hbm4b:s0+s3] =	stream.linear.scatter [tilespmem:s29], [sflag:$0x3], $0x80, $0x38;
	[tilespmem:$0x13600] =	vst v63  }
0x140: {  	s13 =	smov.u32 s14;
	s14 =	simm.s32 $0xD688;
	s2 =	sadd.s32 $0x10, s0  }
0x141: {  	[hbm4b:s2+s3] =	stream.linear.scatter [tilespmem:s14], [sflag:$0x3], $0x80, $0x38;
	[tilespmem:$0x13600] =	vst v63  }
0x142: {  	s21 =	sadd.s32 $0x20, s0;
	s29 =	simm.s32 $0xD890  }
0x143: {  	[hbm4b:s21+s3] =	stream.linear.scatter [tilespmem:s29], [sflag:$0x3], $0x80, $0x38;
	[tilespmem:$0x13600] =	vst v63  }
0x144: {  	s2 =	sadd.s32 $0x30, s0;
	s14 =	simm.s32 $0xDA98  }
0x145: {  	[hbm4b:s2+s3] =	stream.linear.scatter [tilespmem:s14], [sflag:$0x3], $0x80, $0x38;
	[tilespmem:$0x13600] =	vst v63  }
0x146: {  	s21 =	sadd.s32 $0x40, s0;
	s29 =	simm.s32 $0xDCA0  }
0x147: {  	[hbm4b:s21+s3] =	stream.linear.scatter [tilespmem:s29], [sflag:$0x3], $0x80, $0x38;
	[tilespmem:$0x13600] =	vst v63  }
0x148: {  	s2 =	sadd.s32 $0x50, s0;
	s14 =	simm.s32 $0xDEA8  }
0x149: {  	[hbm4b:s2+s3] =	stream.linear.scatter [tilespmem:s14], [sflag:$0x3], $0x80, $0x38;
	[tilespmem:$0x13600] =	vst v63  }
0x14a: {  	s21 =	sadd.s32 $0x60, s0;
	s29 =	simm.s32 $0xE0B0  }
0x14b: {  	[hbm4b:s21+s3] =	stream.linear.scatter [tilespmem:s29], [sflag:$0x3], $0x80, $0x38;
	[tilespmem:$0x13600] =	vst v63  }
0x14c: {  	s0 =	sadd.s32 $0x70, s0;
	s14 =	simm.s32 $0xE2B8  }
0x14d: {  	[hbm4b:s0+s3] =	stream.linear.scatter [tilespmem:s14], [sflag:$0x3], $0x80, $0x38;
	[tilespmem:$0x13600] =	vst v63  }
0x14e: {  	s14 =	smov.u32 s15;
	s0 =	sadd.s32 s28, s15;
	s15 =	simm.s32 $0xD500  }
0x14f: {  	[hbm4b:s0+s3] =	stream.linear.scatter [tilespmem:s15], [sflag:$0x3], $0x80, $0x38;
	[tilespmem:$0x13600] =	vst v63  }
0x150: {  	s29 =	simm.s32 $0xD708;
	s21 =	sadd.s32 $0x10, s0  }
0x151: {  	[hbm4b:s21+s3] =	stream.linear.scatter [tilespmem:s29], [sflag:$0x3], $0x80, $0x38;
	[tilespmem:$0x13600] =	vst v63  }
0x152: {  	s2 =	sadd.s32 $0x20, s0;
	s15 =	simm.s32 $0xD910  }
0x153: {  	[hbm4b:s2+s3] =	stream.linear.scatter [tilespmem:s15], [sflag:$0x3], $0x80, $0x38;
	[tilespmem:$0x13600] =	vst v63  }
0x154: {  	s21 =	sadd.s32 $0x30, s0;
	s29 =	simm.s32 $0xDB18  }
0x155: {  	[hbm4b:s21+s3] =	stream.linear.scatter [tilespmem:s29], [sflag:$0x3], $0x80, $0x38;
	[tilespmem:$0x13600] =	vst v63  }
0x156: {  	s2 =	sadd.s32 $0x40, s0;
	s15 =	simm.s32 $0xDD20  }
0x157: {  	[hbm4b:s2+s3] =	stream.linear.scatter [tilespmem:s15], [sflag:$0x3], $0x80, $0x38;
	[tilespmem:$0x13600] =	vst v63  }
0x158: {  	s21 =	sadd.s32 $0x50, s0;
	s29 =	simm.s32 $0xDF28  }
0x159: {  	[hbm4b:s21+s3] =	stream.linear.scatter [tilespmem:s29], [sflag:$0x3], $0x80, $0x38;
	[tilespmem:$0x13600] =	vst v63  }
0x15a: {  	s2 =	sadd.s32 $0x60, s0;
	s15 =	simm.s32 $0xE130  }
0x15b: {  	[hbm4b:s2+s3] =	stream.linear.scatter [tilespmem:s15], [sflag:$0x3], $0x80, $0x38;
	[tilespmem:$0x13600] =	vst v63  }
0x15c: {  	s0 =	sadd.s32 $0x70, s0;
	s21 =	simm.s32 $0xE338  }
0x15d: {  	[hbm4b:s0+s3] =	stream.linear.scatter [tilespmem:s21], [sflag:$0x3], $0x80, $0x38;
	[tilespmem:$0x13600] =	vst v63  }
0x15e: {  	s29 =	simm.s32 $0xD580;
	s0 =	sadd.s32 s28, s16  }
0x15f: {  	[hbm4b:s0+s3] =	stream.linear.scatter [tilespmem:s29], [sflag:$0x3], $0x80, $0x38;
	[tilespmem:$0x13600] =	vst v63  }
0x160: {  	s15 =	smov.u32 s16;
	s16 =	simm.s32 $0xD788;
	s2 =	sadd.s32 $0x10, s0  }
0x161: {  	[hbm4b:s2+s3] =	stream.linear.scatter [tilespmem:s16], [sflag:$0x3], $0x80, $0x38;
	[tilespmem:$0x13600] =	vst v63  }
0x162: {  	s21 =	sadd.s32 $0x20, s0;
	s29 =	simm.s32 $0xD990  }
0x163: {  	[hbm4b:s21+s3] =	stream.linear.scatter [tilespmem:s29], [sflag:$0x3], $0x80, $0x38;
	[tilespmem:$0x13600] =	vst v63  }
0x164: {  	s2 =	sadd.s32 $0x30, s0;
	s16 =	simm.s32 $0xDB98  }
0x165: {  	[hbm4b:s2+s3] =	stream.linear.scatter [tilespmem:s16], [sflag:$0x3], $0x80, $0x38;
	[tilespmem:$0x13600] =	vst v63  }
0x166: {  	s21 =	sadd.s32 $0x40, s0;
	s29 =	simm.s32 $0xDDA0  }
0x167: {  	[hbm4b:s21+s3] =	stream.linear.scatter [tilespmem:s29], [sflag:$0x3], $0x80, $0x38;
	[tilespmem:$0x13600] =	vst v63  }
0x168: {  	s2 =	sadd.s32 $0x50, s0;
	s16 =	simm.s32 $0xDFA8  }
0x169: {  	[hbm4b:s2+s3] =	stream.linear.scatter [tilespmem:s16], [sflag:$0x3], $0x80, $0x38;
	[tilespmem:$0x13600] =	vst v63  }
0x16a: {  	s21 =	sadd.s32 $0x60, s0;
	s29 =	simm.s32 $0xE1B0  }
0x16b: {  	[hbm4b:s21+s3] =	stream.linear.scatter [tilespmem:s29], [sflag:$0x3], $0x80, $0x38;
	[tilespmem:$0x13600] =	vst v63  }
0x16c: {  	s0 =	sadd.s32 $0x70, s0;
	s16 =	simm.s32 $0xE3B8  }
0x16d: {  	[hbm4b:s0+s3] =	stream.linear.scatter [tilespmem:s16], [sflag:$0x3], $0x80, $0x38;
	[tilespmem:$0x13600] =	vst v63  }
0x16e: {  	s16 =	smov.u32 s17;
	s0 =	sadd.s32 s28, s17;
	s17 =	simm.s32 $0xD600  }
0x16f: {  	[hbm4b:s0+s3] =	stream.linear.scatter [tilespmem:s17], [sflag:$0x3], $0x80, $0x38;
	[tilespmem:$0x13600] =	vst v63  }
0x170: {  	s29 =	simm.s32 $0xD808;
	s21 =	sadd.s32 $0x10, s0  }
0x171: {  	[hbm4b:s21+s3] =	stream.linear.scatter [tilespmem:s29], [sflag:$0x3], $0x80, $0x38;
	[tilespmem:$0x13600] =	vst v63  }
0x172: {  	s2 =	sadd.s32 $0x20, s0;
	s17 =	simm.s32 $0xDA10  }
0x173: {  	[hbm4b:s2+s3] =	stream.linear.scatter [tilespmem:s17], [sflag:$0x3], $0x80, $0x38;
	[tilespmem:$0x13600] =	vst v63  }
0x174: {  	s21 =	sadd.s32 $0x30, s0;
	s29 =	simm.s32 $0xDC18  }
0x175: {  	[hbm4b:s21+s3] =	stream.linear.scatter [tilespmem:s29], [sflag:$0x3], $0x80, $0x38;
	[tilespmem:$0x13600] =	vst v63  }
0x176: {  	s2 =	sadd.s32 $0x40, s0;
	s17 =	simm.s32 $0xDE20  }
0x177: {  	[hbm4b:s2+s3] =	stream.linear.scatter [tilespmem:s17], [sflag:$0x3], $0x80, $0x38;
	[tilespmem:$0x13600] =	vst v63  }
0x178: {  	s21 =	sadd.s32 $0x50, s0;
	s29 =	simm.s32 $0xE028  }
0x179: {  	[hbm4b:s21+s3] =	stream.linear.scatter [tilespmem:s29], [sflag:$0x3], $0x80, $0x38;
	[tilespmem:$0x13600] =	vst v63  }
0x17a: {  	s2 =	sadd.s32 $0x60, s0;
	s17 =	simm.s32 $0xE230  }
0x17b: {  	[hbm4b:s2+s3] =	stream.linear.scatter [tilespmem:s17], [sflag:$0x3], $0x80, $0x38;
	[tilespmem:$0x13600] =	vst v63  }
0x17c: {  	s0 =	sadd.s32 $0x70, s0;
	s21 =	simm.s32 $0xE438  }
0x17d: {  	[hbm4b:s0+s3] =	stream.linear.scatter [tilespmem:s21], [sflag:$0x3], $0x80, $0x38;
	[tilespmem:$0x13600] =	vst v63  }
0x17e: {  	s29 =	simm.s32 $0xE4C0;
	s0 =	sadd.s32 s28, s18  }
0x17f: {  	[hbm4b:s0+s3] =	stream.linear.scatter [tilespmem:s29], [sflag:$0x3], $0x80, $0x38;
	[tilespmem:$0x13600] =	vst v63  }
0x180: {  	s17 =	smov.u32 s18;
	s18 =	simm.s32 $0xE6C8;
	s2 =	sadd.s32 $0x10, s0  }
0x181: {  	[hbm4b:s2+s3] =	stream.linear.scatter [tilespmem:s18], [sflag:$0x3], $0x80, $0x38;
	[tilespmem:$0x13600] =	vst v63  }
0x182: {  	s21 =	sadd.s32 $0x20, s0;
	s29 =	simm.s32 $0xE8D0  }
0x183: {  	[hbm4b:s21+s3] =	stream.linear.scatter [tilespmem:s29], [sflag:$0x3], $0x80, $0x38;
	[tilespmem:$0x13600] =	vst v63  }
0x184: {  	s2 =	sadd.s32 $0x30, s0;
	s18 =	simm.s32 $0xEAD8  }
0x185: {  	[hbm4b:s2+s3] =	stream.linear.scatter [tilespmem:s18], [sflag:$0x3], $0x80, $0x38;
	[tilespmem:$0x13600] =	vst v63  }
0x186: {  	s21 =	sadd.s32 $0x40, s0;
	s29 =	simm.s32 $0xECE0  }
0x187: {  	[hbm4b:s21+s3] =	stream.linear.scatter [tilespmem:s29], [sflag:$0x3], $0x80, $0x38;
	[tilespmem:$0x13600] =	vst v63  }
0x188: {  	s2 =	sadd.s32 $0x50, s0;
	s18 =	simm.s32 $0xEEE8  }
0x189: {  	[hbm4b:s2+s3] =	stream.linear.scatter [tilespmem:s18], [sflag:$0x3], $0x80, $0x38;
	[tilespmem:$0x13600] =	vst v63  }
0x18a: {  	s21 =	sadd.s32 $0x60, s0;
	s29 =	simm.s32 $0xF0F0  }
0x18b: {  	[hbm4b:s21+s3] =	stream.linear.scatter [tilespmem:s29], [sflag:$0x3], $0x80, $0x38;
	[tilespmem:$0x13600] =	vst v63  }
0x18c: {  	s0 =	sadd.s32 $0x70, s0;
	s18 =	simm.s32 $0xF2F8  }
0x18d: {  	[hbm4b:s0+s3] =	stream.linear.scatter [tilespmem:s18], [sflag:$0x3], $0x80, $0x38;
	[tilespmem:$0x13600] =	vst v63  }
0x18e: {  	s18 =	smov.u32 s19;
	s0 =	sadd.s32 s28, s19;
	s19 =	simm.s32 $0xE540  }
0x18f: {  	[hbm4b:s0+s3] =	stream.linear.scatter [tilespmem:s19], [sflag:$0x3], $0x80, $0x38;
	[tilespmem:$0x13600] =	vst v63  }
0x190: {  	s29 =	simm.s32 $0xE748;
	s21 =	sadd.s32 $0x10, s0  }
0x191: {  	[hbm4b:s21+s3] =	stream.linear.scatter [tilespmem:s29], [sflag:$0x3], $0x80, $0x38;
	[tilespmem:$0x13600] =	vst v63  }
0x192: {  	s2 =	sadd.s32 $0x20, s0;
	s19 =	simm.s32 $0xE950  }
0x193: {  	[hbm4b:s2+s3] =	stream.linear.scatter [tilespmem:s19], [sflag:$0x3], $0x80, $0x38;
	[tilespmem:$0x13600] =	vst v63  }
0x194: {  	s21 =	sadd.s32 $0x30, s0;
	s29 =	simm.s32 $0xEB58  }
0x195: {  	[hbm4b:s21+s3] =	stream.linear.scatter [tilespmem:s29], [sflag:$0x3], $0x80, $0x38;
	[tilespmem:$0x13600] =	vst v63  }
0x196: {  	s2 =	sadd.s32 $0x40, s0;
	s19 =	simm.s32 $0xED60  }
0x197: {  	[hbm4b:s2+s3] =	stream.linear.scatter [tilespmem:s19], [sflag:$0x3], $0x80, $0x38;
	[tilespmem:$0x13600] =	vst v63  }
0x198: {  	s21 =	sadd.s32 $0x50, s0;
	s29 =	simm.s32 $0xEF68  }
0x199: {  	[hbm4b:s21+s3] =	stream.linear.scatter [tilespmem:s29], [sflag:$0x3], $0x80, $0x38;
	[tilespmem:$0x13600] =	vst v63  }
0x19a: {  	s2 =	sadd.s32 $0x60, s0;
	s19 =	simm.s32 $0xF170  }
0x19b: {  	[hbm4b:s2+s3] =	stream.linear.scatter [tilespmem:s19], [sflag:$0x3], $0x80, $0x38;
	[tilespmem:$0x13600] =	vst v63  }
0x19c: {  	s0 =	sadd.s32 $0x70, s0;
	s21 =	simm.s32 $0xF378  }
0x19d: {  	[hbm4b:s0+s3] =	stream.linear.scatter [tilespmem:s21], [sflag:$0x3], $0x80, $0x38;
	[tilespmem:$0x13600] =	vst v63  }
0x19e: {  	s29 =	simm.s32 $0xE5C0;
	s0 =	sadd.s32 s28, s20  }
0x19f: {  	[hbm4b:s0+s3] =	stream.linear.scatter [tilespmem:s29], [sflag:$0x3], $0x80, $0x38;
	[tilespmem:$0x13600] =	vst v63  }
0x1a0: {  	s19 =	smov.u32 s20;
	s20 =	simm.s32 $0xE7C8;
	s2 =	sadd.s32 $0x10, s0  }
0x1a1: {  	[hbm4b:s2+s3] =	stream.linear.scatter [tilespmem:s20], [sflag:$0x3], $0x80, $0x38;
	[tilespmem:$0x13600] =	vst v63  }
0x1a2: {  	s21 =	sadd.s32 $0x20, s0;
	s29 =	simm.s32 $0xE9D0  }
0x1a3: {  	[hbm4b:s21+s3] =	stream.linear.scatter [tilespmem:s29], [sflag:$0x3], $0x80, $0x38;
	[tilespmem:$0x13600] =	vst v63  }
0x1a4: {  	s2 =	sadd.s32 $0x30, s0;
	s20 =	simm.s32 $0xEBD8  }
0x1a5: {  	[hbm4b:s2+s3] =	stream.linear.scatter [tilespmem:s20], [sflag:$0x3], $0x80, $0x38;
	[tilespmem:$0x13600] =	vst v63  }
0x1a6: {  	s21 =	sadd.s32 $0x40, s0;
	s29 =	simm.s32 $0xEDE0  }
0x1a7: {  	[hbm4b:s21+s3] =	stream.linear.scatter [tilespmem:s29], [sflag:$0x3], $0x80, $0x38;
	[tilespmem:$0x13600] =	vst v63  }
0x1a8: {  	s2 =	sadd.s32 $0x50, s0;
	s20 =	simm.s32 $0xEFE8  }
0x1a9: {  	[hbm4b:s2+s3] =	stream.linear.scatter [tilespmem:s20], [sflag:$0x3], $0x80, $0x38;
	[tilespmem:$0x13600] =	vst v63  }
0x1aa: {  	s21 =	sadd.s32 $0x60, s0;
	s29 =	simm.s32 $0xF1F0  }
0x1ab: {  	[hbm4b:s21+s3] =	stream.linear.scatter [tilespmem:s29], [sflag:$0x3], $0x80, $0x38;
	[tilespmem:$0x13600] =	vst v63  }
0x1ac: {  	s0 =	sadd.s32 $0x70, s0;
	s2 =	simm.s32 $0xF3F8  }
0x1ad: {  	[hbm4b:s0+s3] =	stream.linear.scatter [tilespmem:s2], [sflag:$0x3], $0x80, $0x38;
	[tilespmem:$0x13600] =	vst v63  }
0x1ae: {  	s20 =	simm.s32 $0xE640;
	s0 =	sadd.s32 s28, s22  }
0x1af: {  	[hbm4b:s0+s3] =	stream.linear.scatter [tilespmem:s20], [sflag:$0x3], $0x80, $0x38;
	[tilespmem:$0x13600] =	vst v63  }
0x1b0: {  	s29 =	simm.s32 $0xE848;
	s21 =	sadd.s32 $0x10, s0  }
0x1b1: {  	[hbm4b:s21+s3] =	stream.linear.scatter [tilespmem:s29], [sflag:$0x3], $0x80, $0x38;
	[tilespmem:$0x13600] =	vst v63  }
0x1b2: {  	s2 =	sadd.s32 $0x20, s0;
	s20 =	simm.s32 $0xEA50  }
0x1b3: {  	[hbm4b:s2+s3] =	stream.linear.scatter [tilespmem:s20], [sflag:$0x3], $0x80, $0x38;
	[tilespmem:$0x13600] =	vst v63  }
0x1b4: {  	s21 =	sadd.s32 $0x30, s0;
	s29 =	simm.s32 $0xEC58  }
0x1b5: {  	[hbm4b:s21+s3] =	stream.linear.scatter [tilespmem:s29], [sflag:$0x3], $0x80, $0x38;
	[tilespmem:$0x13600] =	vst v63  }
0x1b6: {  	s2 =	sadd.s32 $0x40, s0;
	s20 =	simm.s32 $0xEE60  }
0x1b7: {  	[hbm4b:s2+s3] =	stream.linear.scatter [tilespmem:s20], [sflag:$0x3], $0x80, $0x38;
	[tilespmem:$0x13600] =	vst v63  }
0x1b8: {  	s21 =	sadd.s32 $0x50, s0;
	s29 =	simm.s32 $0xF068  }
0x1b9: {  	[hbm4b:s21+s3] =	stream.linear.scatter [tilespmem:s29], [sflag:$0x3], $0x80, $0x38;
	[tilespmem:$0x13600] =	vst v63  }
0x1ba: {  	s24 =	sor.u32 $0x1, s24;
	s20 =	sadd.s32 $0x60, s0;
	s21 =	simm.s32 $0xF270  }
0x1bb: {  	[hbm4b:s20+s3] =	stream.linear.scatter [tilespmem:s21], [sflag:$0x3], $0x80, $0x38;
	[tilespmem:$0x13600] =	vst v63  }
0x1bc: {  	p1 =	sgt.u32 s24, $0x18;
	s0 =	sadd.s32 $0x70, s0;
	s29 =	simm.s32 $0xF478  }
0x1bd: {  	[hbm4b:s0+s3] =	stream.linear.scatter [tilespmem:s29], [sflag:$0x3], $0x80, $0x38;
	[tilespmem:$0x13600] =	vst v63  }
0x1be: {  	s1 =	simm.s32 @!p1 $0x80;
	s2 =	simm.s32 @!p1 $0x3400;
	s0 =	sadd.s32 @!p1 $0x400, s23  }
0x1bf: {  	[tilespmem:s2], [sflag:$0x1] =	stream.indirect.gather @!p1 [hbm4b:s4+s1], $0x20, s0, s1, $0xb8;
	[tilespmem:$0x13600] =	vst v63  }
0x1c0: {  	s0 =	sadd.s32 @!p1 $0x480, s23;
	s2 =	simm.s32 @!p1 $0x4400  }
0x1c1: {  	[tilespmem:s2], [sflag:$0x1] =	stream.indirect.gather @!p1 [hbm4b:s4+s1], $0x20, s0, s1, $0xb8;
	[tilespmem:$0x13600] =	vst v63  }
0x1c2: {  	s0 =	sadd.s32 @!p1 $0x500, s23;
	s2 =	simm.s32 @!p1 $0x5400  }
0x1c3: {  	[tilespmem:s2], [sflag:$0x1] =	stream.indirect.gather @!p1 [hbm4b:s4+s1], $0x20, s0, s1, $0xb8;
	[tilespmem:$0x13600] =	vst v63  }
0x1c4: {  	s0 =	sadd.s32 @!p1 $0x580, s23;
	s2 =	simm.s32 @!p1 $0x6400  }
0x1c5: {  	[tilespmem:s2], [sflag:$0x1] =	stream.indirect.gather @!p1 [hbm4b:s4+s1], $0x20, s0, s1, $0xb8;
	[tilespmem:$0x13600] =	vst v63  }
0x1c6: {  	s2 =	simm.s32 $0x2  }
0x1c7: {  	_ =	swait.ge [sflag:s2], $0x4000  }
0x1c8: {  	[sflag:s2] =	ssyncset.done $0x0  }
0x1c9: {  	s0 =	simm.s32 @!p0 $0x4;
	[sflag:s2] =	ssyncadd.s32 $0xFFFFC000  }
0x1ca: {  	_ =	swait.ge @!p0 [sflag:s0], $0x4000  }
0x1cb: {  	[sflag:s0] =	ssyncset.done @!p0 $0x0  }
0x1cc: {  	[sflag:s0] =	ssyncadd.s32 @!p0 $0xFFFFC000;
	s0 =	simm.s32 $0x7470  }
0x1cd: {  	v2 =	vld [tilespmem:s0+$0xFFFFFFF0];
	_ =	sdelay $0x2  }
0x1ce: {  	v3 =	vld [tilespmem:s0+$0xFFFFFFD0]  }
0x1cf: {  	v4 =	vld [tilespmem:s0+$0xFFFFFF90]  }
0x1d0: {  	v2 =	vmax.f32 v2, $-5.000000000e+00  }
0x1d1: {  	v2 =	vmin.f32 v2, $5.000000000e+00  }
0x1d2: {  	v5 =	vmul.f32 v2, v2  }
0x1d3: {  	v3 =	vmax.f32 v3, $-5.000000000e+00  }
0x1d4: {  	v7 =	vld [tilespmem:s0+$0xFFFFFFB0];
	v4 =	vmax.f32 v4, $-5.000000000e+00;
	v3 =	vmin.f32 v3, $5.000000000e+00;
	v6 =	vmul.f32 $1.288318340e-06, v5  }
0x1d5: {  	v4 =	vmin.f32 v4, $5.000000000e+00;
	v8 =	vmul.f32 v3, v3  }
0x1d6: {  	v11 =	vmul.f32 v4, v4;
	v6 =	vadd.f32 $-6.907968780e-05, v6  }
0x1d7: {  	v9 =	vmul.f32 $1.288318340e-06, v8  }
0x1d8: {  	v10 =	vmul.f32 $1.288318340e-06, v11;
	v6 =	vmul.f32 v6, v5  }
0x1d9: {  	v7 =	vmax.f32 v7, $-5.000000000e+00;
	v9 =	vadd.f32 $-6.907968780e-05, v9  }
0x1da: {  	v7 =	vmin.f32 v7, $5.000000000e+00;
	v10 =	vadd.f32 $-6.907968780e-05, v10;
	v6 =	vadd.f32 $1.503913660e-03, v6  }
0x1db: {  	v13 =	vmul.f32 v7, v7;
	v9 =	vmul.f32 v9, v8  }
0x1dc: {  	v10 =	vmul.f32 v10, v11;
	v6 =	vmul.f32 v6, v5  }
0x1dd: {  	v12 =	vmul.f32 $1.288318340e-06, v13;
	v9 =	vadd.f32 $1.503913660e-03, v9  }
0x1de: {  	v10 =	vadd.f32 $1.503913660e-03, v10;
	v6 =	vadd.f32 $-1.980512220e-02, v6  }
0x1df: {  	s21 =	simm.s32 $0x3;
	v12 =	vadd.f32 $-6.907968780e-05, v12;
	v15 =	vmul.f32 v9, v8  }
0x1e0: {  	s20 =	simm.s32 $0x2;
	v10 =	vmul.f32 v10, v11;
	v5 =	vmul.f32 v6, v5;
	v6 =	vmov s21  }
0x1e1: {  	v14 =	vmov s20;
	v9 =	vand.u32 $0x1FF, v6;
	v6 =	vadd.f32 $-1.980512220e-02, v15  }
0x1e2: {  	v12 =	vmul.f32 v12, v13;
	v16 =	vadd.f32 $-1.980512220e-02, v10;
	v5 =	vadd.f32 $2.495142970e-01, v5  }
0x1e3: {  	v10 =	vand.u32 $0x1FE, v14;
	v15 =	vadd.s32 v0, v9;
	v6 =	vmul.f32 v6, v8  }
0x1e4: {  	s23 =	simm.s32 $0x0;
	v14 =	vadd.s32 v0, v10;
	v11 =	vmul.f32 v16, v11;
	v2 =	vmul.f32 v5, v2  }
0x1e5: {  	v8 =	vmov s23;
	v5 =	vadd.f32 $1.503913660e-03, v12;
	v6 =	vadd.f32 $2.495142970e-01, v6  }
0x1e6: {  	v11 =	vadd.f32 $2.495142970e-01, v11;
	v12 =	vand.u32 $0x1FC, v8;
	v2 =	vadd.f32 $5.000000000e-01, v2  }
0x1e7: {  	v8 =	vadd.s32 v0, v12;
	v5 =	vmul.f32 v5, v13;
	v3 =	vmul.f32 v6, v3  }
0x1e8: {  	[tilespmem:v15+s5+$0x0] =	vst.idx.msk $0xffff, v2;
	v2 =	vmul.f32 v11, v4  }
0x1e9: {  	v5 =	vadd.f32 $-1.980512220e-02, v5;
	v4 =	vld [tilespmem:s0+$0x0];
	v3 =	vadd.f32 $5.000000000e-01, v3  }
0x1ea: {  	s23 =	simm.s32 $0x74F0;
	v2 =	vadd.f32 $5.000000000e-01, v2  }
0x1eb: {  	v11 =	vld [tilespmem:s23+$0xFFFFFFF0];
	v5 =	vmul.f32 v5, v13;
	[tilespmem:v14+s5+$0x0] =	vst.idx.msk $0xffff, v3  }
0x1ec: {  	s20 =	simm.s32 $0x7;
	v3 =	vld [tilespmem:s0+$0xFFFFFFE0];
	[tilespmem:v8+s5+$0x0] =	vst.idx.msk $0xffff, v2  }
0x1ed: {  	s29 =	simm.s32 $0x1;
	v17 =	vmov s20;
	s21 =	simm.s32 $0x5;
	v5 =	vadd.f32 $2.495142970e-01, v5;
	v6 =	vld [tilespmem:s0+$0xFFFFFFA0]  }
0x1ee: {  	v45 =	vmov s21;
	v2 =	vmax.f32 v4, $-5.000000000e+00;
	v4 =	vmov s29  }
0x1ef: {  	v14 =	vmin.f32 v2, $5.000000000e+00;
	v2 =	vand.u32 $0x1FD, v4;
	v4 =	vmul.f32 v5, v7;
	v7 =	vld [tilespmem:s23+$0xFFFFFFB0]  }
0x1f0: {  	v62 =	vadd.s32 v1, v9;
	v11 =	vmax.f32 v11, $-5.000000000e+00;
	s29 =	simm.s32 $0x4;
	v13 =	vmul.f32 v14, v14  }
0x1f1: {  	v16 =	vld [tilespmem:s23+$0xFFFFFFD0];
	v30 =	vmov s29;
	v8 =	vadd.s32 v0, v2;
	v15 =	vadd.f32 $5.000000000e-01, v4  }
0x1f2: {  	s2 =	simm.s32 $0x6;
	v18 =	vld [tilespmem:s23+$0xFFFFFF90];
	v3 =	vmax.f32 v3, $-5.000000000e+00;
	v4 =	vmul.f32 $1.288318340e-06, v13;
	v6 =	vmax.f32 v6, $-5.000000000e+00  }
0x1f3: {  	v5 =	vmin.f32 v3, $5.000000000e+00;
	v3 =	vmov s2;
	v19 =	vmin.f32 v6, $5.000000000e+00  }
0x1f4: {  	v51 =	vmul.f32 v5, v5;
	v6 =	vadd.f32 $-6.907968780e-05, v4;
	v7 =	vmax.f32 v7, $-5.000000000e+00  }
0x1f5: {  	v4 =	vand.u32 $0x1FF, v17;
	v17 =	vmul.f32 v19, v19;
	v20 =	vmin.f32 v7, $5.000000000e+00  }
0x1f6: {  	v7 =	vmax.f32 v16, $-5.000000000e+00;
	v16 =	vmin.f32 v11, $5.000000000e+00;
	v29 =	vmul.f32 $1.288318340e-06, v51  }
0x1f7: {  	v43 =	vmin.f32 v7, $5.000000000e+00;
	v7 =	vmax.f32 v18, $-5.000000000e+00;
	v18 =	vmul.f32 v16, v16  }
0x1f8: {  	v3 =	vand.u32 $0x1FE, v3;
	v6 =	vmul.f32 v6, v13;
	v11 =	vmul.f32 v43, v43  }
0x1f9: {  	v56 =	vadd.s32 v0, v3;
	[tilespmem:v8+s5+$0x0] =	vst.idx.msk $0xffff, v15;
	v15 =	vmul.f32 v20, v20;
	v47 =	vmul.f32 $1.288318340e-06, v18  }
0x1fa: {  	v33 =	vadd.s32 v0, v4;
	v6 =	vadd.f32 $1.503913660e-03, v6;
	v46 =	vmul.f32 $1.288318340e-06, v11  }
0x1fb: {  	v44 =	vmin.f32 v7, $5.000000000e+00;
	v7 =	vmul.f32 $1.288318340e-06, v15;
	v50 =	vadd.f32 $-6.907968780e-05, v47  }
0x1fc: {  	v34 =	vmul.f32 $1.288318340e-06, v17;
	v6 =	vmul.f32 v6, v13;
	v49 =	vadd.f32 $-6.907968780e-05, v46  }
0x1fd: {  	v8 =	vld [tilespmem:s0+$0xFFFFFFC0];
	v48 =	vmul.f32 v44, v44;
	v27 =	vadd.f32 $-6.907968780e-05, v7;
	v52 =	vmul.f32 v50, v18  }
0x1fe: {  	v29 =	vadd.f32 $-6.907968780e-05, v29;
	v28 =	vadd.f32 $-1.980512220e-02, v6;
	v6 =	vmul.f32 v49, v11  }
0x1ff: {  	v53 =	vmul.f32 $1.288318340e-06, v48;
	v27 =	vmul.f32 v27, v15;
	v23 =	vadd.f32 $1.503913660e-03, v52  }
0x200: {  	v55 =	vadd.f32 $-6.907968780e-05, v34;
	v29 =	vmul.f32 v29, v51;
	v31 =	vadd.f32 $1.503913660e-03, v6  }
0x201: {  	v24 =	vadd.f32 $-6.907968780e-05, v53;
	v27 =	vadd.f32 $1.503913660e-03, v27;
	v23 =	vmul.f32 v23, v18  }
0x202: {  	v7 =	vand.u32 $0x1FD, v45;
	v8 =	vmax.f32 v8, $-5.000000000e+00;
	v31 =	vmul.f32 v31, v11  }
0x203: {  	v24 =	vmul.f32 v24, v48;
	v27 =	vmul.f32 v27, v15;
	v23 =	vadd.f32 $-1.980512220e-02, v23  }
0x204: {  	v54 =	vadd.s32 v0, v7;
	v29 =	vadd.f32 $1.503913660e-03, v29;
	v31 =	vadd.f32 $-1.980512220e-02, v31  }
0x205: {  	v24 =	vadd.f32 $1.503913660e-03, v24;
	v27 =	vadd.f32 $-1.980512220e-02, v27;
	v18 =	vmul.f32 v23, v18  }
0x206: {  	v8 =	vmin.f32 v8, $5.000000000e+00;
	v58 =	vmul.f32 v29, v51;
	v11 =	vmul.f32 v31, v11  }
0x207: {  	v24 =	vmul.f32 v24, v48;
	v15 =	vmul.f32 v27, v15;
	v18 =	vadd.f32 $2.495142970e-01, v18  }
0x208: {  	v13 =	vmul.f32 v28, v13;
	v23 =	vmul.f32 v55, v17;
	v31 =	vadd.f32 $2.495142970e-01, v11  }
0x209: {  	v24 =	vadd.f32 $-1.980512220e-02, v24;
	v15 =	vadd.f32 $2.495142970e-01, v15;
	v16 =	vmul.f32 v18, v16  }
0x20a: {  	v23 =	vadd.f32 $1.503913660e-03, v23;
	v11 =	vmul.f32 v8, v8;
	v21 =	vmul.f32 v31, v43  }
0x20b: {  	v18 =	vmul.f32 v24, v48;
	v15 =	vmul.f32 v15, v20;
	v16 =	vadd.f32 $5.000000000e-01, v16  }
0x20c: {  	v20 =	vmul.f32 v23, v17;
	v57 =	vmul.f32 $1.288318340e-06, v11;
	v21 =	vadd.f32 $5.000000000e-01, v21  }
0x20d: {  	v6 =	vand.u32 $0x1FC, v30;
	v61 =	vadd.f32 $2.495142970e-01, v13;
	v18 =	vadd.f32 $2.495142970e-01, v18;
	[tilespmem:v33+s5+$0x0] =	vst.idx.msk $0xffff, v16  }
0x20e: {  	v32 =	vadd.s32 v0, v6;
	v20 =	vadd.f32 $-1.980512220e-02, v20;
	v16 =	vadd.f32 $-6.907968780e-05, v57;
	[tilespmem:v56+s5+$0x0] =	vst.idx.msk $0xffff, v21;
	v59 =	vld [tilespmem:s23+$0x0]  }
0x20f: {  	v13 =	vadd.s32 v1, v10;
	v23 =	vadd.f32 $-1.980512220e-02, v58;
	v18 =	vmul.f32 v18, v44;
	v60 =	vld [tilespmem:s23+$0xFFFFFFE0]  }
0x210: {  	v15 =	vadd.f32 $5.000000000e-01, v15;
	v17 =	vmul.f32 v20, v17;
	v16 =	vmul.f32 v16, v11  }
0x211: {  	v10 =	vmul.f32 v61, v14;
	v20 =	vmul.f32 v23, v51;
	v9 =	vadd.f32 $5.000000000e-01, v18  }
0x212: {  	[tilespmem:v54+s5+$0x0] =	vst.idx.msk $0xffff, v15;
	v63 =	vadd.f32 $2.495142970e-01, v17;
	v18 =	vadd.s32 v1, v12;
	v12 =	vadd.f32 $1.503913660e-03, v16  }
0x213: {  	v15 =	vadd.f32 $2.495142970e-01, v20;
	v20 =	vadd.f32 $5.000000000e-01, v10;
	[tilespmem:v32+s5+$0x0] =	vst.idx.msk $0xffff, v9;
	v14 =	vmax.f32 v59, $-5.000000000e+00  }
0x214: {  	v17 =	vld [tilespmem:s23+$0xFFFFFFA0];
	v16 =	vmul.f32 v12, v11;
	v10 =	vmax.f32 v60, $-5.000000000e+00;
	v9 =	vmin.f32 v14, $5.000000000e+00  }
0x215: {  	s28 =	simm.s32 $0x7570;
	s2 =	simm.s32 $0x8;
	[tilespmem:v62+s5+$0x0] =	vst.idx.msk $0xffff, v20;
	v12 =	vmul.f32 v63, v19;
	v14 =	vmin.f32 v10, $5.000000000e+00;
	v10 =	vmul.f32 v9, v9  }
.LBB2_5:
0x216: {  	s1 =	sadd.s32 $0x2, s2  }
0x217: {  	v19 =	vld [tilespmem:s28+$0xFFFFFFB0];
	s29 =	sadd.s32 $0x3, s2;
	v16 =	vadd.f32 $-1.980512220e-02, v16;
	v20 =	vadd.s32 v1, v2;
	v21 =	vmul.f32 v15, v5;
	v2 =	vmovc v7;
	v5 =	vmovc v14;
	s21 =	smov.u32 s2;
	s0 =	sadd.s32 $0x4, s2  }
0x218: {  	p0 =	slt.u32 s2, $0x1FC;
	v7 =	vmov s1;
	v15 =	vmov s29;
	v22 =	vld [tilespmem:s28+$0xFFFFFFF0];
	v23 =	vmul.f32 $1.288318340e-06, v10  }
0x219: {  	v25 =	vadd.f32 $5.000000000e-01, v12;
	v24 =	vld [tilespmem:s28+$0xFFFFFFD0];
	v17 =	vmax.f32 v17, $-5.000000000e+00;
	v11 =	vmul.f32 v16, v11  }
0x21a: {  	v16 =	vand.u32 $0x1FF, v15;
	v26 =	vld [tilespmem:s28+$0xFFFFFF90];
	v12 =	vmin.f32 v17, $5.000000000e+00;
	v23 =	vadd.f32 $-6.907968780e-05, v23  }
0x21b: {  	v15 =	vand.u32 $0x1FE, v7;
	v17 =	vmul.f32 v12, v12;
	[tilespmem:v18+s5+$0x0] =	vst.idx.msk $0xffff, v25;
	v7 =	vadd.f32 $2.495142970e-01, v11  }
0x21c: {  	v11 =	vmax.f32 v19, $-5.000000000e+00;
	v18 =	vmul.f32 v23, v10;
	v19 =	vadd.f32 $5.000000000e-01, v21  }
0x21d: {  	v21 =	vmin.f32 v11, $5.000000000e+00;
	v11 =	vmax.f32 v22, $-5.000000000e+00;
	v7 =	vmul.f32 v7, v8  }
0x21e: {  	v8 =	vmax.f32 v24, $-5.000000000e+00;
	v22 =	vmin.f32 v11, $5.000000000e+00;
	v11 =	vadd.f32 $1.503913660e-03, v18;
	[tilespmem:v13+s5+$0x0] =	vst.idx.msk $0xffff, v19  }
0x21f: {  	v13 =	vmul.f32 v21, v21;
	v18 =	vmin.f32 v8, $5.000000000e+00;
	v7 =	vadd.f32 $5.000000000e-01, v7  }
0x220: {  	v8 =	vmax.f32 v26, $-5.000000000e+00;
	v23 =	vmul.f32 v22, v22;
	v19 =	vmul.f32 v18, v18;
	v24 =	vld [tilespmem:s23+$0xFFFFFFC0];
	s23 =	smov.u32 s28  }
0x221: {  	s1 =	sadd.s32 $0x1, s21;
	v25 =	vmin.f32 v8, $5.000000000e+00;
	v8 =	vmul.f32 $1.288318340e-06, v13;
	v11 =	vmul.f32 v11, v10;
	[tilespmem:v20+s5+$0x0] =	vst.idx.msk $0xffff, v7  }
0x222: {  	v7 =	vmov s1;
	v26 =	vmul.f32 $1.288318340e-06, v23;
	v20 =	vmul.f32 $1.288318340e-06, v19  }
0x223: {  	v27 =	vmul.f32 v25, v25;
	v8 =	vadd.f32 $-6.907968780e-05, v8;
	v7 =	vand.u32 $0x1FD, v7  }
0x224: {  	v14 =	vmul.f32 v14, v5;
	v26 =	vadd.f32 $-6.907968780e-05, v26;
	v20 =	vadd.f32 $-6.907968780e-05, v20  }
0x225: {  	v28 =	vmul.f32 v8, v13;
	v8 =	vmax.f32 v24, $-5.000000000e+00;
	v24 =	vadd.f32 $-1.980512220e-02, v11  }
0x226: {  	v11 =	vmul.f32 v20, v19;
	v20 =	vmul.f32 v26, v23;
	v8 =	vmin.f32 v8, $5.000000000e+00  }
0x227: {  	v29 =	vmul.f32 $1.288318340e-06, v14;
	v26 =	vmul.f32 $1.288318340e-06, v27;
	v28 =	vadd.f32 $1.503913660e-03, v28  }
0x228: {  	v30 =	vmov s21;
	v11 =	vadd.f32 $1.503913660e-03, v11;
	v20 =	vadd.f32 $1.503913660e-03, v20  }
0x229: {  	v30 =	vand.u32 $0x1FC, v30;
	v31 =	vadd.s32 v0, v7;
	v26 =	vadd.f32 $-6.907968780e-05, v26  }
0x22a: {  	v29 =	vadd.f32 $-6.907968780e-05, v29;
	v11 =	vmul.f32 v11, v19;
	v20 =	vmul.f32 v20, v23  }
0x22b: {  	v32 =	vadd.s32 v0, v30;
	v33 =	vadd.s32 v0, v16;
	v26 =	vmul.f32 v26, v27  }
0x22c: {  	v34 =	vmul.f32 $1.288318340e-06, v17;
	v11 =	vadd.f32 $-1.980512220e-02, v11;
	v20 =	vadd.f32 $-1.980512220e-02, v20  }
0x22d: {  	v29 =	vmul.f32 v29, v14;
	v28 =	vmul.f32 v28, v13;
	v26 =	vadd.f32 $1.503913660e-03, v26  }
0x22e: {  	v11 =	vmul.f32 v11, v19;
	v19 =	vmul.f32 v20, v23;
	v20 =	vadd.f32 $-6.907968780e-05, v34  }
0x22f: {  	v23 =	vmul.f32 v26, v27;
	v26 =	vadd.f32 $-1.980512220e-02, v28;
	v28 =	vadd.f32 $1.503913660e-03, v29  }
0x230: {  	v29 =	vadd.f32 $2.495142970e-01, v11;
	v19 =	vadd.f32 $2.495142970e-01, v19;
	v11 =	vmul.f32 v8, v8  }
0x231: {  	v23 =	vadd.f32 $-1.980512220e-02, v23;
	v13 =	vmul.f32 v26, v13;
	v20 =	vmul.f32 v20, v17  }
0x232: {  	v26 =	vadd.s32 v0, v15;
	v18 =	vmul.f32 v29, v18;
	v19 =	vmul.f32 v19, v22  }
0x233: {  	v22 =	vmul.f32 v23, v27;
	v13 =	vadd.f32 $2.495142970e-01, v13;
	v20 =	vadd.f32 $1.503913660e-03, v20  }
0x234: {  	v23 =	vmul.f32 $1.288318340e-06, v11;
	v18 =	vadd.f32 $5.000000000e-01, v18;
	v19 =	vadd.f32 $5.000000000e-01, v19  }
0x235: {  	v22 =	vadd.f32 $2.495142970e-01, v22;
	v13 =	vmul.f32 v13, v21;
	v20 =	vmul.f32 v20, v17  }
0x236: {  	v10 =	vmul.f32 v24, v10;
	v21 =	vmul.f32 v28, v14;
	[tilespmem:v33+s5+$0x0] =	vst.idx.msk $0xffff, v19;
	v19 =	vadd.f32 $-6.907968780e-05, v23  }
0x237: {  	v22 =	vmul.f32 v22, v25;
	v13 =	vadd.f32 $5.000000000e-01, v13;
	[tilespmem:v26+s5+$0x0] =	vst.idx.msk $0xffff, v18;
	v23 =	vld [tilespmem:s28+$0x0];
	v18 =	vadd.f32 $-1.980512220e-02, v20  }
0x238: {  	v24 =	vadd.s32 v1, v4;
	v4 =	vmovc v16;
	v10 =	vadd.f32 $2.495142970e-01, v10;
	v21 =	vadd.f32 $-1.980512220e-02, v21;
	v20 =	vld [tilespmem:s28+$0xFFFFFFE0]  }
0x239: {  	v16 =	vadd.f32 $5.000000000e-01, v22;
	v19 =	vmul.f32 v19, v11;
	[tilespmem:v31+s5+$0x0] =	vst.idx.msk $0xffff, v13;
	v17 =	vmul.f32 v18, v17  }
.Ltmp1:
0x23a: {  	v9 =	vmul.f32 v10, v9;
	v14 =	vmul.f32 v21, v14;
	v13 =	vadd.s32 v1, v3;
	v3 =	vmovc v15;
	(pc) =	sbr.rel @p0 .LBB2_5-.Ltmp1, $4  }
0x23b: {  	v18 =	vadd.s32 v1, v6;
	v6 =	vmovc v30;
	v10 =	vadd.f32 $1.503913660e-03, v19;
	[tilespmem:v32+s5+$0x0] =	vst.idx.msk $0xffff, v16;
	v21 =	vadd.f32 $2.495142970e-01, v17  }
0x23c: {  	v15 =	vadd.f32 $2.495142970e-01, v14;
	v19 =	vadd.f32 $5.000000000e-01, v9;
	v17 =	vld [tilespmem:s28+$0xFFFFFFA0];
	v16 =	vmax.f32 v23, $-5.000000000e+00  }
0x23d: {  	v14 =	vmax.f32 v20, $-5.000000000e+00;
	v9 =	vmin.f32 v16, $5.000000000e+00;
	v16 =	vmul.f32 v10, v11  }
0x23e: {  	s2 =	smov.u32 s0;
	s28 =	sadd.s32 $0x80, s28;
	v12 =	vmul.f32 v21, v12;
	v14 =	vmin.f32 v14, $5.000000000e+00;
	v10 =	vmul.f32 v9, v9;
	[tilespmem:v24+s5+$0x0] =	vst.idx.msk $0xffff, v19  }
0x23f: {  	v19 =	vld [tilespmem:s23+$0xFFFFFFC0];
	_ =	sdelay $0x1  }
0x240: {  	v17 =	vmax.f32 v17, $-5.000000000e+00  }
0x241: {  	v22 =	vmul.f32 v14, v14;
	v17 =	vmin.f32 v17, $5.000000000e+00  }
0x242: {  	v20 =	vmul.f32 $1.288318340e-06, v10;
	v21 =	vmul.f32 v17, v17  }
0x243: {  	v25 =	vmul.f32 $1.288318340e-06, v22;
	v19 =	vmax.f32 v19, $-5.000000000e+00  }
0x244: {  	v20 =	vadd.f32 $-6.907968780e-05, v20;
	v19 =	vmin.f32 v19, $5.000000000e+00;
	v23 =	vmul.f32 $1.288318340e-06, v21  }
0x245: {  	v25 =	vadd.f32 $-6.907968780e-05, v25;
	v24 =	vmul.f32 v19, v19  }
0x246: {  	v20 =	vmul.f32 v20, v10;
	v23 =	vadd.f32 $-6.907968780e-05, v23  }
0x247: {  	v25 =	vmul.f32 v25, v22;
	v26 =	vmul.f32 $1.288318340e-06, v24  }
0x248: {  	v16 =	vadd.f32 $-1.980512220e-02, v16;
	v20 =	vadd.f32 $1.503913660e-03, v20;
	v23 =	vmul.f32 v23, v21  }
0x249: {  	v5 =	vmul.f32 v15, v5;
	v25 =	vadd.f32 $1.503913660e-03, v25;
	v26 =	vadd.f32 $-6.907968780e-05, v26  }
0x24a: {  	v2 =	vadd.s32 v1, v2;
	v20 =	vmul.f32 v20, v10;
	v23 =	vadd.f32 $1.503913660e-03, v23  }
0x24b: {  	v4 =	vadd.s32 v1, v4;
	v55 =	vmul.f32 v25, v22;
	v26 =	vmul.f32 v26, v24  }
0x24c: {  	v6 =	vadd.s32 v1, v6;
	v20 =	vadd.f32 $-1.980512220e-02, v20;
	v52 =	vmul.f32 v23, v21  }
0x24d: {  	v11 =	vmul.f32 v16, v11;
	v56 =	vadd.f32 $-1.980512220e-02, v55;
	v53 =	vadd.f32 $1.503913660e-03, v26  }
0x24e: {  	v3 =	vadd.s32 v1, v3;
	v54 =	vmul.f32 v20, v10;
	v16 =	vadd.f32 $-1.980512220e-02, v52  }
0x24f: {  	v11 =	vadd.f32 $2.495142970e-01, v11;
	v15 =	vmul.f32 v56, v22;
	v23 =	vmul.f32 v53, v24  }
0x250: {  	v12 =	vadd.f32 $5.000000000e-01, v12;
	v10 =	vadd.f32 $2.495142970e-01, v54;
	v57 =	vmul.f32 v16, v21  }
0x251: {  	v8 =	vmul.f32 v11, v8;
	v15 =	vadd.f32 $2.495142970e-01, v15;
	v58 =	vadd.f32 $-1.980512220e-02, v23  }
0x252: {  	v5 =	vadd.f32 $5.000000000e-01, v5;
	v9 =	vmul.f32 v10, v9;
	v11 =	vadd.f32 $2.495142970e-01, v57  }
0x253: {  	[tilespmem:v18+s5+$0x0] =	vst.idx.msk $0xffff, v12;
	v8 =	vadd.f32 $5.000000000e-01, v8;
	v61 =	vmul.f32 v15, v14;
	v59 =	vmul.f32 v58, v24  }
0x254: {  	[tilespmem:v13+s5+$0x0] =	vst.idx.msk $0xffff, v5;
	v60 =	vadd.f32 $5.000000000e-01, v9;
	v11 =	vmul.f32 v11, v17  }
0x255: {  	[tilespmem:v2+s5+$0x0] =	vst.idx.msk $0xffff, v8;
	v63 =	vadd.f32 $5.000000000e-01, v61;
	v10 =	vadd.f32 $2.495142970e-01, v59  }
0x256: {  	v7 =	vadd.s32 v1, v7;
	[tilespmem:v4+s5+$0x0] =	vst.idx.msk $0xffff, v60;
	v2 =	vadd.f32 $5.000000000e-01, v11  }
0x257: {  	[tilespmem:v3+s5+$0x0] =	vst.idx.msk $0xffff, v63;
	v62 =	vmul.f32 v10, v19  }
0x258: {  	s0 =	sshll.u32 s24, $0x10;
	[tilespmem:v6+s5+$0x0] =	vst.idx.msk $0xffff, v2  }
0x259: {  	s0 =	sand.u32 $0x1FFF0000, s0;
	v2 =	vadd.f32 $5.000000000e-01, v62;
	s1 =	rddreg [dreg:$0x5]  }
0x25a: {  	s23 =	sor.u32 s1, s0  }
0x25b: {  	[tilespmem:v7+s5+$0x0] =	vst.idx.msk $0xffff, v2;
	s0 =	sadd.s32 s30, s23  }
0x25c: {  	[hbm4b:s0+s3] =	stream.linear.scatter [tilespmem:s5], [sflag:$0x4], $0x80, $0x38;
	[tilespmem:$0x13600] =	vst v63  }
0x25d: {  	s2 =	simm.s32 $0xF708;
	s20 =	sadd.s32 $0x10, s0  }
0x25e: {  	[hbm4b:s20+s3] =	stream.linear.scatter [tilespmem:s2], [sflag:$0x4], $0x80, $0x38;
	[tilespmem:$0x13600] =	vst v63  }
0x25f: {  	s24 =	simm.s32 $0xF910;
	s21 =	sadd.s32 $0x20, s0  }
0x260: {  	[hbm4b:s21+s3] =	stream.linear.scatter [tilespmem:s24], [sflag:$0x4], $0x80, $0x38;
	[tilespmem:$0x13600] =	vst v63  }
0x261: {  	s29 =	simm.s32 $0xFB18;
	s28 =	sadd.s32 $0x30, s0  }
0x262: {  	[hbm4b:s28+s3] =	stream.linear.scatter [tilespmem:s29], [sflag:$0x4], $0x80, $0x38;
	[tilespmem:$0x13600] =	vst v63  }
0x263: {  	s2 =	sadd.s32 $0x40, s0;
	s20 =	simm.s32 $0xFD20  }
0x264: {  	[hbm4b:s2+s3] =	stream.linear.scatter [tilespmem:s20], [sflag:$0x4], $0x80, $0x38;
	[tilespmem:$0x13600] =	vst v63  }
0x265: {  	s21 =	sadd.s32 $0x50, s0;
	s24 =	simm.s32 $0xFF28  }
0x266: {  	[hbm4b:s21+s3] =	stream.linear.scatter [tilespmem:s24], [sflag:$0x4], $0x80, $0x38;
	[tilespmem:$0x13600] =	vst v63  }
0x267: {  	s28 =	sadd.s32 $0x60, s0;
	s29 =	simm.s32 $0x10130  }
0x268: {  	[hbm4b:s28+s3] =	stream.linear.scatter [tilespmem:s29], [sflag:$0x4], $0x80, $0x38;
	[tilespmem:$0x13600] =	vst v63  }
0x269: {  	s0 =	sadd.s32 $0x70, s0;
	s2 =	simm.s32 $0x10338  }
0x26a: {  	[hbm4b:s0+s3] =	stream.linear.scatter [tilespmem:s2], [sflag:$0x4], $0x80, $0x38;
	[tilespmem:$0x13600] =	vst v63  }
0x26b: {  	s20 =	simm.s32 $0xF580;
	s0 =	sadd.s32 s23, s6  }
0x26c: {  	[hbm4b:s0+s3] =	stream.linear.scatter [tilespmem:s20], [sflag:$0x4], $0x80, $0x38;
	[tilespmem:$0x13600] =	vst v63  }
0x26d: {  	s24 =	simm.s32 $0xF788;
	s21 =	sadd.s32 $0x10, s0  }
0x26e: {  	[hbm4b:s21+s3] =	stream.linear.scatter [tilespmem:s24], [sflag:$0x4], $0x80, $0x38;
	[tilespmem:$0x13600] =	vst v63  }
0x26f: {  	s29 =	simm.s32 $0xF990;
	s28 =	sadd.s32 $0x20, s0  }
0x270: {  	[hbm4b:s28+s3] =	stream.linear.scatter [tilespmem:s29], [sflag:$0x4], $0x80, $0x38;
	[tilespmem:$0x13600] =	vst v63  }
0x271: {  	s2 =	sadd.s32 $0x30, s0;
	s20 =	simm.s32 $0xFB98  }
0x272: {  	[hbm4b:s2+s3] =	stream.linear.scatter [tilespmem:s20], [sflag:$0x4], $0x80, $0x38;
	[tilespmem:$0x13600] =	vst v63  }
0x273: {  	s21 =	sadd.s32 $0x40, s0;
	s24 =	simm.s32 $0xFDA0  }
0x274: {  	[hbm4b:s21+s3] =	stream.linear.scatter [tilespmem:s24], [sflag:$0x4], $0x80, $0x38;
	[tilespmem:$0x13600] =	vst v63  }
0x275: {  	s28 =	sadd.s32 $0x50, s0;
	s29 =	simm.s32 $0xFFA8  }
0x276: {  	[hbm4b:s28+s3] =	stream.linear.scatter [tilespmem:s29], [sflag:$0x4], $0x80, $0x38;
	[tilespmem:$0x13600] =	vst v63  }
0x277: {  	s2 =	sadd.s32 $0x60, s0;
	s20 =	simm.s32 $0x101B0  }
0x278: {  	[hbm4b:s2+s3] =	stream.linear.scatter [tilespmem:s20], [sflag:$0x4], $0x80, $0x38;
	[tilespmem:$0x13600] =	vst v63  }
0x279: {  	s0 =	sadd.s32 $0x70, s0;
	s21 =	simm.s32 $0x103B8  }
0x27a: {  	[hbm4b:s0+s3] =	stream.linear.scatter [tilespmem:s21], [sflag:$0x4], $0x80, $0x38;
	[tilespmem:$0x13600] =	vst v63  }
0x27b: {  	s24 =	simm.s32 $0xF600;
	s0 =	sadd.s32 s23, s7  }
0x27c: {  	[hbm4b:s0+s3] =	stream.linear.scatter [tilespmem:s24], [sflag:$0x4], $0x80, $0x38;
	[tilespmem:$0x13600] =	vst v63  }
0x27d: {  	s29 =	simm.s32 $0xF808;
	s28 =	sadd.s32 $0x10, s0  }
0x27e: {  	[hbm4b:s28+s3] =	stream.linear.scatter [tilespmem:s29], [sflag:$0x4], $0x80, $0x38;
	[tilespmem:$0x13600] =	vst v63  }
0x27f: {  	s20 =	simm.s32 $0xFA10;
	s2 =	sadd.s32 $0x20, s0  }
0x280: {  	[hbm4b:s2+s3] =	stream.linear.scatter [tilespmem:s20], [sflag:$0x4], $0x80, $0x38;
	[tilespmem:$0x13600] =	vst v63  }
0x281: {  	s21 =	sadd.s32 $0x30, s0;
	s24 =	simm.s32 $0xFC18  }
0x282: {  	[hbm4b:s21+s3] =	stream.linear.scatter [tilespmem:s24], [sflag:$0x4], $0x80, $0x38;
	[tilespmem:$0x13600] =	vst v63  }
0x283: {  	s28 =	sadd.s32 $0x40, s0;
	s29 =	simm.s32 $0xFE20  }
0x284: {  	[hbm4b:s28+s3] =	stream.linear.scatter [tilespmem:s29], [sflag:$0x4], $0x80, $0x38;
	[tilespmem:$0x13600] =	vst v63  }
0x285: {  	s2 =	sadd.s32 $0x50, s0;
	s20 =	simm.s32 $0x10028  }
0x286: {  	[hbm4b:s2+s3] =	stream.linear.scatter [tilespmem:s20], [sflag:$0x4], $0x80, $0x38;
	[tilespmem:$0x13600] =	vst v63  }
0x287: {  	s21 =	sadd.s32 $0x60, s0;
	s24 =	simm.s32 $0x10230  }
0x288: {  	[hbm4b:s21+s3] =	stream.linear.scatter [tilespmem:s24], [sflag:$0x4], $0x80, $0x38;
	[tilespmem:$0x13600] =	vst v63  }
0x289: {  	s0 =	sadd.s32 $0x70, s0;
	s28 =	simm.s32 $0x10438  }
0x28a: {  	[hbm4b:s0+s3] =	stream.linear.scatter [tilespmem:s28], [sflag:$0x4], $0x80, $0x38;
	[tilespmem:$0x13600] =	vst v63  }
0x28b: {  	s29 =	simm.s32 $0xF680;
	s0 =	sadd.s32 s23, s8  }
0x28c: {  	[hbm4b:s0+s3] =	stream.linear.scatter [tilespmem:s29], [sflag:$0x4], $0x80, $0x38;
	[tilespmem:$0x13600] =	vst v63  }
0x28d: {  	s20 =	simm.s32 $0xF888;
	s2 =	sadd.s32 $0x10, s0  }
0x28e: {  	[hbm4b:s2+s3] =	stream.linear.scatter [tilespmem:s20], [sflag:$0x4], $0x80, $0x38;
	[tilespmem:$0x13600] =	vst v63  }
0x28f: {  	s24 =	simm.s32 $0xFA90;
	s21 =	sadd.s32 $0x20, s0  }
0x290: {  	[hbm4b:s21+s3] =	stream.linear.scatter [tilespmem:s24], [sflag:$0x4], $0x80, $0x38;
	[tilespmem:$0x13600] =	vst v63  }
0x291: {  	s28 =	sadd.s32 $0x30, s0;
	s29 =	simm.s32 $0xFC98  }
0x292: {  	[hbm4b:s28+s3] =	stream.linear.scatter [tilespmem:s29], [sflag:$0x4], $0x80, $0x38;
	[tilespmem:$0x13600] =	vst v63  }
0x293: {  	s2 =	sadd.s32 $0x40, s0;
	s20 =	simm.s32 $0xFEA0  }
0x294: {  	[hbm4b:s2+s3] =	stream.linear.scatter [tilespmem:s20], [sflag:$0x4], $0x80, $0x38;
	[tilespmem:$0x13600] =	vst v63  }
0x295: {  	s21 =	sadd.s32 $0x50, s0;
	s24 =	simm.s32 $0x100A8  }
0x296: {  	[hbm4b:s21+s3] =	stream.linear.scatter [tilespmem:s24], [sflag:$0x4], $0x80, $0x38;
	[tilespmem:$0x13600] =	vst v63  }
0x297: {  	s28 =	sadd.s32 $0x60, s0;
	s29 =	simm.s32 $0x102B0  }
0x298: {  	[hbm4b:s28+s3] =	stream.linear.scatter [tilespmem:s29], [sflag:$0x4], $0x80, $0x38;
	[tilespmem:$0x13600] =	vst v63  }
0x299: {  	s0 =	sadd.s32 $0x70, s0;
	s2 =	simm.s32 $0x104B8  }
0x29a: {  	[hbm4b:s0+s3] =	stream.linear.scatter [tilespmem:s2], [sflag:$0x4], $0x80, $0x38;
	[tilespmem:$0x13600] =	vst v63  }
0x29b: {  	s20 =	simm.s32 $0x10540;
	s0 =	sadd.s32 s23, s9  }
0x29c: {  	[hbm4b:s0+s3] =	stream.linear.scatter [tilespmem:s20], [sflag:$0x4], $0x80, $0x38;
	[tilespmem:$0x13600] =	vst v63  }
0x29d: {  	s24 =	simm.s32 $0x10748;
	s21 =	sadd.s32 $0x10, s0  }
0x29e: {  	[hbm4b:s21+s3] =	stream.linear.scatter [tilespmem:s24], [sflag:$0x4], $0x80, $0x38;
	[tilespmem:$0x13600] =	vst v63  }
0x29f: {  	s29 =	simm.s32 $0x10950;
	s28 =	sadd.s32 $0x20, s0  }
0x2a0: {  	[hbm4b:s28+s3] =	stream.linear.scatter [tilespmem:s29], [sflag:$0x4], $0x80, $0x38;
	[tilespmem:$0x13600] =	vst v63  }
0x2a1: {  	s2 =	sadd.s32 $0x30, s0;
	s20 =	simm.s32 $0x10B58  }
0x2a2: {  	[hbm4b:s2+s3] =	stream.linear.scatter [tilespmem:s20], [sflag:$0x4], $0x80, $0x38;
	[tilespmem:$0x13600] =	vst v63  }
0x2a3: {  	s21 =	sadd.s32 $0x40, s0;
	s24 =	simm.s32 $0x10D60  }
0x2a4: {  	[hbm4b:s21+s3] =	stream.linear.scatter [tilespmem:s24], [sflag:$0x4], $0x80, $0x38;
	[tilespmem:$0x13600] =	vst v63  }
0x2a5: {  	s28 =	sadd.s32 $0x50, s0;
	s29 =	simm.s32 $0x10F68  }
0x2a6: {  	[hbm4b:s28+s3] =	stream.linear.scatter [tilespmem:s29], [sflag:$0x4], $0x80, $0x38;
	[tilespmem:$0x13600] =	vst v63  }
0x2a7: {  	s2 =	sadd.s32 $0x60, s0;
	s20 =	simm.s32 $0x11170  }
0x2a8: {  	[hbm4b:s2+s3] =	stream.linear.scatter [tilespmem:s20], [sflag:$0x4], $0x80, $0x38;
	[tilespmem:$0x13600] =	vst v63  }
0x2a9: {  	s0 =	sadd.s32 $0x70, s0;
	s21 =	simm.s32 $0x11378  }
0x2aa: {  	[hbm4b:s0+s3] =	stream.linear.scatter [tilespmem:s21], [sflag:$0x4], $0x80, $0x38;
	[tilespmem:$0x13600] =	vst v63  }
0x2ab: {  	s24 =	simm.s32 $0x105C0;
	s0 =	sadd.s32 s23, s10  }
0x2ac: {  	[hbm4b:s0+s3] =	stream.linear.scatter [tilespmem:s24], [sflag:$0x4], $0x80, $0x38;
	[tilespmem:$0x13600] =	vst v63  }
0x2ad: {  	s29 =	simm.s32 $0x107C8;
	s28 =	sadd.s32 $0x10, s0  }
0x2ae: {  	[hbm4b:s28+s3] =	stream.linear.scatter [tilespmem:s29], [sflag:$0x4], $0x80, $0x38;
	[tilespmem:$0x13600] =	vst v63  }
0x2af: {  	s20 =	simm.s32 $0x109D0;
	s2 =	sadd.s32 $0x20, s0  }
0x2b0: {  	[hbm4b:s2+s3] =	stream.linear.scatter [tilespmem:s20], [sflag:$0x4], $0x80, $0x38;
	[tilespmem:$0x13600] =	vst v63  }
0x2b1: {  	s21 =	sadd.s32 $0x30, s0;
	s24 =	simm.s32 $0x10BD8  }
0x2b2: {  	[hbm4b:s21+s3] =	stream.linear.scatter [tilespmem:s24], [sflag:$0x4], $0x80, $0x38;
	[tilespmem:$0x13600] =	vst v63  }
0x2b3: {  	s28 =	sadd.s32 $0x40, s0;
	s29 =	simm.s32 $0x10DE0  }
0x2b4: {  	[hbm4b:s28+s3] =	stream.linear.scatter [tilespmem:s29], [sflag:$0x4], $0x80, $0x38;
	[tilespmem:$0x13600] =	vst v63  }
0x2b5: {  	s2 =	sadd.s32 $0x50, s0;
	s20 =	simm.s32 $0x10FE8  }
0x2b6: {  	[hbm4b:s2+s3] =	stream.linear.scatter [tilespmem:s20], [sflag:$0x4], $0x80, $0x38;
	[tilespmem:$0x13600] =	vst v63  }
0x2b7: {  	s21 =	sadd.s32 $0x60, s0;
	s24 =	simm.s32 $0x111F0  }
0x2b8: {  	[hbm4b:s21+s3] =	stream.linear.scatter [tilespmem:s24], [sflag:$0x4], $0x80, $0x38;
	[tilespmem:$0x13600] =	vst v63  }
0x2b9: {  	s0 =	sadd.s32 $0x70, s0;
	s28 =	simm.s32 $0x113F8  }
0x2ba: {  	[hbm4b:s0+s3] =	stream.linear.scatter [tilespmem:s28], [sflag:$0x4], $0x80, $0x38;
	[tilespmem:$0x13600] =	vst v63  }
0x2bb: {  	s29 =	simm.s32 $0x10640;
	s0 =	sadd.s32 s23, s11  }
0x2bc: {  	[hbm4b:s0+s3] =	stream.linear.scatter [tilespmem:s29], [sflag:$0x4], $0x80, $0x38;
	[tilespmem:$0x13600] =	vst v63  }
0x2bd: {  	s20 =	simm.s32 $0x10848;
	s2 =	sadd.s32 $0x10, s0  }
0x2be: {  	[hbm4b:s2+s3] =	stream.linear.scatter [tilespmem:s20], [sflag:$0x4], $0x80, $0x38;
	[tilespmem:$0x13600] =	vst v63  }
0x2bf: {  	s24 =	simm.s32 $0x10A50;
	s21 =	sadd.s32 $0x20, s0  }
0x2c0: {  	[hbm4b:s21+s3] =	stream.linear.scatter [tilespmem:s24], [sflag:$0x4], $0x80, $0x38;
	[tilespmem:$0x13600] =	vst v63  }
0x2c1: {  	s28 =	sadd.s32 $0x30, s0;
	s29 =	simm.s32 $0x10C58  }
0x2c2: {  	[hbm4b:s28+s3] =	stream.linear.scatter [tilespmem:s29], [sflag:$0x4], $0x80, $0x38;
	[tilespmem:$0x13600] =	vst v63  }
0x2c3: {  	s2 =	sadd.s32 $0x40, s0;
	s20 =	simm.s32 $0x10E60  }
0x2c4: {  	[hbm4b:s2+s3] =	stream.linear.scatter [tilespmem:s20], [sflag:$0x4], $0x80, $0x38;
	[tilespmem:$0x13600] =	vst v63  }
0x2c5: {  	s21 =	sadd.s32 $0x50, s0;
	s24 =	simm.s32 $0x11068  }
0x2c6: {  	[hbm4b:s21+s3] =	stream.linear.scatter [tilespmem:s24], [sflag:$0x4], $0x80, $0x38;
	[tilespmem:$0x13600] =	vst v63  }
0x2c7: {  	s28 =	sadd.s32 $0x60, s0;
	s29 =	simm.s32 $0x11270  }
0x2c8: {  	[hbm4b:s28+s3] =	stream.linear.scatter [tilespmem:s29], [sflag:$0x4], $0x80, $0x38;
	[tilespmem:$0x13600] =	vst v63  }
0x2c9: {  	s0 =	sadd.s32 $0x70, s0;
	s2 =	simm.s32 $0x11478  }
0x2ca: {  	[hbm4b:s0+s3] =	stream.linear.scatter [tilespmem:s2], [sflag:$0x4], $0x80, $0x38;
	[tilespmem:$0x13600] =	vst v63  }
0x2cb: {  	s20 =	simm.s32 $0x106C0;
	s0 =	sadd.s32 s23, s12  }
0x2cc: {  	[hbm4b:s0+s3] =	stream.linear.scatter [tilespmem:s20], [sflag:$0x4], $0x80, $0x38;
	[tilespmem:$0x13600] =	vst v63  }
0x2cd: {  	s24 =	simm.s32 $0x108C8;
	s21 =	sadd.s32 $0x10, s0  }
0x2ce: {  	[hbm4b:s21+s3] =	stream.linear.scatter [tilespmem:s24], [sflag:$0x4], $0x80, $0x38;
	[tilespmem:$0x13600] =	vst v63  }
0x2cf: {  	s29 =	simm.s32 $0x10AD0;
	s28 =	sadd.s32 $0x20, s0  }
0x2d0: {  	[hbm4b:s28+s3] =	stream.linear.scatter [tilespmem:s29], [sflag:$0x4], $0x80, $0x38;
	[tilespmem:$0x13600] =	vst v63  }
0x2d1: {  	s2 =	sadd.s32 $0x30, s0;
	s20 =	simm.s32 $0x10CD8  }
0x2d2: {  	[hbm4b:s2+s3] =	stream.linear.scatter [tilespmem:s20], [sflag:$0x4], $0x80, $0x38;
	[tilespmem:$0x13600] =	vst v63  }
0x2d3: {  	s21 =	sadd.s32 $0x40, s0;
	s24 =	simm.s32 $0x10EE0  }
0x2d4: {  	[hbm4b:s21+s3] =	stream.linear.scatter [tilespmem:s24], [sflag:$0x4], $0x80, $0x38;
	[tilespmem:$0x13600] =	vst v63  }
0x2d5: {  	s28 =	sadd.s32 $0x50, s0;
	s29 =	simm.s32 $0x110E8  }
0x2d6: {  	[hbm4b:s28+s3] =	stream.linear.scatter [tilespmem:s29], [sflag:$0x4], $0x80, $0x38;
	[tilespmem:$0x13600] =	vst v63  }
0x2d7: {  	s2 =	sadd.s32 $0x60, s0;
	s20 =	simm.s32 $0x112F0  }
0x2d8: {  	[hbm4b:s2+s3] =	stream.linear.scatter [tilespmem:s20], [sflag:$0x4], $0x80, $0x38;
	[tilespmem:$0x13600] =	vst v63  }
0x2d9: {  	s0 =	sadd.s32 $0x70, s0;
	s21 =	simm.s32 $0x114F8  }
0x2da: {  	[hbm4b:s0+s3] =	stream.linear.scatter [tilespmem:s21], [sflag:$0x4], $0x80, $0x38;
	[tilespmem:$0x13600] =	vst v63  }
0x2db: {  	s24 =	simm.s32 $0x11580;
	s0 =	sadd.s32 s23, s13  }
0x2dc: {  	[hbm4b:s0+s3] =	stream.linear.scatter [tilespmem:s24], [sflag:$0x4], $0x80, $0x38;
	[tilespmem:$0x13600] =	vst v63  }
0x2dd: {  	s29 =	simm.s32 $0x11788;
	s28 =	sadd.s32 $0x10, s0  }
0x2de: {  	[hbm4b:s28+s3] =	stream.linear.scatter [tilespmem:s29], [sflag:$0x4], $0x80, $0x38;
	[tilespmem:$0x13600] =	vst v63  }
0x2df: {  	s20 =	simm.s32 $0x11990;
	s2 =	sadd.s32 $0x20, s0  }
0x2e0: {  	[hbm4b:s2+s3] =	stream.linear.scatter [tilespmem:s20], [sflag:$0x4], $0x80, $0x38;
	[tilespmem:$0x13600] =	vst v63  }
0x2e1: {  	s21 =	sadd.s32 $0x30, s0;
	s24 =	simm.s32 $0x11B98  }
0x2e2: {  	[hbm4b:s21+s3] =	stream.linear.scatter [tilespmem:s24], [sflag:$0x4], $0x80, $0x38;
	[tilespmem:$0x13600] =	vst v63  }
0x2e3: {  	s28 =	sadd.s32 $0x40, s0;
	s29 =	simm.s32 $0x11DA0  }
0x2e4: {  	[hbm4b:s28+s3] =	stream.linear.scatter [tilespmem:s29], [sflag:$0x4], $0x80, $0x38;
	[tilespmem:$0x13600] =	vst v63  }
0x2e5: {  	s2 =	sadd.s32 $0x50, s0;
	s20 =	simm.s32 $0x11FA8  }
0x2e6: {  	[hbm4b:s2+s3] =	stream.linear.scatter [tilespmem:s20], [sflag:$0x4], $0x80, $0x38;
	[tilespmem:$0x13600] =	vst v63  }
0x2e7: {  	s21 =	sadd.s32 $0x60, s0;
	s24 =	simm.s32 $0x121B0  }
0x2e8: {  	[hbm4b:s21+s3] =	stream.linear.scatter [tilespmem:s24], [sflag:$0x4], $0x80, $0x38;
	[tilespmem:$0x13600] =	vst v63  }
0x2e9: {  	s0 =	sadd.s32 $0x70, s0;
	s28 =	simm.s32 $0x123B8  }
0x2ea: {  	[hbm4b:s0+s3] =	stream.linear.scatter [tilespmem:s28], [sflag:$0x4], $0x80, $0x38;
	[tilespmem:$0x13600] =	vst v63  }
0x2eb: {  	s29 =	simm.s32 $0x11600;
	s0 =	sadd.s32 s23, s14  }
0x2ec: {  	[hbm4b:s0+s3] =	stream.linear.scatter [tilespmem:s29], [sflag:$0x4], $0x80, $0x38;
	[tilespmem:$0x13600] =	vst v63  }
0x2ed: {  	s20 =	simm.s32 $0x11808;
	s2 =	sadd.s32 $0x10, s0  }
0x2ee: {  	[hbm4b:s2+s3] =	stream.linear.scatter [tilespmem:s20], [sflag:$0x4], $0x80, $0x38;
	[tilespmem:$0x13600] =	vst v63  }
0x2ef: {  	s24 =	simm.s32 $0x11A10;
	s21 =	sadd.s32 $0x20, s0  }
0x2f0: {  	[hbm4b:s21+s3] =	stream.linear.scatter [tilespmem:s24], [sflag:$0x4], $0x80, $0x38;
	[tilespmem:$0x13600] =	vst v63  }
0x2f1: {  	s28 =	sadd.s32 $0x30, s0;
	s29 =	simm.s32 $0x11C18  }
0x2f2: {  	[hbm4b:s28+s3] =	stream.linear.scatter [tilespmem:s29], [sflag:$0x4], $0x80, $0x38;
	[tilespmem:$0x13600] =	vst v63  }
0x2f3: {  	s2 =	sadd.s32 $0x40, s0;
	s20 =	simm.s32 $0x11E20  }
0x2f4: {  	[hbm4b:s2+s3] =	stream.linear.scatter [tilespmem:s20], [sflag:$0x4], $0x80, $0x38;
	[tilespmem:$0x13600] =	vst v63  }
0x2f5: {  	s21 =	sadd.s32 $0x50, s0;
	s24 =	simm.s32 $0x12028  }
0x2f6: {  	[hbm4b:s21+s3] =	stream.linear.scatter [tilespmem:s24], [sflag:$0x4], $0x80, $0x38;
	[tilespmem:$0x13600] =	vst v63  }
0x2f7: {  	s28 =	sadd.s32 $0x60, s0;
	s29 =	simm.s32 $0x12230  }
0x2f8: {  	[hbm4b:s28+s3] =	stream.linear.scatter [tilespmem:s29], [sflag:$0x4], $0x80, $0x38;
	[tilespmem:$0x13600] =	vst v63  }
0x2f9: {  	s0 =	sadd.s32 $0x70, s0;
	s2 =	simm.s32 $0x12438  }
0x2fa: {  	[hbm4b:s0+s3] =	stream.linear.scatter [tilespmem:s2], [sflag:$0x4], $0x80, $0x38;
	[tilespmem:$0x13600] =	vst v63  }
0x2fb: {  	s20 =	simm.s32 $0x11680;
	s0 =	sadd.s32 s23, s15  }
0x2fc: {  	[hbm4b:s0+s3] =	stream.linear.scatter [tilespmem:s20], [sflag:$0x4], $0x80, $0x38;
	[tilespmem:$0x13600] =	vst v63  }
0x2fd: {  	s24 =	simm.s32 $0x11888;
	s21 =	sadd.s32 $0x10, s0  }
0x2fe: {  	[hbm4b:s21+s3] =	stream.linear.scatter [tilespmem:s24], [sflag:$0x4], $0x80, $0x38;
	[tilespmem:$0x13600] =	vst v63  }
0x2ff: {  	s29 =	simm.s32 $0x11A90;
	s28 =	sadd.s32 $0x20, s0  }
0x300: {  	[hbm4b:s28+s3] =	stream.linear.scatter [tilespmem:s29], [sflag:$0x4], $0x80, $0x38;
	[tilespmem:$0x13600] =	vst v63  }
0x301: {  	s2 =	sadd.s32 $0x30, s0;
	s20 =	simm.s32 $0x11C98  }
0x302: {  	[hbm4b:s2+s3] =	stream.linear.scatter [tilespmem:s20], [sflag:$0x4], $0x80, $0x38;
	[tilespmem:$0x13600] =	vst v63  }
0x303: {  	s21 =	sadd.s32 $0x40, s0;
	s24 =	simm.s32 $0x11EA0  }
0x304: {  	[hbm4b:s21+s3] =	stream.linear.scatter [tilespmem:s24], [sflag:$0x4], $0x80, $0x38;
	[tilespmem:$0x13600] =	vst v63  }
0x305: {  	s28 =	sadd.s32 $0x50, s0;
	s29 =	simm.s32 $0x120A8  }
0x306: {  	[hbm4b:s28+s3] =	stream.linear.scatter [tilespmem:s29], [sflag:$0x4], $0x80, $0x38;
	[tilespmem:$0x13600] =	vst v63  }
0x307: {  	s2 =	sadd.s32 $0x60, s0;
	s20 =	simm.s32 $0x122B0  }
0x308: {  	[hbm4b:s2+s3] =	stream.linear.scatter [tilespmem:s20], [sflag:$0x4], $0x80, $0x38;
	[tilespmem:$0x13600] =	vst v63  }
0x309: {  	s0 =	sadd.s32 $0x70, s0;
	s21 =	simm.s32 $0x124B8  }
0x30a: {  	[hbm4b:s0+s3] =	stream.linear.scatter [tilespmem:s21], [sflag:$0x4], $0x80, $0x38;
	[tilespmem:$0x13600] =	vst v63  }
0x30b: {  	s24 =	simm.s32 $0x11700;
	s0 =	sadd.s32 s23, s16  }
0x30c: {  	[hbm4b:s0+s3] =	stream.linear.scatter [tilespmem:s24], [sflag:$0x4], $0x80, $0x38;
	[tilespmem:$0x13600] =	vst v63  }
0x30d: {  	s29 =	simm.s32 $0x11908;
	s28 =	sadd.s32 $0x10, s0  }
0x30e: {  	[hbm4b:s28+s3] =	stream.linear.scatter [tilespmem:s29], [sflag:$0x4], $0x80, $0x38;
	[tilespmem:$0x13600] =	vst v63  }
0x30f: {  	s20 =	simm.s32 $0x11B10;
	s2 =	sadd.s32 $0x20, s0  }
0x310: {  	[hbm4b:s2+s3] =	stream.linear.scatter [tilespmem:s20], [sflag:$0x4], $0x80, $0x38;
	[tilespmem:$0x13600] =	vst v63  }
0x311: {  	s21 =	sadd.s32 $0x30, s0;
	s24 =	simm.s32 $0x11D18  }
0x312: {  	[hbm4b:s21+s3] =	stream.linear.scatter [tilespmem:s24], [sflag:$0x4], $0x80, $0x38;
	[tilespmem:$0x13600] =	vst v63  }
0x313: {  	s28 =	sadd.s32 $0x40, s0;
	s29 =	simm.s32 $0x11F20  }
0x314: {  	[hbm4b:s28+s3] =	stream.linear.scatter [tilespmem:s29], [sflag:$0x4], $0x80, $0x38;
	[tilespmem:$0x13600] =	vst v63  }
0x315: {  	s2 =	sadd.s32 $0x50, s0;
	s20 =	simm.s32 $0x12128  }
0x316: {  	[hbm4b:s2+s3] =	stream.linear.scatter [tilespmem:s20], [sflag:$0x4], $0x80, $0x38;
	[tilespmem:$0x13600] =	vst v63  }
0x317: {  	s21 =	sadd.s32 $0x60, s0;
	s24 =	simm.s32 $0x12330  }
0x318: {  	[hbm4b:s21+s3] =	stream.linear.scatter [tilespmem:s24], [sflag:$0x4], $0x80, $0x38;
	[tilespmem:$0x13600] =	vst v63  }
0x319: {  	s0 =	sadd.s32 $0x70, s0;
	s28 =	simm.s32 $0x12538  }
0x31a: {  	[hbm4b:s0+s3] =	stream.linear.scatter [tilespmem:s28], [sflag:$0x4], $0x80, $0x38;
	[tilespmem:$0x13600] =	vst v63  }
0x31b: {  	s29 =	simm.s32 $0x125C0;
	s0 =	sadd.s32 s23, s17  }
0x31c: {  	[hbm4b:s0+s3] =	stream.linear.scatter [tilespmem:s29], [sflag:$0x4], $0x80, $0x38;
	[tilespmem:$0x13600] =	vst v63  }
0x31d: {  	s20 =	simm.s32 $0x127C8;
	s2 =	sadd.s32 $0x10, s0  }
0x31e: {  	[hbm4b:s2+s3] =	stream.linear.scatter [tilespmem:s20], [sflag:$0x4], $0x80, $0x38;
	[tilespmem:$0x13600] =	vst v63  }
0x31f: {  	s24 =	simm.s32 $0x129D0;
	s21 =	sadd.s32 $0x20, s0  }
0x320: {  	[hbm4b:s21+s3] =	stream.linear.scatter [tilespmem:s24], [sflag:$0x4], $0x80, $0x38;
	[tilespmem:$0x13600] =	vst v63  }
0x321: {  	s28 =	sadd.s32 $0x30, s0;
	s29 =	simm.s32 $0x12BD8  }
0x322: {  	[hbm4b:s28+s3] =	stream.linear.scatter [tilespmem:s29], [sflag:$0x4], $0x80, $0x38;
	[tilespmem:$0x13600] =	vst v63  }
0x323: {  	s2 =	sadd.s32 $0x40, s0;
	s20 =	simm.s32 $0x12DE0  }
0x324: {  	[hbm4b:s2+s3] =	stream.linear.scatter [tilespmem:s20], [sflag:$0x4], $0x80, $0x38;
	[tilespmem:$0x13600] =	vst v63  }
0x325: {  	s21 =	sadd.s32 $0x50, s0;
	s24 =	simm.s32 $0x12FE8  }
0x326: {  	[hbm4b:s21+s3] =	stream.linear.scatter [tilespmem:s24], [sflag:$0x4], $0x80, $0x38;
	[tilespmem:$0x13600] =	vst v63  }
0x327: {  	s28 =	sadd.s32 $0x60, s0;
	s29 =	simm.s32 $0x131F0  }
0x328: {  	[hbm4b:s28+s3] =	stream.linear.scatter [tilespmem:s29], [sflag:$0x4], $0x80, $0x38;
	[tilespmem:$0x13600] =	vst v63  }
0x329: {  	s0 =	sadd.s32 $0x70, s0;
	s2 =	simm.s32 $0x133F8  }
0x32a: {  	[hbm4b:s0+s3] =	stream.linear.scatter [tilespmem:s2], [sflag:$0x4], $0x80, $0x38;
	[tilespmem:$0x13600] =	vst v63  }
0x32b: {  	s20 =	simm.s32 $0x12640;
	s0 =	sadd.s32 s23, s18  }
0x32c: {  	[hbm4b:s0+s3] =	stream.linear.scatter [tilespmem:s20], [sflag:$0x4], $0x80, $0x38;
	[tilespmem:$0x13600] =	vst v63  }
0x32d: {  	s24 =	simm.s32 $0x12848;
	s21 =	sadd.s32 $0x10, s0  }
0x32e: {  	[hbm4b:s21+s3] =	stream.linear.scatter [tilespmem:s24], [sflag:$0x4], $0x80, $0x38;
	[tilespmem:$0x13600] =	vst v63  }
0x32f: {  	s29 =	simm.s32 $0x12A50;
	s28 =	sadd.s32 $0x20, s0  }
0x330: {  	[hbm4b:s28+s3] =	stream.linear.scatter [tilespmem:s29], [sflag:$0x4], $0x80, $0x38;
	[tilespmem:$0x13600] =	vst v63  }
0x331: {  	s2 =	sadd.s32 $0x30, s0;
	s20 =	simm.s32 $0x12C58  }
0x332: {  	[hbm4b:s2+s3] =	stream.linear.scatter [tilespmem:s20], [sflag:$0x4], $0x80, $0x38;
	[tilespmem:$0x13600] =	vst v63  }
0x333: {  	s21 =	sadd.s32 $0x40, s0;
	s24 =	simm.s32 $0x12E60  }
0x334: {  	[hbm4b:s21+s3] =	stream.linear.scatter [tilespmem:s24], [sflag:$0x4], $0x80, $0x38;
	[tilespmem:$0x13600] =	vst v63  }
0x335: {  	s28 =	sadd.s32 $0x50, s0;
	s29 =	simm.s32 $0x13068  }
0x336: {  	[hbm4b:s28+s3] =	stream.linear.scatter [tilespmem:s29], [sflag:$0x4], $0x80, $0x38;
	[tilespmem:$0x13600] =	vst v63  }
0x337: {  	s2 =	sadd.s32 $0x60, s0;
	s20 =	simm.s32 $0x13270  }
0x338: {  	[hbm4b:s2+s3] =	stream.linear.scatter [tilespmem:s20], [sflag:$0x4], $0x80, $0x38;
	[tilespmem:$0x13600] =	vst v63  }
0x339: {  	s0 =	sadd.s32 $0x70, s0;
	s21 =	simm.s32 $0x13478  }
0x33a: {  	[hbm4b:s0+s3] =	stream.linear.scatter [tilespmem:s21], [sflag:$0x4], $0x80, $0x38;
	[tilespmem:$0x13600] =	vst v63  }
0x33b: {  	s24 =	simm.s32 $0x126C0;
	s0 =	sadd.s32 s23, s19  }
0x33c: {  	[hbm4b:s0+s3] =	stream.linear.scatter [tilespmem:s24], [sflag:$0x4], $0x80, $0x38;
	[tilespmem:$0x13600] =	vst v63  }
0x33d: {  	s29 =	simm.s32 $0x128C8;
	s28 =	sadd.s32 $0x10, s0  }
0x33e: {  	[hbm4b:s28+s3] =	stream.linear.scatter [tilespmem:s29], [sflag:$0x4], $0x80, $0x38;
	[tilespmem:$0x13600] =	vst v63  }
0x33f: {  	s20 =	simm.s32 $0x12AD0;
	s2 =	sadd.s32 $0x20, s0  }
0x340: {  	[hbm4b:s2+s3] =	stream.linear.scatter [tilespmem:s20], [sflag:$0x4], $0x80, $0x38;
	[tilespmem:$0x13600] =	vst v63  }
0x341: {  	s21 =	sadd.s32 $0x30, s0;
	s24 =	simm.s32 $0x12CD8  }
0x342: {  	[hbm4b:s21+s3] =	stream.linear.scatter [tilespmem:s24], [sflag:$0x4], $0x80, $0x38;
	[tilespmem:$0x13600] =	vst v63  }
0x343: {  	s28 =	sadd.s32 $0x40, s0;
	s29 =	simm.s32 $0x12EE0  }
0x344: {  	[hbm4b:s28+s3] =	stream.linear.scatter [tilespmem:s29], [sflag:$0x4], $0x80, $0x38;
	[tilespmem:$0x13600] =	vst v63  }
0x345: {  	s20 =	sadd.s32 $0x50, s0;
	s21 =	simm.s32 $0x130E8  }
0x346: {  	[hbm4b:s20+s3] =	stream.linear.scatter [tilespmem:s21], [sflag:$0x4], $0x80, $0x38;
	[tilespmem:$0x13600] =	vst v63  }
0x347: {  	s24 =	sadd.s32 $0x60, s0;
	s28 =	simm.s32 $0x132F0  }
0x348: {  	[hbm4b:s24+s3] =	stream.linear.scatter [tilespmem:s28], [sflag:$0x4], $0x80, $0x38;
	[tilespmem:$0x13600] =	vst v63  }
0x349: {  	s0 =	sadd.s32 $0x70, s0;
	s29 =	simm.s32 $0x134F8  }
0x34a: {  	[hbm4b:s0+s3] =	stream.linear.scatter [tilespmem:s29], [sflag:$0x4], $0x80, $0x38;
	[tilespmem:$0x13600] =	vst v63  }
0x34b: {  	s2 =	simm.s32 $0x12740;
	s0 =	sadd.s32 s23, s22  }
0x34c: {  	[hbm4b:s0+s3] =	stream.linear.scatter [tilespmem:s2], [sflag:$0x4], $0x80, $0x38;
	[tilespmem:$0x13600] =	vst v63  }
0x34d: {  	s21 =	simm.s32 $0x12948;
	s20 =	sadd.s32 $0x10, s0  }
0x34e: {  	[hbm4b:s20+s3] =	stream.linear.scatter [tilespmem:s21], [sflag:$0x4], $0x80, $0x38;
	[tilespmem:$0x13600] =	vst v63  }
0x34f: {  	s24 =	simm.s32 $0x12B50;
	s23 =	sadd.s32 $0x20, s0  }
0x350: {  	[hbm4b:s23+s3] =	stream.linear.scatter [tilespmem:s24], [sflag:$0x4], $0x80, $0x38;
	[tilespmem:$0x13600] =	vst v63  }
0x351: {  	s29 =	simm.s32 $0x12D58;
	s28 =	sadd.s32 $0x30, s0  }
0x352: {  	[hbm4b:s28+s3] =	stream.linear.scatter [tilespmem:s29], [sflag:$0x4], $0x80, $0x38;
	[tilespmem:$0x13600] =	vst v63  }
0x353: {  	s25 =	sadd.s32 $0x1, s25;
	s2 =	sadd.s32 $0x40, s0;
	s20 =	simm.s32 $0x12F60  }
0x354: {  	[hbm4b:s2+s3] =	stream.linear.scatter [tilespmem:s20], [sflag:$0x4], $0x80, $0x38;
	[tilespmem:$0x13600] =	vst v63  }
0x355: {  	p0 =	sne.s32 s25, $0xD;
	s21 =	sadd.s32 $0x50, s0;
	s23 =	simm.s32 $0x13168  }
0x356: {  	[hbm4b:s21+s3] =	stream.linear.scatter [tilespmem:s23], [sflag:$0x4], $0x80, $0x38;
	[tilespmem:$0x13600] =	vst v63  }
.Ltmp2:
0x357: {  	_ = 	snop;
	(pc) =	sbr.rel @p0 .LBB2_2-.Ltmp2, $4  }
0x358: {  	s24 =	sadd.s32 $0x60, s0;
	s28 =	simm.s32 $0x13370  }
0x359: {  	[hbm4b:s24+s3] =	stream.linear.scatter [tilespmem:s28], [sflag:$0x4], $0x80, $0x38;
	[tilespmem:$0x13600] =	vst v63  }
0x35a: {  	s0 =	sadd.s32 $0x70, s0;
	s29 =	simm.s32 $0x13578  }
0x35b: {  	[hbm4b:s0+s3] =	stream.linear.scatter [tilespmem:s29], [sflag:$0x4], $0x80, $0x38;
	[tilespmem:$0x13600] =	vst v63  }
0x35c: {  	s0 =	simm.s32 $0x3  }
0x35d: {  	_ =	swait.ge [sflag:s0], $0x4000  }
0x35e: {  	[sflag:s0] =	ssyncset.done $0x0  }
0x35f: {  	s1 =	simm.s32 $0x4;
	[sflag:s0] =	ssyncadd.s32 $0xFFFFC000  }
0x360: {  	_ =	swait.ge [sflag:s1], $0x4000  }
0x361: {  	s2 =	rddreg [dreg:$0x6]  }
0x362: {  	s29 =	rddreg [dreg:$0x4];
	s2 =	sadd.s32 $0x1, s2  }
0x363: {  	p0 =	sne.s32 s2, s29  }
.Ltmp3:
0x364: {  	_ = 	snop;
	(pc) =	sbr.rel @p0 .LBB2_1-.Ltmp3, $3  }
0x365: {  	_ =	sdelay $0x1  }
0x366: {  	[sflag:s1] =	ssyncset.done $0x0  }
0x367: {  	[sflag:s1] =	ssyncadd.s32 $0xFFFFC000  }
0x368: {  	_ =	sfence.sel $0x180000  }
0x369: {  	[bflag:$0x0] =	sbarrier.arrive $0xFFFF  }
0x36a: {  	_ =	strace $0x90000047  }
0x36b: {  	s0 =	stileid.u32;
	[bflag:$0x2] =	sbarrier.arrive $0xFFFF  }
0x36c: {  	p0 =	sne.s32 s0, $0x0;
	s0 =	rddreg [dreg:$0x2]  }
0x36d: {  	s0 =	sadd.s32 @!p0 $0x100000, s0  }
0x36e: {  	[sflag:s0] =	ssyncadd.tile.s32 @!p0 $0x1;
	_ =	shalt  }
.Lfunc_end2:
_tile_overlayer_lowered:
.L_overlay_start_2:
0x36f: {  	(tag) =	ssettag $0x2  }
0x370: {  	s0 =	rddreg [dreg:$0x0];
	s2 =	stileid.u32  }
0x371: {  	s1 =	rddreg [dreg:$0x1];
	p0 =	sne.s32 s2, $0x0  }
0x372: {  	s3 =	rddreg [dreg:$0x2];
	[bflag:$0x3] =	sbarrier.arrive $0xFFFF;
	s2 =	simm.s32 @!p0 $0x1C05  }
0x373: {  	[timem:s3], [sflag:s2] =	dma.local @!p0 [hbm:s0], s1  }
0x374: {  	s0 =	simm.s32 @!p0 $0x5  }
0x375: {  	_ =	swait.ge @!p0 [sflag:s0], s1  }
0x376: {  	s1 =	ssub.s32 @!p0 $0x0, s1;
	[sflag:s0] =	ssyncset.done @!p0 $0x0  }
0x377: {  	[sflag:s0] =	ssyncadd.s32 @!p0 s1  }
0x378: {  	[bflag:$0x3] =	sbarrier.arrive $0xFFFF  }
0x379: {  	_ =	shalt  }

</sc_bundles>
